<compile_context>
chip_gen: v7x
topology: tpu7x:2x2x1
jax: 0.10.2.dev20260603
libtpu: 0.0.44.dev20260713+nightly
codegen_flags: <defaults>
</compile_context>

<pallas_src>
import functools

import jax
import jax.numpy as jnp
from jax import lax
from jax.experimental import pallas as pl
from jax.experimental.pallas import tpu as pltpu
from jax.experimental.pallas import tpu_sc as plsc

N = 10000
E = 320000
D = 128

NC = 2
NS = 16
NW = NC * NS
NSPLIT = 2
EC = E // NSPLIT
EPW = EC // NW
GC = 128
NFULL = EPW // GC
TAIL = EPW - NFULL * GC
NPAIR = (NFULL - 1) // 2
STRIPE = 632
STRIPE_LAST = N - (NS - 1) * STRIPE

assert NFULL % 2 == 1 and TAIL % 4 == 0 and TAIL > 0

_sc_mesh = plsc.VectorSubcoreMesh(core_axis_name="c", subcore_axis_name="s")


@functools.partial(
    pl.kernel,
    out_type=jax.ShapeDtypeStruct((EC, D), jnp.float32),
    mesh=_sc_mesh,
    scratch_types=[
        pltpu.VMEM((EPW,), jnp.int32),
        pltpu.VMEM((EPW,), jnp.int32),
        pltpu.VMEM((GC, D), jnp.float32),
        pltpu.VMEM((GC, D), jnp.float32),
        pltpu.VMEM((GC, D), jnp.float32),
        pltpu.VMEM((GC, D), jnp.float32),
        pltpu.VMEM((TAIL, D), jnp.float32),
        pltpu.VMEM((TAIL, D), jnp.float32),
        pltpu.VMEM((GC,), jnp.int32),
        pltpu.VMEM((GC,), jnp.int32),
        pltpu.VMEM_SHARED((NS * 2 * GC, D), jnp.float32),
        pltpu.SemaphoreType.DMA,
        pltpu.SemaphoreType.DMA,
        pltpu.SemaphoreType.DMA,
        pltpu.SemaphoreType.DMA,
        pltpu.SemaphoreType.DMA,
        pltpu.SemaphoreType.DMA,
    ],
)
def _sc_gather_add(p_hbm, q_hbm, row_hbm, col_hbm, z_hbm,
                   ridx_all, cidx_all, arows0, brows0, arows1, brows1,
                   arowst, browst, ident0, ident1, zsp,
                   sem_a0, sem_b0, sem_a1, sem_b1, sem_w0, sem_w1):
    c = lax.axis_index("c")
    s = lax.axis_index("s")
    wid = s * NC + c
    base = wid * EPW

    pltpu.sync_copy(row_hbm.at[pl.ds(base, EPW)], ridx_all)
    pltpu.sync_copy(col_hbm.at[pl.ds(base, EPW)], cidx_all)

    for k in range(GC // 16):
        off16 = lax.iota(jnp.int32, 16) + (16 * k) + s * (2 * GC)
        ident0[pl.ds(16 * k, 16)] = off16
        ident1[pl.ds(16 * k, 16)] = off16 + GC

    def fire(chunk, n, arows, brows, sem_a, sem_b):
        coff = chunk * GC
        pltpu.async_copy(p_hbm.at[ridx_all.at[pl.ds(coff, n)]], arows, sem_a)
        pltpu.async_copy(q_hbm.at[cidx_all.at[pl.ds(coff, n)]], brows, sem_b)

    def drain(chunk, par, arows, brows, ident, sem_a, sem_b, sem_w):
        off = base + chunk * GC
        coff = chunk * GC
        zoff = s * (2 * GC) + par * GC
        pltpu.make_async_copy(p_hbm.at[ridx_all.at[pl.ds(coff, GC)]],
                              arows, sem_a).wait()
        pltpu.make_async_copy(q_hbm.at[cidx_all.at[pl.ds(coff, GC)]],
                              brows, sem_b).wait()

        def _wait_wb():
            pltpu.make_async_copy(zsp.at[pl.ds(zoff, GC)],
                                  z_hbm.at[pl.ds(off, GC)], sem_w).wait()

        if isinstance(chunk, int):
            if chunk >= 2:
                _wait_wb()
        else:
            pl.when(chunk >= 2)(_wait_wb)

        pltpu.sync_copy(arows, zsp.at[pl.ds(zoff, GC)])
        pltpu.sync_copy(brows, zsp.at[ident], add=True)
        pltpu.async_copy(zsp.at[pl.ds(zoff, GC)], z_hbm.at[pl.ds(off, GC)],
                         sem_w)

    fire(0, GC, arows0, brows0, sem_a0, sem_b0)

    def step(j, carry):
        fire(2 * j + 1, GC, arows1, brows1, sem_a1, sem_b1)
        drain(2 * j, 0, arows0, brows0, ident0, sem_a0, sem_b0, sem_w0)
        fire(2 * j + 2, GC, arows0, brows0, sem_a0, sem_b0)
        drain(2 * j + 1, 1, arows1, brows1, ident1, sem_a1, sem_b1, sem_w1)
        return carry

    lax.fori_loop(0, NPAIR, step, 0)
    fire(NFULL, TAIL, arowst, browst, sem_a1, sem_b1)
    drain(NFULL - 1, 0, arows0, brows0, ident0, sem_a0, sem_b0, sem_w0)
    off_t = base + NFULL * GC
    coff_t = NFULL * GC
    pltpu.make_async_copy(p_hbm.at[ridx_all.at[pl.ds(coff_t, TAIL)]],
                          arowst, sem_a1).wait()
    pltpu.make_async_copy(q_hbm.at[cidx_all.at[pl.ds(coff_t, TAIL)]],
                          browst, sem_b1).wait()
    for r in range(TAIL):
        for k in range(D // 16):
            sl = pl.ds(16 * k, 16)
            arowst[r, sl] = arowst[r, sl] + browst[r, sl]
    pltpu.sync_copy(arowst, z_hbm.at[pl.ds(off_t, TAIL)])
    pltpu.make_async_copy(zsp.at[pl.ds(s * (2 * GC), GC)],
                          z_hbm.at[pl.ds(base, GC)], sem_w0).wait()
    pltpu.make_async_copy(zsp.at[pl.ds(s * (2 * GC) + GC, GC)],
                          z_hbm.at[pl.ds(base, GC)], sem_w1).wait()


@functools.partial(
    pl.kernel,
    out_type=jax.ShapeDtypeStruct((2 * N, D), jnp.float32),
    mesh=_sc_mesh,
    scratch_types=[
        pltpu.VMEM((GC,), jnp.int32),
        pltpu.VMEM((GC, D), jnp.float32),
        pltpu.VMEM((GC,), jnp.int32),
        pltpu.VMEM((GC, D), jnp.float32),
        pltpu.VMEM((TAIL,), jnp.int32),
        pltpu.VMEM((TAIL, D), jnp.float32),
        pltpu.VMEM_SHARED((N, D), jnp.float32),
        pltpu.SemaphoreType.DMA,
        pltpu.SemaphoreType.DMA,
        pltpu.SemaphoreType.DMA,
        pltpu.SemaphoreType.DMA,
        pltpu.SemaphoreType.DMA,
        pltpu.SemaphoreType.DMA,
    ],
)
def _sc_scatter(m_hbm, row_hbm, init_hbm, out_hbm,
                idx0, m0, idx1, m1, idxt, mt, agg_sh,
                sem_i0, sem_m0, sem_i1, sem_m1, sem_s0, sem_s1):
    c = lax.axis_index("c")
    s = lax.axis_index("s")
    wid = s * NC + c
    base = wid * EPW

    @pl.when(s < NS - 1)
    def _():
        pltpu.sync_copy(init_hbm.at[pl.ds(c * N + s * STRIPE, STRIPE)],
                        agg_sh.at[pl.ds(s * STRIPE, STRIPE)])

    @pl.when(s == NS - 1)
    def _():
        pltpu.sync_copy(init_hbm.at[pl.ds(c * N + s * STRIPE, STRIPE_LAST)],
                        agg_sh.at[pl.ds(s * STRIPE, STRIPE_LAST)])

    plsc.subcore_barrier()

    def fire(chunk, n, idx, m, sem_i, sem_m, sem_s):
        off = base + chunk * GC

        def _wait_s():
            pltpu.make_async_copy(m, agg_sh.at[idx], sem_s).wait()

        if isinstance(chunk, int):
            if chunk >= 2:
                _wait_s()
        else:
            pl.when(chunk >= 2)(_wait_s)

        pltpu.async_copy(row_hbm.at[pl.ds(off, n)], idx, sem_i)
        pltpu.async_copy(m_hbm.at[pl.ds(off, n)], m, sem_m)

    def drain(chunk, n, idx, m, sem_i, sem_m, sem_s):
        off = base + chunk * GC
        pltpu.make_async_copy(row_hbm.at[pl.ds(off, n)], idx, sem_i).wait()
        pltpu.make_async_copy(m_hbm.at[pl.ds(off, n)], m, sem_m).wait()
        pltpu.async_copy(m, agg_sh.at[idx], sem_s, add=True)

    fire(0, GC, idx0, m0, sem_i0, sem_m0, sem_s0)

    def step(j, carry):
        fire(2 * j + 1, GC, idx1, m1, sem_i1, sem_m1, sem_s1)
        drain(2 * j, GC, idx0, m0, sem_i0, sem_m0, sem_s0)
        fire(2 * j + 2, GC, idx0, m0, sem_i0, sem_m0, sem_s0)
        drain(2 * j + 1, GC, idx1, m1, sem_i1, sem_m1, sem_s1)
        return carry

    lax.fori_loop(0, NPAIR, step, 0)
    pltpu.async_copy(row_hbm.at[pl.ds(base + NFULL * GC, TAIL)], idxt,
                     sem_i1)
    pltpu.async_copy(m_hbm.at[pl.ds(base + NFULL * GC, TAIL)], mt, sem_m1)
    drain(NFULL - 1, GC, idx0, m0, sem_i0, sem_m0, sem_s0)
    pltpu.make_async_copy(row_hbm.at[pl.ds(base + NFULL * GC, TAIL)], idxt,
                          sem_i1).wait()
    pltpu.make_async_copy(m_hbm.at[pl.ds(base + NFULL * GC, TAIL)], mt,
                          sem_m1).wait()
    pltpu.sync_copy(mt, agg_sh.at[idxt], add=True)
    pltpu.make_async_copy(m0, agg_sh.at[idx0], sem_s0).wait()
    pltpu.make_async_copy(m1, agg_sh.at[idx1], sem_s1).wait()

    plsc.subcore_barrier()

    @pl.when(s < NS - 1)
    def _():
        pltpu.sync_copy(agg_sh.at[pl.ds(s * STRIPE, STRIPE)],
                        out_hbm.at[pl.ds(c * N + s * STRIPE, STRIPE)])

    @pl.when(s == NS - 1)
    def _():
        pltpu.sync_copy(agg_sh.at[pl.ds(s * STRIPE, STRIPE_LAST)],
                        out_hbm.at[pl.ds(c * N + s * STRIPE, STRIPE_LAST)])


def _softplus(z):
    return jnp.maximum(z, 0.0) + jnp.log1p(jnp.exp(-jnp.abs(z)))


BE = 2000
BP = 1000


def _proj_body(x_ref, w1a_ref, w1b_ref, b1_ref, p_ref, q_ref):
    xb = x_ref[...].astype(jnp.bfloat16)
    p_ref[...] = jnp.dot(xb, w1a_ref[...],
                         preferred_element_type=jnp.float32) + b1_ref[...]
    q_ref[...] = jnp.dot(xb, w1b_ref[...],
                         preferred_element_type=jnp.float32)


def _proj(xf, w1a, w1b, b1):
    grid = (N // BP,)
    blk = lambda i: (i, 0)
    full = lambda i: (0, 0)
    return pl.pallas_call(
        _proj_body,
        grid=grid,
        in_specs=[
            pl.BlockSpec((BP, D), blk),
            pl.BlockSpec((D, D), full),
            pl.BlockSpec((D, D), full),
            pl.BlockSpec((1, D), full),
        ],
        out_specs=(pl.BlockSpec((BP, D), blk), pl.BlockSpec((BP, D), blk)),
        out_shape=(jax.ShapeDtypeStruct((N, D), jnp.float32),
                   jax.ShapeDtypeStruct((N, D), jnp.float32)),
    )(xf, w1a, w1b, b1)


def _edge_mlp_body(z_ref, w2_ref, b2_ref, o_ref):
    h = _softplus(z_ref[...])
    h = jnp.dot(h.astype(jnp.bfloat16), w2_ref[...],
                preferred_element_type=jnp.float32)
    o_ref[...] = _softplus(h + b2_ref[...])


def _edge_mlp(z, w2, b2):
    grid = (EC // BE,)
    blk = lambda i: (i, 0)
    full = lambda i: (0, 0)
    return pl.pallas_call(
        _edge_mlp_body,
        grid=grid,
        in_specs=[
            pl.BlockSpec((BE, D), blk),
            pl.BlockSpec((D, D), full),
            pl.BlockSpec((1, D), full),
        ],
        out_specs=pl.BlockSpec((BE, D), blk),
        out_shape=jax.ShapeDtypeStruct((EC, D), jnp.float32),
    )(z, w2, b2)


BN = 1000


def _node_mlp_body(x_ref, g0_ref, g1_ref, w1x_ref, w1g_ref, b1_ref,
                   w2_ref, b2_ref, w3_ref, b3_ref, o_ref):
    g = g0_ref[...] + g1_ref[...]
    z = jnp.dot(x_ref[...], w1x_ref[...], preferred_element_type=jnp.float32)
    z = z + jnp.dot(g, w1g_ref[...], preferred_element_type=jnp.float32)
    h = _softplus(z + b1_ref[...])
    h = jnp.dot(h, w2_ref[...], preferred_element_type=jnp.float32)
    h = _softplus(h + b2_ref[...])
    h = jnp.dot(h, w3_ref[...], preferred_element_type=jnp.float32)
    o_ref[...] = h + b3_ref[...]


def _node_mlp(xf, g0, g1, w1x, w1g, b1, w2, b2, w3, b3):
    grid = (N // BN,)
    blk = lambda i: (i, 0)
    full = lambda i: (0, 0)
    return pl.pallas_call(
        _node_mlp_body,
        grid=grid,
        in_specs=[
            pl.BlockSpec((BN, D), blk),
            pl.BlockSpec((BN, D), blk),
            pl.BlockSpec((BN, D), blk),
            pl.BlockSpec((D, D), full),
            pl.BlockSpec((D, D), full),
            pl.BlockSpec((1, D), full),
            pl.BlockSpec((D, D), full),
            pl.BlockSpec((1, D), full),
            pl.BlockSpec((D, D), full),
            pl.BlockSpec((1, D), full),
        ],
        out_specs=pl.BlockSpec((BN, D), blk),
        out_shape=jax.ShapeDtypeStruct((N, D), jnp.float32),
    )(xf, g0, g1, w1x, w1g, b1, w2, b2, w3, b3)


def kernel(x, edge_idx, We1, be1, We2, be2, Wn1, bn1, Wn2, bn2, Wn3, bn3):
    xf = x.reshape(N, D)
    row = edge_idx[0].astype(jnp.int32)
    col = edge_idx[1].astype(jnp.int32)

    w1a = We1[:D].astype(jnp.bfloat16)
    w1b = We1[D:].astype(jnp.bfloat16)
    w2 = We2.astype(jnp.bfloat16)

    p, q = _proj(xf, w1a, w1b, be1.reshape(1, D))

    acc = jnp.zeros((2 * N, D), jnp.float32)
    for k in range(NSPLIT):
        sl = slice(k * EC, (k + 1) * EC)
        z = _sc_gather_add(p, q, row[sl], col[sl])
        m = _edge_mlp(z, w2, be2.reshape(1, D))
        acc = _sc_scatter(m, row[sl], acc)

    out = _node_mlp(xf, acc[:N], acc[N:], Wn1[:D], Wn1[D:],
                    bn1.reshape(1, D), Wn2, bn2.reshape(1, D),
                    Wn3, bn3.reshape(1, D))
    return out.reshape(1, N, D)

# --- scband reference (transcript-rebuilt; emitter-appended) ---
"""Pipeline reference for scband-single-mpnn-18124761989527 (READ-ONLY COPY).

The authoritative reference and input builder live on the scoring server;
editing this copy changes nothing except your own understanding.
"""

import jax, jax.numpy as jnp
import numpy as np

DIM_IN = 128
DIM_HID = 128
DIM_OUT = 128
N_NODES = 10000
N_EDGES = 320000
BATCH = 1


def _linear_init(key, fan_in, fan_out):
    kw, kb = jax.random.split(key)
    bound = 1.0 / np.sqrt(fan_in)
    W = jax.random.uniform(kw, (fan_in, fan_out), minval=-bound, maxval=bound, dtype=jnp.float32)
    b = jax.random.uniform(kb, (fan_out,), minval=-bound, maxval=bound, dtype=jnp.float32)
    return W, b


def setup_inputs(seed: int = 0) -> dict:
    key = jax.random.key(seed)
    ks = jax.random.split(key, 8)
    x = jax.random.normal(ks[0], (BATCH, N_NODES, DIM_IN), dtype=jnp.float32)
    edge_idx = jax.random.randint(ks[1], (2, N_EDGES), 0, BATCH * N_NODES, dtype=jnp.int64)
    # edge MLP: Linear(2*dim_in, dim_hid), softplus, Linear(dim_hid, dim_hid), softplus
    We1, be1 = _linear_init(ks[2], 2 * DIM_IN, DIM_HID)
    We2, be2 = _linear_init(ks[3], DIM_HID, DIM_HID)
    # node MLP: Linear(dim_in + dim_hid, dim_hid), softplus, Linear(dim_hid, dim_hid), softplus, Linear(dim_hid, dim_out)
    Wn1, bn1 = _linear_init(ks[4], DIM_IN + DIM_HID, DIM_HID)
    Wn2, bn2 = _linear_init(ks[5], DIM_HID, DIM_HID)
    Wn3, bn3 = _linear_init(ks[6], DIM_HID, DIM_OUT)
    return {"x": x, "edge_idx": edge_idx,
            "We1": We1, "be1": be1, "We2": We2, "be2": be2,
            "Wn1": Wn1, "bn1": bn1, "Wn2": Wn2, "bn2": bn2,
            "Wn3": Wn3, "bn3": bn3}


def reference(x, edge_idx, We1, be1, We2, be2, Wn1, bn1, Wn2, bn2, Wn3, bn3):
    batch_size, n, _ = x.shape
    xf = x.reshape(batch_size * n, -1)
    row = edge_idx[0]
    col = edge_idx[1]
    # edge_model (phi)
    m = jnp.concatenate([jnp.take(xf, row, axis=0), jnp.take(xf, col, axis=0)], axis=-1)
    m = jax.nn.softplus(m @ We1 + be1)
    m = jax.nn.softplus(m @ We2 + be2)
    # node_model (psi): unsorted_segment_sum over source index (row)
    agg = jax.ops.segment_sum(m, row, num_segments=batch_size * n)
    h = jnp.concatenate([xf, agg], axis=-1)
    h = jax.nn.softplus(h @ Wn1 + bn1)
    h = jax.nn.softplus(h @ Wn2 + bn2)
    h = h @ Wn3 + bn3
    return h.reshape(batch_size, n, -1)

if __name__ == "__main__":
    import jax
    _d = setup_inputs()
    print(jax.jit(kernel)(*tuple(_d.values())))

</pallas_src>

<mosaic_0001>
#map = affine_map<(d0, d1) -> (0, 0)>
#map1 = affine_map<(d0, d1) -> (0)>
module attributes {stable_mosaic.version = 14 : i64} {
  func.func @_sc_scatter(%arg0: i32, %arg1: i32, %arg2: memref<160000x128xf32, #tpu.memory_space<hbm>>, %arg3: memref<160000xi32, #tpu.memory_space<hbm>>, %arg4: memref<20000x128xf32, #tpu.memory_space<hbm>>, %arg5: memref<20000x128xf32, #tpu.memory_space<hbm>>, %arg6: memref<128xi32, #tpu.memory_space<vmem>>, %arg7: memref<128x128xf32, #tpu.memory_space<vmem>>, %arg8: memref<128xi32, #tpu.memory_space<vmem>>, %arg9: memref<128x128xf32, #tpu.memory_space<vmem>>, %arg10: memref<8xi32, #tpu.memory_space<vmem>>, %arg11: memref<8x128xf32, #tpu.memory_space<vmem>>, %arg12: memref<10000x128xf32, #tpu.memory_space<vmem_shared>>, %arg13: memref<!tpu.dma_semaphore, #tpu.memory_space<semaphore_mem>>, %arg14: memref<!tpu.dma_semaphore, #tpu.memory_space<semaphore_mem>>, %arg15: memref<!tpu.dma_semaphore, #tpu.memory_space<semaphore_mem>>, %arg16: memref<!tpu.dma_semaphore, #tpu.memory_space<semaphore_mem>>, %arg17: memref<!tpu.dma_semaphore, #tpu.memory_space<semaphore_mem>>, %arg18: memref<!tpu.dma_semaphore, #tpu.memory_space<semaphore_mem>>) attributes {dimension_semantics = [#tpu.dimension_semantics<core_parallel>, #tpu.dimension_semantics<subcore_parallel>], iteration_bounds = array<i64: 2, 16>, scalar_prefetch = 0 : i64, scratch_operands = 13 : i64, tpu.core_type = #tpu.core_type<sc_vector_subcore>, window_params = [{transform_indices = #map}, {transform_indices = #map1}, {transform_indices = #map}, {transform_indices = #map}]} {
    %mul3A = arith.constant 2 : i32
    %mul3A_0 = arith.muli %arg1, %mul3A : i32
    %add3A = arith.addi %mul3A_0, %arg0 : i32
    %mul3A_1 = arith.constant 5000 : i32
    %mul3A_2 = arith.muli %add3A, %mul3A_1 : i32
    %lt3A = arith.constant 15 : i32
    %lt3A_3 = arith.cmpi slt, %arg1, %lt3A : i32
    %convert_element_type3A = arith.extui %lt3A_3 : i1 to i32
    %cond3A = arith.constant 0 : i32
    %cond3A_4 = arith.cmpi ne, %convert_element_type3A, %cond3A : i32
    scf.if %cond3A_4 {
      %mul3A_68 = arith.constant 10000 : i32
      %mul3A_69 = arith.muli %arg0, %mul3A_68 : i32
      %mul3A_70 = arith.constant 632 : i32
      %mul3A_71 = arith.muli %arg1, %mul3A_70 : i32
      %add3A_72 = arith.addi %mul3A_69, %mul3A_71 : i32
      %mul3A_73 = arith.constant 632 : i32
      %mul3A_74 = arith.muli %arg1, %mul3A_73 : i32
      "tpu.region"() ({
        %run_scoped3A = tpu.sem_alloc : memref<!tpu.dma_semaphore, #tpu.memory_space<semaphore_mem>>
        %dma_start3A_75 = arith.constant 0 : i32
        %dma_start3A_76 = tpu.memref_slice %arg12[%mul3A_74, %dma_start3A_75] : memref<10000x128xf32, #tpu.memory_space<vmem_shared>> -> memref<632x128xf32, #tpu.memory_space<vmem_shared>>
        %dma_start3A_77 = arith.constant 0 : i32
        %dma_start3A_78 = tpu.memref_slice %arg4[%add3A_72, %dma_start3A_77] : memref<20000x128xf32, #tpu.memory_space<hbm>> -> memref<632x128xf32, #tpu.memory_space<hbm>>
        tpu.enqueue_dma source(%dma_start3A_78 : memref<632x128xf32, #tpu.memory_space<hbm>>) target(%dma_start3A_76 : memref<632x128xf32, #tpu.memory_space<vmem_shared>>) target_semaphore(%run_scoped3A : memref<!tpu.dma_semaphore, #tpu.memory_space<semaphore_mem>>)
        %dma_wait3A_79 = arith.constant 0 : i32
        %dma_wait3A_80 = tpu.memref_slice %arg12[%mul3A_74, %dma_wait3A_79] : memref<10000x128xf32, #tpu.memory_space<vmem_shared>> -> memref<632x128xf32, #tpu.memory_space<vmem_shared>>
        %dma_wait3A_81 = arith.constant 0 : i32
        %dma_wait3A_82 = tpu.memref_slice %arg4[%add3A_72, %dma_wait3A_81] : memref<20000x128xf32, #tpu.memory_space<hbm>> -> memref<632x128xf32, #tpu.memory_space<hbm>>
        tpu.wait_dma2 semaphore(%run_scoped3A : memref<!tpu.dma_semaphore, #tpu.memory_space<semaphore_mem>>) src(%dma_wait3A_82 : memref<632x128xf32, #tpu.memory_space<hbm>>) dst(%dma_wait3A_80 : memref<632x128xf32, #tpu.memory_space<vmem_shared>>)
        tpu.yield
      }) : () -> ()
    } else {
    }
    %eq3A = arith.constant 15 : i32
    %eq3A_5 = arith.cmpi eq, %arg1, %eq3A : i32
    %convert_element_type3A_6 = arith.extui %eq3A_5 : i1 to i32
    %cond3A_7 = arith.constant 0 : i32
    %cond3A_8 = arith.cmpi ne, %convert_element_type3A_6, %cond3A_7 : i32
    scf.if %cond3A_8 {
      %mul3A_68 = arith.constant 10000 : i32
      %mul3A_69 = arith.muli %arg0, %mul3A_68 : i32
      %mul3A_70 = arith.constant 632 : i32
      %mul3A_71 = arith.muli %arg1, %mul3A_70 : i32
      %add3A_72 = arith.addi %mul3A_69, %mul3A_71 : i32
      %mul3A_73 = arith.constant 632 : i32
      %mul3A_74 = arith.muli %arg1, %mul3A_73 : i32
      "tpu.region"() ({
        %run_scoped3A = tpu.sem_alloc : memref<!tpu.dma_semaphore, #tpu.memory_space<semaphore_mem>>
        %dma_start3A_75 = arith.constant 0 : i32
        %dma_start3A_76 = tpu.memref_slice %arg12[%mul3A_74, %dma_start3A_75] : memref<10000x128xf32, #tpu.memory_space<vmem_shared>> -> memref<520x128xf32, #tpu.memory_space<vmem_shared>>
        %dma_start3A_77 = arith.constant 0 : i32
        %dma_start3A_78 = tpu.memref_slice %arg4[%add3A_72, %dma_start3A_77] : memref<20000x128xf32, #tpu.memory_space<hbm>> -> memref<520x128xf32, #tpu.memory_space<hbm>>
        tpu.enqueue_dma source(%dma_start3A_78 : memref<520x128xf32, #tpu.memory_space<hbm>>) target(%dma_start3A_76 : memref<520x128xf32, #tpu.memory_space<vmem_shared>>) target_semaphore(%run_scoped3A : memref<!tpu.dma_semaphore, #tpu.memory_space<semaphore_mem>>)
        %dma_wait3A_79 = arith.constant 0 : i32
        %dma_wait3A_80 = tpu.memref_slice %arg12[%mul3A_74, %dma_wait3A_79] : memref<10000x128xf32, #tpu.memory_space<vmem_shared>> -> memref<520x128xf32, #tpu.memory_space<vmem_shared>>
        %dma_wait3A_81 = arith.constant 0 : i32
        %dma_wait3A_82 = tpu.memref_slice %arg4[%add3A_72, %dma_wait3A_81] : memref<20000x128xf32, #tpu.memory_space<hbm>> -> memref<520x128xf32, #tpu.memory_space<hbm>>
        tpu.wait_dma2 semaphore(%run_scoped3A : memref<!tpu.dma_semaphore, #tpu.memory_space<semaphore_mem>>) src(%dma_wait3A_82 : memref<520x128xf32, #tpu.memory_space<hbm>>) dst(%dma_wait3A_80 : memref<520x128xf32, #tpu.memory_space<vmem_shared>>)
        tpu.yield
      }) : () -> ()
    } else {
    }
    %barrier3A = arith.constant 0 : index
    tpu.barrier barrier_id(%barrier3A)
    %add3A_9 = arith.constant 0 : i32
    %add3A_10 = arith.addi %mul3A_2, %add3A_9 : i32
    %dma_start3A = tpu.memref_slice %arg3[%add3A_10] : memref<160000xi32, #tpu.memory_space<hbm>> -> memref<128xi32, #tpu.memory_space<hbm>>
    %dma_start3A_11 = tpu.memref_slice %arg3[%add3A_10] : memref<160000xi32, #tpu.memory_space<hbm>> -> memref<128xi32, #tpu.memory_space<hbm>>
    tpu.enqueue_dma source(%dma_start3A_11 : memref<128xi32, #tpu.memory_space<hbm>>) target(%arg6 : memref<128xi32, #tpu.memory_space<vmem>>) target_semaphore(%arg13 : memref<!tpu.dma_semaphore, #tpu.memory_space<semaphore_mem>>)
    %dma_start3A_12 = arith.constant 0 : i32
    %dma_start3A_13 = tpu.memref_slice %arg2[%add3A_10, %dma_start3A_12] : memref<160000x128xf32, #tpu.memory_space<hbm>> -> memref<128x128xf32, #tpu.memory_space<hbm>>
    %dma_start3A_14 = arith.constant 0 : i32
    %dma_start3A_15 = tpu.memref_slice %arg2[%add3A_10, %dma_start3A_14] : memref<160000x128xf32, #tpu.memory_space<hbm>> -> memref<128x128xf32, #tpu.memory_space<hbm>>
    tpu.enqueue_dma source(%dma_start3A_15 : memref<128x128xf32, #tpu.memory_space<hbm>>) target(%arg7 : memref<128x128xf32, #tpu.memory_space<vmem>>) target_semaphore(%arg14 : memref<!tpu.dma_semaphore, #tpu.memory_space<semaphore_mem>>)
    %scan3A = arith.constant 0 : i32
    %scan3A_16 = arith.constant 0 : i32
    %scan3A_17 = arith.constant 19 : i32
    %scan3A_18 = arith.addi %scan3A_16, %scan3A_17 : i32
    %scan3A_19 = arith.constant 1 : i32
    scf.for %scan3A_68 = %scan3A_16 to %scan3A_18 step %scan3A_19  : i32 {
      %mul3A_69 = arith.constant 2 : i32
      %mul3A_70 = arith.muli %mul3A_69, %scan3A_68 : i32
      %add3A_71 = arith.constant 1 : i32
      %add3A_72 = arith.addi %mul3A_70, %add3A_71 : i32
      %mul3A_73 = arith.constant 128 : i32
      %mul3A_74 = arith.muli %add3A_72, %mul3A_73 : i32
      %add3A_75 = arith.addi %mul3A_2, %mul3A_74 : i32
      %ge3A = arith.constant 2 : i32
      %ge3A_76 = arith.cmpi sge, %add3A_72, %ge3A : i32
      %convert_element_type3A_77 = arith.extui %ge3A_76 : i1 to i32
      %cond3A_78 = arith.constant 0 : i32
      %cond3A_79 = arith.cmpi ne, %convert_element_type3A_77, %cond3A_78 : i32
      scf.if %cond3A_79 {
        %dma_wait3A_134 = arith.constant 0 : i32
        %dma_wait3A_135 = arith.constant 0 : i32
        %dma_wait3A_136 = tpu.memref_slice %arg12[%dma_wait3A_134, %dma_wait3A_135] : memref<10000x128xf32, #tpu.memory_space<vmem_shared>> -> memref<10000x128xf32, #tpu.memory_space<vmem_shared>>
        tpu.wait_indirect_dma semaphore(%arg18 : memref<!tpu.dma_semaphore, #tpu.memory_space<semaphore_mem>>) src(%arg9 : memref<128x128xf32, #tpu.memory_space<vmem>>) dst(%dma_wait3A_136 : memref<10000x128xf32, #tpu.memory_space<vmem_shared>>)
      } else {
      }
      %dma_start3A_80 = tpu.memref_slice %arg3[%add3A_75] : memref<160000xi32, #tpu.memory_space<hbm>> -> memref<128xi32, #tpu.memory_space<hbm>>
      %dma_start3A_81 = tpu.memref_slice %arg3[%add3A_75] : memref<160000xi32, #tpu.memory_space<hbm>> -> memref<128xi32, #tpu.memory_space<hbm>>
      tpu.enqueue_dma source(%dma_start3A_81 : memref<128xi32, #tpu.memory_space<hbm>>) target(%arg8 : memref<128xi32, #tpu.memory_space<vmem>>) target_semaphore(%arg15 : memref<!tpu.dma_semaphore, #tpu.memory_space<semaphore_mem>>)
      %dma_start3A_82 = arith.constant 0 : i32
      %dma_start3A_83 = tpu.memref_slice %arg2[%add3A_75, %dma_start3A_82] : memref<160000x128xf32, #tpu.memory_space<hbm>> -> memref<128x128xf32, #tpu.memory_space<hbm>>
      %dma_start3A_84 = arith.constant 0 : i32
      %dma_start3A_85 = tpu.memref_slice %arg2[%add3A_75, %dma_start3A_84] : memref<160000x128xf32, #tpu.memory_space<hbm>> -> memref<128x128xf32, #tpu.memory_space<hbm>>
      tpu.enqueue_dma source(%dma_start3A_85 : memref<128x128xf32, #tpu.memory_space<hbm>>) target(%arg9 : memref<128x128xf32, #tpu.memory_space<vmem>>) target_semaphore(%arg16 : memref<!tpu.dma_semaphore, #tpu.memory_space<semaphore_mem>>)
      %mul3A_86 = arith.constant 2 : i32
      %mul3A_87 = arith.muli %mul3A_86, %scan3A_68 : i32
      %mul3A_88 = arith.constant 128 : i32
      %mul3A_89 = arith.muli %mul3A_87, %mul3A_88 : i32
      %add3A_90 = arith.addi %mul3A_2, %mul3A_89 : i32
      %dma_wait3A_91 = tpu.memref_slice %arg3[%add3A_90] : memref<160000xi32, #tpu.memory_space<hbm>> -> memref<128xi32, #tpu.memory_space<hbm>>
      %dma_wait3A_92 = tpu.memref_slice %arg3[%add3A_90] : memref<160000xi32, #tpu.memory_space<hbm>> -> memref<128xi32, #tpu.memory_space<hbm>>
      tpu.wait_dma2 semaphore(%arg13 : memref<!tpu.dma_semaphore, #tpu.memory_space<semaphore_mem>>) src(%dma_wait3A_92 : memref<128xi32, #tpu.memory_space<hbm>>) dst(%arg6 : memref<128xi32, #tpu.memory_space<vmem>>)
      %dma_wait3A_93 = arith.constant 0 : i32
      %dma_wait3A_94 = tpu.memref_slice %arg2[%add3A_90, %dma_wait3A_93] : memref<160000x128xf32, #tpu.memory_space<hbm>> -> memref<128x128xf32, #tpu.memory_space<hbm>>
      %dma_wait3A_95 = arith.constant 0 : i32
      %dma_wait3A_96 = tpu.memref_slice %arg2[%add3A_90, %dma_wait3A_95] : memref<160000x128xf32, #tpu.memory_space<hbm>> -> memref<128x128xf32, #tpu.memory_space<hbm>>
      tpu.wait_dma2 semaphore(%arg14 : memref<!tpu.dma_semaphore, #tpu.memory_space<semaphore_mem>>) src(%dma_wait3A_96 : memref<128x128xf32, #tpu.memory_space<hbm>>) dst(%arg7 : memref<128x128xf32, #tpu.memory_space<vmem>>)
      %dma_start3A_97 = arith.constant 0 : i32
      %dma_start3A_98 = arith.constant 0 : i32
      %dma_start3A_99 = tpu.memref_slice %arg12[%dma_start3A_97, %dma_start3A_98] : memref<10000x128xf32, #tpu.memory_space<vmem_shared>> -> memref<10000x128xf32, #tpu.memory_space<vmem_shared>>
      tpu.enqueue_indirect_dma source(%arg7 : memref<128x128xf32, #tpu.memory_space<vmem>>) target(%dma_start3A_99 : memref<10000x128xf32, #tpu.memory_space<vmem_shared>>) offsets(%arg6 : memref<128xi32, #tpu.memory_space<vmem>>) semaphore(%arg17 : memref<!tpu.dma_semaphore, #tpu.memory_space<semaphore_mem>>) {add = true}
      %mul3A_100 = arith.constant 2 : i32
      %mul3A_101 = arith.muli %mul3A_100, %scan3A_68 : i32
      %add3A_102 = arith.constant 2 : i32
      %add3A_103 = arith.addi %mul3A_101, %add3A_102 : i32
      %mul3A_104 = arith.constant 128 : i32
      %mul3A_105 = arith.muli %add3A_103, %mul3A_104 : i32
      %add3A_106 = arith.addi %mul3A_2, %mul3A_105 : i32
      %ge3A_107 = arith.constant 2 : i32
      %ge3A_108 = arith.cmpi sge, %add3A_103, %ge3A_107 : i32
      %convert_element_type3A_109 = arith.extui %ge3A_108 : i1 to i32
      %cond3A_110 = arith.constant 0 : i32
      %cond3A_111 = arith.cmpi ne, %convert_element_type3A_109, %cond3A_110 : i32
      scf.if %cond3A_111 {
        %dma_wait3A_134 = arith.constant 0 : i32
        %dma_wait3A_135 = arith.constant 0 : i32
        %dma_wait3A_136 = tpu.memref_slice %arg12[%dma_wait3A_134, %dma_wait3A_135] : memref<10000x128xf32, #tpu.memory_space<vmem_shared>> -> memref<10000x128xf32, #tpu.memory_space<vmem_shared>>
        tpu.wait_indirect_dma semaphore(%arg17 : memref<!tpu.dma_semaphore, #tpu.memory_space<semaphore_mem>>) src(%arg7 : memref<128x128xf32, #tpu.memory_space<vmem>>) dst(%dma_wait3A_136 : memref<10000x128xf32, #tpu.memory_space<vmem_shared>>)
      } else {
      }
      %dma_start3A_112 = tpu.memref_slice %arg3[%add3A_106] : memref<160000xi32, #tpu.memory_space<hbm>> -> memref<128xi32, #tpu.memory_space<hbm>>
      %dma_start3A_113 = tpu.memref_slice %arg3[%add3A_106] : memref<160000xi32, #tpu.memory_space<hbm>> -> memref<128xi32, #tpu.memory_space<hbm>>
      tpu.enqueue_dma source(%dma_start3A_113 : memref<128xi32, #tpu.memory_space<hbm>>) target(%arg6 : memref<128xi32, #tpu.memory_space<vmem>>) target_semaphore(%arg13 : memref<!tpu.dma_semaphore, #tpu.memory_space<semaphore_mem>>)
      %dma_start3A_114 = arith.constant 0 : i32
      %dma_start3A_115 = tpu.memref_slice %arg2[%add3A_106, %dma_start3A_114] : memref<160000x128xf32, #tpu.memory_space<hbm>> -> memref<128x128xf32, #tpu.memory_space<hbm>>
      %dma_start3A_116 = arith.constant 0 : i32
      %dma_start3A_117 = tpu.memref_slice %arg2[%add3A_106, %dma_start3A_116] : memref<160000x128xf32, #tpu.memory_space<hbm>> -> memref<128x128xf32, #tpu.memory_space<hbm>>
      tpu.enqueue_dma source(%dma_start3A_117 : memref<128x128xf32, #tpu.memory_space<hbm>>) target(%arg7 : memref<128x128xf32, #tpu.memory_space<vmem>>) target_semaphore(%arg14 : memref<!tpu.dma_semaphore, #tpu.memory_space<semaphore_mem>>)
      %mul3A_118 = arith.constant 2 : i32
      %mul3A_119 = arith.muli %mul3A_118, %scan3A_68 : i32
      %add3A_120 = arith.constant 1 : i32
      %add3A_121 = arith.addi %mul3A_119, %add3A_120 : i32
      %mul3A_122 = arith.constant 128 : i32
      %mul3A_123 = arith.muli %add3A_121, %mul3A_122 : i32
      %add3A_124 = arith.addi %mul3A_2, %mul3A_123 : i32
      %dma_wait3A_125 = tpu.memref_slice %arg3[%add3A_124] : memref<160000xi32, #tpu.memory_space<hbm>> -> memref<128xi32, #tpu.memory_space<hbm>>
      %dma_wait3A_126 = tpu.memref_slice %arg3[%add3A_124] : memref<160000xi32, #tpu.memory_space<hbm>> -> memref<128xi32, #tpu.memory_space<hbm>>
      tpu.wait_dma2 semaphore(%arg15 : memref<!tpu.dma_semaphore, #tpu.memory_space<semaphore_mem>>) src(%dma_wait3A_126 : memref<128xi32, #tpu.memory_space<hbm>>) dst(%arg8 : memref<128xi32, #tpu.memory_space<vmem>>)
      %dma_wait3A_127 = arith.constant 0 : i32
      %dma_wait3A_128 = tpu.memref_slice %arg2[%add3A_124, %dma_wait3A_127] : memref<160000x128xf32, #tpu.memory_space<hbm>> -> memref<128x128xf32, #tpu.memory_space<hbm>>
      %dma_wait3A_129 = arith.constant 0 : i32
      %dma_wait3A_130 = tpu.memref_slice %arg2[%add3A_124, %dma_wait3A_129] : memref<160000x128xf32, #tpu.memory_space<hbm>> -> memref<128x128xf32, #tpu.memory_space<hbm>>
      tpu.wait_dma2 semaphore(%arg16 : memref<!tpu.dma_semaphore, #tpu.memory_space<semaphore_mem>>) src(%dma_wait3A_130 : memref<128x128xf32, #tpu.memory_space<hbm>>) dst(%arg9 : memref<128x128xf32, #tpu.memory_space<vmem>>)
      %dma_start3A_131 = arith.constant 0 : i32
      %dma_start3A_132 = arith.constant 0 : i32
      %dma_start3A_133 = tpu.memref_slice %arg12[%dma_start3A_131, %dma_start3A_132] : memref<10000x128xf32, #tpu.memory_space<vmem_shared>> -> memref<10000x128xf32, #tpu.memory_space<vmem_shared>>
      tpu.enqueue_indirect_dma source(%arg9 : memref<128x128xf32, #tpu.memory_space<vmem>>) target(%dma_start3A_133 : memref<10000x128xf32, #tpu.memory_space<vmem_shared>>) offsets(%arg8 : memref<128xi32, #tpu.memory_space<vmem>>) semaphore(%arg18 : memref<!tpu.dma_semaphore, #tpu.memory_space<semaphore_mem>>) {add = true}
    }
    %scan3A_20 = arith.constant 19 : i32
    %add3A_21 = arith.constant 4992 : i32
    %add3A_22 = arith.addi %mul3A_2, %add3A_21 : i32
    %dma_start3A_23 = tpu.memref_slice %arg3[%add3A_22] : memref<160000xi32, #tpu.memory_space<hbm>> -> memref<8xi32, #tpu.memory_space<hbm>>
    %dma_start3A_24 = tpu.memref_slice %arg3[%add3A_22] : memref<160000xi32, #tpu.memory_space<hbm>> -> memref<8xi32, #tpu.memory_space<hbm>>
    tpu.enqueue_dma source(%dma_start3A_24 : memref<8xi32, #tpu.memory_space<hbm>>) target(%arg10 : memref<8xi32, #tpu.memory_space<vmem>>) target_semaphore(%arg15 : memref<!tpu.dma_semaphore, #tpu.memory_space<semaphore_mem>>)
    %add3A_25 = arith.constant 4992 : i32
    %add3A_26 = arith.addi %mul3A_2, %add3A_25 : i32
    %dma_start3A_27 = arith.constant 0 : i32
    %dma_start3A_28 = tpu.memref_slice %arg2[%add3A_26, %dma_start3A_27] : memref<160000x128xf32, #tpu.memory_space<hbm>> -> memref<8x128xf32, #tpu.memory_space<hbm>>
    %dma_start3A_29 = arith.constant 0 : i32
    %dma_start3A_30 = tpu.memref_slice %arg2[%add3A_26, %dma_start3A_29] : memref<160000x128xf32, #tpu.memory_space<hbm>> -> memref<8x128xf32, #tpu.memory_space<hbm>>
    tpu.enqueue_dma source(%dma_start3A_30 : memref<8x128xf32, #tpu.memory_space<hbm>>) target(%arg11 : memref<8x128xf32, #tpu.memory_space<vmem>>) target_semaphore(%arg16 : memref<!tpu.dma_semaphore, #tpu.memory_space<semaphore_mem>>)
    %add3A_31 = arith.constant 4864 : i32
    %add3A_32 = arith.addi %mul3A_2, %add3A_31 : i32
    %dma_wait3A = tpu.memref_slice %arg3[%add3A_32] : memref<160000xi32, #tpu.memory_space<hbm>> -> memref<128xi32, #tpu.memory_space<hbm>>
    %dma_wait3A_33 = tpu.memref_slice %arg3[%add3A_32] : memref<160000xi32, #tpu.memory_space<hbm>> -> memref<128xi32, #tpu.memory_space<hbm>>
    tpu.wait_dma2 semaphore(%arg13 : memref<!tpu.dma_semaphore, #tpu.memory_space<semaphore_mem>>) src(%dma_wait3A_33 : memref<128xi32, #tpu.memory_space<hbm>>) dst(%arg6 : memref<128xi32, #tpu.memory_space<vmem>>)
    %dma_wait3A_34 = arith.constant 0 : i32
    %dma_wait3A_35 = tpu.memref_slice %arg2[%add3A_32, %dma_wait3A_34] : memref<160000x128xf32, #tpu.memory_space<hbm>> -> memref<128x128xf32, #tpu.memory_space<hbm>>
    %dma_wait3A_36 = arith.constant 0 : i32
    %dma_wait3A_37 = tpu.memref_slice %arg2[%add3A_32, %dma_wait3A_36] : memref<160000x128xf32, #tpu.memory_space<hbm>> -> memref<128x128xf32, #tpu.memory_space<hbm>>
    tpu.wait_dma2 semaphore(%arg14 : memref<!tpu.dma_semaphore, #tpu.memory_space<semaphore_mem>>) src(%dma_wait3A_37 : memref<128x128xf32, #tpu.memory_space<hbm>>) dst(%arg7 : memref<128x128xf32, #tpu.memory_space<vmem>>)
    %dma_start3A_38 = arith.constant 0 : i32
    %dma_start3A_39 = arith.constant 0 : i32
    %dma_start3A_40 = tpu.memref_slice %arg12[%dma_start3A_38, %dma_start3A_39] : memref<10000x128xf32, #tpu.memory_space<vmem_shared>> -> memref<10000x128xf32, #tpu.memory_space<vmem_shared>>
    tpu.enqueue_indirect_dma source(%arg7 : memref<128x128xf32, #tpu.memory_space<vmem>>) target(%dma_start3A_40 : memref<10000x128xf32, #tpu.memory_space<vmem_shared>>) offsets(%arg6 : memref<128xi32, #tpu.memory_space<vmem>>) semaphore(%arg17 : memref<!tpu.dma_semaphore, #tpu.memory_space<semaphore_mem>>) {add = true}
    %add3A_41 = arith.constant 4992 : i32
    %add3A_42 = arith.addi %mul3A_2, %add3A_41 : i32
    %dma_wait3A_43 = tpu.memref_slice %arg3[%add3A_42] : memref<160000xi32, #tpu.memory_space<hbm>> -> memref<8xi32, #tpu.memory_space<hbm>>
    %dma_wait3A_44 = tpu.memref_slice %arg3[%add3A_42] : memref<160000xi32, #tpu.memory_space<hbm>> -> memref<8xi32, #tpu.memory_space<hbm>>
    tpu.wait_dma2 semaphore(%arg15 : memref<!tpu.dma_semaphore, #tpu.memory_space<semaphore_mem>>) src(%dma_wait3A_44 : memref<8xi32, #tpu.memory_space<hbm>>) dst(%arg10 : memref<8xi32, #tpu.memory_space<vmem>>)
    %add3A_45 = arith.constant 4992 : i32
    %add3A_46 = arith.addi %mul3A_2, %add3A_45 : i32
    %dma_wait3A_47 = arith.constant 0 : i32
    %dma_wait3A_48 = tpu.memref_slice %arg2[%add3A_46, %dma_wait3A_47] : memref<160000x128xf32, #tpu.memory_space<hbm>> -> memref<8x128xf32, #tpu.memory_space<hbm>>
    %dma_wait3A_49 = arith.constant 0 : i32
    %dma_wait3A_50 = tpu.memref_slice %arg2[%add3A_46, %dma_wait3A_49] : memref<160000x128xf32, #tpu.memory_space<hbm>> -> memref<8x128xf32, #tpu.memory_space<hbm>>
    tpu.wait_dma2 semaphore(%arg16 : memref<!tpu.dma_semaphore, #tpu.memory_space<semaphore_mem>>) src(%dma_wait3A_50 : memref<8x128xf32, #tpu.memory_space<hbm>>) dst(%arg11 : memref<8x128xf32, #tpu.memory_space<vmem>>)
    "tpu.region"() ({
      %run_scoped3A = tpu.sem_alloc : memref<!tpu.dma_semaphore, #tpu.memory_space<semaphore_mem>>
      %dma_start3A_68 = arith.constant 0 : i32
      %dma_start3A_69 = arith.constant 0 : i32
      %dma_start3A_70 = tpu.memref_slice %arg12[%dma_start3A_68, %dma_start3A_69] : memref<10000x128xf32, #tpu.memory_space<vmem_shared>> -> memref<10000x128xf32, #tpu.memory_space<vmem_shared>>
      tpu.enqueue_indirect_dma source(%arg11 : memref<8x128xf32, #tpu.memory_space<vmem>>) target(%dma_start3A_70 : memref<10000x128xf32, #tpu.memory_space<vmem_shared>>) offsets(%arg10 : memref<8xi32, #tpu.memory_space<vmem>>) semaphore(%run_scoped3A : memref<!tpu.dma_semaphore, #tpu.memory_space<semaphore_mem>>) {add = true}
      %dma_wait3A_71 = arith.constant 0 : i32
      %dma_wait3A_72 = arith.constant 0 : i32
      %dma_wait3A_73 = tpu.memref_slice %arg12[%dma_wait3A_71, %dma_wait3A_72] : memref<10000x128xf32, #tpu.memory_space<vmem_shared>> -> memref<10000x128xf32, #tpu.memory_space<vmem_shared>>
      tpu.wait_indirect_dma semaphore(%run_scoped3A : memref<!tpu.dma_semaphore, #tpu.memory_space<semaphore_mem>>) src(%arg11 : memref<8x128xf32, #tpu.memory_space<vmem>>) dst(%dma_wait3A_73 : memref<10000x128xf32, #tpu.memory_space<vmem_shared>>)
      tpu.yield
    }) : () -> ()
    %dma_wait3A_51 = arith.constant 0 : i32
    %dma_wait3A_52 = arith.constant 0 : i32
    %dma_wait3A_53 = tpu.memref_slice %arg12[%dma_wait3A_51, %dma_wait3A_52] : memref<10000x128xf32, #tpu.memory_space<vmem_shared>> -> memref<10000x128xf32, #tpu.memory_space<vmem_shared>>
    tpu.wait_indirect_dma semaphore(%arg17 : memref<!tpu.dma_semaphore, #tpu.memory_space<semaphore_mem>>) src(%arg7 : memref<128x128xf32, #tpu.memory_space<vmem>>) dst(%dma_wait3A_53 : memref<10000x128xf32, #tpu.memory_space<vmem_shared>>)
    %dma_wait3A_54 = arith.constant 0 : i32
    %dma_wait3A_55 = arith.constant 0 : i32
    %dma_wait3A_56 = tpu.memref_slice %arg12[%dma_wait3A_54, %dma_wait3A_55] : memref<10000x128xf32, #tpu.memory_space<vmem_shared>> -> memref<10000x128xf32, #tpu.memory_space<vmem_shared>>
    tpu.wait_indirect_dma semaphore(%arg18 : memref<!tpu.dma_semaphore, #tpu.memory_space<semaphore_mem>>) src(%arg9 : memref<128x128xf32, #tpu.memory_space<vmem>>) dst(%dma_wait3A_56 : memref<10000x128xf32, #tpu.memory_space<vmem_shared>>)
    %barrier3A_57 = arith.constant 0 : index
    tpu.barrier barrier_id(%barrier3A_57)
    %lt3A_58 = arith.constant 15 : i32
    %lt3A_59 = arith.cmpi slt, %arg1, %lt3A_58 : i32
    %convert_element_type3A_60 = arith.extui %lt3A_59 : i1 to i32
    %cond3A_61 = arith.constant 0 : i32
    %cond3A_62 = arith.cmpi ne, %convert_element_type3A_60, %cond3A_61 : i32
    scf.if %cond3A_62 {
      %mul3A_68 = arith.constant 632 : i32
      %mul3A_69 = arith.muli %arg1, %mul3A_68 : i32
      %mul3A_70 = arith.constant 10000 : i32
      %mul3A_71 = arith.muli %arg0, %mul3A_70 : i32
      %mul3A_72 = arith.constant 632 : i32
      %mul3A_73 = arith.muli %arg1, %mul3A_72 : i32
      %add3A_74 = arith.addi %mul3A_71, %mul3A_73 : i32
      "tpu.region"() ({
        %run_scoped3A = tpu.sem_alloc : memref<!tpu.dma_semaphore, #tpu.memory_space<semaphore_mem>>
        %dma_start3A_75 = arith.constant 0 : i32
        %dma_start3A_76 = tpu.memref_slice %arg5[%add3A_74, %dma_start3A_75] : memref<20000x128xf32, #tpu.memory_space<hbm>> -> memref<632x128xf32, #tpu.memory_space<hbm>>
        %dma_start3A_77 = arith.constant 0 : i32
        %dma_start3A_78 = tpu.memref_slice %arg12[%mul3A_69, %dma_start3A_77] : memref<10000x128xf32, #tpu.memory_space<vmem_shared>> -> memref<632x128xf32, #tpu.memory_space<vmem_shared>>
        tpu.enqueue_dma source(%dma_start3A_78 : memref<632x128xf32, #tpu.memory_space<vmem_shared>>) target(%dma_start3A_76 : memref<632x128xf32, #tpu.memory_space<hbm>>) target_semaphore(%run_scoped3A : memref<!tpu.dma_semaphore, #tpu.memory_space<semaphore_mem>>)
        %dma_wait3A_79 = arith.constant 0 : i32
        %dma_wait3A_80 = tpu.memref_slice %arg5[%add3A_74, %dma_wait3A_79] : memref<20000x128xf32, #tpu.memory_space<hbm>> -> memref<632x128xf32, #tpu.memory_space<hbm>>
        %dma_wait3A_81 = arith.constant 0 : i32
        %dma_wait3A_82 = tpu.memref_slice %arg12[%mul3A_69, %dma_wait3A_81] : memref<10000x128xf32, #tpu.memory_space<vmem_shared>> -> memref<632x128xf32, #tpu.memory_space<vmem_shared>>
        tpu.wait_dma2 semaphore(%run_scoped3A : memref<!tpu.dma_semaphore, #tpu.memory_space<semaphore_mem>>) src(%dma_wait3A_82 : memref<632x128xf32, #tpu.memory_space<vmem_shared>>) dst(%dma_wait3A_80 : memref<632x128xf32, #tpu.memory_space<hbm>>)
        tpu.yield
      }) : () -> ()
    } else {
    }
    %eq3A_63 = arith.constant 15 : i32
    %eq3A_64 = arith.cmpi eq, %arg1, %eq3A_63 : i32
    %convert_element_type3A_65 = arith.extui %eq3A_64 : i1 to i32
    %cond3A_66 = arith.constant 0 : i32
    %cond3A_67 = arith.cmpi ne, %convert_element_type3A_65, %cond3A_66 : i32
    scf.if %cond3A_67 {
      %mul3A_68 = arith.constant 632 : i32
      %mul3A_69 = arith.muli %arg1, %mul3A_68 : i32
      %mul3A_70 = arith.constant 10000 : i32
      %mul3A_71 = arith.muli %arg0, %mul3A_70 : i32
      %mul3A_72 = arith.constant 632 : i32
      %mul3A_73 = arith.muli %arg1, %mul3A_72 : i32
      %add3A_74 = arith.addi %mul3A_71, %mul3A_73 : i32
      "tpu.region"() ({
        %run_scoped3A = tpu.sem_alloc : memref<!tpu.dma_semaphore, #tpu.memory_space<semaphore_mem>>
        %dma_start3A_75 = arith.constant 0 : i32
        %dma_start3A_76 = tpu.memref_slice %arg5[%add3A_74, %dma_start3A_75] : memref<20000x128xf32, #tpu.memory_space<hbm>> -> memref<520x128xf32, #tpu.memory_space<hbm>>
        %dma_start3A_77 = arith.constant 0 : i32
        %dma_start3A_78 = tpu.memref_slice %arg12[%mul3A_69, %dma_start3A_77] : memref<10000x128xf32, #tpu.memory_space<vmem_shared>> -> memref<520x128xf32, #tpu.memory_space<vmem_shared>>
        tpu.enqueue_dma source(%dma_start3A_78 : memref<520x128xf32, #tpu.memory_space<vmem_shared>>) target(%dma_start3A_76 : memref<520x128xf32, #tpu.memory_space<hbm>>) target_semaphore(%run_scoped3A : memref<!tpu.dma_semaphore, #tpu.memory_space<semaphore_mem>>)
        %dma_wait3A_79 = arith.constant 0 : i32
        %dma_wait3A_80 = tpu.memref_slice %arg5[%add3A_74, %dma_wait3A_79] : memref<20000x128xf32, #tpu.memory_space<hbm>> -> memref<520x128xf32, #tpu.memory_space<hbm>>
        %dma_wait3A_81 = arith.constant 0 : i32
        %dma_wait3A_82 = tpu.memref_slice %arg12[%mul3A_69, %dma_wait3A_81] : memref<10000x128xf32, #tpu.memory_space<vmem_shared>> -> memref<520x128xf32, #tpu.memory_space<vmem_shared>>
        tpu.wait_dma2 semaphore(%run_scoped3A : memref<!tpu.dma_semaphore, #tpu.memory_space<semaphore_mem>>) src(%dma_wait3A_82 : memref<520x128xf32, #tpu.memory_space<vmem_shared>>) dst(%dma_wait3A_80 : memref<520x128xf32, #tpu.memory_space<hbm>>)
        tpu.yield
      }) : () -> ()
    } else {
    }
    return
  }
}

#map = affine_map<(d0, d1) -> (0, 0)>
#map1 = affine_map<(d0, d1) -> (0)>
module attributes {stable_mosaic.version = 14 : i64} {
  func.func @_sc_gather_add(%arg0: i32, %arg1: i32, %arg2: memref<10000x128xf32, #tpu.memory_space<hbm>>, %arg3: memref<10000x128xf32, #tpu.memory_space<hbm>>, %arg4: memref<160000xi32, #tpu.memory_space<hbm>>, %arg5: memref<160000xi32, #tpu.memory_space<hbm>>, %arg6: memref<160000x128xf32, #tpu.memory_space<hbm>>, %arg7: memref<5000xi32, #tpu.memory_space<vmem>>, %arg8: memref<5000xi32, #tpu.memory_space<vmem>>, %arg9: memref<128x128xf32, #tpu.memory_space<vmem>>, %arg10: memref<128x128xf32, #tpu.memory_space<vmem>>, %arg11: memref<128x128xf32, #tpu.memory_space<vmem>>, %arg12: memref<128x128xf32, #tpu.memory_space<vmem>>, %arg13: memref<8x128xf32, #tpu.memory_space<vmem>>, %arg14: memref<8x128xf32, #tpu.memory_space<vmem>>, %arg15: memref<128xi32, #tpu.memory_space<vmem>>, %arg16: memref<128xi32, #tpu.memory_space<vmem>>, %arg17: memref<4096x128xf32, #tpu.memory_space<vmem_shared>>, %arg18: memref<!tpu.dma_semaphore, #tpu.memory_space<semaphore_mem>>, %arg19: memref<!tpu.dma_semaphore, #tpu.memory_space<semaphore_mem>>, %arg20: memref<!tpu.dma_semaphore, #tpu.memory_space<semaphore_mem>>, %arg21: memref<!tpu.dma_semaphore, #tpu.memory_space<semaphore_mem>>, %arg22: memref<!tpu.dma_semaphore, #tpu.memory_space<semaphore_mem>>, %arg23: memref<!tpu.dma_semaphore, #tpu.memory_space<semaphore_mem>>) attributes {dimension_semantics = [#tpu.dimension_semantics<core_parallel>, #tpu.dimension_semantics<subcore_parallel>], iteration_bounds = array<i64: 2, 16>, scalar_prefetch = 0 : i64, scratch_operands = 17 : i64, tpu.core_type = #tpu.core_type<sc_vector_subcore>, window_params = [{transform_indices = #map}, {transform_indices = #map}, {transform_indices = #map1}, {transform_indices = #map1}, {transform_indices = #map}]} {
    %mul3A = arith.constant 2 : i32
    %mul3A_0 = arith.muli %arg1, %mul3A : i32
    %add3A = arith.addi %mul3A_0, %arg0 : i32
    %mul3A_1 = arith.constant 5000 : i32
    %mul3A_2 = arith.muli %add3A, %mul3A_1 : i32
    "tpu.region"() ({
      %run_scoped3A = tpu.sem_alloc : memref<!tpu.dma_semaphore, #tpu.memory_space<semaphore_mem>>
      %dma_start3A_1313 = tpu.memref_slice %arg4[%mul3A_2] : memref<160000xi32, #tpu.memory_space<hbm>> -> memref<5000xi32, #tpu.memory_space<hbm>>
      %dma_start3A_1314 = tpu.memref_slice %arg4[%mul3A_2] : memref<160000xi32, #tpu.memory_space<hbm>> -> memref<5000xi32, #tpu.memory_space<hbm>>
      tpu.enqueue_dma source(%dma_start3A_1314 : memref<5000xi32, #tpu.memory_space<hbm>>) target(%arg7 : memref<5000xi32, #tpu.memory_space<vmem>>) target_semaphore(%run_scoped3A : memref<!tpu.dma_semaphore, #tpu.memory_space<semaphore_mem>>)
      %dma_wait3A_1315 = tpu.memref_slice %arg4[%mul3A_2] : memref<160000xi32, #tpu.memory_space<hbm>> -> memref<5000xi32, #tpu.memory_space<hbm>>
      %dma_wait3A_1316 = tpu.memref_slice %arg4[%mul3A_2] : memref<160000xi32, #tpu.memory_space<hbm>> -> memref<5000xi32, #tpu.memory_space<hbm>>
      tpu.wait_dma2 semaphore(%run_scoped3A : memref<!tpu.dma_semaphore, #tpu.memory_space<semaphore_mem>>) src(%dma_wait3A_1316 : memref<5000xi32, #tpu.memory_space<hbm>>) dst(%arg7 : memref<5000xi32, #tpu.memory_space<vmem>>)
      tpu.yield
    }) : () -> ()
    "tpu.region"() ({
      %run_scoped3A = tpu.sem_alloc : memref<!tpu.dma_semaphore, #tpu.memory_space<semaphore_mem>>
      %dma_start3A_1313 = tpu.memref_slice %arg5[%mul3A_2] : memref<160000xi32, #tpu.memory_space<hbm>> -> memref<5000xi32, #tpu.memory_space<hbm>>
      %dma_start3A_1314 = tpu.memref_slice %arg5[%mul3A_2] : memref<160000xi32, #tpu.memory_space<hbm>> -> memref<5000xi32, #tpu.memory_space<hbm>>
      tpu.enqueue_dma source(%dma_start3A_1314 : memref<5000xi32, #tpu.memory_space<hbm>>) target(%arg8 : memref<5000xi32, #tpu.memory_space<vmem>>) target_semaphore(%run_scoped3A : memref<!tpu.dma_semaphore, #tpu.memory_space<semaphore_mem>>)
      %dma_wait3A_1315 = tpu.memref_slice %arg5[%mul3A_2] : memref<160000xi32, #tpu.memory_space<hbm>> -> memref<5000xi32, #tpu.memory_space<hbm>>
      %dma_wait3A_1316 = tpu.memref_slice %arg5[%mul3A_2] : memref<160000xi32, #tpu.memory_space<hbm>> -> memref<5000xi32, #tpu.memory_space<hbm>>
      tpu.wait_dma2 semaphore(%run_scoped3A : memref<!tpu.dma_semaphore, #tpu.memory_space<semaphore_mem>>) src(%dma_wait3A_1316 : memref<5000xi32, #tpu.memory_space<hbm>>) dst(%arg8 : memref<5000xi32, #tpu.memory_space<vmem>>)
      tpu.yield
    }) : () -> ()
    %iota3A = tpu.iota {dimensions = array<i32: 0>} : vector<16xi32>
    %add3A_3 = arith.constant 0 : i32
    %add3A_4 = vector.broadcast %add3A_3 : i32 to vector<16xi32>
    %add3A_5 = arith.addi %iota3A, %add3A_4 : vector<16xi32>
    %mul3A_6 = arith.constant 256 : i32
    %mul3A_7 = arith.muli %arg1, %mul3A_6 : i32
    %add3A_8 = vector.broadcast %mul3A_7 : i32 to vector<16xi32>
    %add3A_9 = arith.addi %add3A_5, %add3A_8 : vector<16xi32>
    %swap3A = arith.constant 0 : index
    %swap3A_10 = tpu.vector_load %arg15[%swap3A] {strides = array<i32>} : memref<128xi32, #tpu.memory_space<vmem>>, vector<16xi32>,
    %swap3A_11 = vector.shape_cast %swap3A_10 : vector<16xi32> to vector<16xi32>
    %swap3A_12 = vector.shape_cast %add3A_9 : vector<16xi32> to vector<16xi32>
    tpu.vector_store %arg15[%swap3A], %swap3A_12 {strides = array<i32>} : memref<128xi32, #tpu.memory_space<vmem>>, vector<16xi32>,
    %add3A_13 = arith.constant 128 : i32
    %add3A_14 = vector.broadcast %add3A_13 : i32 to vector<16xi32>
    %add3A_15 = arith.addi %add3A_9, %add3A_14 : vector<16xi32>
    %swap3A_16 = arith.constant 0 : index
    %swap3A_17 = tpu.vector_load %arg16[%swap3A_16] {strides = array<i32>} : memref<128xi32, #tpu.memory_space<vmem>>, vector<16xi32>,
    %swap3A_18 = vector.shape_cast %swap3A_17 : vector<16xi32> to vector<16xi32>
    %swap3A_19 = vector.shape_cast %add3A_15 : vector<16xi32> to vector<16xi32>
    tpu.vector_store %arg16[%swap3A_16], %swap3A_19 {strides = array<i32>} : memref<128xi32, #tpu.memory_space<vmem>>, vector<16xi32>,
    %iota3A_20 = tpu.iota {dimensions = array<i32: 0>} : vector<16xi32>
    %add3A_21 = arith.constant 16 : i32
    %add3A_22 = vector.broadcast %add3A_21 : i32 to vector<16xi32>
    %add3A_23 = arith.addi %iota3A_20, %add3A_22 : vector<16xi32>
    %mul3A_24 = arith.constant 256 : i32
    %mul3A_25 = arith.muli %arg1, %mul3A_24 : i32
    %add3A_26 = vector.broadcast %mul3A_25 : i32 to vector<16xi32>
    %add3A_27 = arith.addi %add3A_23, %add3A_26 : vector<16xi32>
    %swap3A_28 = arith.constant 16 : index
    %swap3A_29 = tpu.vector_load %arg15[%swap3A_28] {strides = array<i32>} : memref<128xi32, #tpu.memory_space<vmem>>, vector<16xi32>,
    %swap3A_30 = vector.shape_cast %swap3A_29 : vector<16xi32> to vector<16xi32>
    %swap3A_31 = vector.shape_cast %add3A_27 : vector<16xi32> to vector<16xi32>
    tpu.vector_store %arg15[%swap3A_28], %swap3A_31 {strides = array<i32>} : memref<128xi32, #tpu.memory_space<vmem>>, vector<16xi32>,
    %add3A_32 = arith.constant 128 : i32
    %add3A_33 = vector.broadcast %add3A_32 : i32 to vector<16xi32>
    %add3A_34 = arith.addi %add3A_27, %add3A_33 : vector<16xi32>
    %swap3A_35 = arith.constant 16 : index
    %swap3A_36 = tpu.vector_load %arg16[%swap3A_35] {strides = array<i32>} : memref<128xi32, #tpu.memory_space<vmem>>, vector<16xi32>,
    %swap3A_37 = vector.shape_cast %swap3A_36 : vector<16xi32> to vector<16xi32>
    %swap3A_38 = vector.shape_cast %add3A_34 : vector<16xi32> to vector<16xi32>
    tpu.vector_store %arg16[%swap3A_35], %swap3A_38 {strides = array<i32>} : memref<128xi32, #tpu.memory_space<vmem>>, vector<16xi32>,
    %iota3A_39 = tpu.iota {dimensions = array<i32: 0>} : vector<16xi32>
    %add3A_40 = arith.constant 32 : i32
    %add3A_41 = vector.broadcast %add3A_40 : i32 to vector<16xi32>
    %add3A_42 = arith.addi %iota3A_39, %add3A_41 : vector<16xi32>
    %mul3A_43 = arith.constant 256 : i32
    %mul3A_44 = arith.muli %arg1, %mul3A_43 : i32
    %add3A_45 = vector.broadcast %mul3A_44 : i32 to vector<16xi32>
    %add3A_46 = arith.addi %add3A_42, %add3A_45 : vector<16xi32>
    %swap3A_47 = arith.constant 32 : index
    %swap3A_48 = tpu.vector_load %arg15[%swap3A_47] {strides = array<i32>} : memref<128xi32, #tpu.memory_space<vmem>>, vector<16xi32>,
    %swap3A_49 = vector.shape_cast %swap3A_48 : vector<16xi32> to vector<16xi32>
    %swap3A_50 = vector.shape_cast %add3A_46 : vector<16xi32> to vector<16xi32>
    tpu.vector_store %arg15[%swap3A_47], %swap3A_50 {strides = array<i32>} : memref<128xi32, #tpu.memory_space<vmem>>, vector<16xi32>,
    %add3A_51 = arith.constant 128 : i32
    %add3A_52 = vector.broadcast %add3A_51 : i32 to vector<16xi32>
    %add3A_53 = arith.addi %add3A_46, %add3A_52 : vector<16xi32>
    %swap3A_54 = arith.constant 32 : index
    %swap3A_55 = tpu.vector_load %arg16[%swap3A_54] {strides = array<i32>} : memref<128xi32, #tpu.memory_space<vmem>>, vector<16xi32>,
    %swap3A_56 = vector.shape_cast %swap3A_55 : vector<16xi32> to vector<16xi32>
    %swap3A_57 = vector.shape_cast %add3A_53 : vector<16xi32> to vector<16xi32>
    tpu.vector_store %arg16[%swap3A_54], %swap3A_57 {strides = array<i32>} : memref<128xi32, #tpu.memory_space<vmem>>, vector<16xi32>,
    %iota3A_58 = tpu.iota {dimensions = array<i32: 0>} : vector<16xi32>
    %add3A_59 = arith.constant 48 : i32
    %add3A_60 = vector.broadcast %add3A_59 : i32 to vector<16xi32>
    %add3A_61 = arith.addi %iota3A_58, %add3A_60 : vector<16xi32>
    %mul3A_62 = arith.constant 256 : i32
    %mul3A_63 = arith.muli %arg1, %mul3A_62 : i32
    %add3A_64 = vector.broadcast %mul3A_63 : i32 to vector<16xi32>
    %add3A_65 = arith.addi %add3A_61, %add3A_64 : vector<16xi32>
    %swap3A_66 = arith.constant 48 : index
    %swap3A_67 = tpu.vector_load %arg15[%swap3A_66] {strides = array<i32>} : memref<128xi32, #tpu.memory_space<vmem>>, vector<16xi32>,
    %swap3A_68 = vector.shape_cast %swap3A_67 : vector<16xi32> to vector<16xi32>
    %swap3A_69 = vector.shape_cast %add3A_65 : vector<16xi32> to vector<16xi32>
    tpu.vector_store %arg15[%swap3A_66], %swap3A_69 {strides = array<i32>} : memref<128xi32, #tpu.memory_space<vmem>>, vector<16xi32>,
    %add3A_70 = arith.constant 128 : i32
    %add3A_71 = vector.broadcast %add3A_70 : i32 to vector<16xi32>
    %add3A_72 = arith.addi %add3A_65, %add3A_71 : vector<16xi32>
    %swap3A_73 = arith.constant 48 : index
    %swap3A_74 = tpu.vector_load %arg16[%swap3A_73] {strides = array<i32>} : memref<128xi32, #tpu.memory_space<vmem>>, vector<16xi32>,
    %swap3A_75 = vector.shape_cast %swap3A_74 : vector<16xi32> to vector<16xi32>
    %swap3A_76 = vector.shape_cast %add3A_72 : vector<16xi32> to vector<16xi32>
    tpu.vector_store %arg16[%swap3A_73], %swap3A_76 {strides = array<i32>} : memref<128xi32, #tpu.memory_space<vmem>>, vector<16xi32>,
    %iota3A_77 = tpu.iota {dimensions = array<i32: 0>} : vector<16xi32>
    %add3A_78 = arith.constant 64 : i32
    %add3A_79 = vector.broadcast %add3A_78 : i32 to vector<16xi32>
    %add3A_80 = arith.addi %iota3A_77, %add3A_79 : vector<16xi32>
    %mul3A_81 = arith.constant 256 : i32
    %mul3A_82 = arith.muli %arg1, %mul3A_81 : i32
    %add3A_83 = vector.broadcast %mul3A_82 : i32 to vector<16xi32>
    %add3A_84 = arith.addi %add3A_80, %add3A_83 : vector<16xi32>
    %swap3A_85 = arith.constant 64 : index
    %swap3A_86 = tpu.vector_load %arg15[%swap3A_85] {strides = array<i32>} : memref<128xi32, #tpu.memory_space<vmem>>, vector<16xi32>,
    %swap3A_87 = vector.shape_cast %swap3A_86 : vector<16xi32> to vector<16xi32>
    %swap3A_88 = vector.shape_cast %add3A_84 : vector<16xi32> to vector<16xi32>
    tpu.vector_store %arg15[%swap3A_85], %swap3A_88 {strides = array<i32>} : memref<128xi32, #tpu.memory_space<vmem>>, vector<16xi32>,
    %add3A_89 = arith.constant 128 : i32
    %add3A_90 = vector.broadcast %add3A_89 : i32 to vector<16xi32>
    %add3A_91 = arith.addi %add3A_84, %add3A_90 : vector<16xi32>
    %swap3A_92 = arith.constant 64 : index
    %swap3A_93 = tpu.vector_load %arg16[%swap3A_92] {strides = array<i32>} : memref<128xi32, #tpu.memory_space<vmem>>, vector<16xi32>,
    %swap3A_94 = vector.shape_cast %swap3A_93 : vector<16xi32> to vector<16xi32>
    %swap3A_95 = vector.shape_cast %add3A_91 : vector<16xi32> to vector<16xi32>
    tpu.vector_store %arg16[%swap3A_92], %swap3A_95 {strides = array<i32>} : memref<128xi32, #tpu.memory_space<vmem>>, vector<16xi32>,
    %iota3A_96 = tpu.iota {dimensions = array<i32: 0>} : vector<16xi32>
    %add3A_97 = arith.constant 80 : i32
    %add3A_98 = vector.broadcast %add3A_97 : i32 to vector<16xi32>
    %add3A_99 = arith.addi %iota3A_96, %add3A_98 : vector<16xi32>
    %mul3A_100 = arith.constant 256 : i32
    %mul3A_101 = arith.muli %arg1, %mul3A_100 : i32
    %add3A_102 = vector.broadcast %mul3A_101 : i32 to vector<16xi32>
    %add3A_103 = arith.addi %add3A_99, %add3A_102 : vector<16xi32>
    %swap3A_104 = arith.constant 80 : index
    %swap3A_105 = tpu.vector_load %arg15[%swap3A_104] {strides = array<i32>} : memref<128xi32, #tpu.memory_space<vmem>>, vector<16xi32>,
    %swap3A_106 = vector.shape_cast %swap3A_105 : vector<16xi32> to vector<16xi32>
    %swap3A_107 = vector.shape_cast %add3A_103 : vector<16xi32> to vector<16xi32>
    tpu.vector_store %arg15[%swap3A_104], %swap3A_107 {strides = array<i32>} : memref<128xi32, #tpu.memory_space<vmem>>, vector<16xi32>,
    %add3A_108 = arith.constant 128 : i32
    %add3A_109 = vector.broadcast %add3A_108 : i32 to vector<16xi32>
    %add3A_110 = arith.addi %add3A_103, %add3A_109 : vector<16xi32>
    %swap3A_111 = arith.constant 80 : index
    %swap3A_112 = tpu.vector_load %arg16[%swap3A_111] {strides = array<i32>} : memref<128xi32, #tpu.memory_space<vmem>>, vector<16xi32>,
    %swap3A_113 = vector.shape_cast %swap3A_112 : vector<16xi32> to vector<16xi32>
    %swap3A_114 = vector.shape_cast %add3A_110 : vector<16xi32> to vector<16xi32>
    tpu.vector_store %arg16[%swap3A_111], %swap3A_114 {strides = array<i32>} : memref<128xi32, #tpu.memory_space<vmem>>, vector<16xi32>,
    %iota3A_115 = tpu.iota {dimensions = array<i32: 0>} : vector<16xi32>
    %add3A_116 = arith.constant 96 : i32
    %add3A_117 = vector.broadcast %add3A_116 : i32 to vector<16xi32>
    %add3A_118 = arith.addi %iota3A_115, %add3A_117 : vector<16xi32>
    %mul3A_119 = arith.constant 256 : i32
    %mul3A_120 = arith.muli %arg1, %mul3A_119 : i32
    %add3A_121 = vector.broadcast %mul3A_120 : i32 to vector<16xi32>
    %add3A_122 = arith.addi %add3A_118, %add3A_121 : vector<16xi32>
    %swap3A_123 = arith.constant 96 : index
    %swap3A_124 = tpu.vector_load %arg15[%swap3A_123] {strides = array<i32>} : memref<128xi32, #tpu.memory_space<vmem>>, vector<16xi32>,
    %swap3A_125 = vector.shape_cast %swap3A_124 : vector<16xi32> to vector<16xi32>
    %swap3A_126 = vector.shape_cast %add3A_122 : vector<16xi32> to vector<16xi32>
    tpu.vector_store %arg15[%swap3A_123], %swap3A_126 {strides = array<i32>} : memref<128xi32, #tpu.memory_space<vmem>>, vector<16xi32>,
    %add3A_127 = arith.constant 128 : i32
    %add3A_128 = vector.broadcast %add3A_127 : i32 to vector<16xi32>
    %add3A_129 = arith.addi %add3A_122, %add3A_128 : vector<16xi32>
    %swap3A_130 = arith.constant 96 : index
    %swap3A_131 = tpu.vector_load %arg16[%swap3A_130] {strides = array<i32>} : memref<128xi32, #tpu.memory_space<vmem>>, vector<16xi32>,
    %swap3A_132 = vector.shape_cast %swap3A_131 : vector<16xi32> to vector<16xi32>
    %swap3A_133 = vector.shape_cast %add3A_129 : vector<16xi32> to vector<16xi32>
    tpu.vector_store %arg16[%swap3A_130], %swap3A_133 {strides = array<i32>} : memref<128xi32, #tpu.memory_space<vmem>>, vector<16xi32>,
    %iota3A_134 = tpu.iota {dimensions = array<i32: 0>} : vector<16xi32>
    %add3A_135 = arith.constant 112 : i32
    %add3A_136 = vector.broadcast %add3A_135 : i32 to vector<16xi32>
    %add3A_137 = arith.addi %iota3A_134, %add3A_136 : vector<16xi32>
    %mul3A_138 = arith.constant 256 : i32
    %mul3A_139 = arith.muli %arg1, %mul3A_138 : i32
    %add3A_140 = vector.broadcast %mul3A_139 : i32 to vector<16xi32>
    %add3A_141 = arith.addi %add3A_137, %add3A_140 : vector<16xi32>
    %swap3A_142 = arith.constant 112 : index
    %swap3A_143 = tpu.vector_load %arg15[%swap3A_142] {strides = array<i32>} : memref<128xi32, #tpu.memory_space<vmem>>, vector<16xi32>,
    %swap3A_144 = vector.shape_cast %swap3A_143 : vector<16xi32> to vector<16xi32>
    %swap3A_145 = vector.shape_cast %add3A_141 : vector<16xi32> to vector<16xi32>
    tpu.vector_store %arg15[%swap3A_142], %swap3A_145 {strides = array<i32>} : memref<128xi32, #tpu.memory_space<vmem>>, vector<16xi32>,
    %add3A_146 = arith.constant 128 : i32
    %add3A_147 = vector.broadcast %add3A_146 : i32 to vector<16xi32>
    %add3A_148 = arith.addi %add3A_141, %add3A_147 : vector<16xi32>
    %swap3A_149 = arith.constant 112 : index
    %swap3A_150 = tpu.vector_load %arg16[%swap3A_149] {strides = array<i32>} : memref<128xi32, #tpu.memory_space<vmem>>, vector<16xi32>,
    %swap3A_151 = vector.shape_cast %swap3A_150 : vector<16xi32> to vector<16xi32>
    %swap3A_152 = vector.shape_cast %add3A_148 : vector<16xi32> to vector<16xi32>
    tpu.vector_store %arg16[%swap3A_149], %swap3A_152 {strides = array<i32>} : memref<128xi32, #tpu.memory_space<vmem>>, vector<16xi32>,
    %dma_start3A = arith.constant 0 : i32
    %dma_start3A_153 = tpu.memref_slice %arg7[%dma_start3A] : memref<5000xi32, #tpu.memory_space<vmem>> -> memref<128xi32, #tpu.memory_space<vmem>>
    %dma_start3A_154 = arith.constant 0 : i32
    %dma_start3A_155 = arith.constant 0 : i32
    %dma_start3A_156 = tpu.memref_slice %arg2[%dma_start3A_154, %dma_start3A_155] : memref<10000x128xf32, #tpu.memory_space<hbm>> -> memref<10000x128xf32, #tpu.memory_space<hbm>>
    tpu.enqueue_indirect_dma source(%dma_start3A_156 : memref<10000x128xf32, #tpu.memory_space<hbm>>) target(%arg9 : memref<128x128xf32, #tpu.memory_space<vmem>>) offsets(%dma_start3A_153 : memref<128xi32, #tpu.memory_space<vmem>>) semaphore(%arg18 : memref<!tpu.dma_semaphore, #tpu.memory_space<semaphore_mem>>)
    %dma_start3A_157 = arith.constant 0 : i32
    %dma_start3A_158 = tpu.memref_slice %arg8[%dma_start3A_157] : memref<5000xi32, #tpu.memory_space<vmem>> -> memref<128xi32, #tpu.memory_space<vmem>>
    %dma_start3A_159 = arith.constant 0 : i32
    %dma_start3A_160 = arith.constant 0 : i32
    %dma_start3A_161 = tpu.memref_slice %arg3[%dma_start3A_159, %dma_start3A_160] : memref<10000x128xf32, #tpu.memory_space<hbm>> -> memref<10000x128xf32, #tpu.memory_space<hbm>>
    tpu.enqueue_indirect_dma source(%dma_start3A_161 : memref<10000x128xf32, #tpu.memory_space<hbm>>) target(%arg10 : memref<128x128xf32, #tpu.memory_space<vmem>>) offsets(%dma_start3A_158 : memref<128xi32, #tpu.memory_space<vmem>>) semaphore(%arg19 : memref<!tpu.dma_semaphore, #tpu.memory_space<semaphore_mem>>)
    %scan3A = arith.constant 0 : i32
    %scan3A_162 = arith.constant 0 : i32
    %scan3A_163 = arith.constant 19 : i32
    %scan3A_164 = arith.addi %scan3A_162, %scan3A_163 : i32
    %scan3A_165 = arith.constant 1 : i32
    scf.for %scan3A_1313 = %scan3A_162 to %scan3A_164 step %scan3A_165  : i32 {
      %mul3A_1314 = arith.constant 2 : i32
      %mul3A_1315 = arith.muli %mul3A_1314, %scan3A_1313 : i32
      %add3A_1316 = arith.constant 1 : i32
      %add3A_1317 = arith.addi %mul3A_1315, %add3A_1316 : i32
      %mul3A_1318 = arith.constant 128 : i32
      %mul3A_1319 = arith.muli %add3A_1317, %mul3A_1318 : i32
      %dma_start3A_1320 = tpu.memref_slice %arg7[%mul3A_1319] : memref<5000xi32, #tpu.memory_space<vmem>> -> memref<128xi32, #tpu.memory_space<vmem>>
      %dma_start3A_1321 = arith.constant 0 : i32
      %dma_start3A_1322 = arith.constant 0 : i32
      %dma_start3A_1323 = tpu.memref_slice %arg2[%dma_start3A_1321, %dma_start3A_1322] : memref<10000x128xf32, #tpu.memory_space<hbm>> -> memref<10000x128xf32, #tpu.memory_space<hbm>>
      tpu.enqueue_indirect_dma source(%dma_start3A_1323 : memref<10000x128xf32, #tpu.memory_space<hbm>>) target(%arg11 : memref<128x128xf32, #tpu.memory_space<vmem>>) offsets(%dma_start3A_1320 : memref<128xi32, #tpu.memory_space<vmem>>) semaphore(%arg20 : memref<!tpu.dma_semaphore, #tpu.memory_space<semaphore_mem>>)
      %dma_start3A_1324 = tpu.memref_slice %arg8[%mul3A_1319] : memref<5000xi32, #tpu.memory_space<vmem>> -> memref<128xi32, #tpu.memory_space<vmem>>
      %dma_start3A_1325 = arith.constant 0 : i32
      %dma_start3A_1326 = arith.constant 0 : i32
      %dma_start3A_1327 = tpu.memref_slice %arg3[%dma_start3A_1325, %dma_start3A_1326] : memref<10000x128xf32, #tpu.memory_space<hbm>> -> memref<10000x128xf32, #tpu.memory_space<hbm>>
      tpu.enqueue_indirect_dma source(%dma_start3A_1327 : memref<10000x128xf32, #tpu.memory_space<hbm>>) target(%arg12 : memref<128x128xf32, #tpu.memory_space<vmem>>) offsets(%dma_start3A_1324 : memref<128xi32, #tpu.memory_space<vmem>>) semaphore(%arg21 : memref<!tpu.dma_semaphore, #tpu.memory_space<semaphore_mem>>)
      %mul3A_1328 = arith.constant 2 : i32
      %mul3A_1329 = arith.muli %mul3A_1328, %scan3A_1313 : i32
      %mul3A_1330 = arith.constant 128 : i32
      %mul3A_1331 = arith.muli %mul3A_1329, %mul3A_1330 : i32
      %add3A_1332 = arith.addi %mul3A_2, %mul3A_1331 : i32
      %mul3A_1333 = arith.constant 128 : i32
      %mul3A_1334 = arith.muli %mul3A_1329, %mul3A_1333 : i32
      %mul3A_1335 = arith.constant 256 : i32
      %mul3A_1336 = arith.muli %arg1, %mul3A_1335 : i32
      %add3A_1337 = arith.constant 0 : i32
      %add3A_1338 = arith.addi %mul3A_1336, %add3A_1337 : i32
      %dma_wait3A_1339 = tpu.memref_slice %arg7[%mul3A_1334] : memref<5000xi32, #tpu.memory_space<vmem>> -> memref<128xi32, #tpu.memory_space<vmem>>
      %dma_wait3A_1340 = arith.constant 0 : i32
      %dma_wait3A_1341 = arith.constant 0 : i32
      %dma_wait3A_1342 = tpu.memref_slice %arg2[%dma_wait3A_1340, %dma_wait3A_1341] : memref<10000x128xf32, #tpu.memory_space<hbm>> -> memref<10000x128xf32, #tpu.memory_space<hbm>>
      tpu.wait_indirect_dma semaphore(%arg18 : memref<!tpu.dma_semaphore, #tpu.memory_space<semaphore_mem>>) src(%dma_wait3A_1342 : memref<10000x128xf32, #tpu.memory_space<hbm>>) dst(%arg9 : memref<128x128xf32, #tpu.memory_space<vmem>>)
      %dma_wait3A_1343 = tpu.memref_slice %arg8[%mul3A_1334] : memref<5000xi32, #tpu.memory_space<vmem>> -> memref<128xi32, #tpu.memory_space<vmem>>
      %dma_wait3A_1344 = arith.constant 0 : i32
      %dma_wait3A_1345 = arith.constant 0 : i32
      %dma_wait3A_1346 = tpu.memref_slice %arg3[%dma_wait3A_1344, %dma_wait3A_1345] : memref<10000x128xf32, #tpu.memory_space<hbm>> -> memref<10000x128xf32, #tpu.memory_space<hbm>>
      tpu.wait_indirect_dma semaphore(%arg19 : memref<!tpu.dma_semaphore, #tpu.memory_space<semaphore_mem>>) src(%dma_wait3A_1346 : memref<10000x128xf32, #tpu.memory_space<hbm>>) dst(%arg10 : memref<128x128xf32, #tpu.memory_space<vmem>>)
      %ge3A = arith.constant 2 : i32
      %ge3A_1347 = arith.cmpi sge, %mul3A_1329, %ge3A : i32
      %convert_element_type3A = arith.extui %ge3A_1347 : i1 to i32
      %cond3A = arith.constant 0 : i32
      %cond3A_1348 = arith.cmpi ne, %convert_element_type3A, %cond3A : i32
      scf.if %cond3A_1348 {
        %dma_wait3A_1397 = arith.constant 0 : i32
        %dma_wait3A_1398 = tpu.memref_slice %arg6[%add3A_1332, %dma_wait3A_1397] : memref<160000x128xf32, #tpu.memory_space<hbm>> -> memref<128x128xf32, #tpu.memory_space<hbm>>
        %dma_wait3A_1399 = arith.constant 0 : i32
        %dma_wait3A_1400 = tpu.memref_slice %arg17[%add3A_1338, %dma_wait3A_1399] : memref<4096x128xf32, #tpu.memory_space<vmem_shared>> -> memref<128x128xf32, #tpu.memory_space<vmem_shared>>
        tpu.wait_dma2 semaphore(%arg22 : memref<!tpu.dma_semaphore, #tpu.memory_space<semaphore_mem>>) src(%dma_wait3A_1400 : memref<128x128xf32, #tpu.memory_space<vmem_shared>>) dst(%dma_wait3A_1398 : memref<128x128xf32, #tpu.memory_space<hbm>>)
      } else {
      }
      "tpu.region"() ({
        %run_scoped3A = tpu.sem_alloc : memref<!tpu.dma_semaphore, #tpu.memory_space<semaphore_mem>>
        %dma_start3A_1397 = arith.constant 0 : i32
        %dma_start3A_1398 = tpu.memref_slice %arg17[%add3A_1338, %dma_start3A_1397] : memref<4096x128xf32, #tpu.memory_space<vmem_shared>> -> memref<128x128xf32, #tpu.memory_space<vmem_shared>>
        %dma_start3A_1399 = arith.constant 0 : i32
        %dma_start3A_1400 = tpu.memref_slice %arg17[%add3A_1338, %dma_start3A_1399] : memref<4096x128xf32, #tpu.memory_space<vmem_shared>> -> memref<128x128xf32, #tpu.memory_space<vmem_shared>>
        tpu.enqueue_dma source(%arg9 : memref<128x128xf32, #tpu.memory_space<vmem>>) target(%dma_start3A_1400 : memref<128x128xf32, #tpu.memory_space<vmem_shared>>) target_semaphore(%run_scoped3A : memref<!tpu.dma_semaphore, #tpu.memory_space<semaphore_mem>>)
        %dma_wait3A_1401 = arith.constant 0 : i32
        %dma_wait3A_1402 = tpu.memref_slice %arg17[%add3A_1338, %dma_wait3A_1401] : memref<4096x128xf32, #tpu.memory_space<vmem_shared>> -> memref<128x128xf32, #tpu.memory_space<vmem_shared>>
        %dma_wait3A_1403 = arith.constant 0 : i32
        %dma_wait3A_1404 = tpu.memref_slice %arg17[%add3A_1338, %dma_wait3A_1403] : memref<4096x128xf32, #tpu.memory_space<vmem_shared>> -> memref<128x128xf32, #tpu.memory_space<vmem_shared>>
        tpu.wait_dma2 semaphore(%run_scoped3A : memref<!tpu.dma_semaphore, #tpu.memory_space<semaphore_mem>>) src(%arg9 : memref<128x128xf32, #tpu.memory_space<vmem>>) dst(%dma_wait3A_1404 : memref<128x128xf32, #tpu.memory_space<vmem_shared>>)
        tpu.yield
      }) : () -> ()
      "tpu.region"() ({
        %run_scoped3A = tpu.sem_alloc : memref<!tpu.dma_semaphore, #tpu.memory_space<semaphore_mem>>
        %dma_start3A_1397 = arith.constant 0 : i32
        %dma_start3A_1398 = arith.constant 0 : i32
        %dma_start3A_1399 = tpu.memref_slice %arg17[%dma_start3A_1397, %dma_start3A_1398] : memref<4096x128xf32, #tpu.memory_space<vmem_shared>> -> memref<4096x128xf32, #tpu.memory_space<vmem_shared>>
        tpu.enqueue_indirect_dma source(%arg10 : memref<128x128xf32, #tpu.memory_space<vmem>>) target(%dma_start3A_1399 : memref<4096x128xf32, #tpu.memory_space<vmem_shared>>) offsets(%arg15 : memref<128xi32, #tpu.memory_space<vmem>>) semaphore(%run_scoped3A : memref<!tpu.dma_semaphore, #tpu.memory_space<semaphore_mem>>) {add = true}
        %dma_wait3A_1400 = arith.constant 0 : i32
        %dma_wait3A_1401 = arith.constant 0 : i32
        %dma_wait3A_1402 = tpu.memref_slice %arg17[%dma_wait3A_1400, %dma_wait3A_1401] : memref<4096x128xf32, #tpu.memory_space<vmem_shared>> -> memref<4096x128xf32, #tpu.memory_space<vmem_shared>>
        tpu.wait_indirect_dma semaphore(%run_scoped3A : memref<!tpu.dma_semaphore, #tpu.memory_space<semaphore_mem>>) src(%arg10 : memref<128x128xf32, #tpu.memory_space<vmem>>) dst(%dma_wait3A_1402 : memref<4096x128xf32, #tpu.memory_space<vmem_shared>>)
        tpu.yield
      }) : () -> ()
      %dma_start3A_1349 = arith.constant 0 : i32
      %dma_start3A_1350 = tpu.memref_slice %arg6[%add3A_1332, %dma_start3A_1349] : memref<160000x128xf32, #tpu.memory_space<hbm>> -> memref<128x128xf32, #tpu.memory_space<hbm>>
      %dma_start3A_1351 = arith.constant 0 : i32
      %dma_start3A_1352 = tpu.memref_slice %arg17[%add3A_1338, %dma_start3A_1351] : memref<4096x128xf32, #tpu.memory_space<vmem_shared>> -> memref<128x128xf32, #tpu.memory_space<vmem_shared>>
      tpu.enqueue_dma source(%dma_start3A_1352 : memref<128x128xf32, #tpu.memory_space<vmem_shared>>) target(%dma_start3A_1350 : memref<128x128xf32, #tpu.memory_space<hbm>>) target_semaphore(%arg22 : memref<!tpu.dma_semaphore, #tpu.memory_space<semaphore_mem>>)
      %mul3A_1353 = arith.constant 2 : i32
      %mul3A_1354 = arith.muli %mul3A_1353, %scan3A_1313 : i32
      %add3A_1355 = arith.constant 2 : i32
      %add3A_1356 = arith.addi %mul3A_1354, %add3A_1355 : i32
      %mul3A_1357 = arith.constant 128 : i32
      %mul3A_1358 = arith.muli %add3A_1356, %mul3A_1357 : i32
      %dma_start3A_1359 = tpu.memref_slice %arg7[%mul3A_1358] : memref<5000xi32, #tpu.memory_space<vmem>> -> memref<128xi32, #tpu.memory_space<vmem>>
      %dma_start3A_1360 = arith.constant 0 : i32
      %dma_start3A_1361 = arith.constant 0 : i32
      %dma_start3A_1362 = tpu.memref_slice %arg2[%dma_start3A_1360, %dma_start3A_1361] : memref<10000x128xf32, #tpu.memory_space<hbm>> -> memref<10000x128xf32, #tpu.memory_space<hbm>>
      tpu.enqueue_indirect_dma source(%dma_start3A_1362 : memref<10000x128xf32, #tpu.memory_space<hbm>>) target(%arg9 : memref<128x128xf32, #tpu.memory_space<vmem>>) offsets(%dma_start3A_1359 : memref<128xi32, #tpu.memory_space<vmem>>) semaphore(%arg18 : memref<!tpu.dma_semaphore, #tpu.memory_space<semaphore_mem>>)
      %dma_start3A_1363 = tpu.memref_slice %arg8[%mul3A_1358] : memref<5000xi32, #tpu.memory_space<vmem>> -> memref<128xi32, #tpu.memory_space<vmem>>
      %dma_start3A_1364 = arith.constant 0 : i32
      %dma_start3A_1365 = arith.constant 0 : i32
      %dma_start3A_1366 = tpu.memref_slice %arg3[%dma_start3A_1364, %dma_start3A_1365] : memref<10000x128xf32, #tpu.memory_space<hbm>> -> memref<10000x128xf32, #tpu.memory_space<hbm>>
      tpu.enqueue_indirect_dma source(%dma_start3A_1366 : memref<10000x128xf32, #tpu.memory_space<hbm>>) target(%arg10 : memref<128x128xf32, #tpu.memory_space<vmem>>) offsets(%dma_start3A_1363 : memref<128xi32, #tpu.memory_space<vmem>>) semaphore(%arg19 : memref<!tpu.dma_semaphore, #tpu.memory_space<semaphore_mem>>)
      %mul3A_1367 = arith.constant 2 : i32
      %mul3A_1368 = arith.muli %mul3A_1367, %scan3A_1313 : i32
      %add3A_1369 = arith.constant 1 : i32
      %add3A_1370 = arith.addi %mul3A_1368, %add3A_1369 : i32
      %mul3A_1371 = arith.constant 128 : i32
      %mul3A_1372 = arith.muli %add3A_1370, %mul3A_1371 : i32
      %add3A_1373 = arith.addi %mul3A_2, %mul3A_1372 : i32
      %mul3A_1374 = arith.constant 128 : i32
      %mul3A_1375 = arith.muli %add3A_1370, %mul3A_1374 : i32
      %mul3A_1376 = arith.constant 256 : i32
      %mul3A_1377 = arith.muli %arg1, %mul3A_1376 : i32
      %add3A_1378 = arith.constant 128 : i32
      %add3A_1379 = arith.addi %mul3A_1377, %add3A_1378 : i32
      %dma_wait3A_1380 = tpu.memref_slice %arg7[%mul3A_1375] : memref<5000xi32, #tpu.memory_space<vmem>> -> memref<128xi32, #tpu.memory_space<vmem>>
      %dma_wait3A_1381 = arith.constant 0 : i32
      %dma_wait3A_1382 = arith.constant 0 : i32
      %dma_wait3A_1383 = tpu.memref_slice %arg2[%dma_wait3A_1381, %dma_wait3A_1382] : memref<10000x128xf32, #tpu.memory_space<hbm>> -> memref<10000x128xf32, #tpu.memory_space<hbm>>
      tpu.wait_indirect_dma semaphore(%arg20 : memref<!tpu.dma_semaphore, #tpu.memory_space<semaphore_mem>>) src(%dma_wait3A_1383 : memref<10000x128xf32, #tpu.memory_space<hbm>>) dst(%arg11 : memref<128x128xf32, #tpu.memory_space<vmem>>)
      %dma_wait3A_1384 = tpu.memref_slice %arg8[%mul3A_1375] : memref<5000xi32, #tpu.memory_space<vmem>> -> memref<128xi32, #tpu.memory_space<vmem>>
      %dma_wait3A_1385 = arith.constant 0 : i32
      %dma_wait3A_1386 = arith.constant 0 : i32
      %dma_wait3A_1387 = tpu.memref_slice %arg3[%dma_wait3A_1385, %dma_wait3A_1386] : memref<10000x128xf32, #tpu.memory_space<hbm>> -> memref<10000x128xf32, #tpu.memory_space<hbm>>
      tpu.wait_indirect_dma semaphore(%arg21 : memref<!tpu.dma_semaphore, #tpu.memory_space<semaphore_mem>>) src(%dma_wait3A_1387 : memref<10000x128xf32, #tpu.memory_space<hbm>>) dst(%arg12 : memref<128x128xf32, #tpu.memory_space<vmem>>)
      %ge3A_1388 = arith.constant 2 : i32
      %ge3A_1389 = arith.cmpi sge, %add3A_1370, %ge3A_1388 : i32
      %convert_element_type3A_1390 = arith.extui %ge3A_1389 : i1 to i32
      %cond3A_1391 = arith.constant 0 : i32
      %cond3A_1392 = arith.cmpi ne, %convert_element_type3A_1390, %cond3A_1391 : i32
      scf.if %cond3A_1392 {
        %dma_wait3A_1397 = arith.constant 0 : i32
        %dma_wait3A_1398 = tpu.memref_slice %arg6[%add3A_1373, %dma_wait3A_1397] : memref<160000x128xf32, #tpu.memory_space<hbm>> -> memref<128x128xf32, #tpu.memory_space<hbm>>
        %dma_wait3A_1399 = arith.constant 0 : i32
        %dma_wait3A_1400 = tpu.memref_slice %arg17[%add3A_1379, %dma_wait3A_1399] : memref<4096x128xf32, #tpu.memory_space<vmem_shared>> -> memref<128x128xf32, #tpu.memory_space<vmem_shared>>
        tpu.wait_dma2 semaphore(%arg23 : memref<!tpu.dma_semaphore, #tpu.memory_space<semaphore_mem>>) src(%dma_wait3A_1400 : memref<128x128xf32, #tpu.memory_space<vmem_shared>>) dst(%dma_wait3A_1398 : memref<128x128xf32, #tpu.memory_space<hbm>>)
      } else {
      }
      "tpu.region"() ({
        %run_scoped3A = tpu.sem_alloc : memref<!tpu.dma_semaphore, #tpu.memory_space<semaphore_mem>>
        %dma_start3A_1397 = arith.constant 0 : i32
        %dma_start3A_1398 = tpu.memref_slice %arg17[%add3A_1379, %dma_start3A_1397] : memref<4096x128xf32, #tpu.memory_space<vmem_shared>> -> memref<128x128xf32, #tpu.memory_space<vmem_shared>>
        %dma_start3A_1399 = arith.constant 0 : i32
        %dma_start3A_1400 = tpu.memref_slice %arg17[%add3A_1379, %dma_start3A_1399] : memref<4096x128xf32, #tpu.memory_space<vmem_shared>> -> memref<128x128xf32, #tpu.memory_space<vmem_shared>>
        tpu.enqueue_dma source(%arg11 : memref<128x128xf32, #tpu.memory_space<vmem>>) target(%dma_start3A_1400 : memref<128x128xf32, #tpu.memory_space<vmem_shared>>) target_semaphore(%run_scoped3A : memref<!tpu.dma_semaphore, #tpu.memory_space<semaphore_mem>>)
        %dma_wait3A_1401 = arith.constant 0 : i32
        %dma_wait3A_1402 = tpu.memref_slice %arg17[%add3A_1379, %dma_wait3A_1401] : memref<4096x128xf32, #tpu.memory_space<vmem_shared>> -> memref<128x128xf32, #tpu.memory_space<vmem_shared>>
        %dma_wait3A_1403 = arith.constant 0 : i32
        %dma_wait3A_1404 = tpu.memref_slice %arg17[%add3A_1379, %dma_wait3A_1403] : memref<4096x128xf32, #tpu.memory_space<vmem_shared>> -> memref<128x128xf32, #tpu.memory_space<vmem_shared>>
        tpu.wait_dma2 semaphore(%run_scoped3A : memref<!tpu.dma_semaphore, #tpu.memory_space<semaphore_mem>>) src(%arg11 : memref<128x128xf32, #tpu.memory_space<vmem>>) dst(%dma_wait3A_1404 : memref<128x128xf32, #tpu.memory_space<vmem_shared>>)
        tpu.yield
      }) : () -> ()
      "tpu.region"() ({
        %run_scoped3A = tpu.sem_alloc : memref<!tpu.dma_semaphore, #tpu.memory_space<semaphore_mem>>
        %dma_start3A_1397 = arith.constant 0 : i32
        %dma_start3A_1398 = arith.constant 0 : i32
        %dma_start3A_1399 = tpu.memref_slice %arg17[%dma_start3A_1397, %dma_start3A_1398] : memref<4096x128xf32, #tpu.memory_space<vmem_shared>> -> memref<4096x128xf32, #tpu.memory_space<vmem_shared>>
        tpu.enqueue_indirect_dma source(%arg12 : memref<128x128xf32, #tpu.memory_space<vmem>>) target(%dma_start3A_1399 : memref<4096x128xf32, #tpu.memory_space<vmem_shared>>) offsets(%arg16 : memref<128xi32, #tpu.memory_space<vmem>>) semaphore(%run_scoped3A : memref<!tpu.dma_semaphore, #tpu.memory_space<semaphore_mem>>) {add = true}
        %dma_wait3A_1400 = arith.constant 0 : i32
        %dma_wait3A_1401 = arith.constant 0 : i32
        %dma_wait3A_1402 = tpu.memref_slice %arg17[%dma_wait3A_1400, %dma_wait3A_1401] : memref<4096x128xf32, #tpu.memory_space<vmem_shared>> -> memref<4096x128xf32, #tpu.memory_space<vmem_shared>>
        tpu.wait_indirect_dma semaphore(%run_scoped3A : memref<!tpu.dma_semaphore, #tpu.memory_space<semaphore_mem>>) src(%arg12 : memref<128x128xf32, #tpu.memory_space<vmem>>) dst(%dma_wait3A_1402 : memref<4096x128xf32, #tpu.memory_space<vmem_shared>>)
        tpu.yield
      }) : () -> ()
      %dma_start3A_1393 = arith.constant 0 : i32
      %dma_start3A_1394 = tpu.memref_slice %arg6[%add3A_1373, %dma_start3A_1393] : memref<160000x128xf32, #tpu.memory_space<hbm>> -> memref<128x128xf32, #tpu.memory_space<hbm>>
      %dma_start3A_1395 = arith.constant 0 : i32
      %dma_start3A_1396 = tpu.memref_slice %arg17[%add3A_1379, %dma_start3A_1395] : memref<4096x128xf32, #tpu.memory_space<vmem_shared>> -> memref<128x128xf32, #tpu.memory_space<vmem_shared>>
      tpu.enqueue_dma source(%dma_start3A_1396 : memref<128x128xf32, #tpu.memory_space<vmem_shared>>) target(%dma_start3A_1394 : memref<128x128xf32, #tpu.memory_space<hbm>>) target_semaphore(%arg23 : memref<!tpu.dma_semaphore, #tpu.memory_space<semaphore_mem>>)
    }
    %scan3A_166 = arith.constant 19 : i32
    %dma_start3A_167 = arith.constant 4992 : i32
    %dma_start3A_168 = tpu.memref_slice %arg7[%dma_start3A_167] : memref<5000xi32, #tpu.memory_space<vmem>> -> memref<8xi32, #tpu.memory_space<vmem>>
    %dma_start3A_169 = arith.constant 0 : i32
    %dma_start3A_170 = arith.constant 0 : i32
    %dma_start3A_171 = tpu.memref_slice %arg2[%dma_start3A_169, %dma_start3A_170] : memref<10000x128xf32, #tpu.memory_space<hbm>> -> memref<10000x128xf32, #tpu.memory_space<hbm>>
    tpu.enqueue_indirect_dma source(%dma_start3A_171 : memref<10000x128xf32, #tpu.memory_space<hbm>>) target(%arg13 : memref<8x128xf32, #tpu.memory_space<vmem>>) offsets(%dma_start3A_168 : memref<8xi32, #tpu.memory_space<vmem>>) semaphore(%arg20 : memref<!tpu.dma_semaphore, #tpu.memory_space<semaphore_mem>>)
    %dma_start3A_172 = arith.constant 4992 : i32
    %dma_start3A_173 = tpu.memref_slice %arg8[%dma_start3A_172] : memref<5000xi32, #tpu.memory_space<vmem>> -> memref<8xi32, #tpu.memory_space<vmem>>
    %dma_start3A_174 = arith.constant 0 : i32
    %dma_start3A_175 = arith.constant 0 : i32
    %dma_start3A_176 = tpu.memref_slice %arg3[%dma_start3A_174, %dma_start3A_175] : memref<10000x128xf32, #tpu.memory_space<hbm>> -> memref<10000x128xf32, #tpu.memory_space<hbm>>
    tpu.enqueue_indirect_dma source(%dma_start3A_176 : memref<10000x128xf32, #tpu.memory_space<hbm>>) target(%arg14 : memref<8x128xf32, #tpu.memory_space<vmem>>) offsets(%dma_start3A_173 : memref<8xi32, #tpu.memory_space<vmem>>) semaphore(%arg21 : memref<!tpu.dma_semaphore, #tpu.memory_space<semaphore_mem>>)
    %add3A_177 = arith.constant 4864 : i32
    %add3A_178 = arith.addi %mul3A_2, %add3A_177 : i32
    %mul3A_179 = arith.constant 256 : i32
    %mul3A_180 = arith.muli %arg1, %mul3A_179 : i32
    %add3A_181 = arith.constant 0 : i32
    %add3A_182 = arith.addi %mul3A_180, %add3A_181 : i32
    %dma_wait3A = arith.constant 4864 : i32
    %dma_wait3A_183 = tpu.memref_slice %arg7[%dma_wait3A] : memref<5000xi32, #tpu.memory_space<vmem>> -> memref<128xi32, #tpu.memory_space<vmem>>
    %dma_wait3A_184 = arith.constant 0 : i32
    %dma_wait3A_185 = arith.constant 0 : i32
    %dma_wait3A_186 = tpu.memref_slice %arg2[%dma_wait3A_184, %dma_wait3A_185] : memref<10000x128xf32, #tpu.memory_space<hbm>> -> memref<10000x128xf32, #tpu.memory_space<hbm>>
    tpu.wait_indirect_dma semaphore(%arg18 : memref<!tpu.dma_semaphore, #tpu.memory_space<semaphore_mem>>) src(%dma_wait3A_186 : memref<10000x128xf32, #tpu.memory_space<hbm>>) dst(%arg9 : memref<128x128xf32, #tpu.memory_space<vmem>>)
    %dma_wait3A_187 = arith.constant 4864 : i32
    %dma_wait3A_188 = tpu.memref_slice %arg8[%dma_wait3A_187] : memref<5000xi32, #tpu.memory_space<vmem>> -> memref<128xi32, #tpu.memory_space<vmem>>
    %dma_wait3A_189 = arith.constant 0 : i32
    %dma_wait3A_190 = arith.constant 0 : i32
    %dma_wait3A_191 = tpu.memref_slice %arg3[%dma_wait3A_189, %dma_wait3A_190] : memref<10000x128xf32, #tpu.memory_space<hbm>> -> memref<10000x128xf32, #tpu.memory_space<hbm>>
    tpu.wait_indirect_dma semaphore(%arg19 : memref<!tpu.dma_semaphore, #tpu.memory_space<semaphore_mem>>) src(%dma_wait3A_191 : memref<10000x128xf32, #tpu.memory_space<hbm>>) dst(%arg10 : memref<128x128xf32, #tpu.memory_space<vmem>>)
    %dma_wait3A_192 = arith.constant 0 : i32
    %dma_wait3A_193 = tpu.memref_slice %arg6[%add3A_178, %dma_wait3A_192] : memref<160000x128xf32, #tpu.memory_space<hbm>> -> memref<128x128xf32, #tpu.memory_space<hbm>>
    %dma_wait3A_194 = arith.constant 0 : i32
    %dma_wait3A_195 = tpu.memref_slice %arg17[%add3A_182, %dma_wait3A_194] : memref<4096x128xf32, #tpu.memory_space<vmem_shared>> -> memref<128x128xf32, #tpu.memory_space<vmem_shared>>
    tpu.wait_dma2 semaphore(%arg22 : memref<!tpu.dma_semaphore, #tpu.memory_space<semaphore_mem>>) src(%dma_wait3A_195 : memref<128x128xf32, #tpu.memory_space<vmem_shared>>) dst(%dma_wait3A_193 : memref<128x128xf32, #tpu.memory_space<hbm>>)
    "tpu.region"() ({
      %run_scoped3A = tpu.sem_alloc : memref<!tpu.dma_semaphore, #tpu.memory_space<semaphore_mem>>
      %dma_start3A_1313 = arith.constant 0 : i32
      %dma_start3A_1314 = tpu.memref_slice %arg17[%add3A_182, %dma_start3A_1313] : memref<4096x128xf32, #tpu.memory_space<vmem_shared>> -> memref<128x128xf32, #tpu.memory_space<vmem_shared>>
      %dma_start3A_1315 = arith.constant 0 : i32
      %dma_start3A_1316 = tpu.memref_slice %arg17[%add3A_182, %dma_start3A_1315] : memref<4096x128xf32, #tpu.memory_space<vmem_shared>> -> memref<128x128xf32, #tpu.memory_space<vmem_shared>>
      tpu.enqueue_dma source(%arg9 : memref<128x128xf32, #tpu.memory_space<vmem>>) target(%dma_start3A_1316 : memref<128x128xf32, #tpu.memory_space<vmem_shared>>) target_semaphore(%run_scoped3A : memref<!tpu.dma_semaphore, #tpu.memory_space<semaphore_mem>>)
      %dma_wait3A_1317 = arith.constant 0 : i32
      %dma_wait3A_1318 = tpu.memref_slice %arg17[%add3A_182, %dma_wait3A_1317] : memref<4096x128xf32, #tpu.memory_space<vmem_shared>> -> memref<128x128xf32, #tpu.memory_space<vmem_shared>>
      %dma_wait3A_1319 = arith.constant 0 : i32
      %dma_wait3A_1320 = tpu.memref_slice %arg17[%add3A_182, %dma_wait3A_1319] : memref<4096x128xf32, #tpu.memory_space<vmem_shared>> -> memref<128x128xf32, #tpu.memory_space<vmem_shared>>
      tpu.wait_dma2 semaphore(%run_scoped3A : memref<!tpu.dma_semaphore, #tpu.memory_space<semaphore_mem>>) src(%arg9 : memref<128x128xf32, #tpu.memory_space<vmem>>) dst(%dma_wait3A_1320 : memref<128x128xf32, #tpu.memory_space<vmem_shared>>)
      tpu.yield
    }) : () -> ()
    "tpu.region"() ({
      %run_scoped3A = tpu.sem_alloc : memref<!tpu.dma_semaphore, #tpu.memory_space<semaphore_mem>>
      %dma_start3A_1313 = arith.constant 0 : i32
      %dma_start3A_1314 = arith.constant 0 : i32
      %dma_start3A_1315 = tpu.memref_slice %arg17[%dma_start3A_1313, %dma_start3A_1314] : memref<4096x128xf32, #tpu.memory_space<vmem_shared>> -> memref<4096x128xf32, #tpu.memory_space<vmem_shared>>
      tpu.enqueue_indirect_dma source(%arg10 : memref<128x128xf32, #tpu.memory_space<vmem>>) target(%dma_start3A_1315 : memref<4096x128xf32, #tpu.memory_space<vmem_shared>>) offsets(%arg15 : memref<128xi32, #tpu.memory_space<vmem>>) semaphore(%run_scoped3A : memref<!tpu.dma_semaphore, #tpu.memory_space<semaphore_mem>>) {add = true}
      %dma_wait3A_1316 = arith.constant 0 : i32
      %dma_wait3A_1317 = arith.constant 0 : i32
      %dma_wait3A_1318 = tpu.memref_slice %arg17[%dma_wait3A_1316, %dma_wait3A_1317] : memref<4096x128xf32, #tpu.memory_space<vmem_shared>> -> memref<4096x128xf32, #tpu.memory_space<vmem_shared>>
      tpu.wait_indirect_dma semaphore(%run_scoped3A : memref<!tpu.dma_semaphore, #tpu.memory_space<semaphore_mem>>) src(%arg10 : memref<128x128xf32, #tpu.memory_space<vmem>>) dst(%dma_wait3A_1318 : memref<4096x128xf32, #tpu.memory_space<vmem_shared>>)
      tpu.yield
    }) : () -> ()
    %dma_start3A_196 = arith.constant 0 : i32
    %dma_start3A_197 = tpu.memref_slice %arg6[%add3A_178, %dma_start3A_196] : memref<160000x128xf32, #tpu.memory_space<hbm>> -> memref<128x128xf32, #tpu.memory_space<hbm>>
    %dma_start3A_198 = arith.constant 0 : i32
    %dma_start3A_199 = tpu.memref_slice %arg17[%add3A_182, %dma_start3A_198] : memref<4096x128xf32, #tpu.memory_space<vmem_shared>> -> memref<128x128xf32, #tpu.memory_space<vmem_shared>>
    tpu.enqueue_dma source(%dma_start3A_199 : memref<128x128xf32, #tpu.memory_space<vmem_shared>>) target(%dma_start3A_197 : memref<128x128xf32, #tpu.memory_space<hbm>>) target_semaphore(%arg22 : memref<!tpu.dma_semaphore, #tpu.memory_space<semaphore_mem>>)
    %add3A_200 = arith.constant 4992 : i32
    %add3A_201 = arith.addi %mul3A_2, %add3A_200 : i32
    %dma_wait3A_202 = arith.constant 4992 : i32
    %dma_wait3A_203 = tpu.memref_slice %arg7[%dma_wait3A_202] : memref<5000xi32, #tpu.memory_space<vmem>> -> memref<8xi32, #tpu.memory_space<vmem>>
    %dma_wait3A_204 = arith.constant 0 : i32
    %dma_wait3A_205 = arith.constant 0 : i32
    %dma_wait3A_206 = tpu.memref_slice %arg2[%dma_wait3A_204, %dma_wait3A_205] : memref<10000x128xf32, #tpu.memory_space<hbm>> -> memref<10000x128xf32, #tpu.memory_space<hbm>>
    tpu.wait_indirect_dma semaphore(%arg20 : memref<!tpu.dma_semaphore, #tpu.memory_space<semaphore_mem>>) src(%dma_wait3A_206 : memref<10000x128xf32, #tpu.memory_space<hbm>>) dst(%arg13 : memref<8x128xf32, #tpu.memory_space<vmem>>)
    %dma_wait3A_207 = arith.constant 4992 : i32
    %dma_wait3A_208 = tpu.memref_slice %arg8[%dma_wait3A_207] : memref<5000xi32, #tpu.memory_space<vmem>> -> memref<8xi32, #tpu.memory_space<vmem>>
    %dma_wait3A_209 = arith.constant 0 : i32
    %dma_wait3A_210 = arith.constant 0 : i32
    %dma_wait3A_211 = tpu.memref_slice %arg3[%dma_wait3A_209, %dma_wait3A_210] : memref<10000x128xf32, #tpu.memory_space<hbm>> -> memref<10000x128xf32, #tpu.memory_space<hbm>>
    tpu.wait_indirect_dma semaphore(%arg21 : memref<!tpu.dma_semaphore, #tpu.memory_space<semaphore_mem>>) src(%dma_wait3A_211 : memref<10000x128xf32, #tpu.memory_space<hbm>>) dst(%arg14 : memref<8x128xf32, #tpu.memory_space<vmem>>)
    %get3A = arith.constant 0 : i32
    %get3A_212 = arith.index_cast %get3A : i32 to index
    %get3A_213 = arith.constant 0 : index
    %get3A_214 = tpu.vector_load %arg13[%get3A_212, %get3A_213] {strides = array<i32>} : memref<8x128xf32, #tpu.memory_space<vmem>>, vector<1x16xf32>,
    %get3A_215 = vector.shape_cast %get3A_214 : vector<1x16xf32> to vector<16xf32>
    %get3A_216 = arith.constant 0 : i32
    %get3A_217 = arith.index_cast %get3A_216 : i32 to index
    %get3A_218 = arith.constant 0 : index
    %get3A_219 = tpu.vector_load %arg14[%get3A_217, %get3A_218] {strides = array<i32>} : memref<8x128xf32, #tpu.memory_space<vmem>>, vector<1x16xf32>,
    %get3A_220 = vector.shape_cast %get3A_219 : vector<1x16xf32> to vector<16xf32>
    %add3A_221 = arith.addf %get3A_215, %get3A_220 : vector<16xf32>
    %swap3A_222 = arith.constant 0 : i32
    %swap3A_223 = arith.index_cast %swap3A_222 : i32 to index
    %swap3A_224 = arith.constant 0 : index
    %swap3A_225 = tpu.vector_load %arg13[%swap3A_223, %swap3A_224] {strides = array<i32>} : memref<8x128xf32, #tpu.memory_space<vmem>>, vector<1x16xf32>,
    %swap3A_226 = vector.shape_cast %swap3A_225 : vector<1x16xf32> to vector<16xf32>
    %swap3A_227 = vector.shape_cast %add3A_221 : vector<16xf32> to vector<1x16xf32>
    tpu.vector_store %arg13[%swap3A_223, %swap3A_224], %swap3A_227 {strides = array<i32>} : memref<8x128xf32, #tpu.memory_space<vmem>>, vector<1x16xf32>,
    %get3A_228 = arith.constant 0 : i32
    %get3A_229 = arith.index_cast %get3A_228 : i32 to index
    %get3A_230 = arith.constant 16 : index
    %get3A_231 = tpu.vector_load %arg13[%get3A_229, %get3A_230] {strides = array<i32>} : memref<8x128xf32, #tpu.memory_space<vmem>>, vector<1x16xf32>,
    %get3A_232 = vector.shape_cast %get3A_231 : vector<1x16xf32> to vector<16xf32>
    %get3A_233 = arith.constant 0 : i32
    %get3A_234 = arith.index_cast %get3A_233 : i32 to index
    %get3A_235 = arith.constant 16 : index
    %get3A_236 = tpu.vector_load %arg14[%get3A_234, %get3A_235] {strides = array<i32>} : memref<8x128xf32, #tpu.memory_space<vmem>>, vector<1x16xf32>,
    %get3A_237 = vector.shape_cast %get3A_236 : vector<1x16xf32> to vector<16xf32>
    %add3A_238 = arith.addf %get3A_232, %get3A_237 : vector<16xf32>
    %swap3A_239 = arith.constant 0 : i32
    %swap3A_240 = arith.index_cast %swap3A_239 : i32 to index
    %swap3A_241 = arith.constant 16 : index
    %swap3A_242 = tpu.vector_load %arg13[%swap3A_240, %swap3A_241] {strides = array<i32>} : memref<8x128xf32, #tpu.memory_space<vmem>>, vector<1x16xf32>,
    %swap3A_243 = vector.shape_cast %swap3A_242 : vector<1x16xf32> to vector<16xf32>
    %swap3A_244 = vector.shape_cast %add3A_238 : vector<16xf32> to vector<1x16xf32>
    tpu.vector_store %arg13[%swap3A_240, %swap3A_241], %swap3A_244 {strides = array<i32>} : memref<8x128xf32, #tpu.memory_space<vmem>>, vector<1x16xf32>,
    %get3A_245 = arith.constant 0 : i32
    %get3A_246 = arith.index_cast %get3A_245 : i32 to index
    %get3A_247 = arith.constant 32 : index
    %get3A_248 = tpu.vector_load %arg13[%get3A_246, %get3A_247] {strides = array<i32>} : memref<8x128xf32, #tpu.memory_space<vmem>>, vector<1x16xf32>,
    %get3A_249 = vector.shape_cast %get3A_248 : vector<1x16xf32> to vector<16xf32>
    %get3A_250 = arith.constant 0 : i32
    %get3A_251 = arith.index_cast %get3A_250 : i32 to index
    %get3A_252 = arith.constant 32 : index
    %get3A_253 = tpu.vector_load %arg14[%get3A_251, %get3A_252] {strides = array<i32>} : memref<8x128xf32, #tpu.memory_space<vmem>>, vector<1x16xf32>,
    %get3A_254 = vector.shape_cast %get3A_253 : vector<1x16xf32> to vector<16xf32>
    %add3A_255 = arith.addf %get3A_249, %get3A_254 : vector<16xf32>
    %swap3A_256 = arith.constant 0 : i32
    %swap3A_257 = arith.index_cast %swap3A_256 : i32 to index
    %swap3A_258 = arith.constant 32 : index
    %swap3A_259 = tpu.vector_load %arg13[%swap3A_257, %swap3A_258] {strides = array<i32>} : memref<8x128xf32, #tpu.memory_space<vmem>>, vector<1x16xf32>,
    %swap3A_260 = vector.shape_cast %swap3A_259 : vector<1x16xf32> to vector<16xf32>
    %swap3A_261 = vector.shape_cast %add3A_255 : vector<16xf32> to vector<1x16xf32>
    tpu.vector_store %arg13[%swap3A_257, %swap3A_258], %swap3A_261 {strides = array<i32>} : memref<8x128xf32, #tpu.memory_space<vmem>>, vector<1x16xf32>,
    %get3A_262 = arith.constant 0 : i32
    %get3A_263 = arith.index_cast %get3A_262 : i32 to index
    %get3A_264 = arith.constant 48 : index
    %get3A_265 = tpu.vector_load %arg13[%get3A_263, %get3A_264] {strides = array<i32>} : memref<8x128xf32, #tpu.memory_space<vmem>>, vector<1x16xf32>,
    %get3A_266 = vector.shape_cast %get3A_265 : vector<1x16xf32> to vector<16xf32>
    %get3A_267 = arith.constant 0 : i32
    %get3A_268 = arith.index_cast %get3A_267 : i32 to index
    %get3A_269 = arith.constant 48 : index
    %get3A_270 = tpu.vector_load %arg14[%get3A_268, %get3A_269] {strides = array<i32>} : memref<8x128xf32, #tpu.memory_space<vmem>>, vector<1x16xf32>,
    %get3A_271 = vector.shape_cast %get3A_270 : vector<1x16xf32> to vector<16xf32>
    %add3A_272 = arith.addf %get3A_266, %get3A_271 : vector<16xf32>
    %swap3A_273 = arith.constant 0 : i32
    %swap3A_274 = arith.index_cast %swap3A_273 : i32 to index
    %swap3A_275 = arith.constant 48 : index
    %swap3A_276 = tpu.vector_load %arg13[%swap3A_274, %swap3A_275] {strides = array<i32>} : memref<8x128xf32, #tpu.memory_space<vmem>>, vector<1x16xf32>,
    %swap3A_277 = vector.shape_cast %swap3A_276 : vector<1x16xf32> to vector<16xf32>
    %swap3A_278 = vector.shape_cast %add3A_272 : vector<16xf32> to vector<1x16xf32>
    tpu.vector_store %arg13[%swap3A_274, %swap3A_275], %swap3A_278 {strides = array<i32>} : memref<8x128xf32, #tpu.memory_space<vmem>>, vector<1x16xf32>,
    %get3A_279 = arith.constant 0 : i32
    %get3A_280 = arith.index_cast %get3A_279 : i32 to index
    %get3A_281 = arith.constant 64 : index
    %get3A_282 = tpu.vector_load %arg13[%get3A_280, %get3A_281] {strides = array<i32>} : memref<8x128xf32, #tpu.memory_space<vmem>>, vector<1x16xf32>,
    %get3A_283 = vector.shape_cast %get3A_282 : vector<1x16xf32> to vector<16xf32>
    %get3A_284 = arith.constant 0 : i32
    %get3A_285 = arith.index_cast %get3A_284 : i32 to index
    %get3A_286 = arith.constant 64 : index
    %get3A_287 = tpu.vector_load %arg14[%get3A_285, %get3A_286] {strides = array<i32>} : memref<8x128xf32, #tpu.memory_space<vmem>>, vector<1x16xf32>,
    %get3A_288 = vector.shape_cast %get3A_287 : vector<1x16xf32> to vector<16xf32>
    %add3A_289 = arith.addf %get3A_283, %get3A_288 : vector<16xf32>
    %swap3A_290 = arith.constant 0 : i32
    %swap3A_291 = arith.index_cast %swap3A_290 : i32 to index
    %swap3A_292 = arith.constant 64 : index
    %swap3A_293 = tpu.vector_load %arg13[%swap3A_291, %swap3A_292] {strides = array<i32>} : memref<8x128xf32, #tpu.memory_space<vmem>>, vector<1x16xf32>,
    %swap3A_294 = vector.shape_cast %swap3A_293 : vector<1x16xf32> to vector<16xf32>
    %swap3A_295 = vector.shape_cast %add3A_289 : vector<16xf32> to vector<1x16xf32>
    tpu.vector_store %arg13[%swap3A_291, %swap3A_292], %swap3A_295 {strides = array<i32>} : memref<8x128xf32, #tpu.memory_space<vmem>>, vector<1x16xf32>,
    %get3A_296 = arith.constant 0 : i32
    %get3A_297 = arith.index_cast %get3A_296 : i32 to index
    %get3A_298 = arith.constant 80 : index
    %get3A_299 = tpu.vector_load %arg13[%get3A_297, %get3A_298] {strides = array<i32>} : memref<8x128xf32, #tpu.memory_space<vmem>>, vector<1x16xf32>,
    %get3A_300 = vector.shape_cast %get3A_299 : vector<1x16xf32> to vector<16xf32>
    %get3A_301 = arith.constant 0 : i32
    %get3A_302 = arith.index_cast %get3A_301 : i32 to index
    %get3A_303 = arith.constant 80 : index
    %get3A_304 = tpu.vector_load %arg14[%get3A_302, %get3A_303] {strides = array<i32>} : memref<8x128xf32, #tpu.memory_space<vmem>>, vector<1x16xf32>,
    %get3A_305 = vector.shape_cast %get3A_304 : vector<1x16xf32> to vector<16xf32>
    %add3A_306 = arith.addf %get3A_300, %get3A_305 : vector<16xf32>
    %swap3A_307 = arith.constant 0 : i32
    %swap3A_308 = arith.index_cast %swap3A_307 : i32 to index
    %swap3A_309 = arith.constant 80 : index
    %swap3A_310 = tpu.vector_load %arg13[%swap3A_308, %swap3A_309] {strides = array<i32>} : memref<8x128xf32, #tpu.memory_space<vmem>>, vector<1x16xf32>,
    %swap3A_311 = vector.shape_cast %swap3A_310 : vector<1x16xf32> to vector<16xf32>
    %swap3A_312 = vector.shape_cast %add3A_306 : vector<16xf32> to vector<1x16xf32>
    tpu.vector_store %arg13[%swap3A_308, %swap3A_309], %swap3A_312 {strides = array<i32>} : memref<8x128xf32, #tpu.memory_space<vmem>>, vector<1x16xf32>,
    %get3A_313 = arith.constant 0 : i32
    %get3A_314 = arith.index_cast %get3A_313 : i32 to index
    %get3A_315 = arith.constant 96 : index
    %get3A_316 = tpu.vector_load %arg13[%get3A_314, %get3A_315] {strides = array<i32>} : memref<8x128xf32, #tpu.memory_space<vmem>>, vector<1x16xf32>,
    %get3A_317 = vector.shape_cast %get3A_316 : vector<1x16xf32> to vector<16xf32>
    %get3A_318 = arith.constant 0 : i32
    %get3A_319 = arith.index_cast %get3A_318 : i32 to index
    %get3A_320 = arith.constant 96 : index
    %get3A_321 = tpu.vector_load %arg14[%get3A_319, %get3A_320] {strides = array<i32>} : memref<8x128xf32, #tpu.memory_space<vmem>>, vector<1x16xf32>,
    %get3A_322 = vector.shape_cast %get3A_321 : vector<1x16xf32> to vector<16xf32>
    %add3A_323 = arith.addf %get3A_317, %get3A_322 : vector<16xf32>
    %swap3A_324 = arith.constant 0 : i32
    %swap3A_325 = arith.index_cast %swap3A_324 : i32 to index
    %swap3A_326 = arith.constant 96 : index
    %swap3A_327 = tpu.vector_load %arg13[%swap3A_325, %swap3A_326] {strides = array<i32>} : memref<8x128xf32, #tpu.memory_space<vmem>>, vector<1x16xf32>,
    %swap3A_328 = vector.shape_cast %swap3A_327 : vector<1x16xf32> to vector<16xf32>
    %swap3A_329 = vector.shape_cast %add3A_323 : vector<16xf32> to vector<1x16xf32>
    tpu.vector_store %arg13[%swap3A_325, %swap3A_326], %swap3A_329 {strides = array<i32>} : memref<8x128xf32, #tpu.memory_space<vmem>>, vector<1x16xf32>,
    %get3A_330 = arith.constant 0 : i32
    %get3A_331 = arith.index_cast %get3A_330 : i32 to index
    %get3A_332 = arith.constant 112 : index
    %get3A_333 = tpu.vector_load %arg13[%get3A_331, %get3A_332] {strides = array<i32>} : memref<8x128xf32, #tpu.memory_space<vmem>>, vector<1x16xf32>,
    %get3A_334 = vector.shape_cast %get3A_333 : vector<1x16xf32> to vector<16xf32>
    %get3A_335 = arith.constant 0 : i32
    %get3A_336 = arith.index_cast %get3A_335 : i32 to index
    %get3A_337 = arith.constant 112 : index
    %get3A_338 = tpu.vector_load %arg14[%get3A_336, %get3A_337] {strides = array<i32>} : memref<8x128xf32, #tpu.memory_space<vmem>>, vector<1x16xf32>,
    %get3A_339 = vector.shape_cast %get3A_338 : vector<1x16xf32> to vector<16xf32>
    %add3A_340 = arith.addf %get3A_334, %get3A_339 : vector<16xf32>
    %swap3A_341 = arith.constant 0 : i32
    %swap3A_342 = arith.index_cast %swap3A_341 : i32 to index
    %swap3A_343 = arith.constant 112 : index
    %swap3A_344 = tpu.vector_load %arg13[%swap3A_342, %swap3A_343] {strides = array<i32>} : memref<8x128xf32, #tpu.memory_space<vmem>>, vector<1x16xf32>,
    %swap3A_345 = vector.shape_cast %swap3A_344 : vector<1x16xf32> to vector<16xf32>
    %swap3A_346 = vector.shape_cast %add3A_340 : vector<16xf32> to vector<1x16xf32>
    tpu.vector_store %arg13[%swap3A_342, %swap3A_343], %swap3A_346 {strides = array<i32>} : memref<8x128xf32, #tpu.memory_space<vmem>>, vector<1x16xf32>,
    %get3A_347 = arith.constant 1 : i32
    %get3A_348 = arith.index_cast %get3A_347 : i32 to index
    %get3A_349 = arith.constant 0 : index
    %get3A_350 = tpu.vector_load %arg13[%get3A_348, %get3A_349] {strides = array<i32>} : memref<8x128xf32, #tpu.memory_space<vmem>>, vector<1x16xf32>,
    %get3A_351 = vector.shape_cast %get3A_350 : vector<1x16xf32> to vector<16xf32>
    %get3A_352 = arith.constant 1 : i32
    %get3A_353 = arith.index_cast %get3A_352 : i32 to index
    %get3A_354 = arith.constant 0 : index
    %get3A_355 = tpu.vector_load %arg14[%get3A_353, %get3A_354] {strides = array<i32>} : memref<8x128xf32, #tpu.memory_space<vmem>>, vector<1x16xf32>,
    %get3A_356 = vector.shape_cast %get3A_355 : vector<1x16xf32> to vector<16xf32>
    %add3A_357 = arith.addf %get3A_351, %get3A_356 : vector<16xf32>
    %swap3A_358 = arith.constant 1 : i32
    %swap3A_359 = arith.index_cast %swap3A_358 : i32 to index
    %swap3A_360 = arith.constant 0 : index
    %swap3A_361 = tpu.vector_load %arg13[%swap3A_359, %swap3A_360] {strides = array<i32>} : memref<8x128xf32, #tpu.memory_space<vmem>>, vector<1x16xf32>,
    %swap3A_362 = vector.shape_cast %swap3A_361 : vector<1x16xf32> to vector<16xf32>
    %swap3A_363 = vector.shape_cast %add3A_357 : vector<16xf32> to vector<1x16xf32>
    tpu.vector_store %arg13[%swap3A_359, %swap3A_360], %swap3A_363 {strides = array<i32>} : memref<8x128xf32, #tpu.memory_space<vmem>>, vector<1x16xf32>,
    %get3A_364 = arith.constant 1 : i32
    %get3A_365 = arith.index_cast %get3A_364 : i32 to index
    %get3A_366 = arith.constant 16 : index
    %get3A_367 = tpu.vector_load %arg13[%get3A_365, %get3A_366] {strides = array<i32>} : memref<8x128xf32, #tpu.memory_space<vmem>>, vector<1x16xf32>,
    %get3A_368 = vector.shape_cast %get3A_367 : vector<1x16xf32> to vector<16xf32>
    %get3A_369 = arith.constant 1 : i32
    %get3A_370 = arith.index_cast %get3A_369 : i32 to index
    %get3A_371 = arith.constant 16 : index
    %get3A_372 = tpu.vector_load %arg14[%get3A_370, %get3A_371] {strides = array<i32>} : memref<8x128xf32, #tpu.memory_space<vmem>>, vector<1x16xf32>,
    %get3A_373 = vector.shape_cast %get3A_372 : vector<1x16xf32> to vector<16xf32>
    %add3A_374 = arith.addf %get3A_368, %get3A_373 : vector<16xf32>
    %swap3A_375 = arith.constant 1 : i32
    %swap3A_376 = arith.index_cast %swap3A_375 : i32 to index
    %swap3A_377 = arith.constant 16 : index
    %swap3A_378 = tpu.vector_load %arg13[%swap3A_376, %swap3A_377] {strides = array<i32>} : memref<8x128xf32, #tpu.memory_space<vmem>>, vector<1x16xf32>,
    %swap3A_379 = vector.shape_cast %swap3A_378 : vector<1x16xf32> to vector<16xf32>
    %swap3A_380 = vector.shape_cast %add3A_374 : vector<16xf32> to vector<1x16xf32>
    tpu.vector_store %arg13[%swap3A_376, %swap3A_377], %swap3A_380 {strides = array<i32>} : memref<8x128xf32, #tpu.memory_space<vmem>>, vector<1x16xf32>,
    %get3A_381 = arith.constant 1 : i32
    %get3A_382 = arith.index_cast %get3A_381 : i32 to index
    %get3A_383 = arith.constant 32 : index
    %get3A_384 = tpu.vector_load %arg13[%get3A_382, %get3A_383] {strides = array<i32>} : memref<8x128xf32, #tpu.memory_space<vmem>>, vector<1x16xf32>,
    %get3A_385 = vector.shape_cast %get3A_384 : vector<1x16xf32> to vector<16xf32>
    %get3A_386 = arith.constant 1 : i32
    %get3A_387 = arith.index_cast %get3A_386 : i32 to index
    %get3A_388 = arith.constant 32 : index
    %get3A_389 = tpu.vector_load %arg14[%get3A_387, %get3A_388] {strides = array<i32>} : memref<8x128xf32, #tpu.memory_space<vmem>>, vector<1x16xf32>,
    %get3A_390 = vector.shape_cast %get3A_389 : vector<1x16xf32> to vector<16xf32>
    %add3A_391 = arith.addf %get3A_385, %get3A_390 : vector<16xf32>
    %swap3A_392 = arith.constant 1 : i32
    %swap3A_393 = arith.index_cast %swap3A_392 : i32 to index
    %swap3A_394 = arith.constant 32 : index
    %swap3A_395 = tpu.vector_load %arg13[%swap3A_393, %swap3A_394] {strides = array<i32>} : memref<8x128xf32, #tpu.memory_space<vmem>>, vector<1x16xf32>,
    %swap3A_396 = vector.shape_cast %swap3A_395 : vector<1x16xf32> to vector<16xf32>
    %swap3A_397 = vector.shape_cast %add3A_391 : vector<16xf32> to vector<1x16xf32>
    tpu.vector_store %arg13[%swap3A_393, %swap3A_394], %swap3A_397 {strides = array<i32>} : memref<8x128xf32, #tpu.memory_space<vmem>>, vector<1x16xf32>,
    %get3A_398 = arith.constant 1 : i32
    %get3A_399 = arith.index_cast %get3A_398 : i32 to index
    %get3A_400 = arith.constant 48 : index
    %get3A_401 = tpu.vector_load %arg13[%get3A_399, %get3A_400] {strides = array<i32>} : memref<8x128xf32, #tpu.memory_space<vmem>>, vector<1x16xf32>,
    %get3A_402 = vector.shape_cast %get3A_401 : vector<1x16xf32> to vector<16xf32>
    %get3A_403 = arith.constant 1 : i32
    %get3A_404 = arith.index_cast %get3A_403 : i32 to index
    %get3A_405 = arith.constant 48 : index
    %get3A_406 = tpu.vector_load %arg14[%get3A_404, %get3A_405] {strides = array<i32>} : memref<8x128xf32, #tpu.memory_space<vmem>>, vector<1x16xf32>,
    %get3A_407 = vector.shape_cast %get3A_406 : vector<1x16xf32> to vector<16xf32>
    %add3A_408 = arith.addf %get3A_402, %get3A_407 : vector<16xf32>
    %swap3A_409 = arith.constant 1 : i32
    %swap3A_410 = arith.index_cast %swap3A_409 : i32 to index
    %swap3A_411 = arith.constant 48 : index
    %swap3A_412 = tpu.vector_load %arg13[%swap3A_410, %swap3A_411] {strides = array<i32>} : memref<8x128xf32, #tpu.memory_space<vmem>>, vector<1x16xf32>,
    %swap3A_413 = vector.shape_cast %swap3A_412 : vector<1x16xf32> to vector<16xf32>
    %swap3A_414 = vector.shape_cast %add3A_408 : vector<16xf32> to vector<1x16xf32>
    tpu.vector_store %arg13[%swap3A_410, %swap3A_411], %swap3A_414 {strides = array<i32>} : memref<8x128xf32, #tpu.memory_space<vmem>>, vector<1x16xf32>,
    %get3A_415 = arith.constant 1 : i32
    %get3A_416 = arith.index_cast %get3A_415 : i32 to index
    %get3A_417 = arith.constant 64 : index
    %get3A_418 = tpu.vector_load %arg13[%get3A_416, %get3A_417] {strides = array<i32>} : memref<8x128xf32, #tpu.memory_space<vmem>>, vector<1x16xf32>,
    %get3A_419 = vector.shape_cast %get3A_418 : vector<1x16xf32> to vector<16xf32>
    %get3A_420 = arith.constant 1 : i32
    %get3A_421 = arith.index_cast %get3A_420 : i32 to index
    %get3A_422 = arith.constant 64 : index
    %get3A_423 = tpu.vector_load %arg14[%get3A_421, %get3A_422] {strides = array<i32>} : memref<8x128xf32, #tpu.memory_space<vmem>>, vector<1x16xf32>,
    %get3A_424 = vector.shape_cast %get3A_423 : vector<1x16xf32> to vector<16xf32>
    %add3A_425 = arith.addf %get3A_419, %get3A_424 : vector<16xf32>
    %swap3A_426 = arith.constant 1 : i32
    %swap3A_427 = arith.index_cast %swap3A_426 : i32 to index
    %swap3A_428 = arith.constant 64 : index
    %swap3A_429 = tpu.vector_load %arg13[%swap3A_427, %swap3A_428] {strides = array<i32>} : memref<8x128xf32, #tpu.memory_space<vmem>>, vector<1x16xf32>,
    %swap3A_430 = vector.shape_cast %swap3A_429 : vector<1x16xf32> to vector<16xf32>
    %swap3A_431 = vector.shape_cast %add3A_425 : vector<16xf32> to vector<1x16xf32>
    tpu.vector_store %arg13[%swap3A_427, %swap3A_428], %swap3A_431 {strides = array<i32>} : memref<8x128xf32, #tpu.memory_space<vmem>>, vector<1x16xf32>,
    %get3A_432 = arith.constant 1 : i32
    %get3A_433 = arith.index_cast %get3A_432 : i32 to index
    %get3A_434 = arith.constant 80 : index
    %get3A_435 = tpu.vector_load %arg13[%get3A_433, %get3A_434] {strides = array<i32>} : memref<8x128xf32, #tpu.memory_space<vmem>>, vector<1x16xf32>,
    %get3A_436 = vector.shape_cast %get3A_435 : vector<1x16xf32> to vector<16xf32>
    %get3A_437 = arith.constant 1 : i32
    %get3A_438 = arith.index_cast %get3A_437 : i32 to index
    %get3A_439 = arith.constant 80 : index
    %get3A_440 = tpu.vector_load %arg14[%get3A_438, %get3A_439] {strides = array<i32>} : memref<8x128xf32, #tpu.memory_space<vmem>>, vector<1x16xf32>,
    %get3A_441 = vector.shape_cast %get3A_440 : vector<1x16xf32> to vector<16xf32>
    %add3A_442 = arith.addf %get3A_436, %get3A_441 : vector<16xf32>
    %swap3A_443 = arith.constant 1 : i32
    %swap3A_444 = arith.index_cast %swap3A_443 : i32 to index
    %swap3A_445 = arith.constant 80 : index
    %swap3A_446 = tpu.vector_load %arg13[%swap3A_444, %swap3A_445] {strides = array<i32>} : memref<8x128xf32, #tpu.memory_space<vmem>>, vector<1x16xf32>,
    %swap3A_447 = vector.shape_cast %swap3A_446 : vector<1x16xf32> to vector<16xf32>
    %swap3A_448 = vector.shape_cast %add3A_442 : vector<16xf32> to vector<1x16xf32>
    tpu.vector_store %arg13[%swap3A_444, %swap3A_445], %swap3A_448 {strides = array<i32>} : memref<8x128xf32, #tpu.memory_space<vmem>>, vector<1x16xf32>,
    %get3A_449 = arith.constant 1 : i32
    %get3A_450 = arith.index_cast %get3A_449 : i32 to index
    %get3A_451 = arith.constant 96 : index
    %get3A_452 = tpu.vector_load %arg13[%get3A_450, %get3A_451] {strides = array<i32>} : memref<8x128xf32, #tpu.memory_space<vmem>>, vector<1x16xf32>,
    %get3A_453 = vector.shape_cast %get3A_452 : vector<1x16xf32> to vector<16xf32>
    %get3A_454 = arith.constant 1 : i32
    %get3A_455 = arith.index_cast %get3A_454 : i32 to index
    %get3A_456 = arith.constant 96 : index
    %get3A_457 = tpu.vector_load %arg14[%get3A_455, %get3A_456] {strides = array<i32>} : memref<8x128xf32, #tpu.memory_space<vmem>>, vector<1x16xf32>,
    %get3A_458 = vector.shape_cast %get3A_457 : vector<1x16xf32> to vector<16xf32>
    %add3A_459 = arith.addf %get3A_453, %get3A_458 : vector<16xf32>
    %swap3A_460 = arith.constant 1 : i32
    %swap3A_461 = arith.index_cast %swap3A_460 : i32 to index
    %swap3A_462 = arith.constant 96 : index
    %swap3A_463 = tpu.vector_load %arg13[%swap3A_461, %swap3A_462] {strides = array<i32>} : memref<8x128xf32, #tpu.memory_space<vmem>>, vector<1x16xf32>,
    %swap3A_464 = vector.shape_cast %swap3A_463 : vector<1x16xf32> to vector<16xf32>
    %swap3A_465 = vector.shape_cast %add3A_459 : vector<16xf32> to vector<1x16xf32>
    tpu.vector_store %arg13[%swap3A_461, %swap3A_462], %swap3A_465 {strides = array<i32>} : memref<8x128xf32, #tpu.memory_space<vmem>>, vector<1x16xf32>,
    %get3A_466 = arith.constant 1 : i32
    %get3A_467 = arith.index_cast %get3A_466 : i32 to index
    %get3A_468 = arith.constant 112 : index
    %get3A_469 = tpu.vector_load %arg13[%get3A_467, %get3A_468] {strides = array<i32>} : memref<8x128xf32, #tpu.memory_space<vmem>>, vector<1x16xf32>,
    %get3A_470 = vector.shape_cast %get3A_469 : vector<1x16xf32> to vector<16xf32>
    %get3A_471 = arith.constant 1 : i32
    %get3A_472 = arith.index_cast %get3A_471 : i32 to index
    %get3A_473 = arith.constant 112 : index
    %get3A_474 = tpu.vector_load %arg14[%get3A_472, %get3A_473] {strides = array<i32>} : memref<8x128xf32, #tpu.memory_space<vmem>>, vector<1x16xf32>,
    %get3A_475 = vector.shape_cast %get3A_474 : vector<1x16xf32> to vector<16xf32>
    %add3A_476 = arith.addf %get3A_470, %get3A_475 : vector<16xf32>
    %swap3A_477 = arith.constant 1 : i32
    %swap3A_478 = arith.index_cast %swap3A_477 : i32 to index
    %swap3A_479 = arith.constant 112 : index
    %swap3A_480 = tpu.vector_load %arg13[%swap3A_478, %swap3A_479] {strides = array<i32>} : memref<8x128xf32, #tpu.memory_space<vmem>>, vector<1x16xf32>,
    %swap3A_481 = vector.shape_cast %swap3A_480 : vector<1x16xf32> to vector<16xf32>
    %swap3A_482 = vector.shape_cast %add3A_476 : vector<16xf32> to vector<1x16xf32>
    tpu.vector_store %arg13[%swap3A_478, %swap3A_479], %swap3A_482 {strides = array<i32>} : memref<8x128xf32, #tpu.memory_space<vmem>>, vector<1x16xf32>,
    %get3A_483 = arith.constant 2 : i32
    %get3A_484 = arith.index_cast %get3A_483 : i32 to index
    %get3A_485 = arith.constant 0 : index
    %get3A_486 = tpu.vector_load %arg13[%get3A_484, %get3A_485] {strides = array<i32>} : memref<8x128xf32, #tpu.memory_space<vmem>>, vector<1x16xf32>,
    %get3A_487 = vector.shape_cast %get3A_486 : vector<1x16xf32> to vector<16xf32>
    %get3A_488 = arith.constant 2 : i32
    %get3A_489 = arith.index_cast %get3A_488 : i32 to index
    %get3A_490 = arith.constant 0 : index
    %get3A_491 = tpu.vector_load %arg14[%get3A_489, %get3A_490] {strides = array<i32>} : memref<8x128xf32, #tpu.memory_space<vmem>>, vector<1x16xf32>,
    %get3A_492 = vector.shape_cast %get3A_491 : vector<1x16xf32> to vector<16xf32>
    %add3A_493 = arith.addf %get3A_487, %get3A_492 : vector<16xf32>
    %swap3A_494 = arith.constant 2 : i32
    %swap3A_495 = arith.index_cast %swap3A_494 : i32 to index
    %swap3A_496 = arith.constant 0 : index
    %swap3A_497 = tpu.vector_load %arg13[%swap3A_495, %swap3A_496] {strides = array<i32>} : memref<8x128xf32, #tpu.memory_space<vmem>>, vector<1x16xf32>,
    %swap3A_498 = vector.shape_cast %swap3A_497 : vector<1x16xf32> to vector<16xf32>
    %swap3A_499 = vector.shape_cast %add3A_493 : vector<16xf32> to vector<1x16xf32>
    tpu.vector_store %arg13[%swap3A_495, %swap3A_496], %swap3A_499 {strides = array<i32>} : memref<8x128xf32, #tpu.memory_space<vmem>>, vector<1x16xf32>,
    %get3A_500 = arith.constant 2 : i32
    %get3A_501 = arith.index_cast %get3A_500 : i32 to index
    %get3A_502 = arith.constant 16 : index
    %get3A_503 = tpu.vector_load %arg13[%get3A_501, %get3A_502] {strides = array<i32>} : memref<8x128xf32, #tpu.memory_space<vmem>>, vector<1x16xf32>,
    %get3A_504 = vector.shape_cast %get3A_503 : vector<1x16xf32> to vector<16xf32>
    %get3A_505 = arith.constant 2 : i32
    %get3A_506 = arith.index_cast %get3A_505 : i32 to index
    %get3A_507 = arith.constant 16 : index
    %get3A_508 = tpu.vector_load %arg14[%get3A_506, %get3A_507] {strides = array<i32>} : memref<8x128xf32, #tpu.memory_space<vmem>>, vector<1x16xf32>,
    %get3A_509 = vector.shape_cast %get3A_508 : vector<1x16xf32> to vector<16xf32>
    %add3A_510 = arith.addf %get3A_504, %get3A_509 : vector<16xf32>
    %swap3A_511 = arith.constant 2 : i32
    %swap3A_512 = arith.index_cast %swap3A_511 : i32 to index
    %swap3A_513 = arith.constant 16 : index
    %swap3A_514 = tpu.vector_load %arg13[%swap3A_512, %swap3A_513] {strides = array<i32>} : memref<8x128xf32, #tpu.memory_space<vmem>>, vector<1x16xf32>,
    %swap3A_515 = vector.shape_cast %swap3A_514 : vector<1x16xf32> to vector<16xf32>
    %swap3A_516 = vector.shape_cast %add3A_510 : vector<16xf32> to vector<1x16xf32>
    tpu.vector_store %arg13[%swap3A_512, %swap3A_513], %swap3A_516 {strides = array<i32>} : memref<8x128xf32, #tpu.memory_space<vmem>>, vector<1x16xf32>,
    %get3A_517 = arith.constant 2 : i32
    %get3A_518 = arith.index_cast %get3A_517 : i32 to index
    %get3A_519 = arith.constant 32 : index
    %get3A_520 = tpu.vector_load %arg13[%get3A_518, %get3A_519] {strides = array<i32>} : memref<8x128xf32, #tpu.memory_space<vmem>>, vector<1x16xf32>,
    %get3A_521 = vector.shape_cast %get3A_520 : vector<1x16xf32> to vector<16xf32>
    %get3A_522 = arith.constant 2 : i32
    %get3A_523 = arith.index_cast %get3A_522 : i32 to index
    %get3A_524 = arith.constant 32 : index
    %get3A_525 = tpu.vector_load %arg14[%get3A_523, %get3A_524] {strides = array<i32>} : memref<8x128xf32, #tpu.memory_space<vmem>>, vector<1x16xf32>,
    %get3A_526 = vector.shape_cast %get3A_525 : vector<1x16xf32> to vector<16xf32>
    %add3A_527 = arith.addf %get3A_521, %get3A_526 : vector<16xf32>
    %swap3A_528 = arith.constant 2 : i32
    %swap3A_529 = arith.index_cast %swap3A_528 : i32 to index
    %swap3A_530 = arith.constant 32 : index
    %swap3A_531 = tpu.vector_load %arg13[%swap3A_529, %swap3A_530] {strides = array<i32>} : memref<8x128xf32, #tpu.memory_space<vmem>>, vector<1x16xf32>,
    %swap3A_532 = vector.shape_cast %swap3A_531 : vector<1x16xf32> to vector<16xf32>
    %swap3A_533 = vector.shape_cast %add3A_527 : vector<16xf32> to vector<1x16xf32>
    tpu.vector_store %arg13[%swap3A_529, %swap3A_530], %swap3A_533 {strides = array<i32>} : memref<8x128xf32, #tpu.memory_space<vmem>>, vector<1x16xf32>,
    %get3A_534 = arith.constant 2 : i32
    %get3A_535 = arith.index_cast %get3A_534 : i32 to index
    %get3A_536 = arith.constant 48 : index
    %get3A_537 = tpu.vector_load %arg13[%get3A_535, %get3A_536] {strides = array<i32>} : memref<8x128xf32, #tpu.memory_space<vmem>>, vector<1x16xf32>,
    %get3A_538 = vector.shape_cast %get3A_537 : vector<1x16xf32> to vector<16xf32>
    %get3A_539 = arith.constant 2 : i32
    %get3A_540 = arith.index_cast %get3A_539 : i32 to index
    %get3A_541 = arith.constant 48 : index
    %get3A_542 = tpu.vector_load %arg14[%get3A_540, %get3A_541] {strides = array<i32>} : memref<8x128xf32, #tpu.memory_space<vmem>>, vector<1x16xf32>,
    %get3A_543 = vector.shape_cast %get3A_542 : vector<1x16xf32> to vector<16xf32>
    %add3A_544 = arith.addf %get3A_538, %get3A_543 : vector<16xf32>
    %swap3A_545 = arith.constant 2 : i32
    %swap3A_546 = arith.index_cast %swap3A_545 : i32 to index
    %swap3A_547 = arith.constant 48 : index
    %swap3A_548 = tpu.vector_load %arg13[%swap3A_546, %swap3A_547] {strides = array<i32>} : memref<8x128xf32, #tpu.memory_space<vmem>>, vector<1x16xf32>,
    %swap3A_549 = vector.shape_cast %swap3A_548 : vector<1x16xf32> to vector<16xf32>
    %swap3A_550 = vector.shape_cast %add3A_544 : vector<16xf32> to vector<1x16xf32>
    tpu.vector_store %arg13[%swap3A_546, %swap3A_547], %swap3A_550 {strides = array<i32>} : memref<8x128xf32, #tpu.memory_space<vmem>>, vector<1x16xf32>,
    %get3A_551 = arith.constant 2 : i32
    %get3A_552 = arith.index_cast %get3A_551 : i32 to index
    %get3A_553 = arith.constant 64 : index
    %get3A_554 = tpu.vector_load %arg13[%get3A_552, %get3A_553] {strides = array<i32>} : memref<8x128xf32, #tpu.memory_space<vmem>>, vector<1x16xf32>,
    %get3A_555 = vector.shape_cast %get3A_554 : vector<1x16xf32> to vector<16xf32>
    %get3A_556 = arith.constant 2 : i32
    %get3A_557 = arith.index_cast %get3A_556 : i32 to index
    %get3A_558 = arith.constant 64 : index
    %get3A_559 = tpu.vector_load %arg14[%get3A_557, %get3A_558] {strides = array<i32>} : memref<8x128xf32, #tpu.memory_space<vmem>>, vector<1x16xf32>,
    %get3A_560 = vector.shape_cast %get3A_559 : vector<1x16xf32> to vector<16xf32>
    %add3A_561 = arith.addf %get3A_555, %get3A_560 : vector<16xf32>
    %swap3A_562 = arith.constant 2 : i32
    %swap3A_563 = arith.index_cast %swap3A_562 : i32 to index
    %swap3A_564 = arith.constant 64 : index
    %swap3A_565 = tpu.vector_load %arg13[%swap3A_563, %swap3A_564] {strides = array<i32>} : memref<8x128xf32, #tpu.memory_space<vmem>>, vector<1x16xf32>,
    %swap3A_566 = vector.shape_cast %swap3A_565 : vector<1x16xf32> to vector<16xf32>
    %swap3A_567 = vector.shape_cast %add3A_561 : vector<16xf32> to vector<1x16xf32>
    tpu.vector_store %arg13[%swap3A_563, %swap3A_564], %swap3A_567 {strides = array<i32>} : memref<8x128xf32, #tpu.memory_space<vmem>>, vector<1x16xf32>,
    %get3A_568 = arith.constant 2 : i32
    %get3A_569 = arith.index_cast %get3A_568 : i32 to index
    %get3A_570 = arith.constant 80 : index
    %get3A_571 = tpu.vector_load %arg13[%get3A_569, %get3A_570] {strides = array<i32>} : memref<8x128xf32, #tpu.memory_space<vmem>>, vector<1x16xf32>,
    %get3A_572 = vector.shape_cast %get3A_571 : vector<1x16xf32> to vector<16xf32>
    %get3A_573 = arith.constant 2 : i32
    %get3A_574 = arith.index_cast %get3A_573 : i32 to index
    %get3A_575 = arith.constant 80 : index
    %get3A_576 = tpu.vector_load %arg14[%get3A_574, %get3A_575] {strides = array<i32>} : memref<8x128xf32, #tpu.memory_space<vmem>>, vector<1x16xf32>,
    %get3A_577 = vector.shape_cast %get3A_576 : vector<1x16xf32> to vector<16xf32>
    %add3A_578 = arith.addf %get3A_572, %get3A_577 : vector<16xf32>
    %swap3A_579 = arith.constant 2 : i32
    %swap3A_580 = arith.index_cast %swap3A_579 : i32 to index
    %swap3A_581 = arith.constant 80 : index
    %swap3A_582 = tpu.vector_load %arg13[%swap3A_580, %swap3A_581] {strides = array<i32>} : memref<8x128xf32, #tpu.memory_space<vmem>>, vector<1x16xf32>,
    %swap3A_583 = vector.shape_cast %swap3A_582 : vector<1x16xf32> to vector<16xf32>
    %swap3A_584 = vector.shape_cast %add3A_578 : vector<16xf32> to vector<1x16xf32>
    tpu.vector_store %arg13[%swap3A_580, %swap3A_581], %swap3A_584 {strides = array<i32>} : memref<8x128xf32, #tpu.memory_space<vmem>>, vector<1x16xf32>,
    %get3A_585 = arith.constant 2 : i32
    %get3A_586 = arith.index_cast %get3A_585 : i32 to index
    %get3A_587 = arith.constant 96 : index
    %get3A_588 = tpu.vector_load %arg13[%get3A_586, %get3A_587] {strides = array<i32>} : memref<8x128xf32, #tpu.memory_space<vmem>>, vector<1x16xf32>,
    %get3A_589 = vector.shape_cast %get3A_588 : vector<1x16xf32> to vector<16xf32>
    %get3A_590 = arith.constant 2 : i32
    %get3A_591 = arith.index_cast %get3A_590 : i32 to index
    %get3A_592 = arith.constant 96 : index
    %get3A_593 = tpu.vector_load %arg14[%get3A_591, %get3A_592] {strides = array<i32>} : memref<8x128xf32, #tpu.memory_space<vmem>>, vector<1x16xf32>,
    %get3A_594 = vector.shape_cast %get3A_593 : vector<1x16xf32> to vector<16xf32>
    %add3A_595 = arith.addf %get3A_589, %get3A_594 : vector<16xf32>
    %swap3A_596 = arith.constant 2 : i32
    %swap3A_597 = arith.index_cast %swap3A_596 : i32 to index
    %swap3A_598 = arith.constant 96 : index
    %swap3A_599 = tpu.vector_load %arg13[%swap3A_597, %swap3A_598] {strides = array<i32>} : memref<8x128xf32, #tpu.memory_space<vmem>>, vector<1x16xf32>,
    %swap3A_600 = vector.shape_cast %swap3A_599 : vector<1x16xf32> to vector<16xf32>
    %swap3A_601 = vector.shape_cast %add3A_595 : vector<16xf32> to vector<1x16xf32>
    tpu.vector_store %arg13[%swap3A_597, %swap3A_598], %swap3A_601 {strides = array<i32>} : memref<8x128xf32, #tpu.memory_space<vmem>>, vector<1x16xf32>,
    %get3A_602 = arith.constant 2 : i32
    %get3A_603 = arith.index_cast %get3A_602 : i32 to index
    %get3A_604 = arith.constant 112 : index
    %get3A_605 = tpu.vector_load %arg13[%get3A_603, %get3A_604] {strides = array<i32>} : memref<8x128xf32, #tpu.memory_space<vmem>>, vector<1x16xf32>,
    %get3A_606 = vector.shape_cast %get3A_605 : vector<1x16xf32> to vector<16xf32>
    %get3A_607 = arith.constant 2 : i32
    %get3A_608 = arith.index_cast %get3A_607 : i32 to index
    %get3A_609 = arith.constant 112 : index
    %get3A_610 = tpu.vector_load %arg14[%get3A_608, %get3A_609] {strides = array<i32>} : memref<8x128xf32, #tpu.memory_space<vmem>>, vector<1x16xf32>,
    %get3A_611 = vector.shape_cast %get3A_610 : vector<1x16xf32> to vector<16xf32>
    %add3A_612 = arith.addf %get3A_606, %get3A_611 : vector<16xf32>
    %swap3A_613 = arith.constant 2 : i32
    %swap3A_614 = arith.index_cast %swap3A_613 : i32 to index
    %swap3A_615 = arith.constant 112 : index
    %swap3A_616 = tpu.vector_load %arg13[%swap3A_614, %swap3A_615] {strides = array<i32>} : memref<8x128xf32, #tpu.memory_space<vmem>>, vector<1x16xf32>,
    %swap3A_617 = vector.shape_cast %swap3A_616 : vector<1x16xf32> to vector<16xf32>
    %swap3A_618 = vector.shape_cast %add3A_612 : vector<16xf32> to vector<1x16xf32>
    tpu.vector_store %arg13[%swap3A_614, %swap3A_615], %swap3A_618 {strides = array<i32>} : memref<8x128xf32, #tpu.memory_space<vmem>>, vector<1x16xf32>,
    %get3A_619 = arith.constant 3 : i32
    %get3A_620 = arith.index_cast %get3A_619 : i32 to index
    %get3A_621 = arith.constant 0 : index
    %get3A_622 = tpu.vector_load %arg13[%get3A_620, %get3A_621] {strides = array<i32>} : memref<8x128xf32, #tpu.memory_space<vmem>>, vector<1x16xf32>,
    %get3A_623 = vector.shape_cast %get3A_622 : vector<1x16xf32> to vector<16xf32>
    %get3A_624 = arith.constant 3 : i32
    %get3A_625 = arith.index_cast %get3A_624 : i32 to index
    %get3A_626 = arith.constant 0 : index
    %get3A_627 = tpu.vector_load %arg14[%get3A_625, %get3A_626] {strides = array<i32>} : memref<8x128xf32, #tpu.memory_space<vmem>>, vector<1x16xf32>,
    %get3A_628 = vector.shape_cast %get3A_627 : vector<1x16xf32> to vector<16xf32>
    %add3A_629 = arith.addf %get3A_623, %get3A_628 : vector<16xf32>
    %swap3A_630 = arith.constant 3 : i32
    %swap3A_631 = arith.index_cast %swap3A_630 : i32 to index
    %swap3A_632 = arith.constant 0 : index
    %swap3A_633 = tpu.vector_load %arg13[%swap3A_631, %swap3A_632] {strides = array<i32>} : memref<8x128xf32, #tpu.memory_space<vmem>>, vector<1x16xf32>,
    %swap3A_634 = vector.shape_cast %swap3A_633 : vector<1x16xf32> to vector<16xf32>
    %swap3A_635 = vector.shape_cast %add3A_629 : vector<16xf32> to vector<1x16xf32>
    tpu.vector_store %arg13[%swap3A_631, %swap3A_632], %swap3A_635 {strides = array<i32>} : memref<8x128xf32, #tpu.memory_space<vmem>>, vector<1x16xf32>,
    %get3A_636 = arith.constant 3 : i32
    %get3A_637 = arith.index_cast %get3A_636 : i32 to index
    %get3A_638 = arith.constant 16 : index
    %get3A_639 = tpu.vector_load %arg13[%get3A_637, %get3A_638] {strides = array<i32>} : memref<8x128xf32, #tpu.memory_space<vmem>>, vector<1x16xf32>,
    %get3A_640 = vector.shape_cast %get3A_639 : vector<1x16xf32> to vector<16xf32>
    %get3A_641 = arith.constant 3 : i32
    %get3A_642 = arith.index_cast %get3A_641 : i32 to index
    %get3A_643 = arith.constant 16 : index
    %get3A_644 = tpu.vector_load %arg14[%get3A_642, %get3A_643] {strides = array<i32>} : memref<8x128xf32, #tpu.memory_space<vmem>>, vector<1x16xf32>,
    %get3A_645 = vector.shape_cast %get3A_644 : vector<1x16xf32> to vector<16xf32>
    %add3A_646 = arith.addf %get3A_640, %get3A_645 : vector<16xf32>
    %swap3A_647 = arith.constant 3 : i32
    %swap3A_648 = arith.index_cast %swap3A_647 : i32 to index
    %swap3A_649 = arith.constant 16 : index
    %swap3A_650 = tpu.vector_load %arg13[%swap3A_648, %swap3A_649] {strides = array<i32>} : memref<8x128xf32, #tpu.memory_space<vmem>>, vector<1x16xf32>,
    %swap3A_651 = vector.shape_cast %swap3A_650 : vector<1x16xf32> to vector<16xf32>
    %swap3A_652 = vector.shape_cast %add3A_646 : vector<16xf32> to vector<1x16xf32>
    tpu.vector_store %arg13[%swap3A_648, %swap3A_649], %swap3A_652 {strides = array<i32>} : memref<8x128xf32, #tpu.memory_space<vmem>>, vector<1x16xf32>,
    %get3A_653 = arith.constant 3 : i32
    %get3A_654 = arith.index_cast %get3A_653 : i32 to index
    %get3A_655 = arith.constant 32 : index
    %get3A_656 = tpu.vector_load %arg13[%get3A_654, %get3A_655] {strides = array<i32>} : memref<8x128xf32, #tpu.memory_space<vmem>>, vector<1x16xf32>,
    %get3A_657 = vector.shape_cast %get3A_656 : vector<1x16xf32> to vector<16xf32>
    %get3A_658 = arith.constant 3 : i32
    %get3A_659 = arith.index_cast %get3A_658 : i32 to index
    %get3A_660 = arith.constant 32 : index
    %get3A_661 = tpu.vector_load %arg14[%get3A_659, %get3A_660] {strides = array<i32>} : memref<8x128xf32, #tpu.memory_space<vmem>>, vector<1x16xf32>,
    %get3A_662 = vector.shape_cast %get3A_661 : vector<1x16xf32> to vector<16xf32>
    %add3A_663 = arith.addf %get3A_657, %get3A_662 : vector<16xf32>
    %swap3A_664 = arith.constant 3 : i32
    %swap3A_665 = arith.index_cast %swap3A_664 : i32 to index
    %swap3A_666 = arith.constant 32 : index
    %swap3A_667 = tpu.vector_load %arg13[%swap3A_665, %swap3A_666] {strides = array<i32>} : memref<8x128xf32, #tpu.memory_space<vmem>>, vector<1x16xf32>,
    %swap3A_668 = vector.shape_cast %swap3A_667 : vector<1x16xf32> to vector<16xf32>
    %swap3A_669 = vector.shape_cast %add3A_663 : vector<16xf32> to vector<1x16xf32>
    tpu.vector_store %arg13[%swap3A_665, %swap3A_666], %swap3A_669 {strides = array<i32>} : memref<8x128xf32, #tpu.memory_space<vmem>>, vector<1x16xf32>,
    %get3A_670 = arith.constant 3 : i32
    %get3A_671 = arith.index_cast %get3A_670 : i32 to index
    %get3A_672 = arith.constant 48 : index
    %get3A_673 = tpu.vector_load %arg13[%get3A_671, %get3A_672] {strides = array<i32>} : memref<8x128xf32, #tpu.memory_space<vmem>>, vector<1x16xf32>,
    %get3A_674 = vector.shape_cast %get3A_673 : vector<1x16xf32> to vector<16xf32>
    %get3A_675 = arith.constant 3 : i32
    %get3A_676 = arith.index_cast %get3A_675 : i32 to index
    %get3A_677 = arith.constant 48 : index
    %get3A_678 = tpu.vector_load %arg14[%get3A_676, %get3A_677] {strides = array<i32>} : memref<8x128xf32, #tpu.memory_space<vmem>>, vector<1x16xf32>,
    %get3A_679 = vector.shape_cast %get3A_678 : vector<1x16xf32> to vector<16xf32>
    %add3A_680 = arith.addf %get3A_674, %get3A_679 : vector<16xf32>
    %swap3A_681 = arith.constant 3 : i32
    %swap3A_682 = arith.index_cast %swap3A_681 : i32 to index
    %swap3A_683 = arith.constant 48 : index
    %swap3A_684 = tpu.vector_load %arg13[%swap3A_682, %swap3A_683] {strides = array<i32>} : memref<8x128xf32, #tpu.memory_space<vmem>>, vector<1x16xf32>,
    %swap3A_685 = vector.shape_cast %swap3A_684 : vector<1x16xf32> to vector<16xf32>
    %swap3A_686 = vector.shape_cast %add3A_680 : vector<16xf32> to vector<1x16xf32>
    tpu.vector_store %arg13[%swap3A_682, %swap3A_683], %swap3A_686 {strides = array<i32>} : memref<8x128xf32, #tpu.memory_space<vmem>>, vector<1x16xf32>,
    %get3A_687 = arith.constant 3 : i32
    %get3A_688 = arith.index_cast %get3A_687 : i32 to index
    %get3A_689 = arith.constant 64 : index
    %get3A_690 = tpu.vector_load %arg13[%get3A_688, %get3A_689] {strides = array<i32>} : memref<8x128xf32, #tpu.memory_space<vmem>>, vector<1x16xf32>,
    %get3A_691 = vector.shape_cast %get3A_690 : vector<1x16xf32> to vector<16xf32>
    %get3A_692 = arith.constant 3 : i32
    %get3A_693 = arith.index_cast %get3A_692 : i32 to index
    %get3A_694 = arith.constant 64 : index
    %get3A_695 = tpu.vector_load %arg14[%get3A_693, %get3A_694] {strides = array<i32>} : memref<8x128xf32, #tpu.memory_space<vmem>>, vector<1x16xf32>,
    %get3A_696 = vector.shape_cast %get3A_695 : vector<1x16xf32> to vector<16xf32>
    %add3A_697 = arith.addf %get3A_691, %get3A_696 : vector<16xf32>
    %swap3A_698 = arith.constant 3 : i32
    %swap3A_699 = arith.index_cast %swap3A_698 : i32 to index
    %swap3A_700 = arith.constant 64 : index
    %swap3A_701 = tpu.vector_load %arg13[%swap3A_699, %swap3A_700] {strides = array<i32>} : memref<8x128xf32, #tpu.memory_space<vmem>>, vector<1x16xf32>,
    %swap3A_702 = vector.shape_cast %swap3A_701 : vector<1x16xf32> to vector<16xf32>
    %swap3A_703 = vector.shape_cast %add3A_697 : vector<16xf32> to vector<1x16xf32>
    tpu.vector_store %arg13[%swap3A_699, %swap3A_700], %swap3A_703 {strides = array<i32>} : memref<8x128xf32, #tpu.memory_space<vmem>>, vector<1x16xf32>,
    %get3A_704 = arith.constant 3 : i32
    %get3A_705 = arith.index_cast %get3A_704 : i32 to index
    %get3A_706 = arith.constant 80 : index
    %get3A_707 = tpu.vector_load %arg13[%get3A_705, %get3A_706] {strides = array<i32>} : memref<8x128xf32, #tpu.memory_space<vmem>>, vector<1x16xf32>,
    %get3A_708 = vector.shape_cast %get3A_707 : vector<1x16xf32> to vector<16xf32>
    %get3A_709 = arith.constant 3 : i32
    %get3A_710 = arith.index_cast %get3A_709 : i32 to index
    %get3A_711 = arith.constant 80 : index
    %get3A_712 = tpu.vector_load %arg14[%get3A_710, %get3A_711] {strides = array<i32>} : memref<8x128xf32, #tpu.memory_space<vmem>>, vector<1x16xf32>,
    %get3A_713 = vector.shape_cast %get3A_712 : vector<1x16xf32> to vector<16xf32>
    %add3A_714 = arith.addf %get3A_708, %get3A_713 : vector<16xf32>
    %swap3A_715 = arith.constant 3 : i32
    %swap3A_716 = arith.index_cast %swap3A_715 : i32 to index
    %swap3A_717 = arith.constant 80 : index
    %swap3A_718 = tpu.vector_load %arg13[%swap3A_716, %swap3A_717] {strides = array<i32>} : memref<8x128xf32, #tpu.memory_space<vmem>>, vector<1x16xf32>,
    %swap3A_719 = vector.shape_cast %swap3A_718 : vector<1x16xf32> to vector<16xf32>
    %swap3A_720 = vector.shape_cast %add3A_714 : vector<16xf32> to vector<1x16xf32>
    tpu.vector_store %arg13[%swap3A_716, %swap3A_717], %swap3A_720 {strides = array<i32>} : memref<8x128xf32, #tpu.memory_space<vmem>>, vector<1x16xf32>,
    %get3A_721 = arith.constant 3 : i32
    %get3A_722 = arith.index_cast %get3A_721 : i32 to index
    %get3A_723 = arith.constant 96 : index
    %get3A_724 = tpu.vector_load %arg13[%get3A_722, %get3A_723] {strides = array<i32>} : memref<8x128xf32, #tpu.memory_space<vmem>>, vector<1x16xf32>,
    %get3A_725 = vector.shape_cast %get3A_724 : vector<1x16xf32> to vector<16xf32>
    %get3A_726 = arith.constant 3 : i32
    %get3A_727 = arith.index_cast %get3A_726 : i32 to index
    %get3A_728 = arith.constant 96 : index
    %get3A_729 = tpu.vector_load %arg14[%get3A_727, %get3A_728] {strides = array<i32>} : memref<8x128xf32, #tpu.memory_space<vmem>>, vector<1x16xf32>,
    %get3A_730 = vector.shape_cast %get3A_729 : vector<1x16xf32> to vector<16xf32>
    %add3A_731 = arith.addf %get3A_725, %get3A_730 : vector<16xf32>
    %swap3A_732 = arith.constant 3 : i32
    %swap3A_733 = arith.index_cast %swap3A_732 : i32 to index
    %swap3A_734 = arith.constant 96 : index
    %swap3A_735 = tpu.vector_load %arg13[%swap3A_733, %swap3A_734] {strides = array<i32>} : memref<8x128xf32, #tpu.memory_space<vmem>>, vector<1x16xf32>,
    %swap3A_736 = vector.shape_cast %swap3A_735 : vector<1x16xf32> to vector<16xf32>
    %swap3A_737 = vector.shape_cast %add3A_731 : vector<16xf32> to vector<1x16xf32>
    tpu.vector_store %arg13[%swap3A_733, %swap3A_734], %swap3A_737 {strides = array<i32>} : memref<8x128xf32, #tpu.memory_space<vmem>>, vector<1x16xf32>,
    %get3A_738 = arith.constant 3 : i32
    %get3A_739 = arith.index_cast %get3A_738 : i32 to index
    %get3A_740 = arith.constant 112 : index
    %get3A_741 = tpu.vector_load %arg13[%get3A_739, %get3A_740] {strides = array<i32>} : memref<8x128xf32, #tpu.memory_space<vmem>>, vector<1x16xf32>,
    %get3A_742 = vector.shape_cast %get3A_741 : vector<1x16xf32> to vector<16xf32>
    %get3A_743 = arith.constant 3 : i32
    %get3A_744 = arith.index_cast %get3A_743 : i32 to index
    %get3A_745 = arith.constant 112 : index
    %get3A_746 = tpu.vector_load %arg14[%get3A_744, %get3A_745] {strides = array<i32>} : memref<8x128xf32, #tpu.memory_space<vmem>>, vector<1x16xf32>,
    %get3A_747 = vector.shape_cast %get3A_746 : vector<1x16xf32> to vector<16xf32>
    %add3A_748 = arith.addf %get3A_742, %get3A_747 : vector<16xf32>
    %swap3A_749 = arith.constant 3 : i32
    %swap3A_750 = arith.index_cast %swap3A_749 : i32 to index
    %swap3A_751 = arith.constant 112 : index
    %swap3A_752 = tpu.vector_load %arg13[%swap3A_750, %swap3A_751] {strides = array<i32>} : memref<8x128xf32, #tpu.memory_space<vmem>>, vector<1x16xf32>,
    %swap3A_753 = vector.shape_cast %swap3A_752 : vector<1x16xf32> to vector<16xf32>
    %swap3A_754 = vector.shape_cast %add3A_748 : vector<16xf32> to vector<1x16xf32>
    tpu.vector_store %arg13[%swap3A_750, %swap3A_751], %swap3A_754 {strides = array<i32>} : memref<8x128xf32, #tpu.memory_space<vmem>>, vector<1x16xf32>,
    %get3A_755 = arith.constant 4 : i32
    %get3A_756 = arith.index_cast %get3A_755 : i32 to index
    %get3A_757 = arith.constant 0 : index
    %get3A_758 = tpu.vector_load %arg13[%get3A_756, %get3A_757] {strides = array<i32>} : memref<8x128xf32, #tpu.memory_space<vmem>>, vector<1x16xf32>,
    %get3A_759 = vector.shape_cast %get3A_758 : vector<1x16xf32> to vector<16xf32>
    %get3A_760 = arith.constant 4 : i32
    %get3A_761 = arith.index_cast %get3A_760 : i32 to index
    %get3A_762 = arith.constant 0 : index
    %get3A_763 = tpu.vector_load %arg14[%get3A_761, %get3A_762] {strides = array<i32>} : memref<8x128xf32, #tpu.memory_space<vmem>>, vector<1x16xf32>,
    %get3A_764 = vector.shape_cast %get3A_763 : vector<1x16xf32> to vector<16xf32>
    %add3A_765 = arith.addf %get3A_759, %get3A_764 : vector<16xf32>
    %swap3A_766 = arith.constant 4 : i32
    %swap3A_767 = arith.index_cast %swap3A_766 : i32 to index
    %swap3A_768 = arith.constant 0 : index
    %swap3A_769 = tpu.vector_load %arg13[%swap3A_767, %swap3A_768] {strides = array<i32>} : memref<8x128xf32, #tpu.memory_space<vmem>>, vector<1x16xf32>,
    %swap3A_770 = vector.shape_cast %swap3A_769 : vector<1x16xf32> to vector<16xf32>
    %swap3A_771 = vector.shape_cast %add3A_765 : vector<16xf32> to vector<1x16xf32>
    tpu.vector_store %arg13[%swap3A_767, %swap3A_768], %swap3A_771 {strides = array<i32>} : memref<8x128xf32, #tpu.memory_space<vmem>>, vector<1x16xf32>,
    %get3A_772 = arith.constant 4 : i32
    %get3A_773 = arith.index_cast %get3A_772 : i32 to index
    %get3A_774 = arith.constant 16 : index
    %get3A_775 = tpu.vector_load %arg13[%get3A_773, %get3A_774] {strides = array<i32>} : memref<8x128xf32, #tpu.memory_space<vmem>>, vector<1x16xf32>,
    %get3A_776 = vector.shape_cast %get3A_775 : vector<1x16xf32> to vector<16xf32>
    %get3A_777 = arith.constant 4 : i32
    %get3A_778 = arith.index_cast %get3A_777 : i32 to index
    %get3A_779 = arith.constant 16 : index
    %get3A_780 = tpu.vector_load %arg14[%get3A_778, %get3A_779] {strides = array<i32>} : memref<8x128xf32, #tpu.memory_space<vmem>>, vector<1x16xf32>,
    %get3A_781 = vector.shape_cast %get3A_780 : vector<1x16xf32> to vector<16xf32>
    %add3A_782 = arith.addf %get3A_776, %get3A_781 : vector<16xf32>
    %swap3A_783 = arith.constant 4 : i32
    %swap3A_784 = arith.index_cast %swap3A_783 : i32 to index
    %swap3A_785 = arith.constant 16 : index
    %swap3A_786 = tpu.vector_load %arg13[%swap3A_784, %swap3A_785] {strides = array<i32>} : memref<8x128xf32, #tpu.memory_space<vmem>>, vector<1x16xf32>,
    %swap3A_787 = vector.shape_cast %swap3A_786 : vector<1x16xf32> to vector<16xf32>
    %swap3A_788 = vector.shape_cast %add3A_782 : vector<16xf32> to vector<1x16xf32>
    tpu.vector_store %arg13[%swap3A_784, %swap3A_785], %swap3A_788 {strides = array<i32>} : memref<8x128xf32, #tpu.memory_space<vmem>>, vector<1x16xf32>,
    %get3A_789 = arith.constant 4 : i32
    %get3A_790 = arith.index_cast %get3A_789 : i32 to index
    %get3A_791 = arith.constant 32 : index
    %get3A_792 = tpu.vector_load %arg13[%get3A_790, %get3A_791] {strides = array<i32>} : memref<8x128xf32, #tpu.memory_space<vmem>>, vector<1x16xf32>,
    %get3A_793 = vector.shape_cast %get3A_792 : vector<1x16xf32> to vector<16xf32>
    %get3A_794 = arith.constant 4 : i32
    %get3A_795 = arith.index_cast %get3A_794 : i32 to index
    %get3A_796 = arith.constant 32 : index
    %get3A_797 = tpu.vector_load %arg14[%get3A_795, %get3A_796] {strides = array<i32>} : memref<8x128xf32, #tpu.memory_space<vmem>>, vector<1x16xf32>,
    %get3A_798 = vector.shape_cast %get3A_797 : vector<1x16xf32> to vector<16xf32>
    %add3A_799 = arith.addf %get3A_793, %get3A_798 : vector<16xf32>
    %swap3A_800 = arith.constant 4 : i32
    %swap3A_801 = arith.index_cast %swap3A_800 : i32 to index
    %swap3A_802 = arith.constant 32 : index
    %swap3A_803 = tpu.vector_load %arg13[%swap3A_801, %swap3A_802] {strides = array<i32>} : memref<8x128xf32, #tpu.memory_space<vmem>>, vector<1x16xf32>,
    %swap3A_804 = vector.shape_cast %swap3A_803 : vector<1x16xf32> to vector<16xf32>
    %swap3A_805 = vector.shape_cast %add3A_799 : vector<16xf32> to vector<1x16xf32>
    tpu.vector_store %arg13[%swap3A_801, %swap3A_802], %swap3A_805 {strides = array<i32>} : memref<8x128xf32, #tpu.memory_space<vmem>>, vector<1x16xf32>,
    %get3A_806 = arith.constant 4 : i32
    %get3A_807 = arith.index_cast %get3A_806 : i32 to index
    %get3A_808 = arith.constant 48 : index
    %get3A_809 = tpu.vector_load %arg13[%get3A_807, %get3A_808] {strides = array<i32>} : memref<8x128xf32, #tpu.memory_space<vmem>>, vector<1x16xf32>,
    %get3A_810 = vector.shape_cast %get3A_809 : vector<1x16xf32> to vector<16xf32>
    %get3A_811 = arith.constant 4 : i32
    %get3A_812 = arith.index_cast %get3A_811 : i32 to index
    %get3A_813 = arith.constant 48 : index
    %get3A_814 = tpu.vector_load %arg14[%get3A_812, %get3A_813] {strides = array<i32>} : memref<8x128xf32, #tpu.memory_space<vmem>>, vector<1x16xf32>,
    %get3A_815 = vector.shape_cast %get3A_814 : vector<1x16xf32> to vector<16xf32>
    %add3A_816 = arith.addf %get3A_810, %get3A_815 : vector<16xf32>
    %swap3A_817 = arith.constant 4 : i32
    %swap3A_818 = arith.index_cast %swap3A_817 : i32 to index
    %swap3A_819 = arith.constant 48 : index
    %swap3A_820 = tpu.vector_load %arg13[%swap3A_818, %swap3A_819] {strides = array<i32>} : memref<8x128xf32, #tpu.memory_space<vmem>>, vector<1x16xf32>,
    %swap3A_821 = vector.shape_cast %swap3A_820 : vector<1x16xf32> to vector<16xf32>
    %swap3A_822 = vector.shape_cast %add3A_816 : vector<16xf32> to vector<1x16xf32>
    tpu.vector_store %arg13[%swap3A_818, %swap3A_819], %swap3A_822 {strides = array<i32>} : memref<8x128xf32, #tpu.memory_space<vmem>>, vector<1x16xf32>,
    %get3A_823 = arith.constant 4 : i32
    %get3A_824 = arith.index_cast %get3A_823 : i32 to index
    %get3A_825 = arith.constant 64 : index
    %get3A_826 = tpu.vector_load %arg13[%get3A_824, %get3A_825] {strides = array<i32>} : memref<8x128xf32, #tpu.memory_space<vmem>>, vector<1x16xf32>,
    %get3A_827 = vector.shape_cast %get3A_826 : vector<1x16xf32> to vector<16xf32>
    %get3A_828 = arith.constant 4 : i32
    %get3A_829 = arith.index_cast %get3A_828 : i32 to index
    %get3A_830 = arith.constant 64 : index
    %get3A_831 = tpu.vector_load %arg14[%get3A_829, %get3A_830] {strides = array<i32>} : memref<8x128xf32, #tpu.memory_space<vmem>>, vector<1x16xf32>,
    %get3A_832 = vector.shape_cast %get3A_831 : vector<1x16xf32> to vector<16xf32>
    %add3A_833 = arith.addf %get3A_827, %get3A_832 : vector<16xf32>
    %swap3A_834 = arith.constant 4 : i32
    %swap3A_835 = arith.index_cast %swap3A_834 : i32 to index
    %swap3A_836 = arith.constant 64 : index
    %swap3A_837 = tpu.vector_load %arg13[%swap3A_835, %swap3A_836] {strides = array<i32>} : memref<8x128xf32, #tpu.memory_space<vmem>>, vector<1x16xf32>,
    %swap3A_838 = vector.shape_cast %swap3A_837 : vector<1x16xf32> to vector<16xf32>
    %swap3A_839 = vector.shape_cast %add3A_833 : vector<16xf32> to vector<1x16xf32>
    tpu.vector_store %arg13[%swap3A_835, %swap3A_836], %swap3A_839 {strides = array<i32>} : memref<8x128xf32, #tpu.memory_space<vmem>>, vector<1x16xf32>,
    %get3A_840 = arith.constant 4 : i32
    %get3A_841 = arith.index_cast %get3A_840 : i32 to index
    %get3A_842 = arith.constant 80 : index
    %get3A_843 = tpu.vector_load %arg13[%get3A_841, %get3A_842] {strides = array<i32>} : memref<8x128xf32, #tpu.memory_space<vmem>>, vector<1x16xf32>,
    %get3A_844 = vector.shape_cast %get3A_843 : vector<1x16xf32> to vector<16xf32>
    %get3A_845 = arith.constant 4 : i32
    %get3A_846 = arith.index_cast %get3A_845 : i32 to index
    %get3A_847 = arith.constant 80 : index
    %get3A_848 = tpu.vector_load %arg14[%get3A_846, %get3A_847] {strides = array<i32>} : memref<8x128xf32, #tpu.memory_space<vmem>>, vector<1x16xf32>,
    %get3A_849 = vector.shape_cast %get3A_848 : vector<1x16xf32> to vector<16xf32>
    %add3A_850 = arith.addf %get3A_844, %get3A_849 : vector<16xf32>
    %swap3A_851 = arith.constant 4 : i32
    %swap3A_852 = arith.index_cast %swap3A_851 : i32 to index
    %swap3A_853 = arith.constant 80 : index
    %swap3A_854 = tpu.vector_load %arg13[%swap3A_852, %swap3A_853] {strides = array<i32>} : memref<8x128xf32, #tpu.memory_space<vmem>>, vector<1x16xf32>,
    %swap3A_855 = vector.shape_cast %swap3A_854 : vector<1x16xf32> to vector<16xf32>
    %swap3A_856 = vector.shape_cast %add3A_850 : vector<16xf32> to vector<1x16xf32>
    tpu.vector_store %arg13[%swap3A_852, %swap3A_853], %swap3A_856 {strides = array<i32>} : memref<8x128xf32, #tpu.memory_space<vmem>>, vector<1x16xf32>,
    %get3A_857 = arith.constant 4 : i32
    %get3A_858 = arith.index_cast %get3A_857 : i32 to index
    %get3A_859 = arith.constant 96 : index
    %get3A_860 = tpu.vector_load %arg13[%get3A_858, %get3A_859] {strides = array<i32>} : memref<8x128xf32, #tpu.memory_space<vmem>>, vector<1x16xf32>,
    %get3A_861 = vector.shape_cast %get3A_860 : vector<1x16xf32> to vector<16xf32>
    %get3A_862 = arith.constant 4 : i32
    %get3A_863 = arith.index_cast %get3A_862 : i32 to index
    %get3A_864 = arith.constant 96 : index
    %get3A_865 = tpu.vector_load %arg14[%get3A_863, %get3A_864] {strides = array<i32>} : memref<8x128xf32, #tpu.memory_space<vmem>>, vector<1x16xf32>,
    %get3A_866 = vector.shape_cast %get3A_865 : vector<1x16xf32> to vector<16xf32>
    %add3A_867 = arith.addf %get3A_861, %get3A_866 : vector<16xf32>
    %swap3A_868 = arith.constant 4 : i32
    %swap3A_869 = arith.index_cast %swap3A_868 : i32 to index
    %swap3A_870 = arith.constant 96 : index
    %swap3A_871 = tpu.vector_load %arg13[%swap3A_869, %swap3A_870] {strides = array<i32>} : memref<8x128xf32, #tpu.memory_space<vmem>>, vector<1x16xf32>,
    %swap3A_872 = vector.shape_cast %swap3A_871 : vector<1x16xf32> to vector<16xf32>
    %swap3A_873 = vector.shape_cast %add3A_867 : vector<16xf32> to vector<1x16xf32>
    tpu.vector_store %arg13[%swap3A_869, %swap3A_870], %swap3A_873 {strides = array<i32>} : memref<8x128xf32, #tpu.memory_space<vmem>>, vector<1x16xf32>,
    %get3A_874 = arith.constant 4 : i32
    %get3A_875 = arith.index_cast %get3A_874 : i32 to index
    %get3A_876 = arith.constant 112 : index
    %get3A_877 = tpu.vector_load %arg13[%get3A_875, %get3A_876] {strides = array<i32>} : memref<8x128xf32, #tpu.memory_space<vmem>>, vector<1x16xf32>,
    %get3A_878 = vector.shape_cast %get3A_877 : vector<1x16xf32> to vector<16xf32>
    %get3A_879 = arith.constant 4 : i32
    %get3A_880 = arith.index_cast %get3A_879 : i32 to index
    %get3A_881 = arith.constant 112 : index
    %get3A_882 = tpu.vector_load %arg14[%get3A_880, %get3A_881] {strides = array<i32>} : memref<8x128xf32, #tpu.memory_space<vmem>>, vector<1x16xf32>,
    %get3A_883 = vector.shape_cast %get3A_882 : vector<1x16xf32> to vector<16xf32>
    %add3A_884 = arith.addf %get3A_878, %get3A_883 : vector<16xf32>
    %swap3A_885 = arith.constant 4 : i32
    %swap3A_886 = arith.index_cast %swap3A_885 : i32 to index
    %swap3A_887 = arith.constant 112 : index
    %swap3A_888 = tpu.vector_load %arg13[%swap3A_886, %swap3A_887] {strides = array<i32>} : memref<8x128xf32, #tpu.memory_space<vmem>>, vector<1x16xf32>,
    %swap3A_889 = vector.shape_cast %swap3A_888 : vector<1x16xf32> to vector<16xf32>
    %swap3A_890 = vector.shape_cast %add3A_884 : vector<16xf32> to vector<1x16xf32>
    tpu.vector_store %arg13[%swap3A_886, %swap3A_887], %swap3A_890 {strides = array<i32>} : memref<8x128xf32, #tpu.memory_space<vmem>>, vector<1x16xf32>,
    %get3A_891 = arith.constant 5 : i32
    %get3A_892 = arith.index_cast %get3A_891 : i32 to index
    %get3A_893 = arith.constant 0 : index
    %get3A_894 = tpu.vector_load %arg13[%get3A_892, %get3A_893] {strides = array<i32>} : memref<8x128xf32, #tpu.memory_space<vmem>>, vector<1x16xf32>,
    %get3A_895 = vector.shape_cast %get3A_894 : vector<1x16xf32> to vector<16xf32>
    %get3A_896 = arith.constant 5 : i32
    %get3A_897 = arith.index_cast %get3A_896 : i32 to index
    %get3A_898 = arith.constant 0 : index
    %get3A_899 = tpu.vector_load %arg14[%get3A_897, %get3A_898] {strides = array<i32>} : memref<8x128xf32, #tpu.memory_space<vmem>>, vector<1x16xf32>,
    %get3A_900 = vector.shape_cast %get3A_899 : vector<1x16xf32> to vector<16xf32>
    %add3A_901 = arith.addf %get3A_895, %get3A_900 : vector<16xf32>
    %swap3A_902 = arith.constant 5 : i32
    %swap3A_903 = arith.index_cast %swap3A_902 : i32 to index
    %swap3A_904 = arith.constant 0 : index
    %swap3A_905 = tpu.vector_load %arg13[%swap3A_903, %swap3A_904] {strides = array<i32>} : memref<8x128xf32, #tpu.memory_space<vmem>>, vector<1x16xf32>,
    %swap3A_906 = vector.shape_cast %swap3A_905 : vector<1x16xf32> to vector<16xf32>
    %swap3A_907 = vector.shape_cast %add3A_901 : vector<16xf32> to vector<1x16xf32>
    tpu.vector_store %arg13[%swap3A_903, %swap3A_904], %swap3A_907 {strides = array<i32>} : memref<8x128xf32, #tpu.memory_space<vmem>>, vector<1x16xf32>,
    %get3A_908 = arith.constant 5 : i32
    %get3A_909 = arith.index_cast %get3A_908 : i32 to index
    %get3A_910 = arith.constant 16 : index
    %get3A_911 = tpu.vector_load %arg13[%get3A_909, %get3A_910] {strides = array<i32>} : memref<8x128xf32, #tpu.memory_space<vmem>>, vector<1x16xf32>,
    %get3A_912 = vector.shape_cast %get3A_911 : vector<1x16xf32> to vector<16xf32>
    %get3A_913 = arith.constant 5 : i32
    %get3A_914 = arith.index_cast %get3A_913 : i32 to index
    %get3A_915 = arith.constant 16 : index
    %get3A_916 = tpu.vector_load %arg14[%get3A_914, %get3A_915] {strides = array<i32>} : memref<8x128xf32, #tpu.memory_space<vmem>>, vector<1x16xf32>,
    %get3A_917 = vector.shape_cast %get3A_916 : vector<1x16xf32> to vector<16xf32>
    %add3A_918 = arith.addf %get3A_912, %get3A_917 : vector<16xf32>
    %swap3A_919 = arith.constant 5 : i32
    %swap3A_920 = arith.index_cast %swap3A_919 : i32 to index
    %swap3A_921 = arith.constant 16 : index
    %swap3A_922 = tpu.vector_load %arg13[%swap3A_920, %swap3A_921] {strides = array<i32>} : memref<8x128xf32, #tpu.memory_space<vmem>>, vector<1x16xf32>,
    %swap3A_923 = vector.shape_cast %swap3A_922 : vector<1x16xf32> to vector<16xf32>
    %swap3A_924 = vector.shape_cast %add3A_918 : vector<16xf32> to vector<1x16xf32>
    tpu.vector_store %arg13[%swap3A_920, %swap3A_921], %swap3A_924 {strides = array<i32>} : memref<8x128xf32, #tpu.memory_space<vmem>>, vector<1x16xf32>,
    %get3A_925 = arith.constant 5 : i32
    %get3A_926 = arith.index_cast %get3A_925 : i32 to index
    %get3A_927 = arith.constant 32 : index
    %get3A_928 = tpu.vector_load %arg13[%get3A_926, %get3A_927] {strides = array<i32>} : memref<8x128xf32, #tpu.memory_space<vmem>>, vector<1x16xf32>,
    %get3A_929 = vector.shape_cast %get3A_928 : vector<1x16xf32> to vector<16xf32>
    %get3A_930 = arith.constant 5 : i32
    %get3A_931 = arith.index_cast %get3A_930 : i32 to index
    %get3A_932 = arith.constant 32 : index
    %get3A_933 = tpu.vector_load %arg14[%get3A_931, %get3A_932] {strides = array<i32>} : memref<8x128xf32, #tpu.memory_space<vmem>>, vector<1x16xf32>,
    %get3A_934 = vector.shape_cast %get3A_933 : vector<1x16xf32> to vector<16xf32>
    %add3A_935 = arith.addf %get3A_929, %get3A_934 : vector<16xf32>
    %swap3A_936 = arith.constant 5 : i32
    %swap3A_937 = arith.index_cast %swap3A_936 : i32 to index
    %swap3A_938 = arith.constant 32 : index
    %swap3A_939 = tpu.vector_load %arg13[%swap3A_937, %swap3A_938] {strides = array<i32>} : memref<8x128xf32, #tpu.memory_space<vmem>>, vector<1x16xf32>,
    %swap3A_940 = vector.shape_cast %swap3A_939 : vector<1x16xf32> to vector<16xf32>
    %swap3A_941 = vector.shape_cast %add3A_935 : vector<16xf32> to vector<1x16xf32>
    tpu.vector_store %arg13[%swap3A_937, %swap3A_938], %swap3A_941 {strides = array<i32>} : memref<8x128xf32, #tpu.memory_space<vmem>>, vector<1x16xf32>,
    %get3A_942 = arith.constant 5 : i32
    %get3A_943 = arith.index_cast %get3A_942 : i32 to index
    %get3A_944 = arith.constant 48 : index
    %get3A_945 = tpu.vector_load %arg13[%get3A_943, %get3A_944] {strides = array<i32>} : memref<8x128xf32, #tpu.memory_space<vmem>>, vector<1x16xf32>,
    %get3A_946 = vector.shape_cast %get3A_945 : vector<1x16xf32> to vector<16xf32>
    %get3A_947 = arith.constant 5 : i32
    %get3A_948 = arith.index_cast %get3A_947 : i32 to index
    %get3A_949 = arith.constant 48 : index
    %get3A_950 = tpu.vector_load %arg14[%get3A_948, %get3A_949] {strides = array<i32>} : memref<8x128xf32, #tpu.memory_space<vmem>>, vector<1x16xf32>,
    %get3A_951 = vector.shape_cast %get3A_950 : vector<1x16xf32> to vector<16xf32>
    %add3A_952 = arith.addf %get3A_946, %get3A_951 : vector<16xf32>
    %swap3A_953 = arith.constant 5 : i32
    %swap3A_954 = arith.index_cast %swap3A_953 : i32 to index
    %swap3A_955 = arith.constant 48 : index
    %swap3A_956 = tpu.vector_load %arg13[%swap3A_954, %swap3A_955] {strides = array<i32>} : memref<8x128xf32, #tpu.memory_space<vmem>>, vector<1x16xf32>,
    %swap3A_957 = vector.shape_cast %swap3A_956 : vector<1x16xf32> to vector<16xf32>
    %swap3A_958 = vector.shape_cast %add3A_952 : vector<16xf32> to vector<1x16xf32>
    tpu.vector_store %arg13[%swap3A_954, %swap3A_955], %swap3A_958 {strides = array<i32>} : memref<8x128xf32, #tpu.memory_space<vmem>>, vector<1x16xf32>,
    %get3A_959 = arith.constant 5 : i32
    %get3A_960 = arith.index_cast %get3A_959 : i32 to index
    %get3A_961 = arith.constant 64 : index
    %get3A_962 = tpu.vector_load %arg13[%get3A_960, %get3A_961] {strides = array<i32>} : memref<8x128xf32, #tpu.memory_space<vmem>>, vector<1x16xf32>,
    %get3A_963 = vector.shape_cast %get3A_962 : vector<1x16xf32> to vector<16xf32>
    %get3A_964 = arith.constant 5 : i32
    %get3A_965 = arith.index_cast %get3A_964 : i32 to index
    %get3A_966 = arith.constant 64 : index
    %get3A_967 = tpu.vector_load %arg14[%get3A_965, %get3A_966] {strides = array<i32>} : memref<8x128xf32, #tpu.memory_space<vmem>>, vector<1x16xf32>,
    %get3A_968 = vector.shape_cast %get3A_967 : vector<1x16xf32> to vector<16xf32>
    %add3A_969 = arith.addf %get3A_963, %get3A_968 : vector<16xf32>
    %swap3A_970 = arith.constant 5 : i32
    %swap3A_971 = arith.index_cast %swap3A_970 : i32 to index
    %swap3A_972 = arith.constant 64 : index
    %swap3A_973 = tpu.vector_load %arg13[%swap3A_971, %swap3A_972] {strides = array<i32>} : memref<8x128xf32, #tpu.memory_space<vmem>>, vector<1x16xf32>,
    %swap3A_974 = vector.shape_cast %swap3A_973 : vector<1x16xf32> to vector<16xf32>
    %swap3A_975 = vector.shape_cast %add3A_969 : vector<16xf32> to vector<1x16xf32>
    tpu.vector_store %arg13[%swap3A_971, %swap3A_972], %swap3A_975 {strides = array<i32>} : memref<8x128xf32, #tpu.memory_space<vmem>>, vector<1x16xf32>,
    %get3A_976 = arith.constant 5 : i32
    %get3A_977 = arith.index_cast %get3A_976 : i32 to index
    %get3A_978 = arith.constant 80 : index
    %get3A_979 = tpu.vector_load %arg13[%get3A_977, %get3A_978] {strides = array<i32>} : memref<8x128xf32, #tpu.memory_space<vmem>>, vector<1x16xf32>,
    %get3A_980 = vector.shape_cast %get3A_979 : vector<1x16xf32> to vector<16xf32>
    %get3A_981 = arith.constant 5 : i32
    %get3A_982 = arith.index_cast %get3A_981 : i32 to index
    %get3A_983 = arith.constant 80 : index
    %get3A_984 = tpu.vector_load %arg14[%get3A_982, %get3A_983] {strides = array<i32>} : memref<8x128xf32, #tpu.memory_space<vmem>>, vector<1x16xf32>,
    %get3A_985 = vector.shape_cast %get3A_984 : vector<1x16xf32> to vector<16xf32>
    %add3A_986 = arith.addf %get3A_980, %get3A_985 : vector<16xf32>
    %swap3A_987 = arith.constant 5 : i32
    %swap3A_988 = arith.index_cast %swap3A_987 : i32 to index
    %swap3A_989 = arith.constant 80 : index
    %swap3A_990 = tpu.vector_load %arg13[%swap3A_988, %swap3A_989] {strides = array<i32>} : memref<8x128xf32, #tpu.memory_space<vmem>>, vector<1x16xf32>,
    %swap3A_991 = vector.shape_cast %swap3A_990 : vector<1x16xf32> to vector<16xf32>
    %swap3A_992 = vector.shape_cast %add3A_986 : vector<16xf32> to vector<1x16xf32>
    tpu.vector_store %arg13[%swap3A_988, %swap3A_989], %swap3A_992 {strides = array<i32>} : memref<8x128xf32, #tpu.memory_space<vmem>>, vector<1x16xf32>,
    %get3A_993 = arith.constant 5 : i32
    %get3A_994 = arith.index_cast %get3A_993 : i32 to index
    %get3A_995 = arith.constant 96 : index
    %get3A_996 = tpu.vector_load %arg13[%get3A_994, %get3A_995] {strides = array<i32>} : memref<8x128xf32, #tpu.memory_space<vmem>>, vector<1x16xf32>,
    %get3A_997 = vector.shape_cast %get3A_996 : vector<1x16xf32> to vector<16xf32>
    %get3A_998 = arith.constant 5 : i32
    %get3A_999 = arith.index_cast %get3A_998 : i32 to index
    %get3A_1000 = arith.constant 96 : index
    %get3A_1001 = tpu.vector_load %arg14[%get3A_999, %get3A_1000] {strides = array<i32>} : memref<8x128xf32, #tpu.memory_space<vmem>>, vector<1x16xf32>,
    %get3A_1002 = vector.shape_cast %get3A_1001 : vector<1x16xf32> to vector<16xf32>
    %add3A_1003 = arith.addf %get3A_997, %get3A_1002 : vector<16xf32>
    %swap3A_1004 = arith.constant 5 : i32
    %swap3A_1005 = arith.index_cast %swap3A_1004 : i32 to index
    %swap3A_1006 = arith.constant 96 : index
    %swap3A_1007 = tpu.vector_load %arg13[%swap3A_1005, %swap3A_1006] {strides = array<i32>} : memref<8x128xf32, #tpu.memory_space<vmem>>, vector<1x16xf32>,
    %swap3A_1008 = vector.shape_cast %swap3A_1007 : vector<1x16xf32> to vector<16xf32>
    %swap3A_1009 = vector.shape_cast %add3A_1003 : vector<16xf32> to vector<1x16xf32>
    tpu.vector_store %arg13[%swap3A_1005, %swap3A_1006], %swap3A_1009 {strides = array<i32>} : memref<8x128xf32, #tpu.memory_space<vmem>>, vector<1x16xf32>,
    %get3A_1010 = arith.constant 5 : i32
    %get3A_1011 = arith.index_cast %get3A_1010 : i32 to index
    %get3A_1012 = arith.constant 112 : index
    %get3A_1013 = tpu.vector_load %arg13[%get3A_1011, %get3A_1012] {strides = array<i32>} : memref<8x128xf32, #tpu.memory_space<vmem>>, vector<1x16xf32>,
    %get3A_1014 = vector.shape_cast %get3A_1013 : vector<1x16xf32> to vector<16xf32>
    %get3A_1015 = arith.constant 5 : i32
    %get3A_1016 = arith.index_cast %get3A_1015 : i32 to index
    %get3A_1017 = arith.constant 112 : index
    %get3A_1018 = tpu.vector_load %arg14[%get3A_1016, %get3A_1017] {strides = array<i32>} : memref<8x128xf32, #tpu.memory_space<vmem>>, vector<1x16xf32>,
    %get3A_1019 = vector.shape_cast %get3A_1018 : vector<1x16xf32> to vector<16xf32>
    %add3A_1020 = arith.addf %get3A_1014, %get3A_1019 : vector<16xf32>
    %swap3A_1021 = arith.constant 5 : i32
    %swap3A_1022 = arith.index_cast %swap3A_1021 : i32 to index
    %swap3A_1023 = arith.constant 112 : index
    %swap3A_1024 = tpu.vector_load %arg13[%swap3A_1022, %swap3A_1023] {strides = array<i32>} : memref<8x128xf32, #tpu.memory_space<vmem>>, vector<1x16xf32>,
    %swap3A_1025 = vector.shape_cast %swap3A_1024 : vector<1x16xf32> to vector<16xf32>
    %swap3A_1026 = vector.shape_cast %add3A_1020 : vector<16xf32> to vector<1x16xf32>
    tpu.vector_store %arg13[%swap3A_1022, %swap3A_1023], %swap3A_1026 {strides = array<i32>} : memref<8x128xf32, #tpu.memory_space<vmem>>, vector<1x16xf32>,
    %get3A_1027 = arith.constant 6 : i32
    %get3A_1028 = arith.index_cast %get3A_1027 : i32 to index
    %get3A_1029 = arith.constant 0 : index
    %get3A_1030 = tpu.vector_load %arg13[%get3A_1028, %get3A_1029] {strides = array<i32>} : memref<8x128xf32, #tpu.memory_space<vmem>>, vector<1x16xf32>,
    %get3A_1031 = vector.shape_cast %get3A_1030 : vector<1x16xf32> to vector<16xf32>
    %get3A_1032 = arith.constant 6 : i32
    %get3A_1033 = arith.index_cast %get3A_1032 : i32 to index
    %get3A_1034 = arith.constant 0 : index
    %get3A_1035 = tpu.vector_load %arg14[%get3A_1033, %get3A_1034] {strides = array<i32>} : memref<8x128xf32, #tpu.memory_space<vmem>>, vector<1x16xf32>,
    %get3A_1036 = vector.shape_cast %get3A_1035 : vector<1x16xf32> to vector<16xf32>
    %add3A_1037 = arith.addf %get3A_1031, %get3A_1036 : vector<16xf32>
    %swap3A_1038 = arith.constant 6 : i32
    %swap3A_1039 = arith.index_cast %swap3A_1038 : i32 to index
    %swap3A_1040 = arith.constant 0 : index
    %swap3A_1041 = tpu.vector_load %arg13[%swap3A_1039, %swap3A_1040] {strides = array<i32>} : memref<8x128xf32, #tpu.memory_space<vmem>>, vector<1x16xf32>,
    %swap3A_1042 = vector.shape_cast %swap3A_1041 : vector<1x16xf32> to vector<16xf32>
    %swap3A_1043 = vector.shape_cast %add3A_1037 : vector<16xf32> to vector<1x16xf32>
    tpu.vector_store %arg13[%swap3A_1039, %swap3A_1040], %swap3A_1043 {strides = array<i32>} : memref<8x128xf32, #tpu.memory_space<vmem>>, vector<1x16xf32>,
    %get3A_1044 = arith.constant 6 : i32
    %get3A_1045 = arith.index_cast %get3A_1044 : i32 to index
    %get3A_1046 = arith.constant 16 : index
    %get3A_1047 = tpu.vector_load %arg13[%get3A_1045, %get3A_1046] {strides = array<i32>} : memref<8x128xf32, #tpu.memory_space<vmem>>, vector<1x16xf32>,
    %get3A_1048 = vector.shape_cast %get3A_1047 : vector<1x16xf32> to vector<16xf32>
    %get3A_1049 = arith.constant 6 : i32
    %get3A_1050 = arith.index_cast %get3A_1049 : i32 to index
    %get3A_1051 = arith.constant 16 : index
    %get3A_1052 = tpu.vector_load %arg14[%get3A_1050, %get3A_1051] {strides = array<i32>} : memref<8x128xf32, #tpu.memory_space<vmem>>, vector<1x16xf32>,
    %get3A_1053 = vector.shape_cast %get3A_1052 : vector<1x16xf32> to vector<16xf32>
    %add3A_1054 = arith.addf %get3A_1048, %get3A_1053 : vector<16xf32>
    %swap3A_1055 = arith.constant 6 : i32
    %swap3A_1056 = arith.index_cast %swap3A_1055 : i32 to index
    %swap3A_1057 = arith.constant 16 : index
    %swap3A_1058 = tpu.vector_load %arg13[%swap3A_1056, %swap3A_1057] {strides = array<i32>} : memref<8x128xf32, #tpu.memory_space<vmem>>, vector<1x16xf32>,
    %swap3A_1059 = vector.shape_cast %swap3A_1058 : vector<1x16xf32> to vector<16xf32>
    %swap3A_1060 = vector.shape_cast %add3A_1054 : vector<16xf32> to vector<1x16xf32>
    tpu.vector_store %arg13[%swap3A_1056, %swap3A_1057], %swap3A_1060 {strides = array<i32>} : memref<8x128xf32, #tpu.memory_space<vmem>>, vector<1x16xf32>,
    %get3A_1061 = arith.constant 6 : i32
    %get3A_1062 = arith.index_cast %get3A_1061 : i32 to index
    %get3A_1063 = arith.constant 32 : index
    %get3A_1064 = tpu.vector_load %arg13[%get3A_1062, %get3A_1063] {strides = array<i32>} : memref<8x128xf32, #tpu.memory_space<vmem>>, vector<1x16xf32>,
    %get3A_1065 = vector.shape_cast %get3A_1064 : vector<1x16xf32> to vector<16xf32>
    %get3A_1066 = arith.constant 6 : i32
    %get3A_1067 = arith.index_cast %get3A_1066 : i32 to index
    %get3A_1068 = arith.constant 32 : index
    %get3A_1069 = tpu.vector_load %arg14[%get3A_1067, %get3A_1068] {strides = array<i32>} : memref<8x128xf32, #tpu.memory_space<vmem>>, vector<1x16xf32>,
    %get3A_1070 = vector.shape_cast %get3A_1069 : vector<1x16xf32> to vector<16xf32>
    %add3A_1071 = arith.addf %get3A_1065, %get3A_1070 : vector<16xf32>
    %swap3A_1072 = arith.constant 6 : i32
    %swap3A_1073 = arith.index_cast %swap3A_1072 : i32 to index
    %swap3A_1074 = arith.constant 32 : index
    %swap3A_1075 = tpu.vector_load %arg13[%swap3A_1073, %swap3A_1074] {strides = array<i32>} : memref<8x128xf32, #tpu.memory_space<vmem>>, vector<1x16xf32>,
    %swap3A_1076 = vector.shape_cast %swap3A_1075 : vector<1x16xf32> to vector<16xf32>
    %swap3A_1077 = vector.shape_cast %add3A_1071 : vector<16xf32> to vector<1x16xf32>
    tpu.vector_store %arg13[%swap3A_1073, %swap3A_1074], %swap3A_1077 {strides = array<i32>} : memref<8x128xf32, #tpu.memory_space<vmem>>, vector<1x16xf32>,
    %get3A_1078 = arith.constant 6 : i32
    %get3A_1079 = arith.index_cast %get3A_1078 : i32 to index
    %get3A_1080 = arith.constant 48 : index
    %get3A_1081 = tpu.vector_load %arg13[%get3A_1079, %get3A_1080] {strides = array<i32>} : memref<8x128xf32, #tpu.memory_space<vmem>>, vector<1x16xf32>,
    %get3A_1082 = vector.shape_cast %get3A_1081 : vector<1x16xf32> to vector<16xf32>
    %get3A_1083 = arith.constant 6 : i32
    %get3A_1084 = arith.index_cast %get3A_1083 : i32 to index
    %get3A_1085 = arith.constant 48 : index
    %get3A_1086 = tpu.vector_load %arg14[%get3A_1084, %get3A_1085] {strides = array<i32>} : memref<8x128xf32, #tpu.memory_space<vmem>>, vector<1x16xf32>,
    %get3A_1087 = vector.shape_cast %get3A_1086 : vector<1x16xf32> to vector<16xf32>
    %add3A_1088 = arith.addf %get3A_1082, %get3A_1087 : vector<16xf32>
    %swap3A_1089 = arith.constant 6 : i32
    %swap3A_1090 = arith.index_cast %swap3A_1089 : i32 to index
    %swap3A_1091 = arith.constant 48 : index
    %swap3A_1092 = tpu.vector_load %arg13[%swap3A_1090, %swap3A_1091] {strides = array<i32>} : memref<8x128xf32, #tpu.memory_space<vmem>>, vector<1x16xf32>,
    %swap3A_1093 = vector.shape_cast %swap3A_1092 : vector<1x16xf32> to vector<16xf32>
    %swap3A_1094 = vector.shape_cast %add3A_1088 : vector<16xf32> to vector<1x16xf32>
    tpu.vector_store %arg13[%swap3A_1090, %swap3A_1091], %swap3A_1094 {strides = array<i32>} : memref<8x128xf32, #tpu.memory_space<vmem>>, vector<1x16xf32>,
    %get3A_1095 = arith.constant 6 : i32
    %get3A_1096 = arith.index_cast %get3A_1095 : i32 to index
    %get3A_1097 = arith.constant 64 : index
    %get3A_1098 = tpu.vector_load %arg13[%get3A_1096, %get3A_1097] {strides = array<i32>} : memref<8x128xf32, #tpu.memory_space<vmem>>, vector<1x16xf32>,
    %get3A_1099 = vector.shape_cast %get3A_1098 : vector<1x16xf32> to vector<16xf32>
    %get3A_1100 = arith.constant 6 : i32
    %get3A_1101 = arith.index_cast %get3A_1100 : i32 to index
    %get3A_1102 = arith.constant 64 : index
    %get3A_1103 = tpu.vector_load %arg14[%get3A_1101, %get3A_1102] {strides = array<i32>} : memref<8x128xf32, #tpu.memory_space<vmem>>, vector<1x16xf32>,
    %get3A_1104 = vector.shape_cast %get3A_1103 : vector<1x16xf32> to vector<16xf32>
    %add3A_1105 = arith.addf %get3A_1099, %get3A_1104 : vector<16xf32>
    %swap3A_1106 = arith.constant 6 : i32
    %swap3A_1107 = arith.index_cast %swap3A_1106 : i32 to index
    %swap3A_1108 = arith.constant 64 : index
    %swap3A_1109 = tpu.vector_load %arg13[%swap3A_1107, %swap3A_1108] {strides = array<i32>} : memref<8x128xf32, #tpu.memory_space<vmem>>, vector<1x16xf32>,
    %swap3A_1110 = vector.shape_cast %swap3A_1109 : vector<1x16xf32> to vector<16xf32>
    %swap3A_1111 = vector.shape_cast %add3A_1105 : vector<16xf32> to vector<1x16xf32>
    tpu.vector_store %arg13[%swap3A_1107, %swap3A_1108], %swap3A_1111 {strides = array<i32>} : memref<8x128xf32, #tpu.memory_space<vmem>>, vector<1x16xf32>,
    %get3A_1112 = arith.constant 6 : i32
    %get3A_1113 = arith.index_cast %get3A_1112 : i32 to index
    %get3A_1114 = arith.constant 80 : index
    %get3A_1115 = tpu.vector_load %arg13[%get3A_1113, %get3A_1114] {strides = array<i32>} : memref<8x128xf32, #tpu.memory_space<vmem>>, vector<1x16xf32>,
    %get3A_1116 = vector.shape_cast %get3A_1115 : vector<1x16xf32> to vector<16xf32>
    %get3A_1117 = arith.constant 6 : i32
    %get3A_1118 = arith.index_cast %get3A_1117 : i32 to index
    %get3A_1119 = arith.constant 80 : index
    %get3A_1120 = tpu.vector_load %arg14[%get3A_1118, %get3A_1119] {strides = array<i32>} : memref<8x128xf32, #tpu.memory_space<vmem>>, vector<1x16xf32>,
    %get3A_1121 = vector.shape_cast %get3A_1120 : vector<1x16xf32> to vector<16xf32>
    %add3A_1122 = arith.addf %get3A_1116, %get3A_1121 : vector<16xf32>
    %swap3A_1123 = arith.constant 6 : i32
    %swap3A_1124 = arith.index_cast %swap3A_1123 : i32 to index
    %swap3A_1125 = arith.constant 80 : index
    %swap3A_1126 = tpu.vector_load %arg13[%swap3A_1124, %swap3A_1125] {strides = array<i32>} : memref<8x128xf32, #tpu.memory_space<vmem>>, vector<1x16xf32>,
    %swap3A_1127 = vector.shape_cast %swap3A_1126 : vector<1x16xf32> to vector<16xf32>
    %swap3A_1128 = vector.shape_cast %add3A_1122 : vector<16xf32> to vector<1x16xf32>
    tpu.vector_store %arg13[%swap3A_1124, %swap3A_1125], %swap3A_1128 {strides = array<i32>} : memref<8x128xf32, #tpu.memory_space<vmem>>, vector<1x16xf32>,
    %get3A_1129 = arith.constant 6 : i32
    %get3A_1130 = arith.index_cast %get3A_1129 : i32 to index
    %get3A_1131 = arith.constant 96 : index
    %get3A_1132 = tpu.vector_load %arg13[%get3A_1130, %get3A_1131] {strides = array<i32>} : memref<8x128xf32, #tpu.memory_space<vmem>>, vector<1x16xf32>,
    %get3A_1133 = vector.shape_cast %get3A_1132 : vector<1x16xf32> to vector<16xf32>
    %get3A_1134 = arith.constant 6 : i32
    %get3A_1135 = arith.index_cast %get3A_1134 : i32 to index
    %get3A_1136 = arith.constant 96 : index
    %get3A_1137 = tpu.vector_load %arg14[%get3A_1135, %get3A_1136] {strides = array<i32>} : memref<8x128xf32, #tpu.memory_space<vmem>>, vector<1x16xf32>,
    %get3A_1138 = vector.shape_cast %get3A_1137 : vector<1x16xf32> to vector<16xf32>
    %add3A_1139 = arith.addf %get3A_1133, %get3A_1138 : vector<16xf32>
    %swap3A_1140 = arith.constant 6 : i32
    %swap3A_1141 = arith.index_cast %swap3A_1140 : i32 to index
    %swap3A_1142 = arith.constant 96 : index
    %swap3A_1143 = tpu.vector_load %arg13[%swap3A_1141, %swap3A_1142] {strides = array<i32>} : memref<8x128xf32, #tpu.memory_space<vmem>>, vector<1x16xf32>,
    %swap3A_1144 = vector.shape_cast %swap3A_1143 : vector<1x16xf32> to vector<16xf32>
    %swap3A_1145 = vector.shape_cast %add3A_1139 : vector<16xf32> to vector<1x16xf32>
    tpu.vector_store %arg13[%swap3A_1141, %swap3A_1142], %swap3A_1145 {strides = array<i32>} : memref<8x128xf32, #tpu.memory_space<vmem>>, vector<1x16xf32>,
    %get3A_1146 = arith.constant 6 : i32
    %get3A_1147 = arith.index_cast %get3A_1146 : i32 to index
    %get3A_1148 = arith.constant 112 : index
    %get3A_1149 = tpu.vector_load %arg13[%get3A_1147, %get3A_1148] {strides = array<i32>} : memref<8x128xf32, #tpu.memory_space<vmem>>, vector<1x16xf32>,
    %get3A_1150 = vector.shape_cast %get3A_1149 : vector<1x16xf32> to vector<16xf32>
    %get3A_1151 = arith.constant 6 : i32
    %get3A_1152 = arith.index_cast %get3A_1151 : i32 to index
    %get3A_1153 = arith.constant 112 : index
    %get3A_1154 = tpu.vector_load %arg14[%get3A_1152, %get3A_1153] {strides = array<i32>} : memref<8x128xf32, #tpu.memory_space<vmem>>, vector<1x16xf32>,
    %get3A_1155 = vector.shape_cast %get3A_1154 : vector<1x16xf32> to vector<16xf32>
    %add3A_1156 = arith.addf %get3A_1150, %get3A_1155 : vector<16xf32>
    %swap3A_1157 = arith.constant 6 : i32
    %swap3A_1158 = arith.index_cast %swap3A_1157 : i32 to index
    %swap3A_1159 = arith.constant 112 : index
    %swap3A_1160 = tpu.vector_load %arg13[%swap3A_1158, %swap3A_1159] {strides = array<i32>} : memref<8x128xf32, #tpu.memory_space<vmem>>, vector<1x16xf32>,
    %swap3A_1161 = vector.shape_cast %swap3A_1160 : vector<1x16xf32> to vector<16xf32>
    %swap3A_1162 = vector.shape_cast %add3A_1156 : vector<16xf32> to vector<1x16xf32>
    tpu.vector_store %arg13[%swap3A_1158, %swap3A_1159], %swap3A_1162 {strides = array<i32>} : memref<8x128xf32, #tpu.memory_space<vmem>>, vector<1x16xf32>,
    %get3A_1163 = arith.constant 7 : i32
    %get3A_1164 = arith.index_cast %get3A_1163 : i32 to index
    %get3A_1165 = arith.constant 0 : index
    %get3A_1166 = tpu.vector_load %arg13[%get3A_1164, %get3A_1165] {strides = array<i32>} : memref<8x128xf32, #tpu.memory_space<vmem>>, vector<1x16xf32>,
    %get3A_1167 = vector.shape_cast %get3A_1166 : vector<1x16xf32> to vector<16xf32>
    %get3A_1168 = arith.constant 7 : i32
    %get3A_1169 = arith.index_cast %get3A_1168 : i32 to index
    %get3A_1170 = arith.constant 0 : index
    %get3A_1171 = tpu.vector_load %arg14[%get3A_1169, %get3A_1170] {strides = array<i32>} : memref<8x128xf32, #tpu.memory_space<vmem>>, vector<1x16xf32>,
    %get3A_1172 = vector.shape_cast %get3A_1171 : vector<1x16xf32> to vector<16xf32>
    %add3A_1173 = arith.addf %get3A_1167, %get3A_1172 : vector<16xf32>
    %swap3A_1174 = arith.constant 7 : i32
    %swap3A_1175 = arith.index_cast %swap3A_1174 : i32 to index
    %swap3A_1176 = arith.constant 0 : index
    %swap3A_1177 = tpu.vector_load %arg13[%swap3A_1175, %swap3A_1176] {strides = array<i32>} : memref<8x128xf32, #tpu.memory_space<vmem>>, vector<1x16xf32>,
    %swap3A_1178 = vector.shape_cast %swap3A_1177 : vector<1x16xf32> to vector<16xf32>
    %swap3A_1179 = vector.shape_cast %add3A_1173 : vector<16xf32> to vector<1x16xf32>
    tpu.vector_store %arg13[%swap3A_1175, %swap3A_1176], %swap3A_1179 {strides = array<i32>} : memref<8x128xf32, #tpu.memory_space<vmem>>, vector<1x16xf32>,
    %get3A_1180 = arith.constant 7 : i32
    %get3A_1181 = arith.index_cast %get3A_1180 : i32 to index
    %get3A_1182 = arith.constant 16 : index
    %get3A_1183 = tpu.vector_load %arg13[%get3A_1181, %get3A_1182] {strides = array<i32>} : memref<8x128xf32, #tpu.memory_space<vmem>>, vector<1x16xf32>,
    %get3A_1184 = vector.shape_cast %get3A_1183 : vector<1x16xf32> to vector<16xf32>
    %get3A_1185 = arith.constant 7 : i32
    %get3A_1186 = arith.index_cast %get3A_1185 : i32 to index
    %get3A_1187 = arith.constant 16 : index
    %get3A_1188 = tpu.vector_load %arg14[%get3A_1186, %get3A_1187] {strides = array<i32>} : memref<8x128xf32, #tpu.memory_space<vmem>>, vector<1x16xf32>,
    %get3A_1189 = vector.shape_cast %get3A_1188 : vector<1x16xf32> to vector<16xf32>
    %add3A_1190 = arith.addf %get3A_1184, %get3A_1189 : vector<16xf32>
    %swap3A_1191 = arith.constant 7 : i32
    %swap3A_1192 = arith.index_cast %swap3A_1191 : i32 to index
    %swap3A_1193 = arith.constant 16 : index
    %swap3A_1194 = tpu.vector_load %arg13[%swap3A_1192, %swap3A_1193] {strides = array<i32>} : memref<8x128xf32, #tpu.memory_space<vmem>>, vector<1x16xf32>,
    %swap3A_1195 = vector.shape_cast %swap3A_1194 : vector<1x16xf32> to vector<16xf32>
    %swap3A_1196 = vector.shape_cast %add3A_1190 : vector<16xf32> to vector<1x16xf32>
    tpu.vector_store %arg13[%swap3A_1192, %swap3A_1193], %swap3A_1196 {strides = array<i32>} : memref<8x128xf32, #tpu.memory_space<vmem>>, vector<1x16xf32>,
    %get3A_1197 = arith.constant 7 : i32
    %get3A_1198 = arith.index_cast %get3A_1197 : i32 to index
    %get3A_1199 = arith.constant 32 : index
    %get3A_1200 = tpu.vector_load %arg13[%get3A_1198, %get3A_1199] {strides = array<i32>} : memref<8x128xf32, #tpu.memory_space<vmem>>, vector<1x16xf32>,
    %get3A_1201 = vector.shape_cast %get3A_1200 : vector<1x16xf32> to vector<16xf32>
    %get3A_1202 = arith.constant 7 : i32
    %get3A_1203 = arith.index_cast %get3A_1202 : i32 to index
    %get3A_1204 = arith.constant 32 : index
    %get3A_1205 = tpu.vector_load %arg14[%get3A_1203, %get3A_1204] {strides = array<i32>} : memref<8x128xf32, #tpu.memory_space<vmem>>, vector<1x16xf32>,
    %get3A_1206 = vector.shape_cast %get3A_1205 : vector<1x16xf32> to vector<16xf32>
    %add3A_1207 = arith.addf %get3A_1201, %get3A_1206 : vector<16xf32>
    %swap3A_1208 = arith.constant 7 : i32
    %swap3A_1209 = arith.index_cast %swap3A_1208 : i32 to index
    %swap3A_1210 = arith.constant 32 : index
    %swap3A_1211 = tpu.vector_load %arg13[%swap3A_1209, %swap3A_1210] {strides = array<i32>} : memref<8x128xf32, #tpu.memory_space<vmem>>, vector<1x16xf32>,
    %swap3A_1212 = vector.shape_cast %swap3A_1211 : vector<1x16xf32> to vector<16xf32>
    %swap3A_1213 = vector.shape_cast %add3A_1207 : vector<16xf32> to vector<1x16xf32>
    tpu.vector_store %arg13[%swap3A_1209, %swap3A_1210], %swap3A_1213 {strides = array<i32>} : memref<8x128xf32, #tpu.memory_space<vmem>>, vector<1x16xf32>,
    %get3A_1214 = arith.constant 7 : i32
    %get3A_1215 = arith.index_cast %get3A_1214 : i32 to index
    %get3A_1216 = arith.constant 48 : index
    %get3A_1217 = tpu.vector_load %arg13[%get3A_1215, %get3A_1216] {strides = array<i32>} : memref<8x128xf32, #tpu.memory_space<vmem>>, vector<1x16xf32>,
    %get3A_1218 = vector.shape_cast %get3A_1217 : vector<1x16xf32> to vector<16xf32>
    %get3A_1219 = arith.constant 7 : i32
    %get3A_1220 = arith.index_cast %get3A_1219 : i32 to index
    %get3A_1221 = arith.constant 48 : index
    %get3A_1222 = tpu.vector_load %arg14[%get3A_1220, %get3A_1221] {strides = array<i32>} : memref<8x128xf32, #tpu.memory_space<vmem>>, vector<1x16xf32>,
    %get3A_1223 = vector.shape_cast %get3A_1222 : vector<1x16xf32> to vector<16xf32>
    %add3A_1224 = arith.addf %get3A_1218, %get3A_1223 : vector<16xf32>
    %swap3A_1225 = arith.constant 7 : i32
    %swap3A_1226 = arith.index_cast %swap3A_1225 : i32 to index
    %swap3A_1227 = arith.constant 48 : index
    %swap3A_1228 = tpu.vector_load %arg13[%swap3A_1226, %swap3A_1227] {strides = array<i32>} : memref<8x128xf32, #tpu.memory_space<vmem>>, vector<1x16xf32>,
    %swap3A_1229 = vector.shape_cast %swap3A_1228 : vector<1x16xf32> to vector<16xf32>
    %swap3A_1230 = vector.shape_cast %add3A_1224 : vector<16xf32> to vector<1x16xf32>
    tpu.vector_store %arg13[%swap3A_1226, %swap3A_1227], %swap3A_1230 {strides = array<i32>} : memref<8x128xf32, #tpu.memory_space<vmem>>, vector<1x16xf32>,
    %get3A_1231 = arith.constant 7 : i32
    %get3A_1232 = arith.index_cast %get3A_1231 : i32 to index
    %get3A_1233 = arith.constant 64 : index
    %get3A_1234 = tpu.vector_load %arg13[%get3A_1232, %get3A_1233] {strides = array<i32>} : memref<8x128xf32, #tpu.memory_space<vmem>>, vector<1x16xf32>,
    %get3A_1235 = vector.shape_cast %get3A_1234 : vector<1x16xf32> to vector<16xf32>
    %get3A_1236 = arith.constant 7 : i32
    %get3A_1237 = arith.index_cast %get3A_1236 : i32 to index
    %get3A_1238 = arith.constant 64 : index
    %get3A_1239 = tpu.vector_load %arg14[%get3A_1237, %get3A_1238] {strides = array<i32>} : memref<8x128xf32, #tpu.memory_space<vmem>>, vector<1x16xf32>,
    %get3A_1240 = vector.shape_cast %get3A_1239 : vector<1x16xf32> to vector<16xf32>
    %add3A_1241 = arith.addf %get3A_1235, %get3A_1240 : vector<16xf32>
    %swap3A_1242 = arith.constant 7 : i32
    %swap3A_1243 = arith.index_cast %swap3A_1242 : i32 to index
    %swap3A_1244 = arith.constant 64 : index
    %swap3A_1245 = tpu.vector_load %arg13[%swap3A_1243, %swap3A_1244] {strides = array<i32>} : memref<8x128xf32, #tpu.memory_space<vmem>>, vector<1x16xf32>,
    %swap3A_1246 = vector.shape_cast %swap3A_1245 : vector<1x16xf32> to vector<16xf32>
    %swap3A_1247 = vector.shape_cast %add3A_1241 : vector<16xf32> to vector<1x16xf32>
    tpu.vector_store %arg13[%swap3A_1243, %swap3A_1244], %swap3A_1247 {strides = array<i32>} : memref<8x128xf32, #tpu.memory_space<vmem>>, vector<1x16xf32>,
    %get3A_1248 = arith.constant 7 : i32
    %get3A_1249 = arith.index_cast %get3A_1248 : i32 to index
    %get3A_1250 = arith.constant 80 : index
    %get3A_1251 = tpu.vector_load %arg13[%get3A_1249, %get3A_1250] {strides = array<i32>} : memref<8x128xf32, #tpu.memory_space<vmem>>, vector<1x16xf32>,
    %get3A_1252 = vector.shape_cast %get3A_1251 : vector<1x16xf32> to vector<16xf32>
    %get3A_1253 = arith.constant 7 : i32
    %get3A_1254 = arith.index_cast %get3A_1253 : i32 to index
    %get3A_1255 = arith.constant 80 : index
    %get3A_1256 = tpu.vector_load %arg14[%get3A_1254, %get3A_1255] {strides = array<i32>} : memref<8x128xf32, #tpu.memory_space<vmem>>, vector<1x16xf32>,
    %get3A_1257 = vector.shape_cast %get3A_1256 : vector<1x16xf32> to vector<16xf32>
    %add3A_1258 = arith.addf %get3A_1252, %get3A_1257 : vector<16xf32>
    %swap3A_1259 = arith.constant 7 : i32
    %swap3A_1260 = arith.index_cast %swap3A_1259 : i32 to index
    %swap3A_1261 = arith.constant 80 : index
    %swap3A_1262 = tpu.vector_load %arg13[%swap3A_1260, %swap3A_1261] {strides = array<i32>} : memref<8x128xf32, #tpu.memory_space<vmem>>, vector<1x16xf32>,
    %swap3A_1263 = vector.shape_cast %swap3A_1262 : vector<1x16xf32> to vector<16xf32>
    %swap3A_1264 = vector.shape_cast %add3A_1258 : vector<16xf32> to vector<1x16xf32>
    tpu.vector_store %arg13[%swap3A_1260, %swap3A_1261], %swap3A_1264 {strides = array<i32>} : memref<8x128xf32, #tpu.memory_space<vmem>>, vector<1x16xf32>,
    %get3A_1265 = arith.constant 7 : i32
    %get3A_1266 = arith.index_cast %get3A_1265 : i32 to index
    %get3A_1267 = arith.constant 96 : index
    %get3A_1268 = tpu.vector_load %arg13[%get3A_1266, %get3A_1267] {strides = array<i32>} : memref<8x128xf32, #tpu.memory_space<vmem>>, vector<1x16xf32>,
    %get3A_1269 = vector.shape_cast %get3A_1268 : vector<1x16xf32> to vector<16xf32>
    %get3A_1270 = arith.constant 7 : i32
    %get3A_1271 = arith.index_cast %get3A_1270 : i32 to index
    %get3A_1272 = arith.constant 96 : index
    %get3A_1273 = tpu.vector_load %arg14[%get3A_1271, %get3A_1272] {strides = array<i32>} : memref<8x128xf32, #tpu.memory_space<vmem>>, vector<1x16xf32>,
    %get3A_1274 = vector.shape_cast %get3A_1273 : vector<1x16xf32> to vector<16xf32>
    %add3A_1275 = arith.addf %get3A_1269, %get3A_1274 : vector<16xf32>
    %swap3A_1276 = arith.constant 7 : i32
    %swap3A_1277 = arith.index_cast %swap3A_1276 : i32 to index
    %swap3A_1278 = arith.constant 96 : index
    %swap3A_1279 = tpu.vector_load %arg13[%swap3A_1277, %swap3A_1278] {strides = array<i32>} : memref<8x128xf32, #tpu.memory_space<vmem>>, vector<1x16xf32>,
    %swap3A_1280 = vector.shape_cast %swap3A_1279 : vector<1x16xf32> to vector<16xf32>
    %swap3A_1281 = vector.shape_cast %add3A_1275 : vector<16xf32> to vector<1x16xf32>
    tpu.vector_store %arg13[%swap3A_1277, %swap3A_1278], %swap3A_1281 {strides = array<i32>} : memref<8x128xf32, #tpu.memory_space<vmem>>, vector<1x16xf32>,
    %get3A_1282 = arith.constant 7 : i32
    %get3A_1283 = arith.index_cast %get3A_1282 : i32 to index
    %get3A_1284 = arith.constant 112 : index
    %get3A_1285 = tpu.vector_load %arg13[%get3A_1283, %get3A_1284] {strides = array<i32>} : memref<8x128xf32, #tpu.memory_space<vmem>>, vector<1x16xf32>,
    %get3A_1286 = vector.shape_cast %get3A_1285 : vector<1x16xf32> to vector<16xf32>
    %get3A_1287 = arith.constant 7 : i32
    %get3A_1288 = arith.index_cast %get3A_1287 : i32 to index
    %get3A_1289 = arith.constant 112 : index
    %get3A_1290 = tpu.vector_load %arg14[%get3A_1288, %get3A_1289] {strides = array<i32>} : memref<8x128xf32, #tpu.memory_space<vmem>>, vector<1x16xf32>,
    %get3A_1291 = vector.shape_cast %get3A_1290 : vector<1x16xf32> to vector<16xf32>
    %add3A_1292 = arith.addf %get3A_1286, %get3A_1291 : vector<16xf32>
    %swap3A_1293 = arith.constant 7 : i32
    %swap3A_1294 = arith.index_cast %swap3A_1293 : i32 to index
    %swap3A_1295 = arith.constant 112 : index
    %swap3A_1296 = tpu.vector_load %arg13[%swap3A_1294, %swap3A_1295] {strides = array<i32>} : memref<8x128xf32, #tpu.memory_space<vmem>>, vector<1x16xf32>,
    %swap3A_1297 = vector.shape_cast %swap3A_1296 : vector<1x16xf32> to vector<16xf32>
    %swap3A_1298 = vector.shape_cast %add3A_1292 : vector<16xf32> to vector<1x16xf32>
    tpu.vector_store %arg13[%swap3A_1294, %swap3A_1295], %swap3A_1298 {strides = array<i32>} : memref<8x128xf32, #tpu.memory_space<vmem>>, vector<1x16xf32>,
    "tpu.region"() ({
      %run_scoped3A = tpu.sem_alloc : memref<!tpu.dma_semaphore, #tpu.memory_space<semaphore_mem>>
      %dma_start3A_1313 = arith.constant 0 : i32
      %dma_start3A_1314 = tpu.memref_slice %arg6[%add3A_201, %dma_start3A_1313] : memref<160000x128xf32, #tpu.memory_space<hbm>> -> memref<8x128xf32, #tpu.memory_space<hbm>>
      %dma_start3A_1315 = arith.constant 0 : i32
      %dma_start3A_1316 = tpu.memref_slice %arg6[%add3A_201, %dma_start3A_1315] : memref<160000x128xf32, #tpu.memory_space<hbm>> -> memref<8x128xf32, #tpu.memory_space<hbm>>
      tpu.enqueue_dma source(%arg13 : memref<8x128xf32, #tpu.memory_space<vmem>>) target(%dma_start3A_1316 : memref<8x128xf32, #tpu.memory_space<hbm>>) target_semaphore(%run_scoped3A : memref<!tpu.dma_semaphore, #tpu.memory_space<semaphore_mem>>)
      %dma_wait3A_1317 = arith.constant 0 : i32
      %dma_wait3A_1318 = tpu.memref_slice %arg6[%add3A_201, %dma_wait3A_1317] : memref<160000x128xf32, #tpu.memory_space<hbm>> -> memref<8x128xf32, #tpu.memory_space<hbm>>
      %dma_wait3A_1319 = arith.constant 0 : i32
      %dma_wait3A_1320 = tpu.memref_slice %arg6[%add3A_201, %dma_wait3A_1319] : memref<160000x128xf32, #tpu.memory_space<hbm>> -> memref<8x128xf32, #tpu.memory_space<hbm>>
      tpu.wait_dma2 semaphore(%run_scoped3A : memref<!tpu.dma_semaphore, #tpu.memory_space<semaphore_mem>>) src(%arg13 : memref<8x128xf32, #tpu.memory_space<vmem>>) dst(%dma_wait3A_1320 : memref<8x128xf32, #tpu.memory_space<hbm>>)
      tpu.yield
    }) : () -> ()
    %mul3A_1299 = arith.constant 256 : i32
    %mul3A_1300 = arith.muli %arg1, %mul3A_1299 : i32
    %dma_wait3A_1301 = arith.constant 0 : i32
    %dma_wait3A_1302 = tpu.memref_slice %arg6[%mul3A_2, %dma_wait3A_1301] : memref<160000x128xf32, #tpu.memory_space<hbm>> -> memref<128x128xf32, #tpu.memory_space<hbm>>
    %dma_wait3A_1303 = arith.constant 0 : i32
    %dma_wait3A_1304 = tpu.memref_slice %arg17[%mul3A_1300, %dma_wait3A_1303] : memref<4096x128xf32, #tpu.memory_space<vmem_shared>> -> memref<128x128xf32, #tpu.memory_space<vmem_shared>>
    tpu.wait_dma2 semaphore(%arg22 : memref<!tpu.dma_semaphore, #tpu.memory_space<semaphore_mem>>) src(%dma_wait3A_1304 : memref<128x128xf32, #tpu.memory_space<vmem_shared>>) dst(%dma_wait3A_1302 : memref<128x128xf32, #tpu.memory_space<hbm>>)
    %mul3A_1305 = arith.constant 256 : i32
    %mul3A_1306 = arith.muli %arg1, %mul3A_1305 : i32
    %add3A_1307 = arith.constant 128 : i32
    %add3A_1308 = arith.addi %mul3A_1306, %add3A_1307 : i32
    %dma_wait3A_1309 = arith.constant 0 : i32
    %dma_wait3A_1310 = tpu.memref_slice %arg6[%mul3A_2, %dma_wait3A_1309] : memref<160000x128xf32, #tpu.memory_space<hbm>> -> memref<128x128xf32, #tpu.memory_space<hbm>>
    %dma_wait3A_1311 = arith.constant 0 : i32
    %dma_wait3A_1312 = tpu.memref_slice %arg17[%add3A_1308, %dma_wait3A_1311] : memref<4096x128xf32, #tpu.memory_space<vmem_shared>> -> memref<128x128xf32, #tpu.memory_space<vmem_shared>>
    tpu.wait_dma2 semaphore(%arg23 : memref<!tpu.dma_semaphore, #tpu.memory_space<semaphore_mem>>) src(%dma_wait3A_1312 : memref<128x128xf32, #tpu.memory_space<vmem_shared>>) dst(%dma_wait3A_1310 : memref<128x128xf32, #tpu.memory_space<hbm>>)
    return
  }
}

#map = affine_map<(d0, d1) -> (0, 0)>
#map1 = affine_map<(d0, d1) -> (0)>
module attributes {stable_mosaic.version = 14 : i64} {
  func.func @_sc_scatter(%arg0: i32, %arg1: i32, %arg2: memref<160000x128xf32, #tpu.memory_space<hbm>>, %arg3: memref<160000xi32, #tpu.memory_space<hbm>>, %arg4: memref<20000x128xf32, #tpu.memory_space<hbm>>, %arg5: memref<20000x128xf32, #tpu.memory_space<hbm>>, %arg6: memref<128xi32, #tpu.memory_space<vmem>>, %arg7: memref<128x128xf32, #tpu.memory_space<vmem>>, %arg8: memref<128xi32, #tpu.memory_space<vmem>>, %arg9: memref<128x128xf32, #tpu.memory_space<vmem>>, %arg10: memref<8xi32, #tpu.memory_space<vmem>>, %arg11: memref<8x128xf32, #tpu.memory_space<vmem>>, %arg12: memref<10000x128xf32, #tpu.memory_space<vmem_shared>>, %arg13: memref<!tpu.dma_semaphore, #tpu.memory_space<semaphore_mem>>, %arg14: memref<!tpu.dma_semaphore, #tpu.memory_space<semaphore_mem>>, %arg15: memref<!tpu.dma_semaphore, #tpu.memory_space<semaphore_mem>>, %arg16: memref<!tpu.dma_semaphore, #tpu.memory_space<semaphore_mem>>, %arg17: memref<!tpu.dma_semaphore, #tpu.memory_space<semaphore_mem>>, %arg18: memref<!tpu.dma_semaphore, #tpu.memory_space<semaphore_mem>>) attributes {dimension_semantics = [#tpu.dimension_semantics<core_parallel>, #tpu.dimension_semantics<subcore_parallel>], iteration_bounds = array<i64: 2, 16>, scalar_prefetch = 0 : i64, scratch_operands = 13 : i64, tpu.core_type = #tpu.core_type<sc_vector_subcore>, window_params = [{transform_indices = #map}, {transform_indices = #map1}, {transform_indices = #map}, {transform_indices = #map}]} {
    %mul3A = arith.constant 2 : i32
    %mul3A_0 = arith.muli %arg1, %mul3A : i32
    %add3A = arith.addi %mul3A_0, %arg0 : i32
    %mul3A_1 = arith.constant 5000 : i32
    %mul3A_2 = arith.muli %add3A, %mul3A_1 : i32
    %lt3A = arith.constant 15 : i32
    %lt3A_3 = arith.cmpi slt, %arg1, %lt3A : i32
    %convert_element_type3A = arith.extui %lt3A_3 : i1 to i32
    %cond3A = arith.constant 0 : i32
    %cond3A_4 = arith.cmpi ne, %convert_element_type3A, %cond3A : i32
    scf.if %cond3A_4 {
      %mul3A_68 = arith.constant 10000 : i32
      %mul3A_69 = arith.muli %arg0, %mul3A_68 : i32
      %mul3A_70 = arith.constant 632 : i32
      %mul3A_71 = arith.muli %arg1, %mul3A_70 : i32
      %add3A_72 = arith.addi %mul3A_69, %mul3A_71 : i32
      %mul3A_73 = arith.constant 632 : i32
      %mul3A_74 = arith.muli %arg1, %mul3A_73 : i32
      "tpu.region"() ({
        %run_scoped3A = tpu.sem_alloc : memref<!tpu.dma_semaphore, #tpu.memory_space<semaphore_mem>>
        %dma_start3A_75 = arith.constant 0 : i32
        %dma_start3A_76 = tpu.memref_slice %arg12[%mul3A_74, %dma_start3A_75] : memref<10000x128xf32, #tpu.memory_space<vmem_shared>> -> memref<632x128xf32, #tpu.memory_space<vmem_shared>>
        %dma_start3A_77 = arith.constant 0 : i32
        %dma_start3A_78 = tpu.memref_slice %arg4[%add3A_72, %dma_start3A_77] : memref<20000x128xf32, #tpu.memory_space<hbm>> -> memref<632x128xf32, #tpu.memory_space<hbm>>
        tpu.enqueue_dma source(%dma_start3A_78 : memref<632x128xf32, #tpu.memory_space<hbm>>) target(%dma_start3A_76 : memref<632x128xf32, #tpu.memory_space<vmem_shared>>) target_semaphore(%run_scoped3A : memref<!tpu.dma_semaphore, #tpu.memory_space<semaphore_mem>>)
        %dma_wait3A_79 = arith.constant 0 : i32
        %dma_wait3A_80 = tpu.memref_slice %arg12[%mul3A_74, %dma_wait3A_79] : memref<10000x128xf32, #tpu.memory_space<vmem_shared>> -> memref<632x128xf32, #tpu.memory_space<vmem_shared>>
        %dma_wait3A_81 = arith.constant 0 : i32
        %dma_wait3A_82 = tpu.memref_slice %arg4[%add3A_72, %dma_wait3A_81] : memref<20000x128xf32, #tpu.memory_space<hbm>> -> memref<632x128xf32, #tpu.memory_space<hbm>>
        tpu.wait_dma2 semaphore(%run_scoped3A : memref<!tpu.dma_semaphore, #tpu.memory_space<semaphore_mem>>) src(%dma_wait3A_82 : memref<632x128xf32, #tpu.memory_space<hbm>>) dst(%dma_wait3A_80 : memref<632x128xf32, #tpu.memory_space<vmem_shared>>)
        tpu.yield
      }) : () -> ()
    } else {
    }
    %eq3A = arith.constant 15 : i32
    %eq3A_5 = arith.cmpi eq, %arg1, %eq3A : i32
    %convert_element_type3A_6 = arith.extui %eq3A_5 : i1 to i32
    %cond3A_7 = arith.constant 0 : i32
    %cond3A_8 = arith.cmpi ne, %convert_element_type3A_6, %cond3A_7 : i32
    scf.if %cond3A_8 {
      %mul3A_68 = arith.constant 10000 : i32
      %mul3A_69 = arith.muli %arg0, %mul3A_68 : i32
      %mul3A_70 = arith.constant 632 : i32
      %mul3A_71 = arith.muli %arg1, %mul3A_70 : i32
      %add3A_72 = arith.addi %mul3A_69, %mul3A_71 : i32
      %mul3A_73 = arith.constant 632 : i32
      %mul3A_74 = arith.muli %arg1, %mul3A_73 : i32
      "tpu.region"() ({
        %run_scoped3A = tpu.sem_alloc : memref<!tpu.dma_semaphore, #tpu.memory_space<semaphore_mem>>
        %dma_start3A_75 = arith.constant 0 : i32
        %dma_start3A_76 = tpu.memref_slice %arg12[%mul3A_74, %dma_start3A_75] : memref<10000x128xf32, #tpu.memory_space<vmem_shared>> -> memref<520x128xf32, #tpu.memory_space<vmem_shared>>
        %dma_start3A_77 = arith.constant 0 : i32
        %dma_start3A_78 = tpu.memref_slice %arg4[%add3A_72, %dma_start3A_77] : memref<20000x128xf32, #tpu.memory_space<hbm>> -> memref<520x128xf32, #tpu.memory_space<hbm>>
        tpu.enqueue_dma source(%dma_start3A_78 : memref<520x128xf32, #tpu.memory_space<hbm>>) target(%dma_start3A_76 : memref<520x128xf32, #tpu.memory_space<vmem_shared>>) target_semaphore(%run_scoped3A : memref<!tpu.dma_semaphore, #tpu.memory_space<semaphore_mem>>)
        %dma_wait3A_79 = arith.constant 0 : i32
        %dma_wait3A_80 = tpu.memref_slice %arg12[%mul3A_74, %dma_wait3A_79] : memref<10000x128xf32, #tpu.memory_space<vmem_shared>> -> memref<520x128xf32, #tpu.memory_space<vmem_shared>>
        %dma_wait3A_81 = arith.constant 0 : i32
        %dma_wait3A_82 = tpu.memref_slice %arg4[%add3A_72, %dma_wait3A_81] : memref<20000x128xf32, #tpu.memory_space<hbm>> -> memref<520x128xf32, #tpu.memory_space<hbm>>
        tpu.wait_dma2 semaphore(%run_scoped3A : memref<!tpu.dma_semaphore, #tpu.memory_space<semaphore_mem>>) src(%dma_wait3A_82 : memref<520x128xf32, #tpu.memory_space<hbm>>) dst(%dma_wait3A_80 : memref<520x128xf32, #tpu.memory_space<vmem_shared>>)
        tpu.yield
      }) : () -> ()
    } else {
    }
    %barrier3A = arith.constant 0 : index
    tpu.barrier barrier_id(%barrier3A)
    %add3A_9 = arith.constant 0 : i32
    %add3A_10 = arith.addi %mul3A_2, %add3A_9 : i32
    %dma_start3A = tpu.memref_slice %arg3[%add3A_10] : memref<160000xi32, #tpu.memory_space<hbm>> -> memref<128xi32, #tpu.memory_space<hbm>>
    %dma_start3A_11 = tpu.memref_slice %arg3[%add3A_10] : memref<160000xi32, #tpu.memory_space<hbm>> -> memref<128xi32, #tpu.memory_space<hbm>>
    tpu.enqueue_dma source(%dma_start3A_11 : memref<128xi32, #tpu.memory_space<hbm>>) target(%arg6 : memref<128xi32, #tpu.memory_space<vmem>>) target_semaphore(%arg13 : memref<!tpu.dma_semaphore, #tpu.memory_space<semaphore_mem>>)
    %dma_start3A_12 = arith.constant 0 : i32
    %dma_start3A_13 = tpu.memref_slice %arg2[%add3A_10, %dma_start3A_12] : memref<160000x128xf32, #tpu.memory_space<hbm>> -> memref<128x128xf32, #tpu.memory_space<hbm>>
    %dma_start3A_14 = arith.constant 0 : i32
    %dma_start3A_15 = tpu.memref_slice %arg2[%add3A_10, %dma_start3A_14] : memref<160000x128xf32, #tpu.memory_space<hbm>> -> memref<128x128xf32, #tpu.memory_space<hbm>>
    tpu.enqueue_dma source(%dma_start3A_15 : memref<128x128xf32, #tpu.memory_space<hbm>>) target(%arg7 : memref<128x128xf32, #tpu.memory_space<vmem>>) target_semaphore(%arg14 : memref<!tpu.dma_semaphore, #tpu.memory_space<semaphore_mem>>)
    %scan3A = arith.constant 0 : i32
    %scan3A_16 = arith.constant 0 : i32
    %scan3A_17 = arith.constant 19 : i32
    %scan3A_18 = arith.addi %scan3A_16, %scan3A_17 : i32
    %scan3A_19 = arith.constant 1 : i32
    scf.for %scan3A_68 = %scan3A_16 to %scan3A_18 step %scan3A_19  : i32 {
      %mul3A_69 = arith.constant 2 : i32
      %mul3A_70 = arith.muli %mul3A_69, %scan3A_68 : i32
      %add3A_71 = arith.constant 1 : i32
      %add3A_72 = arith.addi %mul3A_70, %add3A_71 : i32
      %mul3A_73 = arith.constant 128 : i32
      %mul3A_74 = arith.muli %add3A_72, %mul3A_73 : i32
      %add3A_75 = arith.addi %mul3A_2, %mul3A_74 : i32
      %ge3A = arith.constant 2 : i32
      %ge3A_76 = arith.cmpi sge, %add3A_72, %ge3A : i32
      %convert_element_type3A_77 = arith.extui %ge3A_76 : i1 to i32
      %cond3A_78 = arith.constant 0 : i32
      %cond3A_79 = arith.cmpi ne, %convert_element_type3A_77, %cond3A_78 : i32
      scf.if %cond3A_79 {
        %dma_wait3A_134 = arith.constant 0 : i32
        %dma_wait3A_135 = arith.constant 0 : i32
        %dma_wait3A_136 = tpu.memref_slice %arg12[%dma_wait3A_134, %dma_wait3A_135] : memref<10000x128xf32, #tpu.memory_space<vmem_shared>> -> memref<10000x128xf32, #tpu.memory_space<vmem_shared>>
        tpu.wait_indirect_dma semaphore(%arg18 : memref<!tpu.dma_semaphore, #tpu.memory_space<semaphore_mem>>) src(%arg9 : memref<128x128xf32, #tpu.memory_space<vmem>>) dst(%dma_wait3A_136 : memref<10000x128xf32, #tpu.memory_space<vmem_shared>>)
      } else {
      }
      %dma_start3A_80 = tpu.memref_slice %arg3[%add3A_75] : memref<160000xi32, #tpu.memory_space<hbm>> -> memref<128xi32, #tpu.memory_space<hbm>>
      %dma_start3A_81 = tpu.memref_slice %arg3[%add3A_75] : memref<160000xi32, #tpu.memory_space<hbm>> -> memref<128xi32, #tpu.memory_space<hbm>>
      tpu.enqueue_dma source(%dma_start3A_81 : memref<128xi32, #tpu.memory_space<hbm>>) target(%arg8 : memref<128xi32, #tpu.memory_space<vmem>>) target_semaphore(%arg15 : memref<!tpu.dma_semaphore, #tpu.memory_space<semaphore_mem>>)
      %dma_start3A_82 = arith.constant 0 : i32
      %dma_start3A_83 = tpu.memref_slice %arg2[%add3A_75, %dma_start3A_82] : memref<160000x128xf32, #tpu.memory_space<hbm>> -> memref<128x128xf32, #tpu.memory_space<hbm>>
      %dma_start3A_84 = arith.constant 0 : i32
      %dma_start3A_85 = tpu.memref_slice %arg2[%add3A_75, %dma_start3A_84] : memref<160000x128xf32, #tpu.memory_space<hbm>> -> memref<128x128xf32, #tpu.memory_space<hbm>>
      tpu.enqueue_dma source(%dma_start3A_85 : memref<128x128xf32, #tpu.memory_space<hbm>>) target(%arg9 : memref<128x128xf32, #tpu.memory_space<vmem>>) target_semaphore(%arg16 : memref<!tpu.dma_semaphore, #tpu.memory_space<semaphore_mem>>)
      %mul3A_86 = arith.constant 2 : i32
      %mul3A_87 = arith.muli %mul3A_86, %scan3A_68 : i32
      %mul3A_88 = arith.constant 128 : i32
      %mul3A_89 = arith.muli %mul3A_87, %mul3A_88 : i32
      %add3A_90 = arith.addi %mul3A_2, %mul3A_89 : i32
      %dma_wait3A_91 = tpu.memref_slice %arg3[%add3A_90] : memref<160000xi32, #tpu.memory_space<hbm>> -> memref<128xi32, #tpu.memory_space<hbm>>
      %dma_wait3A_92 = tpu.memref_slice %arg3[%add3A_90] : memref<160000xi32, #tpu.memory_space<hbm>> -> memref<128xi32, #tpu.memory_space<hbm>>
      tpu.wait_dma2 semaphore(%arg13 : memref<!tpu.dma_semaphore, #tpu.memory_space<semaphore_mem>>) src(%dma_wait3A_92 : memref<128xi32, #tpu.memory_space<hbm>>) dst(%arg6 : memref<128xi32, #tpu.memory_space<vmem>>)
      %dma_wait3A_93 = arith.constant 0 : i32
      %dma_wait3A_94 = tpu.memref_slice %arg2[%add3A_90, %dma_wait3A_93] : memref<160000x128xf32, #tpu.memory_space<hbm>> -> memref<128x128xf32, #tpu.memory_space<hbm>>
      %dma_wait3A_95 = arith.constant 0 : i32
      %dma_wait3A_96 = tpu.memref_slice %arg2[%add3A_90, %dma_wait3A_95] : memref<160000x128xf32, #tpu.memory_space<hbm>> -> memref<128x128xf32, #tpu.memory_space<hbm>>
      tpu.wait_dma2 semaphore(%arg14 : memref<!tpu.dma_semaphore, #tpu.memory_space<semaphore_mem>>) src(%dma_wait3A_96 : memref<128x128xf32, #tpu.memory_space<hbm>>) dst(%arg7 : memref<128x128xf32, #tpu.memory_space<vmem>>)
      %dma_start3A_97 = arith.constant 0 : i32
      %dma_start3A_98 = arith.constant 0 : i32
      %dma_start3A_99 = tpu.memref_slice %arg12[%dma_start3A_97, %dma_start3A_98] : memref<10000x128xf32, #tpu.memory_space<vmem_shared>> -> memref<10000x128xf32, #tpu.memory_space<vmem_shared>>
      tpu.enqueue_indirect_dma source(%arg7 : memref<128x128xf32, #tpu.memory_space<vmem>>) target(%dma_start3A_99 : memref<10000x128xf32, #tpu.memory_space<vmem_shared>>) offsets(%arg6 : memref<128xi32, #tpu.memory_space<vmem>>) semaphore(%arg17 : memref<!tpu.dma_semaphore, #tpu.memory_space<semaphore_mem>>) {add = true}
      %mul3A_100 = arith.constant 2 : i32
      %mul3A_101 = arith.muli %mul3A_100, %scan3A_68 : i32
      %add3A_102 = arith.constant 2 : i32
      %add3A_103 = arith.addi %mul3A_101, %add3A_102 : i32
      %mul3A_104 = arith.constant 128 : i32
      %mul3A_105 = arith.muli %add3A_103, %mul3A_104 : i32
      %add3A_106 = arith.addi %mul3A_2, %mul3A_105 : i32
      %ge3A_107 = arith.constant 2 : i32
      %ge3A_108 = arith.cmpi sge, %add3A_103, %ge3A_107 : i32
      %convert_element_type3A_109 = arith.extui %ge3A_108 : i1 to i32
      %cond3A_110 = arith.constant 0 : i32
      %cond3A_111 = arith.cmpi ne, %convert_element_type3A_109, %cond3A_110 : i32
      scf.if %cond3A_111 {
        %dma_wait3A_134 = arith.constant 0 : i32
        %dma_wait3A_135 = arith.constant 0 : i32
        %dma_wait3A_136 = tpu.memref_slice %arg12[%dma_wait3A_134, %dma_wait3A_135] : memref<10000x128xf32, #tpu.memory_space<vmem_shared>> -> memref<10000x128xf32, #tpu.memory_space<vmem_shared>>
        tpu.wait_indirect_dma semaphore(%arg17 : memref<!tpu.dma_semaphore, #tpu.memory_space<semaphore_mem>>) src(%arg7 : memref<128x128xf32, #tpu.memory_space<vmem>>) dst(%dma_wait3A_136 : memref<10000x128xf32, #tpu.memory_space<vmem_shared>>)
      } else {
      }
      %dma_start3A_112 = tpu.memref_slice %arg3[%add3A_106] : memref<160000xi32, #tpu.memory_space<hbm>> -> memref<128xi32, #tpu.memory_space<hbm>>
      %dma_start3A_113 = tpu.memref_slice %arg3[%add3A_106] : memref<160000xi32, #tpu.memory_space<hbm>> -> memref<128xi32, #tpu.memory_space<hbm>>
      tpu.enqueue_dma source(%dma_start3A_113 : memref<128xi32, #tpu.memory_space<hbm>>) target(%arg6 : memref<128xi32, #tpu.memory_space<vmem>>) target_semaphore(%arg13 : memref<!tpu.dma_semaphore, #tpu.memory_space<semaphore_mem>>)
      %dma_start3A_114 = arith.constant 0 : i32
      %dma_start3A_115 = tpu.memref_slice %arg2[%add3A_106, %dma_start3A_114] : memref<160000x128xf32, #tpu.memory_space<hbm>> -> memref<128x128xf32, #tpu.memory_space<hbm>>
      %dma_start3A_116 = arith.constant 0 : i32
      %dma_start3A_117 = tpu.memref_slice %arg2[%add3A_106, %dma_start3A_116] : memref<160000x128xf32, #tpu.memory_space<hbm>> -> memref<128x128xf32, #tpu.memory_space<hbm>>
      tpu.enqueue_dma source(%dma_start3A_117 : memref<128x128xf32, #tpu.memory_space<hbm>>) target(%arg7 : memref<128x128xf32, #tpu.memory_space<vmem>>) target_semaphore(%arg14 : memref<!tpu.dma_semaphore, #tpu.memory_space<semaphore_mem>>)
      %mul3A_118 = arith.constant 2 : i32
      %mul3A_119 = arith.muli %mul3A_118, %scan3A_68 : i32
      %add3A_120 = arith.constant 1 : i32
      %add3A_121 = arith.addi %mul3A_119, %add3A_120 : i32
      %mul3A_122 = arith.constant 128 : i32
      %mul3A_123 = arith.muli %add3A_121, %mul3A_122 : i32
      %add3A_124 = arith.addi %mul3A_2, %mul3A_123 : i32
      %dma_wait3A_125 = tpu.memref_slice %arg3[%add3A_124] : memref<160000xi32, #tpu.memory_space<hbm>> -> memref<128xi32, #tpu.memory_space<hbm>>
      %dma_wait3A_126 = tpu.memref_slice %arg3[%add3A_124] : memref<160000xi32, #tpu.memory_space<hbm>> -> memref<128xi32, #tpu.memory_space<hbm>>
      tpu.wait_dma2 semaphore(%arg15 : memref<!tpu.dma_semaphore, #tpu.memory_space<semaphore_mem>>) src(%dma_wait3A_126 : memref<128xi32, #tpu.memory_space<hbm>>) dst(%arg8 : memref<128xi32, #tpu.memory_space<vmem>>)
      %dma_wait3A_127 = arith.constant 0 : i32
      %dma_wait3A_128 = tpu.memref_slice %arg2[%add3A_124, %dma_wait3A_127] : memref<160000x128xf32, #tpu.memory_space<hbm>> -> memref<128x128xf32, #tpu.memory_space<hbm>>
      %dma_wait3A_129 = arith.constant 0 : i32
      %dma_wait3A_130 = tpu.memref_slice %arg2[%add3A_124, %dma_wait3A_129] : memref<160000x128xf32, #tpu.memory_space<hbm>> -> memref<128x128xf32, #tpu.memory_space<hbm>>
      tpu.wait_dma2 semaphore(%arg16 : memref<!tpu.dma_semaphore, #tpu.memory_space<semaphore_mem>>) src(%dma_wait3A_130 : memref<128x128xf32, #tpu.memory_space<hbm>>) dst(%arg9 : memref<128x128xf32, #tpu.memory_space<vmem>>)
      %dma_start3A_131 = arith.constant 0 : i32
      %dma_start3A_132 = arith.constant 0 : i32
      %dma_start3A_133 = tpu.memref_slice %arg12[%dma_start3A_131, %dma_start3A_132] : memref<10000x128xf32, #tpu.memory_space<vmem_shared>> -> memref<10000x128xf32, #tpu.memory_space<vmem_shared>>
      tpu.enqueue_indirect_dma source(%arg9 : memref<128x128xf32, #tpu.memory_space<vmem>>) target(%dma_start3A_133 : memref<10000x128xf32, #tpu.memory_space<vmem_shared>>) offsets(%arg8 : memref<128xi32, #tpu.memory_space<vmem>>) semaphore(%arg18 : memref<!tpu.dma_semaphore, #tpu.memory_space<semaphore_mem>>) {add = true}
    }
    %scan3A_20 = arith.constant 19 : i32
    %add3A_21 = arith.constant 4992 : i32
    %add3A_22 = arith.addi %mul3A_2, %add3A_21 : i32
    %dma_start3A_23 = tpu.memref_slice %arg3[%add3A_22] : memref<160000xi32, #tpu.memory_space<hbm>> -> memref<8xi32, #tpu.memory_space<hbm>>
    %dma_start3A_24 = tpu.memref_slice %arg3[%add3A_22] : memref<160000xi32, #tpu.memory_space<hbm>> -> memref<8xi32, #tpu.memory_space<hbm>>
    tpu.enqueue_dma source(%dma_start3A_24 : memref<8xi32, #tpu.memory_space<hbm>>) target(%arg10 : memref<8xi32, #tpu.memory_space<vmem>>) target_semaphore(%arg15 : memref<!tpu.dma_semaphore, #tpu.memory_space<semaphore_mem>>)
    %add3A_25 = arith.constant 4992 : i32
    %add3A_26 = arith.addi %mul3A_2, %add3A_25 : i32
    %dma_start3A_27 = arith.constant 0 : i32
    %dma_start3A_28 = tpu.memref_slice %arg2[%add3A_26, %dma_start3A_27] : memref<160000x128xf32, #tpu.memory_space<hbm>> -> memref<8x128xf32, #tpu.memory_space<hbm>>
    %dma_start3A_29 = arith.constant 0 : i32
    %dma_start3A_30 = tpu.memref_slice %arg2[%add3A_26, %dma_start3A_29] : memref<160000x128xf32, #tpu.memory_space<hbm>> -> memref<8x128xf32, #tpu.memory_space<hbm>>
    tpu.enqueue_dma source(%dma_start3A_30 : memref<8x128xf32, #tpu.memory_space<hbm>>) target(%arg11 : memref<8x128xf32, #tpu.memory_space<vmem>>) target_semaphore(%arg16 : memref<!tpu.dma_semaphore, #tpu.memory_space<semaphore_mem>>)
    %add3A_31 = arith.constant 4864 : i32
    %add3A_32 = arith.addi %mul3A_2, %add3A_31 : i32
    %dma_wait3A = tpu.memref_slice %arg3[%add3A_32] : memref<160000xi32, #tpu.memory_space<hbm>> -> memref<128xi32, #tpu.memory_space<hbm>>
    %dma_wait3A_33 = tpu.memref_slice %arg3[%add3A_32] : memref<160000xi32, #tpu.memory_space<hbm>> -> memref<128xi32, #tpu.memory_space<hbm>>
    tpu.wait_dma2 semaphore(%arg13 : memref<!tpu.dma_semaphore, #tpu.memory_space<semaphore_mem>>) src(%dma_wait3A_33 : memref<128xi32, #tpu.memory_space<hbm>>) dst(%arg6 : memref<128xi32, #tpu.memory_space<vmem>>)
    %dma_wait3A_34 = arith.constant 0 : i32
    %dma_wait3A_35 = tpu.memref_slice %arg2[%add3A_32, %dma_wait3A_34] : memref<160000x128xf32, #tpu.memory_space<hbm>> -> memref<128x128xf32, #tpu.memory_space<hbm>>
    %dma_wait3A_36 = arith.constant 0 : i32
    %dma_wait3A_37 = tpu.memref_slice %arg2[%add3A_32, %dma_wait3A_36] : memref<160000x128xf32, #tpu.memory_space<hbm>> -> memref<128x128xf32, #tpu.memory_space<hbm>>
    tpu.wait_dma2 semaphore(%arg14 : memref<!tpu.dma_semaphore, #tpu.memory_space<semaphore_mem>>) src(%dma_wait3A_37 : memref<128x128xf32, #tpu.memory_space<hbm>>) dst(%arg7 : memref<128x128xf32, #tpu.memory_space<vmem>>)
    %dma_start3A_38 = arith.constant 0 : i32
    %dma_start3A_39 = arith.constant 0 : i32
    %dma_start3A_40 = tpu.memref_slice %arg12[%dma_start3A_38, %dma_start3A_39] : memref<10000x128xf32, #tpu.memory_space<vmem_shared>> -> memref<10000x128xf32, #tpu.memory_space<vmem_shared>>
    tpu.enqueue_indirect_dma source(%arg7 : memref<128x128xf32, #tpu.memory_space<vmem>>) target(%dma_start3A_40 : memref<10000x128xf32, #tpu.memory_space<vmem_shared>>) offsets(%arg6 : memref<128xi32, #tpu.memory_space<vmem>>) semaphore(%arg17 : memref<!tpu.dma_semaphore, #tpu.memory_space<semaphore_mem>>) {add = true}
    %add3A_41 = arith.constant 4992 : i32
    %add3A_42 = arith.addi %mul3A_2, %add3A_41 : i32
    %dma_wait3A_43 = tpu.memref_slice %arg3[%add3A_42] : memref<160000xi32, #tpu.memory_space<hbm>> -> memref<8xi32, #tpu.memory_space<hbm>>
    %dma_wait3A_44 = tpu.memref_slice %arg3[%add3A_42] : memref<160000xi32, #tpu.memory_space<hbm>> -> memref<8xi32, #tpu.memory_space<hbm>>
    tpu.wait_dma2 semaphore(%arg15 : memref<!tpu.dma_semaphore, #tpu.memory_space<semaphore_mem>>) src(%dma_wait3A_44 : memref<8xi32, #tpu.memory_space<hbm>>) dst(%arg10 : memref<8xi32, #tpu.memory_space<vmem>>)
    %add3A_45 = arith.constant 4992 : i32
    %add3A_46 = arith.addi %mul3A_2, %add3A_45 : i32
    %dma_wait3A_47 = arith.constant 0 : i32
    %dma_wait3A_48 = tpu.memref_slice %arg2[%add3A_46, %dma_wait3A_47] : memref<160000x128xf32, #tpu.memory_space<hbm>> -> memref<8x128xf32, #tpu.memory_space<hbm>>
    %dma_wait3A_49 = arith.constant 0 : i32
    %dma_wait3A_50 = tpu.memref_slice %arg2[%add3A_46, %dma_wait3A_49] : memref<160000x128xf32, #tpu.memory_space<hbm>> -> memref<8x128xf32, #tpu.memory_space<hbm>>
    tpu.wait_dma2 semaphore(%arg16 : memref<!tpu.dma_semaphore, #tpu.memory_space<semaphore_mem>>) src(%dma_wait3A_50 : memref<8x128xf32, #tpu.memory_space<hbm>>) dst(%arg11 : memref<8x128xf32, #tpu.memory_space<vmem>>)
    "tpu.region"() ({
      %run_scoped3A = tpu.sem_alloc : memref<!tpu.dma_semaphore, #tpu.memory_space<semaphore_mem>>
      %dma_start3A_68 = arith.constant 0 : i32
      %dma_start3A_69 = arith.constant 0 : i32
      %dma_start3A_70 = tpu.memref_slice %arg12[%dma_start3A_68, %dma_start3A_69] : memref<10000x128xf32, #tpu.memory_space<vmem_shared>> -> memref<10000x128xf32, #tpu.memory_space<vmem_shared>>
      tpu.enqueue_indirect_dma source(%arg11 : memref<8x128xf32, #tpu.memory_space<vmem>>) target(%dma_start3A_70 : memref<10000x128xf32, #tpu.memory_space<vmem_shared>>) offsets(%arg10 : memref<8xi32, #tpu.memory_space<vmem>>) semaphore(%run_scoped3A : memref<!tpu.dma_semaphore, #tpu.memory_space<semaphore_mem>>) {add = true}
      %dma_wait3A_71 = arith.constant 0 : i32
      %dma_wait3A_72 = arith.constant 0 : i32
      %dma_wait3A_73 = tpu.memref_slice %arg12[%dma_wait3A_71, %dma_wait3A_72] : memref<10000x128xf32, #tpu.memory_space<vmem_shared>> -> memref<10000x128xf32, #tpu.memory_space<vmem_shared>>
      tpu.wait_indirect_dma semaphore(%run_scoped3A : memref<!tpu.dma_semaphore, #tpu.memory_space<semaphore_mem>>) src(%arg11 : memref<8x128xf32, #tpu.memory_space<vmem>>) dst(%dma_wait3A_73 : memref<10000x128xf32, #tpu.memory_space<vmem_shared>>)
      tpu.yield
    }) : () -> ()
    %dma_wait3A_51 = arith.constant 0 : i32
    %dma_wait3A_52 = arith.constant 0 : i32
    %dma_wait3A_53 = tpu.memref_slice %arg12[%dma_wait3A_51, %dma_wait3A_52] : memref<10000x128xf32, #tpu.memory_space<vmem_shared>> -> memref<10000x128xf32, #tpu.memory_space<vmem_shared>>
    tpu.wait_indirect_dma semaphore(%arg17 : memref<!tpu.dma_semaphore, #tpu.memory_space<semaphore_mem>>) src(%arg7 : memref<128x128xf32, #tpu.memory_space<vmem>>) dst(%dma_wait3A_53 : memref<10000x128xf32, #tpu.memory_space<vmem_shared>>)
    %dma_wait3A_54 = arith.constant 0 : i32
    %dma_wait3A_55 = arith.constant 0 : i32
    %dma_wait3A_56 = tpu.memref_slice %arg12[%dma_wait3A_54, %dma_wait3A_55] : memref<10000x128xf32, #tpu.memory_space<vmem_shared>> -> memref<10000x128xf32, #tpu.memory_space<vmem_shared>>
    tpu.wait_indirect_dma semaphore(%arg18 : memref<!tpu.dma_semaphore, #tpu.memory_space<semaphore_mem>>) src(%arg9 : memref<128x128xf32, #tpu.memory_space<vmem>>) dst(%dma_wait3A_56 : memref<10000x128xf32, #tpu.memory_space<vmem_shared>>)
    %barrier3A_57 = arith.constant 0 : index
    tpu.barrier barrier_id(%barrier3A_57)
    %lt3A_58 = arith.constant 15 : i32
    %lt3A_59 = arith.cmpi slt, %arg1, %lt3A_58 : i32
    %convert_element_type3A_60 = arith.extui %lt3A_59 : i1 to i32
    %cond3A_61 = arith.constant 0 : i32
    %cond3A_62 = arith.cmpi ne, %convert_element_type3A_60, %cond3A_61 : i32
    scf.if %cond3A_62 {
      %mul3A_68 = arith.constant 632 : i32
      %mul3A_69 = arith.muli %arg1, %mul3A_68 : i32
      %mul3A_70 = arith.constant 10000 : i32
      %mul3A_71 = arith.muli %arg0, %mul3A_70 : i32
      %mul3A_72 = arith.constant 632 : i32
      %mul3A_73 = arith.muli %arg1, %mul3A_72 : i32
      %add3A_74 = arith.addi %mul3A_71, %mul3A_73 : i32
      "tpu.region"() ({
        %run_scoped3A = tpu.sem_alloc : memref<!tpu.dma_semaphore, #tpu.memory_space<semaphore_mem>>
        %dma_start3A_75 = arith.constant 0 : i32
        %dma_start3A_76 = tpu.memref_slice %arg5[%add3A_74, %dma_start3A_75] : memref<20000x128xf32, #tpu.memory_space<hbm>> -> memref<632x128xf32, #tpu.memory_space<hbm>>
        %dma_start3A_77 = arith.constant 0 : i32
        %dma_start3A_78 = tpu.memref_slice %arg12[%mul3A_69, %dma_start3A_77] : memref<10000x128xf32, #tpu.memory_space<vmem_shared>> -> memref<632x128xf32, #tpu.memory_space<vmem_shared>>
        tpu.enqueue_dma source(%dma_start3A_78 : memref<632x128xf32, #tpu.memory_space<vmem_shared>>) target(%dma_start3A_76 : memref<632x128xf32, #tpu.memory_space<hbm>>) target_semaphore(%run_scoped3A : memref<!tpu.dma_semaphore, #tpu.memory_space<semaphore_mem>>)
        %dma_wait3A_79 = arith.constant 0 : i32
        %dma_wait3A_80 = tpu.memref_slice %arg5[%add3A_74, %dma_wait3A_79] : memref<20000x128xf32, #tpu.memory_space<hbm>> -> memref<632x128xf32, #tpu.memory_space<hbm>>
        %dma_wait3A_81 = arith.constant 0 : i32
        %dma_wait3A_82 = tpu.memref_slice %arg12[%mul3A_69, %dma_wait3A_81] : memref<10000x128xf32, #tpu.memory_space<vmem_shared>> -> memref<632x128xf32, #tpu.memory_space<vmem_shared>>
        tpu.wait_dma2 semaphore(%run_scoped3A : memref<!tpu.dma_semaphore, #tpu.memory_space<semaphore_mem>>) src(%dma_wait3A_82 : memref<632x128xf32, #tpu.memory_space<vmem_shared>>) dst(%dma_wait3A_80 : memref<632x128xf32, #tpu.memory_space<hbm>>)
        tpu.yield
      }) : () -> ()
    } else {
    }
    %eq3A_63 = arith.constant 15 : i32
    %eq3A_64 = arith.cmpi eq, %arg1, %eq3A_63 : i32
    %convert_element_type3A_65 = arith.extui %eq3A_64 : i1 to i32
    %cond3A_66 = arith.constant 0 : i32
    %cond3A_67 = arith.cmpi ne, %convert_element_type3A_65, %cond3A_66 : i32
    scf.if %cond3A_67 {
      %mul3A_68 = arith.constant 632 : i32
      %mul3A_69 = arith.muli %arg1, %mul3A_68 : i32
      %mul3A_70 = arith.constant 10000 : i32
      %mul3A_71 = arith.muli %arg0, %mul3A_70 : i32
      %mul3A_72 = arith.constant 632 : i32
      %mul3A_73 = arith.muli %arg1, %mul3A_72 : i32
      %add3A_74 = arith.addi %mul3A_71, %mul3A_73 : i32
      "tpu.region"() ({
        %run_scoped3A = tpu.sem_alloc : memref<!tpu.dma_semaphore, #tpu.memory_space<semaphore_mem>>
        %dma_start3A_75 = arith.constant 0 : i32
        %dma_start3A_76 = tpu.memref_slice %arg5[%add3A_74, %dma_start3A_75] : memref<20000x128xf32, #tpu.memory_space<hbm>> -> memref<520x128xf32, #tpu.memory_space<hbm>>
        %dma_start3A_77 = arith.constant 0 : i32
        %dma_start3A_78 = tpu.memref_slice %arg12[%mul3A_69, %dma_start3A_77] : memref<10000x128xf32, #tpu.memory_space<vmem_shared>> -> memref<520x128xf32, #tpu.memory_space<vmem_shared>>
        tpu.enqueue_dma source(%dma_start3A_78 : memref<520x128xf32, #tpu.memory_space<vmem_shared>>) target(%dma_start3A_76 : memref<520x128xf32, #tpu.memory_space<hbm>>) target_semaphore(%run_scoped3A : memref<!tpu.dma_semaphore, #tpu.memory_space<semaphore_mem>>)
        %dma_wait3A_79 = arith.constant 0 : i32
        %dma_wait3A_80 = tpu.memref_slice %arg5[%add3A_74, %dma_wait3A_79] : memref<20000x128xf32, #tpu.memory_space<hbm>> -> memref<520x128xf32, #tpu.memory_space<hbm>>
        %dma_wait3A_81 = arith.constant 0 : i32
        %dma_wait3A_82 = tpu.memref_slice %arg12[%mul3A_69, %dma_wait3A_81] : memref<10000x128xf32, #tpu.memory_space<vmem_shared>> -> memref<520x128xf32, #tpu.memory_space<vmem_shared>>
        tpu.wait_dma2 semaphore(%run_scoped3A : memref<!tpu.dma_semaphore, #tpu.memory_space<semaphore_mem>>) src(%dma_wait3A_82 : memref<520x128xf32, #tpu.memory_space<vmem_shared>>) dst(%dma_wait3A_80 : memref<520x128xf32, #tpu.memory_space<hbm>>)
        tpu.yield
      }) : () -> ()
    } else {
    }
    return
  }
}

#map = affine_map<(d0, d1) -> (0, 0)>
#map1 = affine_map<(d0, d1) -> (0)>
module attributes {stable_mosaic.version = 14 : i64} {
  func.func @_sc_gather_add(%arg0: i32, %arg1: i32, %arg2: memref<10000x128xf32, #tpu.memory_space<hbm>>, %arg3: memref<10000x128xf32, #tpu.memory_space<hbm>>, %arg4: memref<160000xi32, #tpu.memory_space<hbm>>, %arg5: memref<160000xi32, #tpu.memory_space<hbm>>, %arg6: memref<160000x128xf32, #tpu.memory_space<hbm>>, %arg7: memref<5000xi32, #tpu.memory_space<vmem>>, %arg8: memref<5000xi32, #tpu.memory_space<vmem>>, %arg9: memref<128x128xf32, #tpu.memory_space<vmem>>, %arg10: memref<128x128xf32, #tpu.memory_space<vmem>>, %arg11: memref<128x128xf32, #tpu.memory_space<vmem>>, %arg12: memref<128x128xf32, #tpu.memory_space<vmem>>, %arg13: memref<8x128xf32, #tpu.memory_space<vmem>>, %arg14: memref<8x128xf32, #tpu.memory_space<vmem>>, %arg15: memref<128xi32, #tpu.memory_space<vmem>>, %arg16: memref<128xi32, #tpu.memory_space<vmem>>, %arg17: memref<4096x128xf32, #tpu.memory_space<vmem_shared>>, %arg18: memref<!tpu.dma_semaphore, #tpu.memory_space<semaphore_mem>>, %arg19: memref<!tpu.dma_semaphore, #tpu.memory_space<semaphore_mem>>, %arg20: memref<!tpu.dma_semaphore, #tpu.memory_space<semaphore_mem>>, %arg21: memref<!tpu.dma_semaphore, #tpu.memory_space<semaphore_mem>>, %arg22: memref<!tpu.dma_semaphore, #tpu.memory_space<semaphore_mem>>, %arg23: memref<!tpu.dma_semaphore, #tpu.memory_space<semaphore_mem>>) attributes {dimension_semantics = [#tpu.dimension_semantics<core_parallel>, #tpu.dimension_semantics<subcore_parallel>], iteration_bounds = array<i64: 2, 16>, scalar_prefetch = 0 : i64, scratch_operands = 17 : i64, tpu.core_type = #tpu.core_type<sc_vector_subcore>, window_params = [{transform_indices = #map}, {transform_indices = #map}, {transform_indices = #map1}, {transform_indices = #map1}, {transform_indices = #map}]} {
    %mul3A = arith.constant 2 : i32
    %mul3A_0 = arith.muli %arg1, %mul3A : i32
    %add3A = arith.addi %mul3A_0, %arg0 : i32
    %mul3A_1 = arith.constant 5000 : i32
    %mul3A_2 = arith.muli %add3A, %mul3A_1 : i32
    "tpu.region"() ({
      %run_scoped3A = tpu.sem_alloc : memref<!tpu.dma_semaphore, #tpu.memory_space<semaphore_mem>>
      %dma_start3A_1313 = tpu.memref_slice %arg4[%mul3A_2] : memref<160000xi32, #tpu.memory_space<hbm>> -> memref<5000xi32, #tpu.memory_space<hbm>>
      %dma_start3A_1314 = tpu.memref_slice %arg4[%mul3A_2] : memref<160000xi32, #tpu.memory_space<hbm>> -> memref<5000xi32, #tpu.memory_space<hbm>>
      tpu.enqueue_dma source(%dma_start3A_1314 : memref<5000xi32, #tpu.memory_space<hbm>>) target(%arg7 : memref<5000xi32, #tpu.memory_space<vmem>>) target_semaphore(%run_scoped3A : memref<!tpu.dma_semaphore, #tpu.memory_space<semaphore_mem>>)
      %dma_wait3A_1315 = tpu.memref_slice %arg4[%mul3A_2] : memref<160000xi32, #tpu.memory_space<hbm>> -> memref<5000xi32, #tpu.memory_space<hbm>>
      %dma_wait3A_1316 = tpu.memref_slice %arg4[%mul3A_2] : memref<160000xi32, #tpu.memory_space<hbm>> -> memref<5000xi32, #tpu.memory_space<hbm>>
      tpu.wait_dma2 semaphore(%run_scoped3A : memref<!tpu.dma_semaphore, #tpu.memory_space<semaphore_mem>>) src(%dma_wait3A_1316 : memref<5000xi32, #tpu.memory_space<hbm>>) dst(%arg7 : memref<5000xi32, #tpu.memory_space<vmem>>)
      tpu.yield
    }) : () -> ()
    "tpu.region"() ({
      %run_scoped3A = tpu.sem_alloc : memref<!tpu.dma_semaphore, #tpu.memory_space<semaphore_mem>>
      %dma_start3A_1313 = tpu.memref_slice %arg5[%mul3A_2] : memref<160000xi32, #tpu.memory_space<hbm>> -> memref<5000xi32, #tpu.memory_space<hbm>>
      %dma_start3A_1314 = tpu.memref_slice %arg5[%mul3A_2] : memref<160000xi32, #tpu.memory_space<hbm>> -> memref<5000xi32, #tpu.memory_space<hbm>>
      tpu.enqueue_dma source(%dma_start3A_1314 : memref<5000xi32, #tpu.memory_space<hbm>>) target(%arg8 : memref<5000xi32, #tpu.memory_space<vmem>>) target_semaphore(%run_scoped3A : memref<!tpu.dma_semaphore, #tpu.memory_space<semaphore_mem>>)
      %dma_wait3A_1315 = tpu.memref_slice %arg5[%mul3A_2] : memref<160000xi32, #tpu.memory_space<hbm>> -> memref<5000xi32, #tpu.memory_space<hbm>>
      %dma_wait3A_1316 = tpu.memref_slice %arg5[%mul3A_2] : memref<160000xi32, #tpu.memory_space<hbm>> -> memref<5000xi32, #tpu.memory_space<hbm>>
      tpu.wait_dma2 semaphore(%run_scoped3A : memref<!tpu.dma_semaphore, #tpu.memory_space<semaphore_mem>>) src(%dma_wait3A_1316 : memref<5000xi32, #tpu.memory_space<hbm>>) dst(%arg8 : memref<5000xi32, #tpu.memory_space<vmem>>)
      tpu.yield
    }) : () -> ()
    %iota3A = tpu.iota {dimensions = array<i32: 0>} : vector<16xi32>
    %add3A_3 = arith.constant 0 : i32
    %add3A_4 = vector.broadcast %add3A_3 : i32 to vector<16xi32>
    %add3A_5 = arith.addi %iota3A, %add3A_4 : vector<16xi32>
    %mul3A_6 = arith.constant 256 : i32
    %mul3A_7 = arith.muli %arg1, %mul3A_6 : i32
    %add3A_8 = vector.broadcast %mul3A_7 : i32 to vector<16xi32>
    %add3A_9 = arith.addi %add3A_5, %add3A_8 : vector<16xi32>
    %swap3A = arith.constant 0 : index
    %swap3A_10 = tpu.vector_load %arg15[%swap3A] {strides = array<i32>} : memref<128xi32, #tpu.memory_space<vmem>>, vector<16xi32>,
    %swap3A_11 = vector.shape_cast %swap3A_10 : vector<16xi32> to vector<16xi32>
    %swap3A_12 = vector.shape_cast %add3A_9 : vector<16xi32> to vector<16xi32>
    tpu.vector_store %arg15[%swap3A], %swap3A_12 {strides = array<i32>} : memref<128xi32, #tpu.memory_space<vmem>>, vector<16xi32>,
    %add3A_13 = arith.constant 128 : i32
    %add3A_14 = vector.broadcast %add3A_13 : i32 to vector<16xi32>
    %add3A_15 = arith.addi %add3A_9, %add3A_14 : vector<16xi32>
    %swap3A_16 = arith.constant 0 : index
    %swap3A_17 = tpu.vector_load %arg16[%swap3A_16] {strides = array<i32>} : memref<128xi32, #tpu.memory_space<vmem>>, vector<16xi32>,
    %swap3A_18 = vector.shape_cast %swap3A_17 : vector<16xi32> to vector<16xi32>
    %swap3A_19 = vector.shape_cast %add3A_15 : vector<16xi32> to vector<16xi32>
    tpu.vector_store %arg16[%swap3A_16], %swap3A_19 {strides = array<i32>} : memref<128xi32, #tpu.memory_space<vmem>>, vector<16xi32>,
    %iota3A_20 = tpu.iota {dimensions = array<i32: 0>} : vector<16xi32>
    %add3A_21 = arith.constant 16 : i32
    %add3A_22 = vector.broadcast %add3A_21 : i32 to vector<16xi32>
    %add3A_23 = arith.addi %iota3A_20, %add3A_22 : vector<16xi32>
    %mul3A_24 = arith.constant 256 : i32
    %mul3A_25 = arith.muli %arg1, %mul3A_24 : i32
    %add3A_26 = vector.broadcast %mul3A_25 : i32 to vector<16xi32>
    %add3A_27 = arith.addi %add3A_23, %add3A_26 : vector<16xi32>
    %swap3A_28 = arith.constant 16 : index
    %swap3A_29 = tpu.vector_load %arg15[%swap3A_28] {strides = array<i32>} : memref<128xi32, #tpu.memory_space<vmem>>, vector<16xi32>,
    %swap3A_30 = vector.shape_cast %swap3A_29 : vector<16xi32> to vector<16xi32>
    %swap3A_31 = vector.shape_cast %add3A_27 : vector<16xi32> to vector<16xi32>
    tpu.vector_store %arg15[%swap3A_28], %swap3A_31 {strides = array<i32>} : memref<128xi32, #tpu.memory_space<vmem>>, vector<16xi32>,
    %add3A_32 = arith.constant 128 : i32
    %add3A_33 = vector.broadcast %add3A_32 : i32 to vector<16xi32>
    %add3A_34 = arith.addi %add3A_27, %add3A_33 : vector<16xi32>
    %swap3A_35 = arith.constant 16 : index
    %swap3A_36 = tpu.vector_load %arg16[%swap3A_35] {strides = array<i32>} : memref<128xi32, #tpu.memory_space<vmem>>, vector<16xi32>,
    %swap3A_37 = vector.shape_cast %swap3A_36 : vector<16xi32> to vector<16xi32>
    %swap3A_38 = vector.shape_cast %add3A_34 : vector<16xi32> to vector<16xi32>
    tpu.vector_store %arg16[%swap3A_35], %swap3A_38 {strides = array<i32>} : memref<128xi32, #tpu.memory_space<vmem>>, vector<16xi32>,
    %iota3A_39 = tpu.iota {dimensions = array<i32: 0>} : vector<16xi32>
    %add3A_40 = arith.constant 32 : i32
    %add3A_41 = vector.broadcast %add3A_40 : i32 to vector<16xi32>
    %add3A_42 = arith.addi %iota3A_39, %add3A_41 : vector<16xi32>
    %mul3A_43 = arith.constant 256 : i32
    %mul3A_44 = arith.muli %arg1, %mul3A_43 : i32
    %add3A_45 = vector.broadcast %mul3A_44 : i32 to vector<16xi32>
    %add3A_46 = arith.addi %add3A_42, %add3A_45 : vector<16xi32>
    %swap3A_47 = arith.constant 32 : index
    %swap3A_48 = tpu.vector_load %arg15[%swap3A_47] {strides = array<i32>} : memref<128xi32, #tpu.memory_space<vmem>>, vector<16xi32>,
    %swap3A_49 = vector.shape_cast %swap3A_48 : vector<16xi32> to vector<16xi32>
    %swap3A_50 = vector.shape_cast %add3A_46 : vector<16xi32> to vector<16xi32>
    tpu.vector_store %arg15[%swap3A_47], %swap3A_50 {strides = array<i32>} : memref<128xi32, #tpu.memory_space<vmem>>, vector<16xi32>,
    %add3A_51 = arith.constant 128 : i32
    %add3A_52 = vector.broadcast %add3A_51 : i32 to vector<16xi32>
    %add3A_53 = arith.addi %add3A_46, %add3A_52 : vector<16xi32>
    %swap3A_54 = arith.constant 32 : index
    %swap3A_55 = tpu.vector_load %arg16[%swap3A_54] {strides = array<i32>} : memref<128xi32, #tpu.memory_space<vmem>>, vector<16xi32>,
    %swap3A_56 = vector.shape_cast %swap3A_55 : vector<16xi32> to vector<16xi32>
    %swap3A_57 = vector.shape_cast %add3A_53 : vector<16xi32> to vector<16xi32>
    tpu.vector_store %arg16[%swap3A_54], %swap3A_57 {strides = array<i32>} : memref<128xi32, #tpu.memory_space<vmem>>, vector<16xi32>,
    %iota3A_58 = tpu.iota {dimensions = array<i32: 0>} : vector<16xi32>
    %add3A_59 = arith.constant 48 : i32
    %add3A_60 = vector.broadcast %add3A_59 : i32 to vector<16xi32>
    %add3A_61 = arith.addi %iota3A_58, %add3A_60 : vector<16xi32>
    %mul3A_62 = arith.constant 256 : i32
    %mul3A_63 = arith.muli %arg1, %mul3A_62 : i32
    %add3A_64 = vector.broadcast %mul3A_63 : i32 to vector<16xi32>
    %add3A_65 = arith.addi %add3A_61, %add3A_64 : vector<16xi32>
    %swap3A_66 = arith.constant 48 : index
    %swap3A_67 = tpu.vector_load %arg15[%swap3A_66] {strides = array<i32>} : memref<128xi32, #tpu.memory_space<vmem>>, vector<16xi32>,
    %swap3A_68 = vector.shape_cast %swap3A_67 : vector<16xi32> to vector<16xi32>
    %swap3A_69 = vector.shape_cast %add3A_65 : vector<16xi32> to vector<16xi32>
    tpu.vector_store %arg15[%swap3A_66], %swap3A_69 {strides = array<i32>} : memref<128xi32, #tpu.memory_space<vmem>>, vector<16xi32>,
    %add3A_70 = arith.constant 128 : i32
    %add3A_71 = vector.broadcast %add3A_70 : i32 to vector<16xi32>
    %add3A_72 = arith.addi %add3A_65, %add3A_71 : vector<16xi32>
    %swap3A_73 = arith.constant 48 : index
    %swap3A_74 = tpu.vector_load %arg16[%swap3A_73] {strides = array<i32>} : memref<128xi32, #tpu.memory_space<vmem>>, vector<16xi32>,
    %swap3A_75 = vector.shape_cast %swap3A_74 : vector<16xi32> to vector<16xi32>
    %swap3A_76 = vector.shape_cast %add3A_72 : vector<16xi32> to vector<16xi32>
    tpu.vector_store %arg16[%swap3A_73], %swap3A_76 {strides = array<i32>} : memref<128xi32, #tpu.memory_space<vmem>>, vector<16xi32>,
    %iota3A_77 = tpu.iota {dimensions = array<i32: 0>} : vector<16xi32>
    %add3A_78 = arith.constant 64 : i32
    %add3A_79 = vector.broadcast %add3A_78 : i32 to vector<16xi32>
    %add3A_80 = arith.addi %iota3A_77, %add3A_79 : vector<16xi32>
    %mul3A_81 = arith.constant 256 : i32
    %mul3A_82 = arith.muli %arg1, %mul3A_81 : i32
    %add3A_83 = vector.broadcast %mul3A_82 : i32 to vector<16xi32>
    %add3A_84 = arith.addi %add3A_80, %add3A_83 : vector<16xi32>
    %swap3A_85 = arith.constant 64 : index
    %swap3A_86 = tpu.vector_load %arg15[%swap3A_85] {strides = array<i32>} : memref<128xi32, #tpu.memory_space<vmem>>, vector<16xi32>,
    %swap3A_87 = vector.shape_cast %swap3A_86 : vector<16xi32> to vector<16xi32>
    %swap3A_88 = vector.shape_cast %add3A_84 : vector<16xi32> to vector<16xi32>
    tpu.vector_store %arg15[%swap3A_85], %swap3A_88 {strides = array<i32>} : memref<128xi32, #tpu.memory_space<vmem>>, vector<16xi32>,
    %add3A_89 = arith.constant 128 : i32
    %add3A_90 = vector.broadcast %add3A_89 : i32 to vector<16xi32>
    %add3A_91 = arith.addi %add3A_84, %add3A_90 : vector<16xi32>
    %swap3A_92 = arith.constant 64 : index
    %swap3A_93 = tpu.vector_load %arg16[%swap3A_92] {strides = array<i32>} : memref<128xi32, #tpu.memory_space<vmem>>, vector<16xi32>,
    %swap3A_94 = vector.shape_cast %swap3A_93 : vector<16xi32> to vector<16xi32>
    %swap3A_95 = vector.shape_cast %add3A_91 : vector<16xi32> to vector<16xi32>
    tpu.vector_store %arg16[%swap3A_92], %swap3A_95 {strides = array<i32>} : memref<128xi32, #tpu.memory_space<vmem>>, vector<16xi32>,
    %iota3A_96 = tpu.iota {dimensions = array<i32: 0>} : vector<16xi32>
    %add3A_97 = arith.constant 80 : i32
    %add3A_98 = vector.broadcast %add3A_97 : i32 to vector<16xi32>
    %add3A_99 = arith.addi %iota3A_96, %add3A_98 : vector<16xi32>
    %mul3A_100 = arith.constant 256 : i32
    %mul3A_101 = arith.muli %arg1, %mul3A_100 : i32
    %add3A_102 = vector.broadcast %mul3A_101 : i32 to vector<16xi32>
    %add3A_103 = arith.addi %add3A_99, %add3A_102 : vector<16xi32>
    %swap3A_104 = arith.constant 80 : index
    %swap3A_105 = tpu.vector_load %arg15[%swap3A_104] {strides = array<i32>} : memref<128xi32, #tpu.memory_space<vmem>>, vector<16xi32>,
    %swap3A_106 = vector.shape_cast %swap3A_105 : vector<16xi32> to vector<16xi32>
    %swap3A_107 = vector.shape_cast %add3A_103 : vector<16xi32> to vector<16xi32>
    tpu.vector_store %arg15[%swap3A_104], %swap3A_107 {strides = array<i32>} : memref<128xi32, #tpu.memory_space<vmem>>, vector<16xi32>,
    %add3A_108 = arith.constant 128 : i32
    %add3A_109 = vector.broadcast %add3A_108 : i32 to vector<16xi32>
    %add3A_110 = arith.addi %add3A_103, %add3A_109 : vector<16xi32>
    %swap3A_111 = arith.constant 80 : index
    %swap3A_112 = tpu.vector_load %arg16[%swap3A_111] {strides = array<i32>} : memref<128xi32, #tpu.memory_space<vmem>>, vector<16xi32>,
    %swap3A_113 = vector.shape_cast %swap3A_112 : vector<16xi32> to vector<16xi32>
    %swap3A_114 = vector.shape_cast %add3A_110 : vector<16xi32> to vector<16xi32>
    tpu.vector_store %arg16[%swap3A_111], %swap3A_114 {strides = array<i32>} : memref<128xi32, #tpu.memory_space<vmem>>, vector<16xi32>,
    %iota3A_115 = tpu.iota {dimensions = array<i32: 0>} : vector<16xi32>
    %add3A_116 = arith.constant 96 : i32
    %add3A_117 = vector.broadcast %add3A_116 : i32 to vector<16xi32>
    %add3A_118 = arith.addi %iota3A_115, %add3A_117 : vector<16xi32>
    %mul3A_119 = arith.constant 256 : i32
    %mul3A_120 = arith.muli %arg1, %mul3A_119 : i32
    %add3A_121 = vector.broadcast %mul3A_120 : i32 to vector<16xi32>
    %add3A_122 = arith.addi %add3A_118, %add3A_121 : vector<16xi32>
    %swap3A_123 = arith.constant 96 : index
    %swap3A_124 = tpu.vector_load %arg15[%swap3A_123] {strides = array<i32>} : memref<128xi32, #tpu.memory_space<vmem>>, vector<16xi32>,
    %swap3A_125 = vector.shape_cast %swap3A_124 : vector<16xi32> to vector<16xi32>
    %swap3A_126 = vector.shape_cast %add3A_122 : vector<16xi32> to vector<16xi32>
    tpu.vector_store %arg15[%swap3A_123], %swap3A_126 {strides = array<i32>} : memref<128xi32, #tpu.memory_space<vmem>>, vector<16xi32>,
    %add3A_127 = arith.constant 128 : i32
    %add3A_128 = vector.broadcast %add3A_127 : i32 to vector<16xi32>
    %add3A_129 = arith.addi %add3A_122, %add3A_128 : vector<16xi32>
    %swap3A_130 = arith.constant 96 : index
    %swap3A_131 = tpu.vector_load %arg16[%swap3A_130] {strides = array<i32>} : memref<128xi32, #tpu.memory_space<vmem>>, vector<16xi32>,
    %swap3A_132 = vector.shape_cast %swap3A_131 : vector<16xi32> to vector<16xi32>
    %swap3A_133 = vector.shape_cast %add3A_129 : vector<16xi32> to vector<16xi32>
    tpu.vector_store %arg16[%swap3A_130], %swap3A_133 {strides = array<i32>} : memref<128xi32, #tpu.memory_space<vmem>>, vector<16xi32>,
    %iota3A_134 = tpu.iota {dimensions = array<i32: 0>} : vector<16xi32>
    %add3A_135 = arith.constant 112 : i32
    %add3A_136 = vector.broadcast %add3A_135 : i32 to vector<16xi32>
    %add3A_137 = arith.addi %iota3A_134, %add3A_136 : vector<16xi32>
    %mul3A_138 = arith.constant 256 : i32
    %mul3A_139 = arith.muli %arg1, %mul3A_138 : i32
    %add3A_140 = vector.broadcast %mul3A_139 : i32 to vector<16xi32>
    %add3A_141 = arith.addi %add3A_137, %add3A_140 : vector<16xi32>
    %swap3A_142 = arith.constant 112 : index
    %swap3A_143 = tpu.vector_load %arg15[%swap3A_142] {strides = array<i32>} : memref<128xi32, #tpu.memory_space<vmem>>, vector<16xi32>,
    %swap3A_144 = vector.shape_cast %swap3A_143 : vector<16xi32> to vector<16xi32>
    %swap3A_145 = vector.shape_cast %add3A_141 : vector<16xi32> to vector<16xi32>
    tpu.vector_store %arg15[%swap3A_142], %swap3A_145 {strides = array<i32>} : memref<128xi32, #tpu.memory_space<vmem>>, vector<16xi32>,
    %add3A_146 = arith.constant 128 : i32
    %add3A_147 = vector.broadcast %add3A_146 : i32 to vector<16xi32>
    %add3A_148 = arith.addi %add3A_141, %add3A_147 : vector<16xi32>
    %swap3A_149 = arith.constant 112 : index
    %swap3A_150 = tpu.vector_load %arg16[%swap3A_149] {strides = array<i32>} : memref<128xi32, #tpu.memory_space<vmem>>, vector<16xi32>,
    %swap3A_151 = vector.shape_cast %swap3A_150 : vector<16xi32> to vector<16xi32>
    %swap3A_152 = vector.shape_cast %add3A_148 : vector<16xi32> to vector<16xi32>
    tpu.vector_store %arg16[%swap3A_149], %swap3A_152 {strides = array<i32>} : memref<128xi32, #tpu.memory_space<vmem>>, vector<16xi32>,
    %dma_start3A = arith.constant 0 : i32
    %dma_start3A_153 = tpu.memref_slice %arg7[%dma_start3A] : memref<5000xi32, #tpu.memory_space<vmem>> -> memref<128xi32, #tpu.memory_space<vmem>>
    %dma_start3A_154 = arith.constant 0 : i32
    %dma_start3A_155 = arith.constant 0 : i32
    %dma_start3A_156 = tpu.memref_slice %arg2[%dma_start3A_154, %dma_start3A_155] : memref<10000x128xf32, #tpu.memory_space<hbm>> -> memref<10000x128xf32, #tpu.memory_space<hbm>>
    tpu.enqueue_indirect_dma source(%dma_start3A_156 : memref<10000x128xf32, #tpu.memory_space<hbm>>) target(%arg9 : memref<128x128xf32, #tpu.memory_space<vmem>>) offsets(%dma_start3A_153 : memref<128xi32, #tpu.memory_space<vmem>>) semaphore(%arg18 : memref<!tpu.dma_semaphore, #tpu.memory_space<semaphore_mem>>)
    %dma_start3A_157 = arith.constant 0 : i32
    %dma_start3A_158 = tpu.memref_slice %arg8[%dma_start3A_157] : memref<5000xi32, #tpu.memory_space<vmem>> -> memref<128xi32, #tpu.memory_space<vmem>>
    %dma_start3A_159 = arith.constant 0 : i32
    %dma_start3A_160 = arith.constant 0 : i32
    %dma_start3A_161 = tpu.memref_slice %arg3[%dma_start3A_159, %dma_start3A_160] : memref<10000x128xf32, #tpu.memory_space<hbm>> -> memref<10000x128xf32, #tpu.memory_space<hbm>>
    tpu.enqueue_indirect_dma source(%dma_start3A_161 : memref<10000x128xf32, #tpu.memory_space<hbm>>) target(%arg10 : memref<128x128xf32, #tpu.memory_space<vmem>>) offsets(%dma_start3A_158 : memref<128xi32, #tpu.memory_space<vmem>>) semaphore(%arg19 : memref<!tpu.dma_semaphore, #tpu.memory_space<semaphore_mem>>)
    %scan3A = arith.constant 0 : i32
    %scan3A_162 = arith.constant 0 : i32
    %scan3A_163 = arith.constant 19 : i32
    %scan3A_164 = arith.addi %scan3A_162, %scan3A_163 : i32
    %scan3A_165 = arith.constant 1 : i32
    scf.for %scan3A_1313 = %scan3A_162 to %scan3A_164 step %scan3A_165  : i32 {
      %mul3A_1314 = arith.constant 2 : i32
      %mul3A_1315 = arith.muli %mul3A_1314, %scan3A_1313 : i32
      %add3A_1316 = arith.constant 1 : i32
      %add3A_1317 = arith.addi %mul3A_1315, %add3A_1316 : i32
      %mul3A_1318 = arith.constant 128 : i32
      %mul3A_1319 = arith.muli %add3A_1317, %mul3A_1318 : i32
      %dma_start3A_1320 = tpu.memref_slice %arg7[%mul3A_1319] : memref<5000xi32, #tpu.memory_space<vmem>> -> memref<128xi32, #tpu.memory_space<vmem>>
      %dma_start3A_1321 = arith.constant 0 : i32
      %dma_start3A_1322 = arith.constant 0 : i32
      %dma_start3A_1323 = tpu.memref_slice %arg2[%dma_start3A_1321, %dma_start3A_1322] : memref<10000x128xf32, #tpu.memory_space<hbm>> -> memref<10000x128xf32, #tpu.memory_space<hbm>>
      tpu.enqueue_indirect_dma source(%dma_start3A_1323 : memref<10000x128xf32, #tpu.memory_space<hbm>>) target(%arg11 : memref<128x128xf32, #tpu.memory_space<vmem>>) offsets(%dma_start3A_1320 : memref<128xi32, #tpu.memory_space<vmem>>) semaphore(%arg20 : memref<!tpu.dma_semaphore, #tpu.memory_space<semaphore_mem>>)
      %dma_start3A_1324 = tpu.memref_slice %arg8[%mul3A_1319] : memref<5000xi32, #tpu.memory_space<vmem>> -> memref<128xi32, #tpu.memory_space<vmem>>
      %dma_start3A_1325 = arith.constant 0 : i32
      %dma_start3A_1326 = arith.constant 0 : i32
      %dma_start3A_1327 = tpu.memref_slice %arg3[%dma_start3A_1325, %dma_start3A_1326] : memref<10000x128xf32, #tpu.memory_space<hbm>> -> memref<10000x128xf32, #tpu.memory_space<hbm>>
      tpu.enqueue_indirect_dma source(%dma_start3A_1327 : memref<10000x128xf32, #tpu.memory_space<hbm>>) target(%arg12 : memref<128x128xf32, #tpu.memory_space<vmem>>) offsets(%dma_start3A_1324 : memref<128xi32, #tpu.memory_space<vmem>>) semaphore(%arg21 : memref<!tpu.dma_semaphore, #tpu.memory_space<semaphore_mem>>)
      %mul3A_1328 = arith.constant 2 : i32
      %mul3A_1329 = arith.muli %mul3A_1328, %scan3A_1313 : i32
      %mul3A_1330 = arith.constant 128 : i32
      %mul3A_1331 = arith.muli %mul3A_1329, %mul3A_1330 : i32
      %add3A_1332 = arith.addi %mul3A_2, %mul3A_1331 : i32
      %mul3A_1333 = arith.constant 128 : i32
      %mul3A_1334 = arith.muli %mul3A_1329, %mul3A_1333 : i32
      %mul3A_1335 = arith.constant 256 : i32
      %mul3A_1336 = arith.muli %arg1, %mul3A_1335 : i32
      %add3A_1337 = arith.constant 0 : i32
      %add3A_1338 = arith.addi %mul3A_1336, %add3A_1337 : i32
      %dma_wait3A_1339 = tpu.memref_slice %arg7[%mul3A_1334] : memref<5000xi32, #tpu.memory_space<vmem>> -> memref<128xi32, #tpu.memory_space<vmem>>
      %dma_wait3A_1340 = arith.constant 0 : i32
      %dma_wait3A_1341 = arith.constant 0 : i32
      %dma_wait3A_1342 = tpu.memref_slice %arg2[%dma_wait3A_1340, %dma_wait3A_1341] : memref<10000x128xf32, #tpu.memory_space<hbm>> -> memref<10000x128xf32, #tpu.memory_space<hbm>>
      tpu.wait_indirect_dma semaphore(%arg18 : memref<!tpu.dma_semaphore, #tpu.memory_space<semaphore_mem>>) src(%dma_wait3A_1342 : memref<10000x128xf32, #tpu.memory_space<hbm>>) dst(%arg9 : memref<128x128xf32, #tpu.memory_space<vmem>>)
      %dma_wait3A_1343 = tpu.memref_slice %arg8[%mul3A_1334] : memref<5000xi32, #tpu.memory_space<vmem>> -> memref<128xi32, #tpu.memory_space<vmem>>
      %dma_wait3A_1344 = arith.constant 0 : i32
      %dma_wait3A_1345 = arith.constant 0 : i32
      %dma_wait3A_1346 = tpu.memref_slice %arg3[%dma_wait3A_1344, %dma_wait3A_1345] : memref<10000x128xf32, #tpu.memory_space<hbm>> -> memref<10000x128xf32, #tpu.memory_space<hbm>>
      tpu.wait_indirect_dma semaphore(%arg19 : memref<!tpu.dma_semaphore, #tpu.memory_space<semaphore_mem>>) src(%dma_wait3A_1346 : memref<10000x128xf32, #tpu.memory_space<hbm>>) dst(%arg10 : memref<128x128xf32, #tpu.memory_space<vmem>>)
      %ge3A = arith.constant 2 : i32
      %ge3A_1347 = arith.cmpi sge, %mul3A_1329, %ge3A : i32
      %convert_element_type3A = arith.extui %ge3A_1347 : i1 to i32
      %cond3A = arith.constant 0 : i32
      %cond3A_1348 = arith.cmpi ne, %convert_element_type3A, %cond3A : i32
      scf.if %cond3A_1348 {
        %dma_wait3A_1397 = arith.constant 0 : i32
        %dma_wait3A_1398 = tpu.memref_slice %arg6[%add3A_1332, %dma_wait3A_1397] : memref<160000x128xf32, #tpu.memory_space<hbm>> -> memref<128x128xf32, #tpu.memory_space<hbm>>
        %dma_wait3A_1399 = arith.constant 0 : i32
        %dma_wait3A_1400 = tpu.memref_slice %arg17[%add3A_1338, %dma_wait3A_1399] : memref<4096x128xf32, #tpu.memory_space<vmem_shared>> -> memref<128x128xf32, #tpu.memory_space<vmem_shared>>
        tpu.wait_dma2 semaphore(%arg22 : memref<!tpu.dma_semaphore, #tpu.memory_space<semaphore_mem>>) src(%dma_wait3A_1400 : memref<128x128xf32, #tpu.memory_space<vmem_shared>>) dst(%dma_wait3A_1398 : memref<128x128xf32, #tpu.memory_space<hbm>>)
      } else {
      }
      "tpu.region"() ({
        %run_scoped3A = tpu.sem_alloc : memref<!tpu.dma_semaphore, #tpu.memory_space<semaphore_mem>>
        %dma_start3A_1397 = arith.constant 0 : i32
        %dma_start3A_1398 = tpu.memref_slice %arg17[%add3A_1338, %dma_start3A_1397] : memref<4096x128xf32, #tpu.memory_space<vmem_shared>> -> memref<128x128xf32, #tpu.memory_space<vmem_shared>>
        %dma_start3A_1399 = arith.constant 0 : i32
        %dma_start3A_1400 = tpu.memref_slice %arg17[%add3A_1338, %dma_start3A_1399] : memref<4096x128xf32, #tpu.memory_space<vmem_shared>> -> memref<128x128xf32, #tpu.memory_space<vmem_shared>>
        tpu.enqueue_dma source(%arg9 : memref<128x128xf32, #tpu.memory_space<vmem>>) target(%dma_start3A_1400 : memref<128x128xf32, #tpu.memory_space<vmem_shared>>) target_semaphore(%run_scoped3A : memref<!tpu.dma_semaphore, #tpu.memory_space<semaphore_mem>>)
        %dma_wait3A_1401 = arith.constant 0 : i32
        %dma_wait3A_1402 = tpu.memref_slice %arg17[%add3A_1338, %dma_wait3A_1401] : memref<4096x128xf32, #tpu.memory_space<vmem_shared>> -> memref<128x128xf32, #tpu.memory_space<vmem_shared>>
        %dma_wait3A_1403 = arith.constant 0 : i32
        %dma_wait3A_1404 = tpu.memref_slice %arg17[%add3A_1338, %dma_wait3A_1403] : memref<4096x128xf32, #tpu.memory_space<vmem_shared>> -> memref<128x128xf32, #tpu.memory_space<vmem_shared>>
        tpu.wait_dma2 semaphore(%run_scoped3A : memref<!tpu.dma_semaphore, #tpu.memory_space<semaphore_mem>>) src(%arg9 : memref<128x128xf32, #tpu.memory_space<vmem>>) dst(%dma_wait3A_1404 : memref<128x128xf32, #tpu.memory_space<vmem_shared>>)
        tpu.yield
      }) : () -> ()
      "tpu.region"() ({
        %run_scoped3A = tpu.sem_alloc : memref<!tpu.dma_semaphore, #tpu.memory_space<semaphore_mem>>
        %dma_start3A_1397 = arith.constant 0 : i32
        %dma_start3A_1398 = arith.constant 0 : i32
        %dma_start3A_1399 = tpu.memref_slice %arg17[%dma_start3A_1397, %dma_start3A_1398] : memref<4096x128xf32, #tpu.memory_space<vmem_shared>> -> memref<4096x128xf32, #tpu.memory_space<vmem_shared>>
        tpu.enqueue_indirect_dma source(%arg10 : memref<128x128xf32, #tpu.memory_space<vmem>>) target(%dma_start3A_1399 : memref<4096x128xf32, #tpu.memory_space<vmem_shared>>) offsets(%arg15 : memref<128xi32, #tpu.memory_space<vmem>>) semaphore(%run_scoped3A : memref<!tpu.dma_semaphore, #tpu.memory_space<semaphore_mem>>) {add = true}
        %dma_wait3A_1400 = arith.constant 0 : i32
        %dma_wait3A_1401 = arith.constant 0 : i32
        %dma_wait3A_1402 = tpu.memref_slice %arg17[%dma_wait3A_1400, %dma_wait3A_1401] : memref<4096x128xf32, #tpu.memory_space<vmem_shared>> -> memref<4096x128xf32, #tpu.memory_space<vmem_shared>>
        tpu.wait_indirect_dma semaphore(%run_scoped3A : memref<!tpu.dma_semaphore, #tpu.memory_space<semaphore_mem>>) src(%arg10 : memref<128x128xf32, #tpu.memory_space<vmem>>) dst(%dma_wait3A_1402 : memref<4096x128xf32, #tpu.memory_space<vmem_shared>>)
        tpu.yield
      }) : () -> ()
      %dma_start3A_1349 = arith.constant 0 : i32
      %dma_start3A_1350 = tpu.memref_slice %arg6[%add3A_1332, %dma_start3A_1349] : memref<160000x128xf32, #tpu.memory_space<hbm>> -> memref<128x128xf32, #tpu.memory_space<hbm>>
      %dma_start3A_1351 = arith.constant 0 : i32
      %dma_start3A_1352 = tpu.memref_slice %arg17[%add3A_1338, %dma_start3A_1351] : memref<4096x128xf32, #tpu.memory_space<vmem_shared>> -> memref<128x128xf32, #tpu.memory_space<vmem_shared>>
      tpu.enqueue_dma source(%dma_start3A_1352 : memref<128x128xf32, #tpu.memory_space<vmem_shared>>) target(%dma_start3A_1350 : memref<128x128xf32, #tpu.memory_space<hbm>>) target_semaphore(%arg22 : memref<!tpu.dma_semaphore, #tpu.memory_space<semaphore_mem>>)
      %mul3A_1353 = arith.constant 2 : i32
      %mul3A_1354 = arith.muli %mul3A_1353, %scan3A_1313 : i32
      %add3A_1355 = arith.constant 2 : i32
      %add3A_1356 = arith.addi %mul3A_1354, %add3A_1355 : i32
      %mul3A_1357 = arith.constant 128 : i32
      %mul3A_1358 = arith.muli %add3A_1356, %mul3A_1357 : i32
      %dma_start3A_1359 = tpu.memref_slice %arg7[%mul3A_1358] : memref<5000xi32, #tpu.memory_space<vmem>> -> memref<128xi32, #tpu.memory_space<vmem>>
      %dma_start3A_1360 = arith.constant 0 : i32
      %dma_start3A_1361 = arith.constant 0 : i32
      %dma_start3A_1362 = tpu.memref_slice %arg2[%dma_start3A_1360, %dma_start3A_1361] : memref<10000x128xf32, #tpu.memory_space<hbm>> -> memref<10000x128xf32, #tpu.memory_space<hbm>>
      tpu.enqueue_indirect_dma source(%dma_start3A_1362 : memref<10000x128xf32, #tpu.memory_space<hbm>>) target(%arg9 : memref<128x128xf32, #tpu.memory_space<vmem>>) offsets(%dma_start3A_1359 : memref<128xi32, #tpu.memory_space<vmem>>) semaphore(%arg18 : memref<!tpu.dma_semaphore, #tpu.memory_space<semaphore_mem>>)
      %dma_start3A_1363 = tpu.memref_slice %arg8[%mul3A_1358] : memref<5000xi32, #tpu.memory_space<vmem>> -> memref<128xi32, #tpu.memory_space<vmem>>
      %dma_start3A_1364 = arith.constant 0 : i32
      %dma_start3A_1365 = arith.constant 0 : i32
      %dma_start3A_1366 = tpu.memref_slice %arg3[%dma_start3A_1364, %dma_start3A_1365] : memref<10000x128xf32, #tpu.memory_space<hbm>> -> memref<10000x128xf32, #tpu.memory_space<hbm>>
      tpu.enqueue_indirect_dma source(%dma_start3A_1366 : memref<10000x128xf32, #tpu.memory_space<hbm>>) target(%arg10 : memref<128x128xf32, #tpu.memory_space<vmem>>) offsets(%dma_start3A_1363 : memref<128xi32, #tpu.memory_space<vmem>>) semaphore(%arg19 : memref<!tpu.dma_semaphore, #tpu.memory_space<semaphore_mem>>)
      %mul3A_1367 = arith.constant 2 : i32
      %mul3A_1368 = arith.muli %mul3A_1367, %scan3A_1313 : i32
      %add3A_1369 = arith.constant 1 : i32
      %add3A_1370 = arith.addi %mul3A_1368, %add3A_1369 : i32
      %mul3A_1371 = arith.constant 128 : i32
      %mul3A_1372 = arith.muli %add3A_1370, %mul3A_1371 : i32
      %add3A_1373 = arith.addi %mul3A_2, %mul3A_1372 : i32
      %mul3A_1374 = arith.constant 128 : i32
      %mul3A_1375 = arith.muli %add3A_1370, %mul3A_1374 : i32
      %mul3A_1376 = arith.constant 256 : i32
      %mul3A_1377 = arith.muli %arg1, %mul3A_1376 : i32
      %add3A_1378 = arith.constant 128 : i32
      %add3A_1379 = arith.addi %mul3A_1377, %add3A_1378 : i32
      %dma_wait3A_1380 = tpu.memref_slice %arg7[%mul3A_1375] : memref<5000xi32, #tpu.memory_space<vmem>> -> memref<128xi32, #tpu.memory_space<vmem>>
      %dma_wait3A_1381 = arith.constant 0 : i32
      %dma_wait3A_1382 = arith.constant 0 : i32
      %dma_wait3A_1383 = tpu.memref_slice %arg2[%dma_wait3A_1381, %dma_wait3A_1382] : memref<10000x128xf32, #tpu.memory_space<hbm>> -> memref<10000x128xf32, #tpu.memory_space<hbm>>
      tpu.wait_indirect_dma semaphore(%arg20 : memref<!tpu.dma_semaphore, #tpu.memory_space<semaphore_mem>>) src(%dma_wait3A_1383 : memref<10000x128xf32, #tpu.memory_space<hbm>>) dst(%arg11 : memref<128x128xf32, #tpu.memory_space<vmem>>)
      %dma_wait3A_1384 = tpu.memref_slice %arg8[%mul3A_1375] : memref<5000xi32, #tpu.memory_space<vmem>> -> memref<128xi32, #tpu.memory_space<vmem>>
      %dma_wait3A_1385 = arith.constant 0 : i32
      %dma_wait3A_1386 = arith.constant 0 : i32
      %dma_wait3A_1387 = tpu.memref_slice %arg3[%dma_wait3A_1385, %dma_wait3A_1386] : memref<10000x128xf32, #tpu.memory_space<hbm>> -> memref<10000x128xf32, #tpu.memory_space<hbm>>
      tpu.wait_indirect_dma semaphore(%arg21 : memref<!tpu.dma_semaphore, #tpu.memory_space<semaphore_mem>>) src(%dma_wait3A_1387 : memref<10000x128xf32, #tpu.memory_space<hbm>>) dst(%arg12 : memref<128x128xf32, #tpu.memory_space<vmem>>)
      %ge3A_1388 = arith.constant 2 : i32
      %ge3A_1389 = arith.cmpi sge, %add3A_1370, %ge3A_1388 : i32
      %convert_element_type3A_1390 = arith.extui %ge3A_1389 : i1 to i32
      %cond3A_1391 = arith.constant 0 : i32
      %cond3A_1392 = arith.cmpi ne, %convert_element_type3A_1390, %cond3A_1391 : i32
      scf.if %cond3A_1392 {
        %dma_wait3A_1397 = arith.constant 0 : i32
        %dma_wait3A_1398 = tpu.memref_slice %arg6[%add3A_1373, %dma_wait3A_1397] : memref<160000x128xf32, #tpu.memory_space<hbm>> -> memref<128x128xf32, #tpu.memory_space<hbm>>
        %dma_wait3A_1399 = arith.constant 0 : i32
        %dma_wait3A_1400 = tpu.memref_slice %arg17[%add3A_1379, %dma_wait3A_1399] : memref<4096x128xf32, #tpu.memory_space<vmem_shared>> -> memref<128x128xf32, #tpu.memory_space<vmem_shared>>
        tpu.wait_dma2 semaphore(%arg23 : memref<!tpu.dma_semaphore, #tpu.memory_space<semaphore_mem>>) src(%dma_wait3A_1400 : memref<128x128xf32, #tpu.memory_space<vmem_shared>>) dst(%dma_wait3A_1398 : memref<128x128xf32, #tpu.memory_space<hbm>>)
      } else {
      }
      "tpu.region"() ({
        %run_scoped3A = tpu.sem_alloc : memref<!tpu.dma_semaphore, #tpu.memory_space<semaphore_mem>>
        %dma_start3A_1397 = arith.constant 0 : i32
        %dma_start3A_1398 = tpu.memref_slice %arg17[%add3A_1379, %dma_start3A_1397] : memref<4096x128xf32, #tpu.memory_space<vmem_shared>> -> memref<128x128xf32, #tpu.memory_space<vmem_shared>>
        %dma_start3A_1399 = arith.constant 0 : i32
        %dma_start3A_1400 = tpu.memref_slice %arg17[%add3A_1379, %dma_start3A_1399] : memref<4096x128xf32, #tpu.memory_space<vmem_shared>> -> memref<128x128xf32, #tpu.memory_space<vmem_shared>>
        tpu.enqueue_dma source(%arg11 : memref<128x128xf32, #tpu.memory_space<vmem>>) target(%dma_start3A_1400 : memref<128x128xf32, #tpu.memory_space<vmem_shared>>) target_semaphore(%run_scoped3A : memref<!tpu.dma_semaphore, #tpu.memory_space<semaphore_mem>>)
        %dma_wait3A_1401 = arith.constant 0 : i32
        %dma_wait3A_1402 = tpu.memref_slice %arg17[%add3A_1379, %dma_wait3A_1401] : memref<4096x128xf32, #tpu.memory_space<vmem_shared>> -> memref<128x128xf32, #tpu.memory_space<vmem_shared>>
        %dma_wait3A_1403 = arith.constant 0 : i32
        %dma_wait3A_1404 = tpu.memref_slice %arg17[%add3A_1379, %dma_wait3A_1403] : memref<4096x128xf32, #tpu.memory_space<vmem_shared>> -> memref<128x128xf32, #tpu.memory_space<vmem_shared>>
        tpu.wait_dma2 semaphore(%run_scoped3A : memref<!tpu.dma_semaphore, #tpu.memory_space<semaphore_mem>>) src(%arg11 : memref<128x128xf32, #tpu.memory_space<vmem>>) dst(%dma_wait3A_1404 : memref<128x128xf32, #tpu.memory_space<vmem_shared>>)
        tpu.yield
      }) : () -> ()
      "tpu.region"() ({
        %run_scoped3A = tpu.sem_alloc : memref<!tpu.dma_semaphore, #tpu.memory_space<semaphore_mem>>
        %dma_start3A_1397 = arith.constant 0 : i32
        %dma_start3A_1398 = arith.constant 0 : i32
        %dma_start3A_1399 = tpu.memref_slice %arg17[%dma_start3A_1397, %dma_start3A_1398] : memref<4096x128xf32, #tpu.memory_space<vmem_shared>> -> memref<4096x128xf32, #tpu.memory_space<vmem_shared>>
        tpu.enqueue_indirect_dma source(%arg12 : memref<128x128xf32, #tpu.memory_space<vmem>>) target(%dma_start3A_1399 : memref<4096x128xf32, #tpu.memory_space<vmem_shared>>) offsets(%arg16 : memref<128xi32, #tpu.memory_space<vmem>>) semaphore(%run_scoped3A : memref<!tpu.dma_semaphore, #tpu.memory_space<semaphore_mem>>) {add = true}
        %dma_wait3A_1400 = arith.constant 0 : i32
        %dma_wait3A_1401 = arith.constant 0 : i32
        %dma_wait3A_1402 = tpu.memref_slice %arg17[%dma_wait3A_1400, %dma_wait3A_1401] : memref<4096x128xf32, #tpu.memory_space<vmem_shared>> -> memref<4096x128xf32, #tpu.memory_space<vmem_shared>>
        tpu.wait_indirect_dma semaphore(%run_scoped3A : memref<!tpu.dma_semaphore, #tpu.memory_space<semaphore_mem>>) src(%arg12 : memref<128x128xf32, #tpu.memory_space<vmem>>) dst(%dma_wait3A_1402 : memref<4096x128xf32, #tpu.memory_space<vmem_shared>>)
        tpu.yield
      }) : () -> ()
      %dma_start3A_1393 = arith.constant 0 : i32
      %dma_start3A_1394 = tpu.memref_slice %arg6[%add3A_1373, %dma_start3A_1393] : memref<160000x128xf32, #tpu.memory_space<hbm>> -> memref<128x128xf32, #tpu.memory_space<hbm>>
      %dma_start3A_1395 = arith.constant 0 : i32
      %dma_start3A_1396 = tpu.memref_slice %arg17[%add3A_1379, %dma_start3A_1395] : memref<4096x128xf32, #tpu.memory_space<vmem_shared>> -> memref<128x128xf32, #tpu.memory_space<vmem_shared>>
      tpu.enqueue_dma source(%dma_start3A_1396 : memref<128x128xf32, #tpu.memory_space<vmem_shared>>) target(%dma_start3A_1394 : memref<128x128xf32, #tpu.memory_space<hbm>>) target_semaphore(%arg23 : memref<!tpu.dma_semaphore, #tpu.memory_space<semaphore_mem>>)
    }
    %scan3A_166 = arith.constant 19 : i32
    %dma_start3A_167 = arith.constant 4992 : i32
    %dma_start3A_168 = tpu.memref_slice %arg7[%dma_start3A_167] : memref<5000xi32, #tpu.memory_space<vmem>> -> memref<8xi32, #tpu.memory_space<vmem>>
    %dma_start3A_169 = arith.constant 0 : i32
    %dma_start3A_170 = arith.constant 0 : i32
    %dma_start3A_171 = tpu.memref_slice %arg2[%dma_start3A_169, %dma_start3A_170] : memref<10000x128xf32, #tpu.memory_space<hbm>> -> memref<10000x128xf32, #tpu.memory_space<hbm>>
    tpu.enqueue_indirect_dma source(%dma_start3A_171 : memref<10000x128xf32, #tpu.memory_space<hbm>>) target(%arg13 : memref<8x128xf32, #tpu.memory_space<vmem>>) offsets(%dma_start3A_168 : memref<8xi32, #tpu.memory_space<vmem>>) semaphore(%arg20 : memref<!tpu.dma_semaphore, #tpu.memory_space<semaphore_mem>>)
    %dma_start3A_172 = arith.constant 4992 : i32
    %dma_start3A_173 = tpu.memref_slice %arg8[%dma_start3A_172] : memref<5000xi32, #tpu.memory_space<vmem>> -> memref<8xi32, #tpu.memory_space<vmem>>
    %dma_start3A_174 = arith.constant 0 : i32
    %dma_start3A_175 = arith.constant 0 : i32
    %dma_start3A_176 = tpu.memref_slice %arg3[%dma_start3A_174, %dma_start3A_175] : memref<10000x128xf32, #tpu.memory_space<hbm>> -> memref<10000x128xf32, #tpu.memory_space<hbm>>
    tpu.enqueue_indirect_dma source(%dma_start3A_176 : memref<10000x128xf32, #tpu.memory_space<hbm>>) target(%arg14 : memref<8x128xf32, #tpu.memory_space<vmem>>) offsets(%dma_start3A_173 : memref<8xi32, #tpu.memory_space<vmem>>) semaphore(%arg21 : memref<!tpu.dma_semaphore, #tpu.memory_space<semaphore_mem>>)
    %add3A_177 = arith.constant 4864 : i32
    %add3A_178 = arith.addi %mul3A_2, %add3A_177 : i32
    %mul3A_179 = arith.constant 256 : i32
    %mul3A_180 = arith.muli %arg1, %mul3A_179 : i32
    %add3A_181 = arith.constant 0 : i32
    %add3A_182 = arith.addi %mul3A_180, %add3A_181 : i32
    %dma_wait3A = arith.constant 4864 : i32
    %dma_wait3A_183 = tpu.memref_slice %arg7[%dma_wait3A] : memref<5000xi32, #tpu.memory_space<vmem>> -> memref<128xi32, #tpu.memory_space<vmem>>
    %dma_wait3A_184 = arith.constant 0 : i32
    %dma_wait3A_185 = arith.constant 0 : i32
    %dma_wait3A_186 = tpu.memref_slice %arg2[%dma_wait3A_184, %dma_wait3A_185] : memref<10000x128xf32, #tpu.memory_space<hbm>> -> memref<10000x128xf32, #tpu.memory_space<hbm>>
    tpu.wait_indirect_dma semaphore(%arg18 : memref<!tpu.dma_semaphore, #tpu.memory_space<semaphore_mem>>) src(%dma_wait3A_186 : memref<10000x128xf32, #tpu.memory_space<hbm>>) dst(%arg9 : memref<128x128xf32, #tpu.memory_space<vmem>>)
    %dma_wait3A_187 = arith.constant 4864 : i32
    %dma_wait3A_188 = tpu.memref_slice %arg8[%dma_wait3A_187] : memref<5000xi32, #tpu.memory_space<vmem>> -> memref<128xi32, #tpu.memory_space<vmem>>
    %dma_wait3A_189 = arith.constant 0 : i32
    %dma_wait3A_190 = arith.constant 0 : i32
    %dma_wait3A_191 = tpu.memref_slice %arg3[%dma_wait3A_189, %dma_wait3A_190] : memref<10000x128xf32, #tpu.memory_space<hbm>> -> memref<10000x128xf32, #tpu.memory_space<hbm>>
    tpu.wait_indirect_dma semaphore(%arg19 : memref<!tpu.dma_semaphore, #tpu.memory_space<semaphore_mem>>) src(%dma_wait3A_191 : memref<10000x128xf32, #tpu.memory_space<hbm>>) dst(%arg10 : memref<128x128xf32, #tpu.memory_space<vmem>>)
    %dma_wait3A_192 = arith.constant 0 : i32
    %dma_wait3A_193 = tpu.memref_slice %arg6[%add3A_178, %dma_wait3A_192] : memref<160000x128xf32, #tpu.memory_space<hbm>> -> memref<128x128xf32, #tpu.memory_space<hbm>>
    %dma_wait3A_194 = arith.constant 0 : i32
    %dma_wait3A_195 = tpu.memref_slice %arg17[%add3A_182, %dma_wait3A_194] : memref<4096x128xf32, #tpu.memory_space<vmem_shared>> -> memref<128x128xf32, #tpu.memory_space<vmem_shared>>
    tpu.wait_dma2 semaphore(%arg22 : memref<!tpu.dma_semaphore, #tpu.memory_space<semaphore_mem>>) src(%dma_wait3A_195 : memref<128x128xf32, #tpu.memory_space<vmem_shared>>) dst(%dma_wait3A_193 : memref<128x128xf32, #tpu.memory_space<hbm>>)
    "tpu.region"() ({
      %run_scoped3A = tpu.sem_alloc : memref<!tpu.dma_semaphore, #tpu.memory_space<semaphore_mem>>
      %dma_start3A_1313 = arith.constant 0 : i32
      %dma_start3A_1314 = tpu.memref_slice %arg17[%add3A_182, %dma_start3A_1313] : memref<4096x128xf32, #tpu.memory_space<vmem_shared>> -> memref<128x128xf32, #tpu.memory_space<vmem_shared>>
      %dma_start3A_1315 = arith.constant 0 : i32
      %dma_start3A_1316 = tpu.memref_slice %arg17[%add3A_182, %dma_start3A_1315] : memref<4096x128xf32, #tpu.memory_space<vmem_shared>> -> memref<128x128xf32, #tpu.memory_space<vmem_shared>>
      tpu.enqueue_dma source(%arg9 : memref<128x128xf32, #tpu.memory_space<vmem>>) target(%dma_start3A_1316 : memref<128x128xf32, #tpu.memory_space<vmem_shared>>) target_semaphore(%run_scoped3A : memref<!tpu.dma_semaphore, #tpu.memory_space<semaphore_mem>>)
      %dma_wait3A_1317 = arith.constant 0 : i32
      %dma_wait3A_1318 = tpu.memref_slice %arg17[%add3A_182, %dma_wait3A_1317] : memref<4096x128xf32, #tpu.memory_space<vmem_shared>> -> memref<128x128xf32, #tpu.memory_space<vmem_shared>>
      %dma_wait3A_1319 = arith.constant 0 : i32
      %dma_wait3A_1320 = tpu.memref_slice %arg17[%add3A_182, %dma_wait3A_1319] : memref<4096x128xf32, #tpu.memory_space<vmem_shared>> -> memref<128x128xf32, #tpu.memory_space<vmem_shared>>
      tpu.wait_dma2 semaphore(%run_scoped3A : memref<!tpu.dma_semaphore, #tpu.memory_space<semaphore_mem>>) src(%arg9 : memref<128x128xf32, #tpu.memory_space<vmem>>) dst(%dma_wait3A_1320 : memref<128x128xf32, #tpu.memory_space<vmem_shared>>)
      tpu.yield
    }) : () -> ()
    "tpu.region"() ({
      %run_scoped3A = tpu.sem_alloc : memref<!tpu.dma_semaphore, #tpu.memory_space<semaphore_mem>>
      %dma_start3A_1313 = arith.constant 0 : i32
      %dma_start3A_1314 = arith.constant 0 : i32
      %dma_start3A_1315 = tpu.memref_slice %arg17[%dma_start3A_1313, %dma_start3A_1314] : memref<4096x128xf32, #tpu.memory_space<vmem_shared>> -> memref<4096x128xf32, #tpu.memory_space<vmem_shared>>
      tpu.enqueue_indirect_dma source(%arg10 : memref<128x128xf32, #tpu.memory_space<vmem>>) target(%dma_start3A_1315 : memref<4096x128xf32, #tpu.memory_space<vmem_shared>>) offsets(%arg15 : memref<128xi32, #tpu.memory_space<vmem>>) semaphore(%run_scoped3A : memref<!tpu.dma_semaphore, #tpu.memory_space<semaphore_mem>>) {add = true}
      %dma_wait3A_1316 = arith.constant 0 : i32
      %dma_wait3A_1317 = arith.constant 0 : i32
      %dma_wait3A_1318 = tpu.memref_slice %arg17[%dma_wait3A_1316, %dma_wait3A_1317] : memref<4096x128xf32, #tpu.memory_space<vmem_shared>> -> memref<4096x128xf32, #tpu.memory_space<vmem_shared>>
      tpu.wait_indirect_dma semaphore(%run_scoped3A : memref<!tpu.dma_semaphore, #tpu.memory_space<semaphore_mem>>) src(%arg10 : memref<128x128xf32, #tpu.memory_space<vmem>>) dst(%dma_wait3A_1318 : memref<4096x128xf32, #tpu.memory_space<vmem_shared>>)
      tpu.yield
    }) : () -> ()
    %dma_start3A_196 = arith.constant 0 : i32
    %dma_start3A_197 = tpu.memref_slice %arg6[%add3A_178, %dma_start3A_196] : memref<160000x128xf32, #tpu.memory_space<hbm>> -> memref<128x128xf32, #tpu.memory_space<hbm>>
    %dma_start3A_198 = arith.constant 0 : i32
    %dma_start3A_199 = tpu.memref_slice %arg17[%add3A_182, %dma_start3A_198] : memref<4096x128xf32, #tpu.memory_space<vmem_shared>> -> memref<128x128xf32, #tpu.memory_space<vmem_shared>>
    tpu.enqueue_dma source(%dma_start3A_199 : memref<128x128xf32, #tpu.memory_space<vmem_shared>>) target(%dma_start3A_197 : memref<128x128xf32, #tpu.memory_space<hbm>>) target_semaphore(%arg22 : memref<!tpu.dma_semaphore, #tpu.memory_space<semaphore_mem>>)
    %add3A_200 = arith.constant 4992 : i32
    %add3A_201 = arith.addi %mul3A_2, %add3A_200 : i32
    %dma_wait3A_202 = arith.constant 4992 : i32
    %dma_wait3A_203 = tpu.memref_slice %arg7[%dma_wait3A_202] : memref<5000xi32, #tpu.memory_space<vmem>> -> memref<8xi32, #tpu.memory_space<vmem>>
    %dma_wait3A_204 = arith.constant 0 : i32
    %dma_wait3A_205 = arith.constant 0 : i32
    %dma_wait3A_206 = tpu.memref_slice %arg2[%dma_wait3A_204, %dma_wait3A_205] : memref<10000x128xf32, #tpu.memory_space<hbm>> -> memref<10000x128xf32, #tpu.memory_space<hbm>>
    tpu.wait_indirect_dma semaphore(%arg20 : memref<!tpu.dma_semaphore, #tpu.memory_space<semaphore_mem>>) src(%dma_wait3A_206 : memref<10000x128xf32, #tpu.memory_space<hbm>>) dst(%arg13 : memref<8x128xf32, #tpu.memory_space<vmem>>)
    %dma_wait3A_207 = arith.constant 4992 : i32
    %dma_wait3A_208 = tpu.memref_slice %arg8[%dma_wait3A_207] : memref<5000xi32, #tpu.memory_space<vmem>> -> memref<8xi32, #tpu.memory_space<vmem>>
    %dma_wait3A_209 = arith.constant 0 : i32
    %dma_wait3A_210 = arith.constant 0 : i32
    %dma_wait3A_211 = tpu.memref_slice %arg3[%dma_wait3A_209, %dma_wait3A_210] : memref<10000x128xf32, #tpu.memory_space<hbm>> -> memref<10000x128xf32, #tpu.memory_space<hbm>>
    tpu.wait_indirect_dma semaphore(%arg21 : memref<!tpu.dma_semaphore, #tpu.memory_space<semaphore_mem>>) src(%dma_wait3A_211 : memref<10000x128xf32, #tpu.memory_space<hbm>>) dst(%arg14 : memref<8x128xf32, #tpu.memory_space<vmem>>)
    %get3A = arith.constant 0 : i32
    %get3A_212 = arith.index_cast %get3A : i32 to index
    %get3A_213 = arith.constant 0 : index
    %get3A_214 = tpu.vector_load %arg13[%get3A_212, %get3A_213] {strides = array<i32>} : memref<8x128xf32, #tpu.memory_space<vmem>>, vector<1x16xf32>,
    %get3A_215 = vector.shape_cast %get3A_214 : vector<1x16xf32> to vector<16xf32>
    %get3A_216 = arith.constant 0 : i32
    %get3A_217 = arith.index_cast %get3A_216 : i32 to index
    %get3A_218 = arith.constant 0 : index
    %get3A_219 = tpu.vector_load %arg14[%get3A_217, %get3A_218] {strides = array<i32>} : memref<8x128xf32, #tpu.memory_space<vmem>>, vector<1x16xf32>,
    %get3A_220 = vector.shape_cast %get3A_219 : vector<1x16xf32> to vector<16xf32>
    %add3A_221 = arith.addf %get3A_215, %get3A_220 : vector<16xf32>
    %swap3A_222 = arith.constant 0 : i32
    %swap3A_223 = arith.index_cast %swap3A_222 : i32 to index
    %swap3A_224 = arith.constant 0 : index
    %swap3A_225 = tpu.vector_load %arg13[%swap3A_223, %swap3A_224] {strides = array<i32>} : memref<8x128xf32, #tpu.memory_space<vmem>>, vector<1x16xf32>,
    %swap3A_226 = vector.shape_cast %swap3A_225 : vector<1x16xf32> to vector<16xf32>
    %swap3A_227 = vector.shape_cast %add3A_221 : vector<16xf32> to vector<1x16xf32>
    tpu.vector_store %arg13[%swap3A_223, %swap3A_224], %swap3A_227 {strides = array<i32>} : memref<8x128xf32, #tpu.memory_space<vmem>>, vector<1x16xf32>,
    %get3A_228 = arith.constant 0 : i32
    %get3A_229 = arith.index_cast %get3A_228 : i32 to index
    %get3A_230 = arith.constant 16 : index
    %get3A_231 = tpu.vector_load %arg13[%get3A_229, %get3A_230] {strides = array<i32>} : memref<8x128xf32, #tpu.memory_space<vmem>>, vector<1x16xf32>,
    %get3A_232 = vector.shape_cast %get3A_231 : vector<1x16xf32> to vector<16xf32>
    %get3A_233 = arith.constant 0 : i32
    %get3A_234 = arith.index_cast %get3A_233 : i32 to index
    %get3A_235 = arith.constant 16 : index
    %get3A_236 = tpu.vector_load %arg14[%get3A_234, %get3A_235] {strides = array<i32>} : memref<8x128xf32, #tpu.memory_space<vmem>>, vector<1x16xf32>,
    %get3A_237 = vector.shape_cast %get3A_236 : vector<1x16xf32> to vector<16xf32>
    %add3A_238 = arith.addf %get3A_232, %get3A_237 : vector<16xf32>
    %swap3A_239 = arith.constant 0 : i32
    %swap3A_240 = arith.index_cast %swap3A_239 : i32 to index
    %swap3A_241 = arith.constant 16 : index
    %swap3A_242 = tpu.vector_load %arg13[%swap3A_240, %swap3A_241] {strides = array<i32>} : memref<8x128xf32, #tpu.memory_space<vmem>>, vector<1x16xf32>,
    %swap3A_243 = vector.shape_cast %swap3A_242 : vector<1x16xf32> to vector<16xf32>
    %swap3A_244 = vector.shape_cast %add3A_238 : vector<16xf32> to vector<1x16xf32>
    tpu.vector_store %arg13[%swap3A_240, %swap3A_241], %swap3A_244 {strides = array<i32>} : memref<8x128xf32, #tpu.memory_space<vmem>>, vector<1x16xf32>,
    %get3A_245 = arith.constant 0 : i32
    %get3A_246 = arith.index_cast %get3A_245 : i32 to index
    %get3A_247 = arith.constant 32 : index
    %get3A_248 = tpu.vector_load %arg13[%get3A_246, %get3A_247] {strides = array<i32>} : memref<8x128xf32, #tpu.memory_space<vmem>>, vector<1x16xf32>,
    %get3A_249 = vector.shape_cast %get3A_248 : vector<1x16xf32> to vector<16xf32>
    %get3A_250 = arith.constant 0 : i32
    %get3A_251 = arith.index_cast %get3A_250 : i32 to index
    %get3A_252 = arith.constant 32 : index
    %get3A_253 = tpu.vector_load %arg14[%get3A_251, %get3A_252] {strides = array<i32>} : memref<8x128xf32, #tpu.memory_space<vmem>>, vector<1x16xf32>,
    %get3A_254 = vector.shape_cast %get3A_253 : vector<1x16xf32> to vector<16xf32>
    %add3A_255 = arith.addf %get3A_249, %get3A_254 : vector<16xf32>
    %swap3A_256 = arith.constant 0 : i32
    %swap3A_257 = arith.index_cast %swap3A_256 : i32 to index
    %swap3A_258 = arith.constant 32 : index
    %swap3A_259 = tpu.vector_load %arg13[%swap3A_257, %swap3A_258] {strides = array<i32>} : memref<8x128xf32, #tpu.memory_space<vmem>>, vector<1x16xf32>,
    %swap3A_260 = vector.shape_cast %swap3A_259 : vector<1x16xf32> to vector<16xf32>
    %swap3A_261 = vector.shape_cast %add3A_255 : vector<16xf32> to vector<1x16xf32>
    tpu.vector_store %arg13[%swap3A_257, %swap3A_258], %swap3A_261 {strides = array<i32>} : memref<8x128xf32, #tpu.memory_space<vmem>>, vector<1x16xf32>,
    %get3A_262 = arith.constant 0 : i32
    %get3A_263 = arith.index_cast %get3A_262 : i32 to index
    %get3A_264 = arith.constant 48 : index
    %get3A_265 = tpu.vector_load %arg13[%get3A_263, %get3A_264] {strides = array<i32>} : memref<8x128xf32, #tpu.memory_space<vmem>>, vector<1x16xf32>,
    %get3A_266 = vector.shape_cast %get3A_265 : vector<1x16xf32> to vector<16xf32>
    %get3A_267 = arith.constant 0 : i32
    %get3A_268 = arith.index_cast %get3A_267 : i32 to index
    %get3A_269 = arith.constant 48 : index
    %get3A_270 = tpu.vector_load %arg14[%get3A_268, %get3A_269] {strides = array<i32>} : memref<8x128xf32, #tpu.memory_space<vmem>>, vector<1x16xf32>,
    %get3A_271 = vector.shape_cast %get3A_270 : vector<1x16xf32> to vector<16xf32>
    %add3A_272 = arith.addf %get3A_266, %get3A_271 : vector<16xf32>
    %swap3A_273 = arith.constant 0 : i32
    %swap3A_274 = arith.index_cast %swap3A_273 : i32 to index
    %swap3A_275 = arith.constant 48 : index
    %swap3A_276 = tpu.vector_load %arg13[%swap3A_274, %swap3A_275] {strides = array<i32>} : memref<8x128xf32, #tpu.memory_space<vmem>>, vector<1x16xf32>,
    %swap3A_277 = vector.shape_cast %swap3A_276 : vector<1x16xf32> to vector<16xf32>
    %swap3A_278 = vector.shape_cast %add3A_272 : vector<16xf32> to vector<1x16xf32>
    tpu.vector_store %arg13[%swap3A_274, %swap3A_275], %swap3A_278 {strides = array<i32>} : memref<8x128xf32, #tpu.memory_space<vmem>>, vector<1x16xf32>,
    %get3A_279 = arith.constant 0 : i32
    %get3A_280 = arith.index_cast %get3A_279 : i32 to index
    %get3A_281 = arith.constant 64 : index
    %get3A_282 = tpu.vector_load %arg13[%get3A_280, %get3A_281] {strides = array<i32>} : memref<8x128xf32, #tpu.memory_space<vmem>>, vector<1x16xf32>,
    %get3A_283 = vector.shape_cast %get3A_282 : vector<1x16xf32> to vector<16xf32>
    %get3A_284 = arith.constant 0 : i32
    %get3A_285 = arith.index_cast %get3A_284 : i32 to index
    %get3A_286 = arith.constant 64 : index
    %get3A_287 = tpu.vector_load %arg14[%get3A_285, %get3A_286] {strides = array<i32>} : memref<8x128xf32, #tpu.memory_space<vmem>>, vector<1x16xf32>,
    %get3A_288 = vector.shape_cast %get3A_287 : vector<1x16xf32> to vector<16xf32>
    %add3A_289 = arith.addf %get3A_283, %get3A_288 : vector<16xf32>
    %swap3A_290 = arith.constant 0 : i32
    %swap3A_291 = arith.index_cast %swap3A_290 : i32 to index
    %swap3A_292 = arith.constant 64 : index
    %swap3A_293 = tpu.vector_load %arg13[%swap3A_291, %swap3A_292] {strides = array<i32>} : memref<8x128xf32, #tpu.memory_space<vmem>>, vector<1x16xf32>,
    %swap3A_294 = vector.shape_cast %swap3A_293 : vector<1x16xf32> to vector<16xf32>
    %swap3A_295 = vector.shape_cast %add3A_289 : vector<16xf32> to vector<1x16xf32>
    tpu.vector_store %arg13[%swap3A_291, %swap3A_292], %swap3A_295 {strides = array<i32>} : memref<8x128xf32, #tpu.memory_space<vmem>>, vector<1x16xf32>,
    %get3A_296 = arith.constant 0 : i32
    %get3A_297 = arith.index_cast %get3A_296 : i32 to index
    %get3A_298 = arith.constant 80 : index
    %get3A_299 = tpu.vector_load %arg13[%get3A_297, %get3A_298] {strides = array<i32>} : memref<8x128xf32, #tpu.memory_space<vmem>>, vector<1x16xf32>,
    %get3A_300 = vector.shape_cast %get3A_299 : vector<1x16xf32> to vector<16xf32>
    %get3A_301 = arith.constant 0 : i32
    %get3A_302 = arith.index_cast %get3A_301 : i32 to index
    %get3A_303 = arith.constant 80 : index
    %get3A_304 = tpu.vector_load %arg14[%get3A_302, %get3A_303] {strides = array<i32>} : memref<8x128xf32, #tpu.memory_space<vmem>>, vector<1x16xf32>,
    %get3A_305 = vector.shape_cast %get3A_304 : vector<1x16xf32> to vector<16xf32>
    %add3A_306 = arith.addf %get3A_300, %get3A_305 : vector<16xf32>
    %swap3A_307 = arith.constant 0 : i32
    %swap3A_308 = arith.index_cast %swap3A_307 : i32 to index
    %swap3A_309 = arith.constant 80 : index
    %swap3A_310 = tpu.vector_load %arg13[%swap3A_308, %swap3A_309] {strides = array<i32>} : memref<8x128xf32, #tpu.memory_space<vmem>>, vector<1x16xf32>,
    %swap3A_311 = vector.shape_cast %swap3A_310 : vector<1x16xf32> to vector<16xf32>
    %swap3A_312 = vector.shape_cast %add3A_306 : vector<16xf32> to vector<1x16xf32>
    tpu.vector_store %arg13[%swap3A_308, %swap3A_309], %swap3A_312 {strides = array<i32>} : memref<8x128xf32, #tpu.memory_space<vmem>>, vector<1x16xf32>,
    %get3A_313 = arith.constant 0 : i32
    %get3A_314 = arith.index_cast %get3A_313 : i32 to index
    %get3A_315 = arith.constant 96 : index
    %get3A_316 = tpu.vector_load %arg13[%get3A_314, %get3A_315] {strides = array<i32>} : memref<8x128xf32, #tpu.memory_space<vmem>>, vector<1x16xf32>,
    %get3A_317 = vector.shape_cast %get3A_316 : vector<1x16xf32> to vector<16xf32>
    %get3A_318 = arith.constant 0 : i32
    %get3A_319 = arith.index_cast %get3A_318 : i32 to index
    %get3A_320 = arith.constant 96 : index
    %get3A_321 = tpu.vector_load %arg14[%get3A_319, %get3A_320] {strides = array<i32>} : memref<8x128xf32, #tpu.memory_space<vmem>>, vector<1x16xf32>,
    %get3A_322 = vector.shape_cast %get3A_321 : vector<1x16xf32> to vector<16xf32>
    %add3A_323 = arith.addf %get3A_317, %get3A_322 : vector<16xf32>
    %swap3A_324 = arith.constant 0 : i32
    %swap3A_325 = arith.index_cast %swap3A_324 : i32 to index
    %swap3A_326 = arith.constant 96 : index
    %swap3A_327 = tpu.vector_load %arg13[%swap3A_325, %swap3A_326] {strides = array<i32>} : memref<8x128xf32, #tpu.memory_space<vmem>>, vector<1x16xf32>,
    %swap3A_328 = vector.shape_cast %swap3A_327 : vector<1x16xf32> to vector<16xf32>
    %swap3A_329 = vector.shape_cast %add3A_323 : vector<16xf32> to vector<1x16xf32>
    tpu.vector_store %arg13[%swap3A_325, %swap3A_326], %swap3A_329 {strides = array<i32>} : memref<8x128xf32, #tpu.memory_space<vmem>>, vector<1x16xf32>,
    %get3A_330 = arith.constant 0 : i32
    %get3A_331 = arith.index_cast %get3A_330 : i32 to index
    %get3A_332 = arith.constant 112 : index
    %get3A_333 = tpu.vector_load %arg13[%get3A_331, %get3A_332] {strides = array<i32>} : memref<8x128xf32, #tpu.memory_space<vmem>>, vector<1x16xf32>,
    %get3A_334 = vector.shape_cast %get3A_333 : vector<1x16xf32> to vector<16xf32>
    %get3A_335 = arith.constant 0 : i32
    %get3A_336 = arith.index_cast %get3A_335 : i32 to index
    %get3A_337 = arith.constant 112 : index
    %get3A_338 = tpu.vector_load %arg14[%get3A_336, %get3A_337] {strides = array<i32>} : memref<8x128xf32, #tpu.memory_space<vmem>>, vector<1x16xf32>,
    %get3A_339 = vector.shape_cast %get3A_338 : vector<1x16xf32> to vector<16xf32>
    %add3A_340 = arith.addf %get3A_334, %get3A_339 : vector<16xf32>
    %swap3A_341 = arith.constant 0 : i32
    %swap3A_342 = arith.index_cast %swap3A_341 : i32 to index
    %swap3A_343 = arith.constant 112 : index
    %swap3A_344 = tpu.vector_load %arg13[%swap3A_342, %swap3A_343] {strides = array<i32>} : memref<8x128xf32, #tpu.memory_space<vmem>>, vector<1x16xf32>,
    %swap3A_345 = vector.shape_cast %swap3A_344 : vector<1x16xf32> to vector<16xf32>
    %swap3A_346 = vector.shape_cast %add3A_340 : vector<16xf32> to vector<1x16xf32>
    tpu.vector_store %arg13[%swap3A_342, %swap3A_343], %swap3A_346 {strides = array<i32>} : memref<8x128xf32, #tpu.memory_space<vmem>>, vector<1x16xf32>,
    %get3A_347 = arith.constant 1 : i32
    %get3A_348 = arith.index_cast %get3A_347 : i32 to index
    %get3A_349 = arith.constant 0 : index
    %get3A_350 = tpu.vector_load %arg13[%get3A_348, %get3A_349] {strides = array<i32>} : memref<8x128xf32, #tpu.memory_space<vmem>>, vector<1x16xf32>,
    %get3A_351 = vector.shape_cast %get3A_350 : vector<1x16xf32> to vector<16xf32>
    %get3A_352 = arith.constant 1 : i32
    %get3A_353 = arith.index_cast %get3A_352 : i32 to index
    %get3A_354 = arith.constant 0 : index
    %get3A_355 = tpu.vector_load %arg14[%get3A_353, %get3A_354] {strides = array<i32>} : memref<8x128xf32, #tpu.memory_space<vmem>>, vector<1x16xf32>,
    %get3A_356 = vector.shape_cast %get3A_355 : vector<1x16xf32> to vector<16xf32>
    %add3A_357 = arith.addf %get3A_351, %get3A_356 : vector<16xf32>
    %swap3A_358 = arith.constant 1 : i32
    %swap3A_359 = arith.index_cast %swap3A_358 : i32 to index
    %swap3A_360 = arith.constant 0 : index
    %swap3A_361 = tpu.vector_load %arg13[%swap3A_359, %swap3A_360] {strides = array<i32>} : memref<8x128xf32, #tpu.memory_space<vmem>>, vector<1x16xf32>,
    %swap3A_362 = vector.shape_cast %swap3A_361 : vector<1x16xf32> to vector<16xf32>
    %swap3A_363 = vector.shape_cast %add3A_357 : vector<16xf32> to vector<1x16xf32>
    tpu.vector_store %arg13[%swap3A_359, %swap3A_360], %swap3A_363 {strides = array<i32>} : memref<8x128xf32, #tpu.memory_space<vmem>>, vector<1x16xf32>,
    %get3A_364 = arith.constant 1 : i32
    %get3A_365 = arith.index_cast %get3A_364 : i32 to index
    %get3A_366 = arith.constant 16 : index
    %get3A_367 = tpu.vector_load %arg13[%get3A_365, %get3A_366] {strides = array<i32>} : memref<8x128xf32, #tpu.memory_space<vmem>>, vector<1x16xf32>,
    %get3A_368 = vector.shape_cast %get3A_367 : vector<1x16xf32> to vector<16xf32>
    %get3A_369 = arith.constant 1 : i32
    %get3A_370 = arith.index_cast %get3A_369 : i32 to index
    %get3A_371 = arith.constant 16 : index
    %get3A_372 = tpu.vector_load %arg14[%get3A_370, %get3A_371] {strides = array<i32>} : memref<8x128xf32, #tpu.memory_space<vmem>>, vector<1x16xf32>,
    %get3A_373 = vector.shape_cast %get3A_372 : vector<1x16xf32> to vector<16xf32>
    %add3A_374 = arith.addf %get3A_368, %get3A_373 : vector<16xf32>
    %swap3A_375 = arith.constant 1 : i32
    %swap3A_376 = arith.index_cast %swap3A_375 : i32 to index
    %swap3A_377 = arith.constant 16 : index
    %swap3A_378 = tpu.vector_load %arg13[%swap3A_376, %swap3A_377] {strides = array<i32>} : memref<8x128xf32, #tpu.memory_space<vmem>>, vector<1x16xf32>,
    %swap3A_379 = vector.shape_cast %swap3A_378 : vector<1x16xf32> to vector<16xf32>
    %swap3A_380 = vector.shape_cast %add3A_374 : vector<16xf32> to vector<1x16xf32>
    tpu.vector_store %arg13[%swap3A_376, %swap3A_377], %swap3A_380 {strides = array<i32>} : memref<8x128xf32, #tpu.memory_space<vmem>>, vector<1x16xf32>,
    %get3A_381 = arith.constant 1 : i32
    %get3A_382 = arith.index_cast %get3A_381 : i32 to index
    %get3A_383 = arith.constant 32 : index
    %get3A_384 = tpu.vector_load %arg13[%get3A_382, %get3A_383] {strides = array<i32>} : memref<8x128xf32, #tpu.memory_space<vmem>>, vector<1x16xf32>,
    %get3A_385 = vector.shape_cast %get3A_384 : vector<1x16xf32> to vector<16xf32>
    %get3A_386 = arith.constant 1 : i32
    %get3A_387 = arith.index_cast %get3A_386 : i32 to index
    %get3A_388 = arith.constant 32 : index
    %get3A_389 = tpu.vector_load %arg14[%get3A_387, %get3A_388] {strides = array<i32>} : memref<8x128xf32, #tpu.memory_space<vmem>>, vector<1x16xf32>,
    %get3A_390 = vector.shape_cast %get3A_389 : vector<1x16xf32> to vector<16xf32>
    %add3A_391 = arith.addf %get3A_385, %get3A_390 : vector<16xf32>
    %swap3A_392 = arith.constant 1 : i32
    %swap3A_393 = arith.index_cast %swap3A_392 : i32 to index
    %swap3A_394 = arith.constant 32 : index
    %swap3A_395 = tpu.vector_load %arg13[%swap3A_393, %swap3A_394] {strides = array<i32>} : memref<8x128xf32, #tpu.memory_space<vmem>>, vector<1x16xf32>,
    %swap3A_396 = vector.shape_cast %swap3A_395 : vector<1x16xf32> to vector<16xf32>
    %swap3A_397 = vector.shape_cast %add3A_391 : vector<16xf32> to vector<1x16xf32>
    tpu.vector_store %arg13[%swap3A_393, %swap3A_394], %swap3A_397 {strides = array<i32>} : memref<8x128xf32, #tpu.memory_space<vmem>>, vector<1x16xf32>,
    %get3A_398 = arith.constant 1 : i32
    %get3A_399 = arith.index_cast %get3A_398 : i32 to index
    %get3A_400 = arith.constant 48 : index
    %get3A_401 = tpu.vector_load %arg13[%get3A_399, %get3A_400] {strides = array<i32>} : memref<8x128xf32, #tpu.memory_space<vmem>>, vector<1x16xf32>,
    %get3A_402 = vector.shape_cast %get3A_401 : vector<1x16xf32> to vector<16xf32>
    %get3A_403 = arith.constant 1 : i32
    %get3A_404 = arith.index_cast %get3A_403 : i32 to index
    %get3A_405 = arith.constant 48 : index
    %get3A_406 = tpu.vector_load %arg14[%get3A_404, %get3A_405] {strides = array<i32>} : memref<8x128xf32, #tpu.memory_space<vmem>>, vector<1x16xf32>,
    %get3A_407 = vector.shape_cast %get3A_406 : vector<1x16xf32> to vector<16xf32>
    %add3A_408 = arith.addf %get3A_402, %get3A_407 : vector<16xf32>
    %swap3A_409 = arith.constant 1 : i32
    %swap3A_410 = arith.index_cast %swap3A_409 : i32 to index
    %swap3A_411 = arith.constant 48 : index
    %swap3A_412 = tpu.vector_load %arg13[%swap3A_410, %swap3A_411] {strides = array<i32>} : memref<8x128xf32, #tpu.memory_space<vmem>>, vector<1x16xf32>,
    %swap3A_413 = vector.shape_cast %swap3A_412 : vector<1x16xf32> to vector<16xf32>
    %swap3A_414 = vector.shape_cast %add3A_408 : vector<16xf32> to vector<1x16xf32>
    tpu.vector_store %arg13[%swap3A_410, %swap3A_411], %swap3A_414 {strides = array<i32>} : memref<8x128xf32, #tpu.memory_space<vmem>>, vector<1x16xf32>,
    %get3A_415 = arith.constant 1 : i32
    %get3A_416 = arith.index_cast %get3A_415 : i32 to index
    %get3A_417 = arith.constant 64 : index
    %get3A_418 = tpu.vector_load %arg13[%get3A_416, %get3A_417] {strides = array<i32>} : memref<8x128xf32, #tpu.memory_space<vmem>>, vector<1x16xf32>,
    %get3A_419 = vector.shape_cast %get3A_418 : vector<1x16xf32> to vector<16xf32>
    %get3A_420 = arith.constant 1 : i32
    %get3A_421 = arith.index_cast %get3A_420 : i32 to index
    %get3A_422 = arith.constant 64 : index
    %get3A_423 = tpu.vector_load %arg14[%get3A_421, %get3A_422] {strides = array<i32>} : memref<8x128xf32, #tpu.memory_space<vmem>>, vector<1x16xf32>,
    %get3A_424 = vector.shape_cast %get3A_423 : vector<1x16xf32> to vector<16xf32>
    %add3A_425 = arith.addf %get3A_419, %get3A_424 : vector<16xf32>
    %swap3A_426 = arith.constant 1 : i32
    %swap3A_427 = arith.index_cast %swap3A_426 : i32 to index
    %swap3A_428 = arith.constant 64 : index
    %swap3A_429 = tpu.vector_load %arg13[%swap3A_427, %swap3A_428] {strides = array<i32>} : memref<8x128xf32, #tpu.memory_space<vmem>>, vector<1x16xf32>,
    %swap3A_430 = vector.shape_cast %swap3A_429 : vector<1x16xf32> to vector<16xf32>
    %swap3A_431 = vector.shape_cast %add3A_425 : vector<16xf32> to vector<1x16xf32>
    tpu.vector_store %arg13[%swap3A_427, %swap3A_428], %swap3A_431 {strides = array<i32>} : memref<8x128xf32, #tpu.memory_space<vmem>>, vector<1x16xf32>,
    %get3A_432 = arith.constant 1 : i32
    %get3A_433 = arith.index_cast %get3A_432 : i32 to index
    %get3A_434 = arith.constant 80 : index
    %get3A_435 = tpu.vector_load %arg13[%get3A_433, %get3A_434] {strides = array<i32>} : memref<8x128xf32, #tpu.memory_space<vmem>>, vector<1x16xf32>,
    %get3A_436 = vector.shape_cast %get3A_435 : vector<1x16xf32> to vector<16xf32>
    %get3A_437 = arith.constant 1 : i32
    %get3A_438 = arith.index_cast %get3A_437 : i32 to index
    %get3A_439 = arith.constant 80 : index
    %get3A_440 = tpu.vector_load %arg14[%get3A_438, %get3A_439] {strides = array<i32>} : memref<8x128xf32, #tpu.memory_space<vmem>>, vector<1x16xf32>,
    %get3A_441 = vector.shape_cast %get3A_440 : vector<1x16xf32> to vector<16xf32>
    %add3A_442 = arith.addf %get3A_436, %get3A_441 : vector<16xf32>
    %swap3A_443 = arith.constant 1 : i32
    %swap3A_444 = arith.index_cast %swap3A_443 : i32 to index
    %swap3A_445 = arith.constant 80 : index
    %swap3A_446 = tpu.vector_load %arg13[%swap3A_444, %swap3A_445] {strides = array<i32>} : memref<8x128xf32, #tpu.memory_space<vmem>>, vector<1x16xf32>,
    %swap3A_447 = vector.shape_cast %swap3A_446 : vector<1x16xf32> to vector<16xf32>
    %swap3A_448 = vector.shape_cast %add3A_442 : vector<16xf32> to vector<1x16xf32>
    tpu.vector_store %arg13[%swap3A_444, %swap3A_445], %swap3A_448 {strides = array<i32>} : memref<8x128xf32, #tpu.memory_space<vmem>>, vector<1x16xf32>,
    %get3A_449 = arith.constant 1 : i32
    %get3A_450 = arith.index_cast %get3A_449 : i32 to index
    %get3A_451 = arith.constant 96 : index
    %get3A_452 = tpu.vector_load %arg13[%get3A_450, %get3A_451] {strides = array<i32>} : memref<8x128xf32, #tpu.memory_space<vmem>>, vector<1x16xf32>,
    %get3A_453 = vector.shape_cast %get3A_452 : vector<1x16xf32> to vector<16xf32>
    %get3A_454 = arith.constant 1 : i32
    %get3A_455 = arith.index_cast %get3A_454 : i32 to index
    %get3A_456 = arith.constant 96 : index
    %get3A_457 = tpu.vector_load %arg14[%get3A_455, %get3A_456] {strides = array<i32>} : memref<8x128xf32, #tpu.memory_space<vmem>>, vector<1x16xf32>,
    %get3A_458 = vector.shape_cast %get3A_457 : vector<1x16xf32> to vector<16xf32>
    %add3A_459 = arith.addf %get3A_453, %get3A_458 : vector<16xf32>
    %swap3A_460 = arith.constant 1 : i32
    %swap3A_461 = arith.index_cast %swap3A_460 : i32 to index
    %swap3A_462 = arith.constant 96 : index
    %swap3A_463 = tpu.vector_load %arg13[%swap3A_461, %swap3A_462] {strides = array<i32>} : memref<8x128xf32, #tpu.memory_space<vmem>>, vector<1x16xf32>,
    %swap3A_464 = vector.shape_cast %swap3A_463 : vector<1x16xf32> to vector<16xf32>
    %swap3A_465 = vector.shape_cast %add3A_459 : vector<16xf32> to vector<1x16xf32>
    tpu.vector_store %arg13[%swap3A_461, %swap3A_462], %swap3A_465 {strides = array<i32>} : memref<8x128xf32, #tpu.memory_space<vmem>>, vector<1x16xf32>,
    %get3A_466 = arith.constant 1 : i32
    %get3A_467 = arith.index_cast %get3A_466 : i32 to index
    %get3A_468 = arith.constant 112 : index
    %get3A_469 = tpu.vector_load %arg13[%get3A_467, %get3A_468] {strides = array<i32>} : memref<8x128xf32, #tpu.memory_space<vmem>>, vector<1x16xf32>,
    %get3A_470 = vector.shape_cast %get3A_469 : vector<1x16xf32> to vector<16xf32>
    %get3A_471 = arith.constant 1 : i32
    %get3A_472 = arith.index_cast %get3A_471 : i32 to index
    %get3A_473 = arith.constant 112 : index
    %get3A_474 = tpu.vector_load %arg14[%get3A_472, %get3A_473] {strides = array<i32>} : memref<8x128xf32, #tpu.memory_space<vmem>>, vector<1x16xf32>,
    %get3A_475 = vector.shape_cast %get3A_474 : vector<1x16xf32> to vector<16xf32>
    %add3A_476 = arith.addf %get3A_470, %get3A_475 : vector<16xf32>
    %swap3A_477 = arith.constant 1 : i32
    %swap3A_478 = arith.index_cast %swap3A_477 : i32 to index
    %swap3A_479 = arith.constant 112 : index
    %swap3A_480 = tpu.vector_load %arg13[%swap3A_478, %swap3A_479] {strides = array<i32>} : memref<8x128xf32, #tpu.memory_space<vmem>>, vector<1x16xf32>,
    %swap3A_481 = vector.shape_cast %swap3A_480 : vector<1x16xf32> to vector<16xf32>
    %swap3A_482 = vector.shape_cast %add3A_476 : vector<16xf32> to vector<1x16xf32>
    tpu.vector_store %arg13[%swap3A_478, %swap3A_479], %swap3A_482 {strides = array<i32>} : memref<8x128xf32, #tpu.memory_space<vmem>>, vector<1x16xf32>,
    %get3A_483 = arith.constant 2 : i32
    %get3A_484 = arith.index_cast %get3A_483 : i32 to index
    %get3A_485 = arith.constant 0 : index
    %get3A_486 = tpu.vector_load %arg13[%get3A_484, %get3A_485] {strides = array<i32>} : memref<8x128xf32, #tpu.memory_space<vmem>>, vector<1x16xf32>,
    %get3A_487 = vector.shape_cast %get3A_486 : vector<1x16xf32> to vector<16xf32>
    %get3A_488 = arith.constant 2 : i32
    %get3A_489 = arith.index_cast %get3A_488 : i32 to index
    %get3A_490 = arith.constant 0 : index
    %get3A_491 = tpu.vector_load %arg14[%get3A_489, %get3A_490] {strides = array<i32>} : memref<8x128xf32, #tpu.memory_space<vmem>>, vector<1x16xf32>,
    %get3A_492 = vector.shape_cast %get3A_491 : vector<1x16xf32> to vector<16xf32>
    %add3A_493 = arith.addf %get3A_487, %get3A_492 : vector<16xf32>
    %swap3A_494 = arith.constant 2 : i32
    %swap3A_495 = arith.index_cast %swap3A_494 : i32 to index
    %swap3A_496 = arith.constant 0 : index
    %swap3A_497 = tpu.vector_load %arg13[%swap3A_495, %swap3A_496] {strides = array<i32>} : memref<8x128xf32, #tpu.memory_space<vmem>>, vector<1x16xf32>,
    %swap3A_498 = vector.shape_cast %swap3A_497 : vector<1x16xf32> to vector<16xf32>
    %swap3A_499 = vector.shape_cast %add3A_493 : vector<16xf32> to vector<1x16xf32>
    tpu.vector_store %arg13[%swap3A_495, %swap3A_496], %swap3A_499 {strides = array<i32>} : memref<8x128xf32, #tpu.memory_space<vmem>>, vector<1x16xf32>,
    %get3A_500 = arith.constant 2 : i32
    %get3A_501 = arith.index_cast %get3A_500 : i32 to index
    %get3A_502 = arith.constant 16 : index
    %get3A_503 = tpu.vector_load %arg13[%get3A_501, %get3A_502] {strides = array<i32>} : memref<8x128xf32, #tpu.memory_space<vmem>>, vector<1x16xf32>,
    %get3A_504 = vector.shape_cast %get3A_503 : vector<1x16xf32> to vector<16xf32>
    %get3A_505 = arith.constant 2 : i32
    %get3A_506 = arith.index_cast %get3A_505 : i32 to index
    %get3A_507 = arith.constant 16 : index
    %get3A_508 = tpu.vector_load %arg14[%get3A_506, %get3A_507] {strides = array<i32>} : memref<8x128xf32, #tpu.memory_space<vmem>>, vector<1x16xf32>,
    %get3A_509 = vector.shape_cast %get3A_508 : vector<1x16xf32> to vector<16xf32>
    %add3A_510 = arith.addf %get3A_504, %get3A_509 : vector<16xf32>
    %swap3A_511 = arith.constant 2 : i32
    %swap3A_512 = arith.index_cast %swap3A_511 : i32 to index
    %swap3A_513 = arith.constant 16 : index
    %swap3A_514 = tpu.vector_load %arg13[%swap3A_512, %swap3A_513] {strides = array<i32>} : memref<8x128xf32, #tpu.memory_space<vmem>>, vector<1x16xf32>,
    %swap3A_515 = vector.shape_cast %swap3A_514 : vector<1x16xf32> to vector<16xf32>
    %swap3A_516 = vector.shape_cast %add3A_510 : vector<16xf32> to vector<1x16xf32>
    tpu.vector_store %arg13[%swap3A_512, %swap3A_513], %swap3A_516 {strides = array<i32>} : memref<8x128xf32, #tpu.memory_space<vmem>>, vector<1x16xf32>,
    %get3A_517 = arith.constant 2 : i32
    %get3A_518 = arith.index_cast %get3A_517 : i32 to index
    %get3A_519 = arith.constant 32 : index
    %get3A_520 = tpu.vector_load %arg13[%get3A_518, %get3A_519] {strides = array<i32>} : memref<8x128xf32, #tpu.memory_space<vmem>>, vector<1x16xf32>,
    %get3A_521 = vector.shape_cast %get3A_520 : vector<1x16xf32> to vector<16xf32>
    %get3A_522 = arith.constant 2 : i32
    %get3A_523 = arith.index_cast %get3A_522 : i32 to index
    %get3A_524 = arith.constant 32 : index
    %get3A_525 = tpu.vector_load %arg14[%get3A_523, %get3A_524] {strides = array<i32>} : memref<8x128xf32, #tpu.memory_space<vmem>>, vector<1x16xf32>,
    %get3A_526 = vector.shape_cast %get3A_525 : vector<1x16xf32> to vector<16xf32>
    %add3A_527 = arith.addf %get3A_521, %get3A_526 : vector<16xf32>
    %swap3A_528 = arith.constant 2 : i32
    %swap3A_529 = arith.index_cast %swap3A_528 : i32 to index
    %swap3A_530 = arith.constant 32 : index
    %swap3A_531 = tpu.vector_load %arg13[%swap3A_529, %swap3A_530] {strides = array<i32>} : memref<8x128xf32, #tpu.memory_space<vmem>>, vector<1x16xf32>,
    %swap3A_532 = vector.shape_cast %swap3A_531 : vector<1x16xf32> to vector<16xf32>
    %swap3A_533 = vector.shape_cast %add3A_527 : vector<16xf32> to vector<1x16xf32>
    tpu.vector_store %arg13[%swap3A_529, %swap3A_530], %swap3A_533 {strides = array<i32>} : memref<8x128xf32, #tpu.memory_space<vmem>>, vector<1x16xf32>,
    %get3A_534 = arith.constant 2 : i32
    %get3A_535 = arith.index_cast %get3A_534 : i32 to index
    %get3A_536 = arith.constant 48 : index
    %get3A_537 = tpu.vector_load %arg13[%get3A_535, %get3A_536] {strides = array<i32>} : memref<8x128xf32, #tpu.memory_space<vmem>>, vector<1x16xf32>,
    %get3A_538 = vector.shape_cast %get3A_537 : vector<1x16xf32> to vector<16xf32>
    %get3A_539 = arith.constant 2 : i32
    %get3A_540 = arith.index_cast %get3A_539 : i32 to index
    %get3A_541 = arith.constant 48 : index
    %get3A_542 = tpu.vector_load %arg14[%get3A_540, %get3A_541] {strides = array<i32>} : memref<8x128xf32, #tpu.memory_space<vmem>>, vector<1x16xf32>,
    %get3A_543 = vector.shape_cast %get3A_542 : vector<1x16xf32> to vector<16xf32>
    %add3A_544 = arith.addf %get3A_538, %get3A_543 : vector<16xf32>
    %swap3A_545 = arith.constant 2 : i32
    %swap3A_546 = arith.index_cast %swap3A_545 : i32 to index
    %swap3A_547 = arith.constant 48 : index
    %swap3A_548 = tpu.vector_load %arg13[%swap3A_546, %swap3A_547] {strides = array<i32>} : memref<8x128xf32, #tpu.memory_space<vmem>>, vector<1x16xf32>,
    %swap3A_549 = vector.shape_cast %swap3A_548 : vector<1x16xf32> to vector<16xf32>
    %swap3A_550 = vector.shape_cast %add3A_544 : vector<16xf32> to vector<1x16xf32>
    tpu.vector_store %arg13[%swap3A_546, %swap3A_547], %swap3A_550 {strides = array<i32>} : memref<8x128xf32, #tpu.memory_space<vmem>>, vector<1x16xf32>,
    %get3A_551 = arith.constant 2 : i32
    %get3A_552 = arith.index_cast %get3A_551 : i32 to index
    %get3A_553 = arith.constant 64 : index
    %get3A_554 = tpu.vector_load %arg13[%get3A_552, %get3A_553] {strides = array<i32>} : memref<8x128xf32, #tpu.memory_space<vmem>>, vector<1x16xf32>,
    %get3A_555 = vector.shape_cast %get3A_554 : vector<1x16xf32> to vector<16xf32>
    %get3A_556 = arith.constant 2 : i32
    %get3A_557 = arith.index_cast %get3A_556 : i32 to index
    %get3A_558 = arith.constant 64 : index
    %get3A_559 = tpu.vector_load %arg14[%get3A_557, %get3A_558] {strides = array<i32>} : memref<8x128xf32, #tpu.memory_space<vmem>>, vector<1x16xf32>,
    %get3A_560 = vector.shape_cast %get3A_559 : vector<1x16xf32> to vector<16xf32>
    %add3A_561 = arith.addf %get3A_555, %get3A_560 : vector<16xf32>
    %swap3A_562 = arith.constant 2 : i32
    %swap3A_563 = arith.index_cast %swap3A_562 : i32 to index
    %swap3A_564 = arith.constant 64 : index
    %swap3A_565 = tpu.vector_load %arg13[%swap3A_563, %swap3A_564] {strides = array<i32>} : memref<8x128xf32, #tpu.memory_space<vmem>>, vector<1x16xf32>,
    %swap3A_566 = vector.shape_cast %swap3A_565 : vector<1x16xf32> to vector<16xf32>
    %swap3A_567 = vector.shape_cast %add3A_561 : vector<16xf32> to vector<1x16xf32>
    tpu.vector_store %arg13[%swap3A_563, %swap3A_564], %swap3A_567 {strides = array<i32>} : memref<8x128xf32, #tpu.memory_space<vmem>>, vector<1x16xf32>,
    %get3A_568 = arith.constant 2 : i32
    %get3A_569 = arith.index_cast %get3A_568 : i32 to index
    %get3A_570 = arith.constant 80 : index
    %get3A_571 = tpu.vector_load %arg13[%get3A_569, %get3A_570] {strides = array<i32>} : memref<8x128xf32, #tpu.memory_space<vmem>>, vector<1x16xf32>,
    %get3A_572 = vector.shape_cast %get3A_571 : vector<1x16xf32> to vector<16xf32>
    %get3A_573 = arith.constant 2 : i32
    %get3A_574 = arith.index_cast %get3A_573 : i32 to index
    %get3A_575 = arith.constant 80 : index
    %get3A_576 = tpu.vector_load %arg14[%get3A_574, %get3A_575] {strides = array<i32>} : memref<8x128xf32, #tpu.memory_space<vmem>>, vector<1x16xf32>,
    %get3A_577 = vector.shape_cast %get3A_576 : vector<1x16xf32> to vector<16xf32>
    %add3A_578 = arith.addf %get3A_572, %get3A_577 : vector<16xf32>
    %swap3A_579 = arith.constant 2 : i32
    %swap3A_580 = arith.index_cast %swap3A_579 : i32 to index
    %swap3A_581 = arith.constant 80 : index
    %swap3A_582 = tpu.vector_load %arg13[%swap3A_580, %swap3A_581] {strides = array<i32>} : memref<8x128xf32, #tpu.memory_space<vmem>>, vector<1x16xf32>,
    %swap3A_583 = vector.shape_cast %swap3A_582 : vector<1x16xf32> to vector<16xf32>
    %swap3A_584 = vector.shape_cast %add3A_578 : vector<16xf32> to vector<1x16xf32>
    tpu.vector_store %arg13[%swap3A_580, %swap3A_581], %swap3A_584 {strides = array<i32>} : memref<8x128xf32, #tpu.memory_space<vmem>>, vector<1x16xf32>,
    %get3A_585 = arith.constant 2 : i32
    %get3A_586 = arith.index_cast %get3A_585 : i32 to index
    %get3A_587 = arith.constant 96 : index
    %get3A_588 = tpu.vector_load %arg13[%get3A_586, %get3A_587] {strides = array<i32>} : memref<8x128xf32, #tpu.memory_space<vmem>>, vector<1x16xf32>,
    %get3A_589 = vector.shape_cast %get3A_588 : vector<1x16xf32> to vector<16xf32>
    %get3A_590 = arith.constant 2 : i32
    %get3A_591 = arith.index_cast %get3A_590 : i32 to index
    %get3A_592 = arith.constant 96 : index
    %get3A_593 = tpu.vector_load %arg14[%get3A_591, %get3A_592] {strides = array<i32>} : memref<8x128xf32, #tpu.memory_space<vmem>>, vector<1x16xf32>,
    %get3A_594 = vector.shape_cast %get3A_593 : vector<1x16xf32> to vector<16xf32>
    %add3A_595 = arith.addf %get3A_589, %get3A_594 : vector<16xf32>
    %swap3A_596 = arith.constant 2 : i32
    %swap3A_597 = arith.index_cast %swap3A_596 : i32 to index
    %swap3A_598 = arith.constant 96 : index
    %swap3A_599 = tpu.vector_load %arg13[%swap3A_597, %swap3A_598] {strides = array<i32>} : memref<8x128xf32, #tpu.memory_space<vmem>>, vector<1x16xf32>,
    %swap3A_600 = vector.shape_cast %swap3A_599 : vector<1x16xf32> to vector<16xf32>
    %swap3A_601 = vector.shape_cast %add3A_595 : vector<16xf32> to vector<1x16xf32>
    tpu.vector_store %arg13[%swap3A_597, %swap3A_598], %swap3A_601 {strides = array<i32>} : memref<8x128xf32, #tpu.memory_space<vmem>>, vector<1x16xf32>,
    %get3A_602 = arith.constant 2 : i32
    %get3A_603 = arith.index_cast %get3A_602 : i32 to index
    %get3A_604 = arith.constant 112 : index
    %get3A_605 = tpu.vector_load %arg13[%get3A_603, %get3A_604] {strides = array<i32>} : memref<8x128xf32, #tpu.memory_space<vmem>>, vector<1x16xf32>,
    %get3A_606 = vector.shape_cast %get3A_605 : vector<1x16xf32> to vector<16xf32>
    %get3A_607 = arith.constant 2 : i32
    %get3A_608 = arith.index_cast %get3A_607 : i32 to index
    %get3A_609 = arith.constant 112 : index
    %get3A_610 = tpu.vector_load %arg14[%get3A_608, %get3A_609] {strides = array<i32>} : memref<8x128xf32, #tpu.memory_space<vmem>>, vector<1x16xf32>,
    %get3A_611 = vector.shape_cast %get3A_610 : vector<1x16xf32> to vector<16xf32>
    %add3A_612 = arith.addf %get3A_606, %get3A_611 : vector<16xf32>
    %swap3A_613 = arith.constant 2 : i32
    %swap3A_614 = arith.index_cast %swap3A_613 : i32 to index
    %swap3A_615 = arith.constant 112 : index
    %swap3A_616 = tpu.vector_load %arg13[%swap3A_614, %swap3A_615] {strides = array<i32>} : memref<8x128xf32, #tpu.memory_space<vmem>>, vector<1x16xf32>,
    %swap3A_617 = vector.shape_cast %swap3A_616 : vector<1x16xf32> to vector<16xf32>
    %swap3A_618 = vector.shape_cast %add3A_612 : vector<16xf32> to vector<1x16xf32>
    tpu.vector_store %arg13[%swap3A_614, %swap3A_615], %swap3A_618 {strides = array<i32>} : memref<8x128xf32, #tpu.memory_space<vmem>>, vector<1x16xf32>,
    %get3A_619 = arith.constant 3 : i32
    %get3A_620 = arith.index_cast %get3A_619 : i32 to index
    %get3A_621 = arith.constant 0 : index
    %get3A_622 = tpu.vector_load %arg13[%get3A_620, %get3A_621] {strides = array<i32>} : memref<8x128xf32, #tpu.memory_space<vmem>>, vector<1x16xf32>,
    %get3A_623 = vector.shape_cast %get3A_622 : vector<1x16xf32> to vector<16xf32>
    %get3A_624 = arith.constant 3 : i32
    %get3A_625 = arith.index_cast %get3A_624 : i32 to index
    %get3A_626 = arith.constant 0 : index
    %get3A_627 = tpu.vector_load %arg14[%get3A_625, %get3A_626] {strides = array<i32>} : memref<8x128xf32, #tpu.memory_space<vmem>>, vector<1x16xf32>,
    %get3A_628 = vector.shape_cast %get3A_627 : vector<1x16xf32> to vector<16xf32>
    %add3A_629 = arith.addf %get3A_623, %get3A_628 : vector<16xf32>
    %swap3A_630 = arith.constant 3 : i32
    %swap3A_631 = arith.index_cast %swap3A_630 : i32 to index
    %swap3A_632 = arith.constant 0 : index
    %swap3A_633 = tpu.vector_load %arg13[%swap3A_631, %swap3A_632] {strides = array<i32>} : memref<8x128xf32, #tpu.memory_space<vmem>>, vector<1x16xf32>,
    %swap3A_634 = vector.shape_cast %swap3A_633 : vector<1x16xf32> to vector<16xf32>
    %swap3A_635 = vector.shape_cast %add3A_629 : vector<16xf32> to vector<1x16xf32>
    tpu.vector_store %arg13[%swap3A_631, %swap3A_632], %swap3A_635 {strides = array<i32>} : memref<8x128xf32, #tpu.memory_space<vmem>>, vector<1x16xf32>,
    %get3A_636 = arith.constant 3 : i32
    %get3A_637 = arith.index_cast %get3A_636 : i32 to index
    %get3A_638 = arith.constant 16 : index
    %get3A_639 = tpu.vector_load %arg13[%get3A_637, %get3A_638] {strides = array<i32>} : memref<8x128xf32, #tpu.memory_space<vmem>>, vector<1x16xf32>,
    %get3A_640 = vector.shape_cast %get3A_639 : vector<1x16xf32> to vector<16xf32>
    %get3A_641 = arith.constant 3 : i32
    %get3A_642 = arith.index_cast %get3A_641 : i32 to index
    %get3A_643 = arith.constant 16 : index
    %get3A_644 = tpu.vector_load %arg14[%get3A_642, %get3A_643] {strides = array<i32>} : memref<8x128xf32, #tpu.memory_space<vmem>>, vector<1x16xf32>,
    %get3A_645 = vector.shape_cast %get3A_644 : vector<1x16xf32> to vector<16xf32>
    %add3A_646 = arith.addf %get3A_640, %get3A_645 : vector<16xf32>
    %swap3A_647 = arith.constant 3 : i32
    %swap3A_648 = arith.index_cast %swap3A_647 : i32 to index
    %swap3A_649 = arith.constant 16 : index
    %swap3A_650 = tpu.vector_load %arg13[%swap3A_648, %swap3A_649] {strides = array<i32>} : memref<8x128xf32, #tpu.memory_space<vmem>>, vector<1x16xf32>,
    %swap3A_651 = vector.shape_cast %swap3A_650 : vector<1x16xf32> to vector<16xf32>
    %swap3A_652 = vector.shape_cast %add3A_646 : vector<16xf32> to vector<1x16xf32>
    tpu.vector_store %arg13[%swap3A_648, %swap3A_649], %swap3A_652 {strides = array<i32>} : memref<8x128xf32, #tpu.memory_space<vmem>>, vector<1x16xf32>,
    %get3A_653 = arith.constant 3 : i32
    %get3A_654 = arith.index_cast %get3A_653 : i32 to index
    %get3A_655 = arith.constant 32 : index
    %get3A_656 = tpu.vector_load %arg13[%get3A_654, %get3A_655] {strides = array<i32>} : memref<8x128xf32, #tpu.memory_space<vmem>>, vector<1x16xf32>,
    %get3A_657 = vector.shape_cast %get3A_656 : vector<1x16xf32> to vector<16xf32>
    %get3A_658 = arith.constant 3 : i32
    %get3A_659 = arith.index_cast %get3A_658 : i32 to index
    %get3A_660 = arith.constant 32 : index
    %get3A_661 = tpu.vector_load %arg14[%get3A_659, %get3A_660] {strides = array<i32>} : memref<8x128xf32, #tpu.memory_space<vmem>>, vector<1x16xf32>,
    %get3A_662 = vector.shape_cast %get3A_661 : vector<1x16xf32> to vector<16xf32>
    %add3A_663 = arith.addf %get3A_657, %get3A_662 : vector<16xf32>
    %swap3A_664 = arith.constant 3 : i32
    %swap3A_665 = arith.index_cast %swap3A_664 : i32 to index
    %swap3A_666 = arith.constant 32 : index
    %swap3A_667 = tpu.vector_load %arg13[%swap3A_665, %swap3A_666] {strides = array<i32>} : memref<8x128xf32, #tpu.memory_space<vmem>>, vector<1x16xf32>,
    %swap3A_668 = vector.shape_cast %swap3A_667 : vector<1x16xf32> to vector<16xf32>
    %swap3A_669 = vector.shape_cast %add3A_663 : vector<16xf32> to vector<1x16xf32>
    tpu.vector_store %arg13[%swap3A_665, %swap3A_666], %swap3A_669 {strides = array<i32>} : memref<8x128xf32, #tpu.memory_space<vmem>>, vector<1x16xf32>,
    %get3A_670 = arith.constant 3 : i32
    %get3A_671 = arith.index_cast %get3A_670 : i32 to index
    %get3A_672 = arith.constant 48 : index
    %get3A_673 = tpu.vector_load %arg13[%get3A_671, %get3A_672] {strides = array<i32>} : memref<8x128xf32, #tpu.memory_space<vmem>>, vector<1x16xf32>,
    %get3A_674 = vector.shape_cast %get3A_673 : vector<1x16xf32> to vector<16xf32>
    %get3A_675 = arith.constant 3 : i32
    %get3A_676 = arith.index_cast %get3A_675 : i32 to index
    %get3A_677 = arith.constant 48 : index
    %get3A_678 = tpu.vector_load %arg14[%get3A_676, %get3A_677] {strides = array<i32>} : memref<8x128xf32, #tpu.memory_space<vmem>>, vector<1x16xf32>,
    %get3A_679 = vector.shape_cast %get3A_678 : vector<1x16xf32> to vector<16xf32>
    %add3A_680 = arith.addf %get3A_674, %get3A_679 : vector<16xf32>
    %swap3A_681 = arith.constant 3 : i32
    %swap3A_682 = arith.index_cast %swap3A_681 : i32 to index
    %swap3A_683 = arith.constant 48 : index
    %swap3A_684 = tpu.vector_load %arg13[%swap3A_682, %swap3A_683] {strides = array<i32>} : memref<8x128xf32, #tpu.memory_space<vmem>>, vector<1x16xf32>,
    %swap3A_685 = vector.shape_cast %swap3A_684 : vector<1x16xf32> to vector<16xf32>
    %swap3A_686 = vector.shape_cast %add3A_680 : vector<16xf32> to vector<1x16xf32>
    tpu.vector_store %arg13[%swap3A_682, %swap3A_683], %swap3A_686 {strides = array<i32>} : memref<8x128xf32, #tpu.memory_space<vmem>>, vector<1x16xf32>,
    %get3A_687 = arith.constant 3 : i32
    %get3A_688 = arith.index_cast %get3A_687 : i32 to index
    %get3A_689 = arith.constant 64 : index
    %get3A_690 = tpu.vector_load %arg13[%get3A_688, %get3A_689] {strides = array<i32>} : memref<8x128xf32, #tpu.memory_space<vmem>>, vector<1x16xf32>,
    %get3A_691 = vector.shape_cast %get3A_690 : vector<1x16xf32> to vector<16xf32>
    %get3A_692 = arith.constant 3 : i32
    %get3A_693 = arith.index_cast %get3A_692 : i32 to index
    %get3A_694 = arith.constant 64 : index
    %get3A_695 = tpu.vector_load %arg14[%get3A_693, %get3A_694] {strides = array<i32>} : memref<8x128xf32, #tpu.memory_space<vmem>>, vector<1x16xf32>,
    %get3A_696 = vector.shape_cast %get3A_695 : vector<1x16xf32> to vector<16xf32>
    %add3A_697 = arith.addf %get3A_691, %get3A_696 : vector<16xf32>
    %swap3A_698 = arith.constant 3 : i32
    %swap3A_699 = arith.index_cast %swap3A_698 : i32 to index
    %swap3A_700 = arith.constant 64 : index
    %swap3A_701 = tpu.vector_load %arg13[%swap3A_699, %swap3A_700] {strides = array<i32>} : memref<8x128xf32, #tpu.memory_space<vmem>>, vector<1x16xf32>,
    %swap3A_702 = vector.shape_cast %swap3A_701 : vector<1x16xf32> to vector<16xf32>
    %swap3A_703 = vector.shape_cast %add3A_697 : vector<16xf32> to vector<1x16xf32>
    tpu.vector_store %arg13[%swap3A_699, %swap3A_700], %swap3A_703 {strides = array<i32>} : memref<8x128xf32, #tpu.memory_space<vmem>>, vector<1x16xf32>,
    %get3A_704 = arith.constant 3 : i32
    %get3A_705 = arith.index_cast %get3A_704 : i32 to index
    %get3A_706 = arith.constant 80 : index
    %get3A_707 = tpu.vector_load %arg13[%get3A_705, %get3A_706] {strides = array<i32>} : memref<8x128xf32, #tpu.memory_space<vmem>>, vector<1x16xf32>,
    %get3A_708 = vector.shape_cast %get3A_707 : vector<1x16xf32> to vector<16xf32>
    %get3A_709 = arith.constant 3 : i32
    %get3A_710 = arith.index_cast %get3A_709 : i32 to index
    %get3A_711 = arith.constant 80 : index
    %get3A_712 = tpu.vector_load %arg14[%get3A_710, %get3A_711] {strides = array<i32>} : memref<8x128xf32, #tpu.memory_space<vmem>>, vector<1x16xf32>,
    %get3A_713 = vector.shape_cast %get3A_712 : vector<1x16xf32> to vector<16xf32>
    %add3A_714 = arith.addf %get3A_708, %get3A_713 : vector<16xf32>
    %swap3A_715 = arith.constant 3 : i32
    %swap3A_716 = arith.index_cast %swap3A_715 : i32 to index
    %swap3A_717 = arith.constant 80 : index
    %swap3A_718 = tpu.vector_load %arg13[%swap3A_716, %swap3A_717] {strides = array<i32>} : memref<8x128xf32, #tpu.memory_space<vmem>>, vector<1x16xf32>,
    %swap3A_719 = vector.shape_cast %swap3A_718 : vector<1x16xf32> to vector<16xf32>
    %swap3A_720 = vector.shape_cast %add3A_714 : vector<16xf32> to vector<1x16xf32>
    tpu.vector_store %arg13[%swap3A_716, %swap3A_717], %swap3A_720 {strides = array<i32>} : memref<8x128xf32, #tpu.memory_space<vmem>>, vector<1x16xf32>,
    %get3A_721 = arith.constant 3 : i32
    %get3A_722 = arith.index_cast %get3A_721 : i32 to index
    %get3A_723 = arith.constant 96 : index
    %get3A_724 = tpu.vector_load %arg13[%get3A_722, %get3A_723] {strides = array<i32>} : memref<8x128xf32, #tpu.memory_space<vmem>>, vector<1x16xf32>,
    %get3A_725 = vector.shape_cast %get3A_724 : vector<1x16xf32> to vector<16xf32>
    %get3A_726 = arith.constant 3 : i32
    %get3A_727 = arith.index_cast %get3A_726 : i32 to index
    %get3A_728 = arith.constant 96 : index
    %get3A_729 = tpu.vector_load %arg14[%get3A_727, %get3A_728] {strides = array<i32>} : memref<8x128xf32, #tpu.memory_space<vmem>>, vector<1x16xf32>,
    %get3A_730 = vector.shape_cast %get3A_729 : vector<1x16xf32> to vector<16xf32>
    %add3A_731 = arith.addf %get3A_725, %get3A_730 : vector<16xf32>
    %swap3A_732 = arith.constant 3 : i32
    %swap3A_733 = arith.index_cast %swap3A_732 : i32 to index
    %swap3A_734 = arith.constant 96 : index
    %swap3A_735 = tpu.vector_load %arg13[%swap3A_733, %swap3A_734] {strides = array<i32>} : memref<8x128xf32, #tpu.memory_space<vmem>>, vector<1x16xf32>,
    %swap3A_736 = vector.shape_cast %swap3A_735 : vector<1x16xf32> to vector<16xf32>
    %swap3A_737 = vector.shape_cast %add3A_731 : vector<16xf32> to vector<1x16xf32>
    tpu.vector_store %arg13[%swap3A_733, %swap3A_734], %swap3A_737 {strides = array<i32>} : memref<8x128xf32, #tpu.memory_space<vmem>>, vector<1x16xf32>,
    %get3A_738 = arith.constant 3 : i32
    %get3A_739 = arith.index_cast %get3A_738 : i32 to index
    %get3A_740 = arith.constant 112 : index
    %get3A_741 = tpu.vector_load %arg13[%get3A_739, %get3A_740] {strides = array<i32>} : memref<8x128xf32, #tpu.memory_space<vmem>>, vector<1x16xf32>,
    %get3A_742 = vector.shape_cast %get3A_741 : vector<1x16xf32> to vector<16xf32>
    %get3A_743 = arith.constant 3 : i32
    %get3A_744 = arith.index_cast %get3A_743 : i32 to index
    %get3A_745 = arith.constant 112 : index
    %get3A_746 = tpu.vector_load %arg14[%get3A_744, %get3A_745] {strides = array<i32>} : memref<8x128xf32, #tpu.memory_space<vmem>>, vector<1x16xf32>,
    %get3A_747 = vector.shape_cast %get3A_746 : vector<1x16xf32> to vector<16xf32>
    %add3A_748 = arith.addf %get3A_742, %get3A_747 : vector<16xf32>
    %swap3A_749 = arith.constant 3 : i32
    %swap3A_750 = arith.index_cast %swap3A_749 : i32 to index
    %swap3A_751 = arith.constant 112 : index
    %swap3A_752 = tpu.vector_load %arg13[%swap3A_750, %swap3A_751] {strides = array<i32>} : memref<8x128xf32, #tpu.memory_space<vmem>>, vector<1x16xf32>,
    %swap3A_753 = vector.shape_cast %swap3A_752 : vector<1x16xf32> to vector<16xf32>
    %swap3A_754 = vector.shape_cast %add3A_748 : vector<16xf32> to vector<1x16xf32>
    tpu.vector_store %arg13[%swap3A_750, %swap3A_751], %swap3A_754 {strides = array<i32>} : memref<8x128xf32, #tpu.memory_space<vmem>>, vector<1x16xf32>,
    %get3A_755 = arith.constant 4 : i32
    %get3A_756 = arith.index_cast %get3A_755 : i32 to index
    %get3A_757 = arith.constant 0 : index
    %get3A_758 = tpu.vector_load %arg13[%get3A_756, %get3A_757] {strides = array<i32>} : memref<8x128xf32, #tpu.memory_space<vmem>>, vector<1x16xf32>,
    %get3A_759 = vector.shape_cast %get3A_758 : vector<1x16xf32> to vector<16xf32>
    %get3A_760 = arith.constant 4 : i32
    %get3A_761 = arith.index_cast %get3A_760 : i32 to index
    %get3A_762 = arith.constant 0 : index
    %get3A_763 = tpu.vector_load %arg14[%get3A_761, %get3A_762] {strides = array<i32>} : memref<8x128xf32, #tpu.memory_space<vmem>>, vector<1x16xf32>,
    %get3A_764 = vector.shape_cast %get3A_763 : vector<1x16xf32> to vector<16xf32>
    %add3A_765 = arith.addf %get3A_759, %get3A_764 : vector<16xf32>
    %swap3A_766 = arith.constant 4 : i32
    %swap3A_767 = arith.index_cast %swap3A_766 : i32 to index
    %swap3A_768 = arith.constant 0 : index
    %swap3A_769 = tpu.vector_load %arg13[%swap3A_767, %swap3A_768] {strides = array<i32>} : memref<8x128xf32, #tpu.memory_space<vmem>>, vector<1x16xf32>,
    %swap3A_770 = vector.shape_cast %swap3A_769 : vector<1x16xf32> to vector<16xf32>
    %swap3A_771 = vector.shape_cast %add3A_765 : vector<16xf32> to vector<1x16xf32>
    tpu.vector_store %arg13[%swap3A_767, %swap3A_768], %swap3A_771 {strides = array<i32>} : memref<8x128xf32, #tpu.memory_space<vmem>>, vector<1x16xf32>,
    %get3A_772 = arith.constant 4 : i32
    %get3A_773 = arith.index_cast %get3A_772 : i32 to index
    %get3A_774 = arith.constant 16 : index
    %get3A_775 = tpu.vector_load %arg13[%get3A_773, %get3A_774] {strides = array<i32>} : memref<8x128xf32, #tpu.memory_space<vmem>>, vector<1x16xf32>,
    %get3A_776 = vector.shape_cast %get3A_775 : vector<1x16xf32> to vector<16xf32>
    %get3A_777 = arith.constant 4 : i32
    %get3A_778 = arith.index_cast %get3A_777 : i32 to index
    %get3A_779 = arith.constant 16 : index
    %get3A_780 = tpu.vector_load %arg14[%get3A_778, %get3A_779] {strides = array<i32>} : memref<8x128xf32, #tpu.memory_space<vmem>>, vector<1x16xf32>,
    %get3A_781 = vector.shape_cast %get3A_780 : vector<1x16xf32> to vector<16xf32>
    %add3A_782 = arith.addf %get3A_776, %get3A_781 : vector<16xf32>
    %swap3A_783 = arith.constant 4 : i32
    %swap3A_784 = arith.index_cast %swap3A_783 : i32 to index
    %swap3A_785 = arith.constant 16 : index
    %swap3A_786 = tpu.vector_load %arg13[%swap3A_784, %swap3A_785] {strides = array<i32>} : memref<8x128xf32, #tpu.memory_space<vmem>>, vector<1x16xf32>,
    %swap3A_787 = vector.shape_cast %swap3A_786 : vector<1x16xf32> to vector<16xf32>
    %swap3A_788 = vector.shape_cast %add3A_782 : vector<16xf32> to vector<1x16xf32>
    tpu.vector_store %arg13[%swap3A_784, %swap3A_785], %swap3A_788 {strides = array<i32>} : memref<8x128xf32, #tpu.memory_space<vmem>>, vector<1x16xf32>,
    %get3A_789 = arith.constant 4 : i32
    %get3A_790 = arith.index_cast %get3A_789 : i32 to index
    %get3A_791 = arith.constant 32 : index
    %get3A_792 = tpu.vector_load %arg13[%get3A_790, %get3A_791] {strides = array<i32>} : memref<8x128xf32, #tpu.memory_space<vmem>>, vector<1x16xf32>,
    %get3A_793 = vector.shape_cast %get3A_792 : vector<1x16xf32> to vector<16xf32>
    %get3A_794 = arith.constant 4 : i32
    %get3A_795 = arith.index_cast %get3A_794 : i32 to index
    %get3A_796 = arith.constant 32 : index
    %get3A_797 = tpu.vector_load %arg14[%get3A_795, %get3A_796] {strides = array<i32>} : memref<8x128xf32, #tpu.memory_space<vmem>>, vector<1x16xf32>,
    %get3A_798 = vector.shape_cast %get3A_797 : vector<1x16xf32> to vector<16xf32>
    %add3A_799 = arith.addf %get3A_793, %get3A_798 : vector<16xf32>
    %swap3A_800 = arith.constant 4 : i32
    %swap3A_801 = arith.index_cast %swap3A_800 : i32 to index
    %swap3A_802 = arith.constant 32 : index
    %swap3A_803 = tpu.vector_load %arg13[%swap3A_801, %swap3A_802] {strides = array<i32>} : memref<8x128xf32, #tpu.memory_space<vmem>>, vector<1x16xf32>,
    %swap3A_804 = vector.shape_cast %swap3A_803 : vector<1x16xf32> to vector<16xf32>
    %swap3A_805 = vector.shape_cast %add3A_799 : vector<16xf32> to vector<1x16xf32>
    tpu.vector_store %arg13[%swap3A_801, %swap3A_802], %swap3A_805 {strides = array<i32>} : memref<8x128xf32, #tpu.memory_space<vmem>>, vector<1x16xf32>,
    %get3A_806 = arith.constant 4 : i32
    %get3A_807 = arith.index_cast %get3A_806 : i32 to index
    %get3A_808 = arith.constant 48 : index
    %get3A_809 = tpu.vector_load %arg13[%get3A_807, %get3A_808] {strides = array<i32>} : memref<8x128xf32, #tpu.memory_space<vmem>>, vector<1x16xf32>,
    %get3A_810 = vector.shape_cast %get3A_809 : vector<1x16xf32> to vector<16xf32>
    %get3A_811 = arith.constant 4 : i32
    %get3A_812 = arith.index_cast %get3A_811 : i32 to index
    %get3A_813 = arith.constant 48 : index
    %get3A_814 = tpu.vector_load %arg14[%get3A_812, %get3A_813] {strides = array<i32>} : memref<8x128xf32, #tpu.memory_space<vmem>>, vector<1x16xf32>,
    %get3A_815 = vector.shape_cast %get3A_814 : vector<1x16xf32> to vector<16xf32>
    %add3A_816 = arith.addf %get3A_810, %get3A_815 : vector<16xf32>
    %swap3A_817 = arith.constant 4 : i32
    %swap3A_818 = arith.index_cast %swap3A_817 : i32 to index
    %swap3A_819 = arith.constant 48 : index
    %swap3A_820 = tpu.vector_load %arg13[%swap3A_818, %swap3A_819] {strides = array<i32>} : memref<8x128xf32, #tpu.memory_space<vmem>>, vector<1x16xf32>,
    %swap3A_821 = vector.shape_cast %swap3A_820 : vector<1x16xf32> to vector<16xf32>
    %swap3A_822 = vector.shape_cast %add3A_816 : vector<16xf32> to vector<1x16xf32>
    tpu.vector_store %arg13[%swap3A_818, %swap3A_819], %swap3A_822 {strides = array<i32>} : memref<8x128xf32, #tpu.memory_space<vmem>>, vector<1x16xf32>,
    %get3A_823 = arith.constant 4 : i32
    %get3A_824 = arith.index_cast %get3A_823 : i32 to index
    %get3A_825 = arith.constant 64 : index
    %get3A_826 = tpu.vector_load %arg13[%get3A_824, %get3A_825] {strides = array<i32>} : memref<8x128xf32, #tpu.memory_space<vmem>>, vector<1x16xf32>,
    %get3A_827 = vector.shape_cast %get3A_826 : vector<1x16xf32> to vector<16xf32>
    %get3A_828 = arith.constant 4 : i32
    %get3A_829 = arith.index_cast %get3A_828 : i32 to index
    %get3A_830 = arith.constant 64 : index
    %get3A_831 = tpu.vector_load %arg14[%get3A_829, %get3A_830] {strides = array<i32>} : memref<8x128xf32, #tpu.memory_space<vmem>>, vector<1x16xf32>,
    %get3A_832 = vector.shape_cast %get3A_831 : vector<1x16xf32> to vector<16xf32>
    %add3A_833 = arith.addf %get3A_827, %get3A_832 : vector<16xf32>
    %swap3A_834 = arith.constant 4 : i32
    %swap3A_835 = arith.index_cast %swap3A_834 : i32 to index
    %swap3A_836 = arith.constant 64 : index
    %swap3A_837 = tpu.vector_load %arg13[%swap3A_835, %swap3A_836] {strides = array<i32>} : memref<8x128xf32, #tpu.memory_space<vmem>>, vector<1x16xf32>,
    %swap3A_838 = vector.shape_cast %swap3A_837 : vector<1x16xf32> to vector<16xf32>
    %swap3A_839 = vector.shape_cast %add3A_833 : vector<16xf32> to vector<1x16xf32>
    tpu.vector_store %arg13[%swap3A_835, %swap3A_836], %swap3A_839 {strides = array<i32>} : memref<8x128xf32, #tpu.memory_space<vmem>>, vector<1x16xf32>,
    %get3A_840 = arith.constant 4 : i32
    %get3A_841 = arith.index_cast %get3A_840 : i32 to index
    %get3A_842 = arith.constant 80 : index
    %get3A_843 = tpu.vector_load %arg13[%get3A_841, %get3A_842] {strides = array<i32>} : memref<8x128xf32, #tpu.memory_space<vmem>>, vector<1x16xf32>,
    %get3A_844 = vector.shape_cast %get3A_843 : vector<1x16xf32> to vector<16xf32>
    %get3A_845 = arith.constant 4 : i32
    %get3A_846 = arith.index_cast %get3A_845 : i32 to index
    %get3A_847 = arith.constant 80 : index
    %get3A_848 = tpu.vector_load %arg14[%get3A_846, %get3A_847] {strides = array<i32>} : memref<8x128xf32, #tpu.memory_space<vmem>>, vector<1x16xf32>,
    %get3A_849 = vector.shape_cast %get3A_848 : vector<1x16xf32> to vector<16xf32>
    %add3A_850 = arith.addf %get3A_844, %get3A_849 : vector<16xf32>
    %swap3A_851 = arith.constant 4 : i32
    %swap3A_852 = arith.index_cast %swap3A_851 : i32 to index
    %swap3A_853 = arith.constant 80 : index
    %swap3A_854 = tpu.vector_load %arg13[%swap3A_852, %swap3A_853] {strides = array<i32>} : memref<8x128xf32, #tpu.memory_space<vmem>>, vector<1x16xf32>,
    %swap3A_855 = vector.shape_cast %swap3A_854 : vector<1x16xf32> to vector<16xf32>
    %swap3A_856 = vector.shape_cast %add3A_850 : vector<16xf32> to vector<1x16xf32>
    tpu.vector_store %arg13[%swap3A_852, %swap3A_853], %swap3A_856 {strides = array<i32>} : memref<8x128xf32, #tpu.memory_space<vmem>>, vector<1x16xf32>,
    %get3A_857 = arith.constant 4 : i32
    %get3A_858 = arith.index_cast %get3A_857 : i32 to index
    %get3A_859 = arith.constant 96 : index
    %get3A_860 = tpu.vector_load %arg13[%get3A_858, %get3A_859] {strides = array<i32>} : memref<8x128xf32, #tpu.memory_space<vmem>>, vector<1x16xf32>,
    %get3A_861 = vector.shape_cast %get3A_860 : vector<1x16xf32> to vector<16xf32>
    %get3A_862 = arith.constant 4 : i32
    %get3A_863 = arith.index_cast %get3A_862 : i32 to index
    %get3A_864 = arith.constant 96 : index
    %get3A_865 = tpu.vector_load %arg14[%get3A_863, %get3A_864] {strides = array<i32>} : memref<8x128xf32, #tpu.memory_space<vmem>>, vector<1x16xf32>,
    %get3A_866 = vector.shape_cast %get3A_865 : vector<1x16xf32> to vector<16xf32>
    %add3A_867 = arith.addf %get3A_861, %get3A_866 : vector<16xf32>
    %swap3A_868 = arith.constant 4 : i32
    %swap3A_869 = arith.index_cast %swap3A_868 : i32 to index
    %swap3A_870 = arith.constant 96 : index
    %swap3A_871 = tpu.vector_load %arg13[%swap3A_869, %swap3A_870] {strides = array<i32>} : memref<8x128xf32, #tpu.memory_space<vmem>>, vector<1x16xf32>,
    %swap3A_872 = vector.shape_cast %swap3A_871 : vector<1x16xf32> to vector<16xf32>
    %swap3A_873 = vector.shape_cast %add3A_867 : vector<16xf32> to vector<1x16xf32>
    tpu.vector_store %arg13[%swap3A_869, %swap3A_870], %swap3A_873 {strides = array<i32>} : memref<8x128xf32, #tpu.memory_space<vmem>>, vector<1x16xf32>,
    %get3A_874 = arith.constant 4 : i32
    %get3A_875 = arith.index_cast %get3A_874 : i32 to index
    %get3A_876 = arith.constant 112 : index
    %get3A_877 = tpu.vector_load %arg13[%get3A_875, %get3A_876] {strides = array<i32>} : memref<8x128xf32, #tpu.memory_space<vmem>>, vector<1x16xf32>,
    %get3A_878 = vector.shape_cast %get3A_877 : vector<1x16xf32> to vector<16xf32>
    %get3A_879 = arith.constant 4 : i32
    %get3A_880 = arith.index_cast %get3A_879 : i32 to index
    %get3A_881 = arith.constant 112 : index
    %get3A_882 = tpu.vector_load %arg14[%get3A_880, %get3A_881] {strides = array<i32>} : memref<8x128xf32, #tpu.memory_space<vmem>>, vector<1x16xf32>,
    %get3A_883 = vector.shape_cast %get3A_882 : vector<1x16xf32> to vector<16xf32>
    %add3A_884 = arith.addf %get3A_878, %get3A_883 : vector<16xf32>
    %swap3A_885 = arith.constant 4 : i32
    %swap3A_886 = arith.index_cast %swap3A_885 : i32 to index
    %swap3A_887 = arith.constant 112 : index
    %swap3A_888 = tpu.vector_load %arg13[%swap3A_886, %swap3A_887] {strides = array<i32>} : memref<8x128xf32, #tpu.memory_space<vmem>>, vector<1x16xf32>,
    %swap3A_889 = vector.shape_cast %swap3A_888 : vector<1x16xf32> to vector<16xf32>
    %swap3A_890 = vector.shape_cast %add3A_884 : vector<16xf32> to vector<1x16xf32>
    tpu.vector_store %arg13[%swap3A_886, %swap3A_887], %swap3A_890 {strides = array<i32>} : memref<8x128xf32, #tpu.memory_space<vmem>>, vector<1x16xf32>,
    %get3A_891 = arith.constant 5 : i32
    %get3A_892 = arith.index_cast %get3A_891 : i32 to index
    %get3A_893 = arith.constant 0 : index
    %get3A_894 = tpu.vector_load %arg13[%get3A_892, %get3A_893] {strides = array<i32>} : memref<8x128xf32, #tpu.memory_space<vmem>>, vector<1x16xf32>,
    %get3A_895 = vector.shape_cast %get3A_894 : vector<1x16xf32> to vector<16xf32>
    %get3A_896 = arith.constant 5 : i32
    %get3A_897 = arith.index_cast %get3A_896 : i32 to index
    %get3A_898 = arith.constant 0 : index
    %get3A_899 = tpu.vector_load %arg14[%get3A_897, %get3A_898] {strides = array<i32>} : memref<8x128xf32, #tpu.memory_space<vmem>>, vector<1x16xf32>,
    %get3A_900 = vector.shape_cast %get3A_899 : vector<1x16xf32> to vector<16xf32>
    %add3A_901 = arith.addf %get3A_895, %get3A_900 : vector<16xf32>
    %swap3A_902 = arith.constant 5 : i32
    %swap3A_903 = arith.index_cast %swap3A_902 : i32 to index
    %swap3A_904 = arith.constant 0 : index
    %swap3A_905 = tpu.vector_load %arg13[%swap3A_903, %swap3A_904] {strides = array<i32>} : memref<8x128xf32, #tpu.memory_space<vmem>>, vector<1x16xf32>,
    %swap3A_906 = vector.shape_cast %swap3A_905 : vector<1x16xf32> to vector<16xf32>
    %swap3A_907 = vector.shape_cast %add3A_901 : vector<16xf32> to vector<1x16xf32>
    tpu.vector_store %arg13[%swap3A_903, %swap3A_904], %swap3A_907 {strides = array<i32>} : memref<8x128xf32, #tpu.memory_space<vmem>>, vector<1x16xf32>,
    %get3A_908 = arith.constant 5 : i32
    %get3A_909 = arith.index_cast %get3A_908 : i32 to index
    %get3A_910 = arith.constant 16 : index
    %get3A_911 = tpu.vector_load %arg13[%get3A_909, %get3A_910] {strides = array<i32>} : memref<8x128xf32, #tpu.memory_space<vmem>>, vector<1x16xf32>,
    %get3A_912 = vector.shape_cast %get3A_911 : vector<1x16xf32> to vector<16xf32>
    %get3A_913 = arith.constant 5 : i32
    %get3A_914 = arith.index_cast %get3A_913 : i32 to index
    %get3A_915 = arith.constant 16 : index
    %get3A_916 = tpu.vector_load %arg14[%get3A_914, %get3A_915] {strides = array<i32>} : memref<8x128xf32, #tpu.memory_space<vmem>>, vector<1x16xf32>,
    %get3A_917 = vector.shape_cast %get3A_916 : vector<1x16xf32> to vector<16xf32>
    %add3A_918 = arith.addf %get3A_912, %get3A_917 : vector<16xf32>
    %swap3A_919 = arith.constant 5 : i32
    %swap3A_920 = arith.index_cast %swap3A_919 : i32 to index
    %swap3A_921 = arith.constant 16 : index
    %swap3A_922 = tpu.vector_load %arg13[%swap3A_920, %swap3A_921] {strides = array<i32>} : memref<8x128xf32, #tpu.memory_space<vmem>>, vector<1x16xf32>,
    %swap3A_923 = vector.shape_cast %swap3A_922 : vector<1x16xf32> to vector<16xf32>
    %swap3A_924 = vector.shape_cast %add3A_918 : vector<16xf32> to vector<1x16xf32>
    tpu.vector_store %arg13[%swap3A_920, %swap3A_921], %swap3A_924 {strides = array<i32>} : memref<8x128xf32, #tpu.memory_space<vmem>>, vector<1x16xf32>,
    %get3A_925 = arith.constant 5 : i32
    %get3A_926 = arith.index_cast %get3A_925 : i32 to index
    %get3A_927 = arith.constant 32 : index
    %get3A_928 = tpu.vector_load %arg13[%get3A_926, %get3A_927] {strides = array<i32>} : memref<8x128xf32, #tpu.memory_space<vmem>>, vector<1x16xf32>,
    %get3A_929 = vector.shape_cast %get3A_928 : vector<1x16xf32> to vector<16xf32>
    %get3A_930 = arith.constant 5 : i32
    %get3A_931 = arith.index_cast %get3A_930 : i32 to index
    %get3A_932 = arith.constant 32 : index
    %get3A_933 = tpu.vector_load %arg14[%get3A_931, %get3A_932] {strides = array<i32>} : memref<8x128xf32, #tpu.memory_space<vmem>>, vector<1x16xf32>,
    %get3A_934 = vector.shape_cast %get3A_933 : vector<1x16xf32> to vector<16xf32>
    %add3A_935 = arith.addf %get3A_929, %get3A_934 : vector<16xf32>
    %swap3A_936 = arith.constant 5 : i32
    %swap3A_937 = arith.index_cast %swap3A_936 : i32 to index
    %swap3A_938 = arith.constant 32 : index
    %swap3A_939 = tpu.vector_load %arg13[%swap3A_937, %swap3A_938] {strides = array<i32>} : memref<8x128xf32, #tpu.memory_space<vmem>>, vector<1x16xf32>,
    %swap3A_940 = vector.shape_cast %swap3A_939 : vector<1x16xf32> to vector<16xf32>
    %swap3A_941 = vector.shape_cast %add3A_935 : vector<16xf32> to vector<1x16xf32>
    tpu.vector_store %arg13[%swap3A_937, %swap3A_938], %swap3A_941 {strides = array<i32>} : memref<8x128xf32, #tpu.memory_space<vmem>>, vector<1x16xf32>,
    %get3A_942 = arith.constant 5 : i32
    %get3A_943 = arith.index_cast %get3A_942 : i32 to index
    %get3A_944 = arith.constant 48 : index
    %get3A_945 = tpu.vector_load %arg13[%get3A_943, %get3A_944] {strides = array<i32>} : memref<8x128xf32, #tpu.memory_space<vmem>>, vector<1x16xf32>,
    %get3A_946 = vector.shape_cast %get3A_945 : vector<1x16xf32> to vector<16xf32>
    %get3A_947 = arith.constant 5 : i32
    %get3A_948 = arith.index_cast %get3A_947 : i32 to index
    %get3A_949 = arith.constant 48 : index
    %get3A_950 = tpu.vector_load %arg14[%get3A_948, %get3A_949] {strides = array<i32>} : memref<8x128xf32, #tpu.memory_space<vmem>>, vector<1x16xf32>,
    %get3A_951 = vector.shape_cast %get3A_950 : vector<1x16xf32> to vector<16xf32>
    %add3A_952 = arith.addf %get3A_946, %get3A_951 : vector<16xf32>
    %swap3A_953 = arith.constant 5 : i32
    %swap3A_954 = arith.index_cast %swap3A_953 : i32 to index
    %swap3A_955 = arith.constant 48 : index
    %swap3A_956 = tpu.vector_load %arg13[%swap3A_954, %swap3A_955] {strides = array<i32>} : memref<8x128xf32, #tpu.memory_space<vmem>>, vector<1x16xf32>,
    %swap3A_957 = vector.shape_cast %swap3A_956 : vector<1x16xf32> to vector<16xf32>
    %swap3A_958 = vector.shape_cast %add3A_952 : vector<16xf32> to vector<1x16xf32>
    tpu.vector_store %arg13[%swap3A_954, %swap3A_955], %swap3A_958 {strides = array<i32>} : memref<8x128xf32, #tpu.memory_space<vmem>>, vector<1x16xf32>,
    %get3A_959 = arith.constant 5 : i32
    %get3A_960 = arith.index_cast %get3A_959 : i32 to index
    %get3A_961 = arith.constant 64 : index
    %get3A_962 = tpu.vector_load %arg13[%get3A_960, %get3A_961] {strides = array<i32>} : memref<8x128xf32, #tpu.memory_space<vmem>>, vector<1x16xf32>,
    %get3A_963 = vector.shape_cast %get3A_962 : vector<1x16xf32> to vector<16xf32>
    %get3A_964 = arith.constant 5 : i32
    %get3A_965 = arith.index_cast %get3A_964 : i32 to index
    %get3A_966 = arith.constant 64 : index
    %get3A_967 = tpu.vector_load %arg14[%get3A_965, %get3A_966] {strides = array<i32>} : memref<8x128xf32, #tpu.memory_space<vmem>>, vector<1x16xf32>,
    %get3A_968 = vector.shape_cast %get3A_967 : vector<1x16xf32> to vector<16xf32>
    %add3A_969 = arith.addf %get3A_963, %get3A_968 : vector<16xf32>
    %swap3A_970 = arith.constant 5 : i32
    %swap3A_971 = arith.index_cast %swap3A_970 : i32 to index
    %swap3A_972 = arith.constant 64 : index
    %swap3A_973 = tpu.vector_load %arg13[%swap3A_971, %swap3A_972] {strides = array<i32>} : memref<8x128xf32, #tpu.memory_space<vmem>>, vector<1x16xf32>,
    %swap3A_974 = vector.shape_cast %swap3A_973 : vector<1x16xf32> to vector<16xf32>
    %swap3A_975 = vector.shape_cast %add3A_969 : vector<16xf32> to vector<1x16xf32>
    tpu.vector_store %arg13[%swap3A_971, %swap3A_972], %swap3A_975 {strides = array<i32>} : memref<8x128xf32, #tpu.memory_space<vmem>>, vector<1x16xf32>,
    %get3A_976 = arith.constant 5 : i32
    %get3A_977 = arith.index_cast %get3A_976 : i32 to index
    %get3A_978 = arith.constant 80 : index
    %get3A_979 = tpu.vector_load %arg13[%get3A_977, %get3A_978] {strides = array<i32>} : memref<8x128xf32, #tpu.memory_space<vmem>>, vector<1x16xf32>,
    %get3A_980 = vector.shape_cast %get3A_979 : vector<1x16xf32> to vector<16xf32>
    %get3A_981 = arith.constant 5 : i32
    %get3A_982 = arith.index_cast %get3A_981 : i32 to index
    %get3A_983 = arith.constant 80 : index
    %get3A_984 = tpu.vector_load %arg14[%get3A_982, %get3A_983] {strides = array<i32>} : memref<8x128xf32, #tpu.memory_space<vmem>>, vector<1x16xf32>,
    %get3A_985 = vector.shape_cast %get3A_984 : vector<1x16xf32> to vector<16xf32>
    %add3A_986 = arith.addf %get3A_980, %get3A_985 : vector<16xf32>
    %swap3A_987 = arith.constant 5 : i32
    %swap3A_988 = arith.index_cast %swap3A_987 : i32 to index
    %swap3A_989 = arith.constant 80 : index
    %swap3A_990 = tpu.vector_load %arg13[%swap3A_988, %swap3A_989] {strides = array<i32>} : memref<8x128xf32, #tpu.memory_space<vmem>>, vector<1x16xf32>,
    %swap3A_991 = vector.shape_cast %swap3A_990 : vector<1x16xf32> to vector<16xf32>
    %swap3A_992 = vector.shape_cast %add3A_986 : vector<16xf32> to vector<1x16xf32>
    tpu.vector_store %arg13[%swap3A_988, %swap3A_989], %swap3A_992 {strides = array<i32>} : memref<8x128xf32, #tpu.memory_space<vmem>>, vector<1x16xf32>,
    %get3A_993 = arith.constant 5 : i32
    %get3A_994 = arith.index_cast %get3A_993 : i32 to index
    %get3A_995 = arith.constant 96 : index
    %get3A_996 = tpu.vector_load %arg13[%get3A_994, %get3A_995] {strides = array<i32>} : memref<8x128xf32, #tpu.memory_space<vmem>>, vector<1x16xf32>,
    %get3A_997 = vector.shape_cast %get3A_996 : vector<1x16xf32> to vector<16xf32>
    %get3A_998 = arith.constant 5 : i32
    %get3A_999 = arith.index_cast %get3A_998 : i32 to index
    %get3A_1000 = arith.constant 96 : index
    %get3A_1001 = tpu.vector_load %arg14[%get3A_999, %get3A_1000] {strides = array<i32>} : memref<8x128xf32, #tpu.memory_space<vmem>>, vector<1x16xf32>,
    %get3A_1002 = vector.shape_cast %get3A_1001 : vector<1x16xf32> to vector<16xf32>
    %add3A_1003 = arith.addf %get3A_997, %get3A_1002 : vector<16xf32>
    %swap3A_1004 = arith.constant 5 : i32
    %swap3A_1005 = arith.index_cast %swap3A_1004 : i32 to index
    %swap3A_1006 = arith.constant 96 : index
    %swap3A_1007 = tpu.vector_load %arg13[%swap3A_1005, %swap3A_1006] {strides = array<i32>} : memref<8x128xf32, #tpu.memory_space<vmem>>, vector<1x16xf32>,
    %swap3A_1008 = vector.shape_cast %swap3A_1007 : vector<1x16xf32> to vector<16xf32>
    %swap3A_1009 = vector.shape_cast %add3A_1003 : vector<16xf32> to vector<1x16xf32>
    tpu.vector_store %arg13[%swap3A_1005, %swap3A_1006], %swap3A_1009 {strides = array<i32>} : memref<8x128xf32, #tpu.memory_space<vmem>>, vector<1x16xf32>,
    %get3A_1010 = arith.constant 5 : i32
    %get3A_1011 = arith.index_cast %get3A_1010 : i32 to index
    %get3A_1012 = arith.constant 112 : index
    %get3A_1013 = tpu.vector_load %arg13[%get3A_1011, %get3A_1012] {strides = array<i32>} : memref<8x128xf32, #tpu.memory_space<vmem>>, vector<1x16xf32>,
    %get3A_1014 = vector.shape_cast %get3A_1013 : vector<1x16xf32> to vector<16xf32>
    %get3A_1015 = arith.constant 5 : i32
    %get3A_1016 = arith.index_cast %get3A_1015 : i32 to index
    %get3A_1017 = arith.constant 112 : index
    %get3A_1018 = tpu.vector_load %arg14[%get3A_1016, %get3A_1017] {strides = array<i32>} : memref<8x128xf32, #tpu.memory_space<vmem>>, vector<1x16xf32>,
    %get3A_1019 = vector.shape_cast %get3A_1018 : vector<1x16xf32> to vector<16xf32>
    %add3A_1020 = arith.addf %get3A_1014, %get3A_1019 : vector<16xf32>
    %swap3A_1021 = arith.constant 5 : i32
    %swap3A_1022 = arith.index_cast %swap3A_1021 : i32 to index
    %swap3A_1023 = arith.constant 112 : index
    %swap3A_1024 = tpu.vector_load %arg13[%swap3A_1022, %swap3A_1023] {strides = array<i32>} : memref<8x128xf32, #tpu.memory_space<vmem>>, vector<1x16xf32>,
    %swap3A_1025 = vector.shape_cast %swap3A_1024 : vector<1x16xf32> to vector<16xf32>
    %swap3A_1026 = vector.shape_cast %add3A_1020 : vector<16xf32> to vector<1x16xf32>
    tpu.vector_store %arg13[%swap3A_1022, %swap3A_1023], %swap3A_1026 {strides = array<i32>} : memref<8x128xf32, #tpu.memory_space<vmem>>, vector<1x16xf32>,
    %get3A_1027 = arith.constant 6 : i32
    %get3A_1028 = arith.index_cast %get3A_1027 : i32 to index
    %get3A_1029 = arith.constant 0 : index
    %get3A_1030 = tpu.vector_load %arg13[%get3A_1028, %get3A_1029] {strides = array<i32>} : memref<8x128xf32, #tpu.memory_space<vmem>>, vector<1x16xf32>,
    %get3A_1031 = vector.shape_cast %get3A_1030 : vector<1x16xf32> to vector<16xf32>
    %get3A_1032 = arith.constant 6 : i32
    %get3A_1033 = arith.index_cast %get3A_1032 : i32 to index
    %get3A_1034 = arith.constant 0 : index
    %get3A_1035 = tpu.vector_load %arg14[%get3A_1033, %get3A_1034] {strides = array<i32>} : memref<8x128xf32, #tpu.memory_space<vmem>>, vector<1x16xf32>,
    %get3A_1036 = vector.shape_cast %get3A_1035 : vector<1x16xf32> to vector<16xf32>
    %add3A_1037 = arith.addf %get3A_1031, %get3A_1036 : vector<16xf32>
    %swap3A_1038 = arith.constant 6 : i32
    %swap3A_1039 = arith.index_cast %swap3A_1038 : i32 to index
    %swap3A_1040 = arith.constant 0 : index
    %swap3A_1041 = tpu.vector_load %arg13[%swap3A_1039, %swap3A_1040] {strides = array<i32>} : memref<8x128xf32, #tpu.memory_space<vmem>>, vector<1x16xf32>,
    %swap3A_1042 = vector.shape_cast %swap3A_1041 : vector<1x16xf32> to vector<16xf32>
    %swap3A_1043 = vector.shape_cast %add3A_1037 : vector<16xf32> to vector<1x16xf32>
    tpu.vector_store %arg13[%swap3A_1039, %swap3A_1040], %swap3A_1043 {strides = array<i32>} : memref<8x128xf32, #tpu.memory_space<vmem>>, vector<1x16xf32>,
    %get3A_1044 = arith.constant 6 : i32
    %get3A_1045 = arith.index_cast %get3A_1044 : i32 to index
    %get3A_1046 = arith.constant 16 : index
    %get3A_1047 = tpu.vector_load %arg13[%get3A_1045, %get3A_1046] {strides = array<i32>} : memref<8x128xf32, #tpu.memory_space<vmem>>, vector<1x16xf32>,
    %get3A_1048 = vector.shape_cast %get3A_1047 : vector<1x16xf32> to vector<16xf32>
    %get3A_1049 = arith.constant 6 : i32
    %get3A_1050 = arith.index_cast %get3A_1049 : i32 to index
    %get3A_1051 = arith.constant 16 : index
    %get3A_1052 = tpu.vector_load %arg14[%get3A_1050, %get3A_1051] {strides = array<i32>} : memref<8x128xf32, #tpu.memory_space<vmem>>, vector<1x16xf32>,
    %get3A_1053 = vector.shape_cast %get3A_1052 : vector<1x16xf32> to vector<16xf32>
    %add3A_1054 = arith.addf %get3A_1048, %get3A_1053 : vector<16xf32>
    %swap3A_1055 = arith.constant 6 : i32
    %swap3A_1056 = arith.index_cast %swap3A_1055 : i32 to index
    %swap3A_1057 = arith.constant 16 : index
    %swap3A_1058 = tpu.vector_load %arg13[%swap3A_1056, %swap3A_1057] {strides = array<i32>} : memref<8x128xf32, #tpu.memory_space<vmem>>, vector<1x16xf32>,
    %swap3A_1059 = vector.shape_cast %swap3A_1058 : vector<1x16xf32> to vector<16xf32>
    %swap3A_1060 = vector.shape_cast %add3A_1054 : vector<16xf32> to vector<1x16xf32>
    tpu.vector_store %arg13[%swap3A_1056, %swap3A_1057], %swap3A_1060 {strides = array<i32>} : memref<8x128xf32, #tpu.memory_space<vmem>>, vector<1x16xf32>,
    %get3A_1061 = arith.constant 6 : i32
    %get3A_1062 = arith.index_cast %get3A_1061 : i32 to index
    %get3A_1063 = arith.constant 32 : index
    %get3A_1064 = tpu.vector_load %arg13[%get3A_1062, %get3A_1063] {strides = array<i32>} : memref<8x128xf32, #tpu.memory_space<vmem>>, vector<1x16xf32>,
    %get3A_1065 = vector.shape_cast %get3A_1064 : vector<1x16xf32> to vector<16xf32>
    %get3A_1066 = arith.constant 6 : i32
    %get3A_1067 = arith.index_cast %get3A_1066 : i32 to index
    %get3A_1068 = arith.constant 32 : index
    %get3A_1069 = tpu.vector_load %arg14[%get3A_1067, %get3A_1068] {strides = array<i32>} : memref<8x128xf32, #tpu.memory_space<vmem>>, vector<1x16xf32>,
    %get3A_1070 = vector.shape_cast %get3A_1069 : vector<1x16xf32> to vector<16xf32>
    %add3A_1071 = arith.addf %get3A_1065, %get3A_1070 : vector<16xf32>
    %swap3A_1072 = arith.constant 6 : i32
    %swap3A_1073 = arith.index_cast %swap3A_1072 : i32 to index
    %swap3A_1074 = arith.constant 32 : index
    %swap3A_1075 = tpu.vector_load %arg13[%swap3A_1073, %swap3A_1074] {strides = array<i32>} : memref<8x128xf32, #tpu.memory_space<vmem>>, vector<1x16xf32>,
    %swap3A_1076 = vector.shape_cast %swap3A_1075 : vector<1x16xf32> to vector<16xf32>
    %swap3A_1077 = vector.shape_cast %add3A_1071 : vector<16xf32> to vector<1x16xf32>
    tpu.vector_store %arg13[%swap3A_1073, %swap3A_1074], %swap3A_1077 {strides = array<i32>} : memref<8x128xf32, #tpu.memory_space<vmem>>, vector<1x16xf32>,
    %get3A_1078 = arith.constant 6 : i32
    %get3A_1079 = arith.index_cast %get3A_1078 : i32 to index
    %get3A_1080 = arith.constant 48 : index
    %get3A_1081 = tpu.vector_load %arg13[%get3A_1079, %get3A_1080] {strides = array<i32>} : memref<8x128xf32, #tpu.memory_space<vmem>>, vector<1x16xf32>,
    %get3A_1082 = vector.shape_cast %get3A_1081 : vector<1x16xf32> to vector<16xf32>
    %get3A_1083 = arith.constant 6 : i32
    %get3A_1084 = arith.index_cast %get3A_1083 : i32 to index
    %get3A_1085 = arith.constant 48 : index
    %get3A_1086 = tpu.vector_load %arg14[%get3A_1084, %get3A_1085] {strides = array<i32>} : memref<8x128xf32, #tpu.memory_space<vmem>>, vector<1x16xf32>,
    %get3A_1087 = vector.shape_cast %get3A_1086 : vector<1x16xf32> to vector<16xf32>
    %add3A_1088 = arith.addf %get3A_1082, %get3A_1087 : vector<16xf32>
    %swap3A_1089 = arith.constant 6 : i32
    %swap3A_1090 = arith.index_cast %swap3A_1089 : i32 to index
    %swap3A_1091 = arith.constant 48 : index
    %swap3A_1092 = tpu.vector_load %arg13[%swap3A_1090, %swap3A_1091] {strides = array<i32>} : memref<8x128xf32, #tpu.memory_space<vmem>>, vector<1x16xf32>,
    %swap3A_1093 = vector.shape_cast %swap3A_1092 : vector<1x16xf32> to vector<16xf32>
    %swap3A_1094 = vector.shape_cast %add3A_1088 : vector<16xf32> to vector<1x16xf32>
    tpu.vector_store %arg13[%swap3A_1090, %swap3A_1091], %swap3A_1094 {strides = array<i32>} : memref<8x128xf32, #tpu.memory_space<vmem>>, vector<1x16xf32>,
    %get3A_1095 = arith.constant 6 : i32
    %get3A_1096 = arith.index_cast %get3A_1095 : i32 to index
    %get3A_1097 = arith.constant 64 : index
    %get3A_1098 = tpu.vector_load %arg13[%get3A_1096, %get3A_1097] {strides = array<i32>} : memref<8x128xf32, #tpu.memory_space<vmem>>, vector<1x16xf32>,
    %get3A_1099 = vector.shape_cast %get3A_1098 : vector<1x16xf32> to vector<16xf32>
    %get3A_1100 = arith.constant 6 : i32
    %get3A_1101 = arith.index_cast %get3A_1100 : i32 to index
    %get3A_1102 = arith.constant 64 : index
    %get3A_1103 = tpu.vector_load %arg14[%get3A_1101, %get3A_1102] {strides = array<i32>} : memref<8x128xf32, #tpu.memory_space<vmem>>, vector<1x16xf32>,
    %get3A_1104 = vector.shape_cast %get3A_1103 : vector<1x16xf32> to vector<16xf32>
    %add3A_1105 = arith.addf %get3A_1099, %get3A_1104 : vector<16xf32>
    %swap3A_1106 = arith.constant 6 : i32
    %swap3A_1107 = arith.index_cast %swap3A_1106 : i32 to index
    %swap3A_1108 = arith.constant 64 : index
    %swap3A_1109 = tpu.vector_load %arg13[%swap3A_1107, %swap3A_1108] {strides = array<i32>} : memref<8x128xf32, #tpu.memory_space<vmem>>, vector<1x16xf32>,
    %swap3A_1110 = vector.shape_cast %swap3A_1109 : vector<1x16xf32> to vector<16xf32>
    %swap3A_1111 = vector.shape_cast %add3A_1105 : vector<16xf32> to vector<1x16xf32>
    tpu.vector_store %arg13[%swap3A_1107, %swap3A_1108], %swap3A_1111 {strides = array<i32>} : memref<8x128xf32, #tpu.memory_space<vmem>>, vector<1x16xf32>,
    %get3A_1112 = arith.constant 6 : i32
    %get3A_1113 = arith.index_cast %get3A_1112 : i32 to index
    %get3A_1114 = arith.constant 80 : index
    %get3A_1115 = tpu.vector_load %arg13[%get3A_1113, %get3A_1114] {strides = array<i32>} : memref<8x128xf32, #tpu.memory_space<vmem>>, vector<1x16xf32>,
    %get3A_1116 = vector.shape_cast %get3A_1115 : vector<1x16xf32> to vector<16xf32>
    %get3A_1117 = arith.constant 6 : i32
    %get3A_1118 = arith.index_cast %get3A_1117 : i32 to index
    %get3A_1119 = arith.constant 80 : index
    %get3A_1120 = tpu.vector_load %arg14[%get3A_1118, %get3A_1119] {strides = array<i32>} : memref<8x128xf32, #tpu.memory_space<vmem>>, vector<1x16xf32>,
    %get3A_1121 = vector.shape_cast %get3A_1120 : vector<1x16xf32> to vector<16xf32>
    %add3A_1122 = arith.addf %get3A_1116, %get3A_1121 : vector<16xf32>
    %swap3A_1123 = arith.constant 6 : i32
    %swap3A_1124 = arith.index_cast %swap3A_1123 : i32 to index
    %swap3A_1125 = arith.constant 80 : index
    %swap3A_1126 = tpu.vector_load %arg13[%swap3A_1124, %swap3A_1125] {strides = array<i32>} : memref<8x128xf32, #tpu.memory_space<vmem>>, vector<1x16xf32>,
    %swap3A_1127 = vector.shape_cast %swap3A_1126 : vector<1x16xf32> to vector<16xf32>
    %swap3A_1128 = vector.shape_cast %add3A_1122 : vector<16xf32> to vector<1x16xf32>
    tpu.vector_store %arg13[%swap3A_1124, %swap3A_1125], %swap3A_1128 {strides = array<i32>} : memref<8x128xf32, #tpu.memory_space<vmem>>, vector<1x16xf32>,
    %get3A_1129 = arith.constant 6 : i32
    %get3A_1130 = arith.index_cast %get3A_1129 : i32 to index
    %get3A_1131 = arith.constant 96 : index
    %get3A_1132 = tpu.vector_load %arg13[%get3A_1130, %get3A_1131] {strides = array<i32>} : memref<8x128xf32, #tpu.memory_space<vmem>>, vector<1x16xf32>,
    %get3A_1133 = vector.shape_cast %get3A_1132 : vector<1x16xf32> to vector<16xf32>
    %get3A_1134 = arith.constant 6 : i32
    %get3A_1135 = arith.index_cast %get3A_1134 : i32 to index
    %get3A_1136 = arith.constant 96 : index
    %get3A_1137 = tpu.vector_load %arg14[%get3A_1135, %get3A_1136] {strides = array<i32>} : memref<8x128xf32, #tpu.memory_space<vmem>>, vector<1x16xf32>,
    %get3A_1138 = vector.shape_cast %get3A_1137 : vector<1x16xf32> to vector<16xf32>
    %add3A_1139 = arith.addf %get3A_1133, %get3A_1138 : vector<16xf32>
    %swap3A_1140 = arith.constant 6 : i32
    %swap3A_1141 = arith.index_cast %swap3A_1140 : i32 to index
    %swap3A_1142 = arith.constant 96 : index
    %swap3A_1143 = tpu.vector_load %arg13[%swap3A_1141, %swap3A_1142] {strides = array<i32>} : memref<8x128xf32, #tpu.memory_space<vmem>>, vector<1x16xf32>,
    %swap3A_1144 = vector.shape_cast %swap3A_1143 : vector<1x16xf32> to vector<16xf32>
    %swap3A_1145 = vector.shape_cast %add3A_1139 : vector<16xf32> to vector<1x16xf32>
    tpu.vector_store %arg13[%swap3A_1141, %swap3A_1142], %swap3A_1145 {strides = array<i32>} : memref<8x128xf32, #tpu.memory_space<vmem>>, vector<1x16xf32>,
    %get3A_1146 = arith.constant 6 : i32
    %get3A_1147 = arith.index_cast %get3A_1146 : i32 to index
    %get3A_1148 = arith.constant 112 : index
    %get3A_1149 = tpu.vector_load %arg13[%get3A_1147, %get3A_1148] {strides = array<i32>} : memref<8x128xf32, #tpu.memory_space<vmem>>, vector<1x16xf32>,
    %get3A_1150 = vector.shape_cast %get3A_1149 : vector<1x16xf32> to vector<16xf32>
    %get3A_1151 = arith.constant 6 : i32
    %get3A_1152 = arith.index_cast %get3A_1151 : i32 to index
    %get3A_1153 = arith.constant 112 : index
    %get3A_1154 = tpu.vector_load %arg14[%get3A_1152, %get3A_1153] {strides = array<i32>} : memref<8x128xf32, #tpu.memory_space<vmem>>, vector<1x16xf32>,
    %get3A_1155 = vector.shape_cast %get3A_1154 : vector<1x16xf32> to vector<16xf32>
    %add3A_1156 = arith.addf %get3A_1150, %get3A_1155 : vector<16xf32>
    %swap3A_1157 = arith.constant 6 : i32
    %swap3A_1158 = arith.index_cast %swap3A_1157 : i32 to index
    %swap3A_1159 = arith.constant 112 : index
    %swap3A_1160 = tpu.vector_load %arg13[%swap3A_1158, %swap3A_1159] {strides = array<i32>} : memref<8x128xf32, #tpu.memory_space<vmem>>, vector<1x16xf32>,
    %swap3A_1161 = vector.shape_cast %swap3A_1160 : vector<1x16xf32> to vector<16xf32>
    %swap3A_1162 = vector.shape_cast %add3A_1156 : vector<16xf32> to vector<1x16xf32>
    tpu.vector_store %arg13[%swap3A_1158, %swap3A_1159], %swap3A_1162 {strides = array<i32>} : memref<8x128xf32, #tpu.memory_space<vmem>>, vector<1x16xf32>,
    %get3A_1163 = arith.constant 7 : i32
    %get3A_1164 = arith.index_cast %get3A_1163 : i32 to index
    %get3A_1165 = arith.constant 0 : index
    %get3A_1166 = tpu.vector_load %arg13[%get3A_1164, %get3A_1165] {strides = array<i32>} : memref<8x128xf32, #tpu.memory_space<vmem>>, vector<1x16xf32>,
    %get3A_1167 = vector.shape_cast %get3A_1166 : vector<1x16xf32> to vector<16xf32>
    %get3A_1168 = arith.constant 7 : i32
    %get3A_1169 = arith.index_cast %get3A_1168 : i32 to index
    %get3A_1170 = arith.constant 0 : index
    %get3A_1171 = tpu.vector_load %arg14[%get3A_1169, %get3A_1170] {strides = array<i32>} : memref<8x128xf32, #tpu.memory_space<vmem>>, vector<1x16xf32>,
    %get3A_1172 = vector.shape_cast %get3A_1171 : vector<1x16xf32> to vector<16xf32>
    %add3A_1173 = arith.addf %get3A_1167, %get3A_1172 : vector<16xf32>
    %swap3A_1174 = arith.constant 7 : i32
    %swap3A_1175 = arith.index_cast %swap3A_1174 : i32 to index
    %swap3A_1176 = arith.constant 0 : index
    %swap3A_1177 = tpu.vector_load %arg13[%swap3A_1175, %swap3A_1176] {strides = array<i32>} : memref<8x128xf32, #tpu.memory_space<vmem>>, vector<1x16xf32>,
    %swap3A_1178 = vector.shape_cast %swap3A_1177 : vector<1x16xf32> to vector<16xf32>
    %swap3A_1179 = vector.shape_cast %add3A_1173 : vector<16xf32> to vector<1x16xf32>
    tpu.vector_store %arg13[%swap3A_1175, %swap3A_1176], %swap3A_1179 {strides = array<i32>} : memref<8x128xf32, #tpu.memory_space<vmem>>, vector<1x16xf32>,
    %get3A_1180 = arith.constant 7 : i32
    %get3A_1181 = arith.index_cast %get3A_1180 : i32 to index
    %get3A_1182 = arith.constant 16 : index
    %get3A_1183 = tpu.vector_load %arg13[%get3A_1181, %get3A_1182] {strides = array<i32>} : memref<8x128xf32, #tpu.memory_space<vmem>>, vector<1x16xf32>,
    %get3A_1184 = vector.shape_cast %get3A_1183 : vector<1x16xf32> to vector<16xf32>
    %get3A_1185 = arith.constant 7 : i32
    %get3A_1186 = arith.index_cast %get3A_1185 : i32 to index
    %get3A_1187 = arith.constant 16 : index
    %get3A_1188 = tpu.vector_load %arg14[%get3A_1186, %get3A_1187] {strides = array<i32>} : memref<8x128xf32, #tpu.memory_space<vmem>>, vector<1x16xf32>,
    %get3A_1189 = vector.shape_cast %get3A_1188 : vector<1x16xf32> to vector<16xf32>
    %add3A_1190 = arith.addf %get3A_1184, %get3A_1189 : vector<16xf32>
    %swap3A_1191 = arith.constant 7 : i32
    %swap3A_1192 = arith.index_cast %swap3A_1191 : i32 to index
    %swap3A_1193 = arith.constant 16 : index
    %swap3A_1194 = tpu.vector_load %arg13[%swap3A_1192, %swap3A_1193] {strides = array<i32>} : memref<8x128xf32, #tpu.memory_space<vmem>>, vector<1x16xf32>,
    %swap3A_1195 = vector.shape_cast %swap3A_1194 : vector<1x16xf32> to vector<16xf32>
    %swap3A_1196 = vector.shape_cast %add3A_1190 : vector<16xf32> to vector<1x16xf32>
    tpu.vector_store %arg13[%swap3A_1192, %swap3A_1193], %swap3A_1196 {strides = array<i32>} : memref<8x128xf32, #tpu.memory_space<vmem>>, vector<1x16xf32>,
    %get3A_1197 = arith.constant 7 : i32
    %get3A_1198 = arith.index_cast %get3A_1197 : i32 to index
    %get3A_1199 = arith.constant 32 : index
    %get3A_1200 = tpu.vector_load %arg13[%get3A_1198, %get3A_1199] {strides = array<i32>} : memref<8x128xf32, #tpu.memory_space<vmem>>, vector<1x16xf32>,
    %get3A_1201 = vector.shape_cast %get3A_1200 : vector<1x16xf32> to vector<16xf32>
    %get3A_1202 = arith.constant 7 : i32
    %get3A_1203 = arith.index_cast %get3A_1202 : i32 to index
    %get3A_1204 = arith.constant 32 : index
    %get3A_1205 = tpu.vector_load %arg14[%get3A_1203, %get3A_1204] {strides = array<i32>} : memref<8x128xf32, #tpu.memory_space<vmem>>, vector<1x16xf32>,
    %get3A_1206 = vector.shape_cast %get3A_1205 : vector<1x16xf32> to vector<16xf32>
    %add3A_1207 = arith.addf %get3A_1201, %get3A_1206 : vector<16xf32>
    %swap3A_1208 = arith.constant 7 : i32
    %swap3A_1209 = arith.index_cast %swap3A_1208 : i32 to index
    %swap3A_1210 = arith.constant 32 : index
    %swap3A_1211 = tpu.vector_load %arg13[%swap3A_1209, %swap3A_1210] {strides = array<i32>} : memref<8x128xf32, #tpu.memory_space<vmem>>, vector<1x16xf32>,
    %swap3A_1212 = vector.shape_cast %swap3A_1211 : vector<1x16xf32> to vector<16xf32>
    %swap3A_1213 = vector.shape_cast %add3A_1207 : vector<16xf32> to vector<1x16xf32>
    tpu.vector_store %arg13[%swap3A_1209, %swap3A_1210], %swap3A_1213 {strides = array<i32>} : memref<8x128xf32, #tpu.memory_space<vmem>>, vector<1x16xf32>,
    %get3A_1214 = arith.constant 7 : i32
    %get3A_1215 = arith.index_cast %get3A_1214 : i32 to index
    %get3A_1216 = arith.constant 48 : index
    %get3A_1217 = tpu.vector_load %arg13[%get3A_1215, %get3A_1216] {strides = array<i32>} : memref<8x128xf32, #tpu.memory_space<vmem>>, vector<1x16xf32>,
    %get3A_1218 = vector.shape_cast %get3A_1217 : vector<1x16xf32> to vector<16xf32>
    %get3A_1219 = arith.constant 7 : i32
    %get3A_1220 = arith.index_cast %get3A_1219 : i32 to index
    %get3A_1221 = arith.constant 48 : index
    %get3A_1222 = tpu.vector_load %arg14[%get3A_1220, %get3A_1221] {strides = array<i32>} : memref<8x128xf32, #tpu.memory_space<vmem>>, vector<1x16xf32>,
    %get3A_1223 = vector.shape_cast %get3A_1222 : vector<1x16xf32> to vector<16xf32>
    %add3A_1224 = arith.addf %get3A_1218, %get3A_1223 : vector<16xf32>
    %swap3A_1225 = arith.constant 7 : i32
    %swap3A_1226 = arith.index_cast %swap3A_1225 : i32 to index
    %swap3A_1227 = arith.constant 48 : index
    %swap3A_1228 = tpu.vector_load %arg13[%swap3A_1226, %swap3A_1227] {strides = array<i32>} : memref<8x128xf32, #tpu.memory_space<vmem>>, vector<1x16xf32>,
    %swap3A_1229 = vector.shape_cast %swap3A_1228 : vector<1x16xf32> to vector<16xf32>
    %swap3A_1230 = vector.shape_cast %add3A_1224 : vector<16xf32> to vector<1x16xf32>
    tpu.vector_store %arg13[%swap3A_1226, %swap3A_1227], %swap3A_1230 {strides = array<i32>} : memref<8x128xf32, #tpu.memory_space<vmem>>, vector<1x16xf32>,
    %get3A_1231 = arith.constant 7 : i32
    %get3A_1232 = arith.index_cast %get3A_1231 : i32 to index
    %get3A_1233 = arith.constant 64 : index
    %get3A_1234 = tpu.vector_load %arg13[%get3A_1232, %get3A_1233] {strides = array<i32>} : memref<8x128xf32, #tpu.memory_space<vmem>>, vector<1x16xf32>,
    %get3A_1235 = vector.shape_cast %get3A_1234 : vector<1x16xf32> to vector<16xf32>
    %get3A_1236 = arith.constant 7 : i32
    %get3A_1237 = arith.index_cast %get3A_1236 : i32 to index
    %get3A_1238 = arith.constant 64 : index
    %get3A_1239 = tpu.vector_load %arg14[%get3A_1237, %get3A_1238] {strides = array<i32>} : memref<8x128xf32, #tpu.memory_space<vmem>>, vector<1x16xf32>,
    %get3A_1240 = vector.shape_cast %get3A_1239 : vector<1x16xf32> to vector<16xf32>
    %add3A_1241 = arith.addf %get3A_1235, %get3A_1240 : vector<16xf32>
    %swap3A_1242 = arith.constant 7 : i32
    %swap3A_1243 = arith.index_cast %swap3A_1242 : i32 to index
    %swap3A_1244 = arith.constant 64 : index
    %swap3A_1245 = tpu.vector_load %arg13[%swap3A_1243, %swap3A_1244] {strides = array<i32>} : memref<8x128xf32, #tpu.memory_space<vmem>>, vector<1x16xf32>,
    %swap3A_1246 = vector.shape_cast %swap3A_1245 : vector<1x16xf32> to vector<16xf32>
    %swap3A_1247 = vector.shape_cast %add3A_1241 : vector<16xf32> to vector<1x16xf32>
    tpu.vector_store %arg13[%swap3A_1243, %swap3A_1244], %swap3A_1247 {strides = array<i32>} : memref<8x128xf32, #tpu.memory_space<vmem>>, vector<1x16xf32>,
    %get3A_1248 = arith.constant 7 : i32
    %get3A_1249 = arith.index_cast %get3A_1248 : i32 to index
    %get3A_1250 = arith.constant 80 : index
    %get3A_1251 = tpu.vector_load %arg13[%get3A_1249, %get3A_1250] {strides = array<i32>} : memref<8x128xf32, #tpu.memory_space<vmem>>, vector<1x16xf32>,
    %get3A_1252 = vector.shape_cast %get3A_1251 : vector<1x16xf32> to vector<16xf32>
    %get3A_1253 = arith.constant 7 : i32
    %get3A_1254 = arith.index_cast %get3A_1253 : i32 to index
    %get3A_1255 = arith.constant 80 : index
    %get3A_1256 = tpu.vector_load %arg14[%get3A_1254, %get3A_1255] {strides = array<i32>} : memref<8x128xf32, #tpu.memory_space<vmem>>, vector<1x16xf32>,
    %get3A_1257 = vector.shape_cast %get3A_1256 : vector<1x16xf32> to vector<16xf32>
    %add3A_1258 = arith.addf %get3A_1252, %get3A_1257 : vector<16xf32>
    %swap3A_1259 = arith.constant 7 : i32
    %swap3A_1260 = arith.index_cast %swap3A_1259 : i32 to index
    %swap3A_1261 = arith.constant 80 : index
    %swap3A_1262 = tpu.vector_load %arg13[%swap3A_1260, %swap3A_1261] {strides = array<i32>} : memref<8x128xf32, #tpu.memory_space<vmem>>, vector<1x16xf32>,
    %swap3A_1263 = vector.shape_cast %swap3A_1262 : vector<1x16xf32> to vector<16xf32>
    %swap3A_1264 = vector.shape_cast %add3A_1258 : vector<16xf32> to vector<1x16xf32>
    tpu.vector_store %arg13[%swap3A_1260, %swap3A_1261], %swap3A_1264 {strides = array<i32>} : memref<8x128xf32, #tpu.memory_space<vmem>>, vector<1x16xf32>,
    %get3A_1265 = arith.constant 7 : i32
    %get3A_1266 = arith.index_cast %get3A_1265 : i32 to index
    %get3A_1267 = arith.constant 96 : index
    %get3A_1268 = tpu.vector_load %arg13[%get3A_1266, %get3A_1267] {strides = array<i32>} : memref<8x128xf32, #tpu.memory_space<vmem>>, vector<1x16xf32>,
    %get3A_1269 = vector.shape_cast %get3A_1268 : vector<1x16xf32> to vector<16xf32>
    %get3A_1270 = arith.constant 7 : i32
    %get3A_1271 = arith.index_cast %get3A_1270 : i32 to index
    %get3A_1272 = arith.constant 96 : index
    %get3A_1273 = tpu.vector_load %arg14[%get3A_1271, %get3A_1272] {strides = array<i32>} : memref<8x128xf32, #tpu.memory_space<vmem>>, vector<1x16xf32>,
    %get3A_1274 = vector.shape_cast %get3A_1273 : vector<1x16xf32> to vector<16xf32>
    %add3A_1275 = arith.addf %get3A_1269, %get3A_1274 : vector<16xf32>
    %swap3A_1276 = arith.constant 7 : i32
    %swap3A_1277 = arith.index_cast %swap3A_1276 : i32 to index
    %swap3A_1278 = arith.constant 96 : index
    %swap3A_1279 = tpu.vector_load %arg13[%swap3A_1277, %swap3A_1278] {strides = array<i32>} : memref<8x128xf32, #tpu.memory_space<vmem>>, vector<1x16xf32>,
    %swap3A_1280 = vector.shape_cast %swap3A_1279 : vector<1x16xf32> to vector<16xf32>
    %swap3A_1281 = vector.shape_cast %add3A_1275 : vector<16xf32> to vector<1x16xf32>
    tpu.vector_store %arg13[%swap3A_1277, %swap3A_1278], %swap3A_1281 {strides = array<i32>} : memref<8x128xf32, #tpu.memory_space<vmem>>, vector<1x16xf32>,
    %get3A_1282 = arith.constant 7 : i32
    %get3A_1283 = arith.index_cast %get3A_1282 : i32 to index
    %get3A_1284 = arith.constant 112 : index
    %get3A_1285 = tpu.vector_load %arg13[%get3A_1283, %get3A_1284] {strides = array<i32>} : memref<8x128xf32, #tpu.memory_space<vmem>>, vector<1x16xf32>,
    %get3A_1286 = vector.shape_cast %get3A_1285 : vector<1x16xf32> to vector<16xf32>
    %get3A_1287 = arith.constant 7 : i32
    %get3A_1288 = arith.index_cast %get3A_1287 : i32 to index
    %get3A_1289 = arith.constant 112 : index
    %get3A_1290 = tpu.vector_load %arg14[%get3A_1288, %get3A_1289] {strides = array<i32>} : memref<8x128xf32, #tpu.memory_space<vmem>>, vector<1x16xf32>,
    %get3A_1291 = vector.shape_cast %get3A_1290 : vector<1x16xf32> to vector<16xf32>
    %add3A_1292 = arith.addf %get3A_1286, %get3A_1291 : vector<16xf32>
    %swap3A_1293 = arith.constant 7 : i32
    %swap3A_1294 = arith.index_cast %swap3A_1293 : i32 to index
    %swap3A_1295 = arith.constant 112 : index
    %swap3A_1296 = tpu.vector_load %arg13[%swap3A_1294, %swap3A_1295] {strides = array<i32>} : memref<8x128xf32, #tpu.memory_space<vmem>>, vector<1x16xf32>,
    %swap3A_1297 = vector.shape_cast %swap3A_1296 : vector<1x16xf32> to vector<16xf32>
    %swap3A_1298 = vector.shape_cast %add3A_1292 : vector<16xf32> to vector<1x16xf32>
    tpu.vector_store %arg13[%swap3A_1294, %swap3A_1295], %swap3A_1298 {strides = array<i32>} : memref<8x128xf32, #tpu.memory_space<vmem>>, vector<1x16xf32>,
    "tpu.region"() ({
      %run_scoped3A = tpu.sem_alloc : memref<!tpu.dma_semaphore, #tpu.memory_space<semaphore_mem>>
      %dma_start3A_1313 = arith.constant 0 : i32
      %dma_start3A_1314 = tpu.memref_slice %arg6[%add3A_201, %dma_start3A_1313] : memref<160000x128xf32, #tpu.memory_space<hbm>> -> memref<8x128xf32, #tpu.memory_space<hbm>>
      %dma_start3A_1315 = arith.constant 0 : i32
      %dma_start3A_1316 = tpu.memref_slice %arg6[%add3A_201, %dma_start3A_1315] : memref<160000x128xf32, #tpu.memory_space<hbm>> -> memref<8x128xf32, #tpu.memory_space<hbm>>
      tpu.enqueue_dma source(%arg13 : memref<8x128xf32, #tpu.memory_space<vmem>>) target(%dma_start3A_1316 : memref<8x128xf32, #tpu.memory_space<hbm>>) target_semaphore(%run_scoped3A : memref<!tpu.dma_semaphore, #tpu.memory_space<semaphore_mem>>)
      %dma_wait3A_1317 = arith.constant 0 : i32
      %dma_wait3A_1318 = tpu.memref_slice %arg6[%add3A_201, %dma_wait3A_1317] : memref<160000x128xf32, #tpu.memory_space<hbm>> -> memref<8x128xf32, #tpu.memory_space<hbm>>
      %dma_wait3A_1319 = arith.constant 0 : i32
      %dma_wait3A_1320 = tpu.memref_slice %arg6[%add3A_201, %dma_wait3A_1319] : memref<160000x128xf32, #tpu.memory_space<hbm>> -> memref<8x128xf32, #tpu.memory_space<hbm>>
      tpu.wait_dma2 semaphore(%run_scoped3A : memref<!tpu.dma_semaphore, #tpu.memory_space<semaphore_mem>>) src(%arg13 : memref<8x128xf32, #tpu.memory_space<vmem>>) dst(%dma_wait3A_1320 : memref<8x128xf32, #tpu.memory_space<hbm>>)
      tpu.yield
    }) : () -> ()
    %mul3A_1299 = arith.constant 256 : i32
    %mul3A_1300 = arith.muli %arg1, %mul3A_1299 : i32
    %dma_wait3A_1301 = arith.constant 0 : i32
    %dma_wait3A_1302 = tpu.memref_slice %arg6[%mul3A_2, %dma_wait3A_1301] : memref<160000x128xf32, #tpu.memory_space<hbm>> -> memref<128x128xf32, #tpu.memory_space<hbm>>
    %dma_wait3A_1303 = arith.constant 0 : i32
    %dma_wait3A_1304 = tpu.memref_slice %arg17[%mul3A_1300, %dma_wait3A_1303] : memref<4096x128xf32, #tpu.memory_space<vmem_shared>> -> memref<128x128xf32, #tpu.memory_space<vmem_shared>>
    tpu.wait_dma2 semaphore(%arg22 : memref<!tpu.dma_semaphore, #tpu.memory_space<semaphore_mem>>) src(%dma_wait3A_1304 : memref<128x128xf32, #tpu.memory_space<vmem_shared>>) dst(%dma_wait3A_1302 : memref<128x128xf32, #tpu.memory_space<hbm>>)
    %mul3A_1305 = arith.constant 256 : i32
    %mul3A_1306 = arith.muli %arg1, %mul3A_1305 : i32
    %add3A_1307 = arith.constant 128 : i32
    %add3A_1308 = arith.addi %mul3A_1306, %add3A_1307 : i32
    %dma_wait3A_1309 = arith.constant 0 : i32
    %dma_wait3A_1310 = tpu.memref_slice %arg6[%mul3A_2, %dma_wait3A_1309] : memref<160000x128xf32, #tpu.memory_space<hbm>> -> memref<128x128xf32, #tpu.memory_space<hbm>>
    %dma_wait3A_1311 = arith.constant 0 : i32
    %dma_wait3A_1312 = tpu.memref_slice %arg17[%add3A_1308, %dma_wait3A_1311] : memref<4096x128xf32, #tpu.memory_space<vmem_shared>> -> memref<128x128xf32, #tpu.memory_space<vmem_shared>>
    tpu.wait_dma2 semaphore(%arg23 : memref<!tpu.dma_semaphore, #tpu.memory_space<semaphore_mem>>) src(%dma_wait3A_1312 : memref<128x128xf32, #tpu.memory_space<vmem_shared>>) dst(%dma_wait3A_1310 : memref<128x128xf32, #tpu.memory_space<hbm>>)
    return
  }
}

module attributes {stable_mosaic.version = 14 : i64} {
  func.func @_proj_body(%arg0: i32, %arg1: memref<1000x128xf32, #tpu.memory_space<vmem>>, %arg2: memref<128x128xbf16, #tpu.memory_space<vmem>>, %arg3: memref<128x128xbf16, #tpu.memory_space<vmem>>, %arg4: memref<1x128xf32, #tpu.memory_space<vmem>>, %arg5: memref<1000x128xf32, #tpu.memory_space<vmem>>, %arg6: memref<1000x128xf32, #tpu.memory_space<vmem>>) attributes {dimension_semantics = [#tpu.dimension_semantics<arbitrary>], iteration_bounds = array<i64: 10>, scalar_prefetch = 0 : i64, scratch_operands = 0 : i64, tpu.core_type = #tpu.core_type<tc>, window_params = [{transform_indices = @transform_0, window_bounds = array<i64: 1000, 128>}, {pipeline_mode = #tpu.pipeline_mode<synchronous>, transform_indices = @transform_1, window_bounds = array<i64: 128, 128>}, {pipeline_mode = #tpu.pipeline_mode<synchronous>, transform_indices = @transform_2, window_bounds = array<i64: 128, 128>}, {pipeline_mode = #tpu.pipeline_mode<synchronous>, transform_indices = @transform_3, window_bounds = array<i64: 1, 128>}, {transform_indices = @transform_4, window_bounds = array<i64: 1000, 128>}, {transform_indices = @transform_5, window_bounds = array<i64: 1000, 128>}]} {
    %get3A = arith.constant 0 : index
    %get3A_0 = arith.constant 0 : index
    %get3A_1 = vector.load %arg1[%get3A, %get3A_0] : memref<1000x128xf32, #tpu.memory_space<vmem>>, vector<1000x128xf32>
    %convert_element_type3A = arith.truncf %get3A_1 : vector<1000x128xf32> to vector<1000x128xbf16>
    %get3A_2 = arith.constant 0 : index
    %get3A_3 = arith.constant 0 : index
    %get3A_4 = vector.load %arg2[%get3A_2, %get3A_3] : memref<128x128xbf16, #tpu.memory_space<vmem>>, vector<128x128xbf16>
    %dot_general3A = arith.constant dense<0.000000e+00> : vector<1000x128xf32>
    %dot_general3A_5 = tpu.matmul %convert_element_type3A, %get3A_4, %dot_general3A {dimension_numbers = #tpu.dot_dimension_numbers<[1], [0], [0], [1], [0, 0, 1, 1], [], []>, transpose_lhs_hint = false} : vector<1000x128xbf16>, vector<128x128xbf16>, vector<1000x128xf32> -> vector<1000x128xf32>
    %get3A_6 = arith.constant 0 : index
    %get3A_7 = arith.constant 0 : index
    %get3A_8 = vector.load %arg4[%get3A_6, %get3A_7] : memref<1x128xf32, #tpu.memory_space<vmem>>, vector<1x128xf32>
    %add3A = vector.broadcast %get3A_8 : vector<1x128xf32> to vector<1000x128xf32>
    %add3A_9 = arith.addf %dot_general3A_5, %add3A : vector<1000x128xf32>
    %swap3A = arith.constant 0 : index
    %swap3A_10 = arith.constant 0 : index
    %swap3A_11 = vector.load %arg5[%swap3A, %swap3A_10] : memref<1000x128xf32, #tpu.memory_space<vmem>>, vector<1000x128xf32>
    tpu.vector_store %arg5[%swap3A, %swap3A_10], %add3A_9 {strides = array<i32>} : memref<1000x128xf32, #tpu.memory_space<vmem>>, vector<1000x128xf32>,
    %get3A_12 = arith.constant 0 : index
    %get3A_13 = arith.constant 0 : index
    %get3A_14 = vector.load %arg3[%get3A_12, %get3A_13] : memref<128x128xbf16, #tpu.memory_space<vmem>>, vector<128x128xbf16>
    %dot_general3A_15 = arith.constant dense<0.000000e+00> : vector<1000x128xf32>
    %dot_general3A_16 = tpu.matmul %convert_element_type3A, %get3A_14, %dot_general3A_15 {dimension_numbers = #tpu.dot_dimension_numbers<[1], [0], [0], [1], [0, 0, 1, 1], [], []>, transpose_lhs_hint = false} : vector<1000x128xbf16>, vector<128x128xbf16>, vector<1000x128xf32> -> vector<1000x128xf32>
    %swap3A_17 = arith.constant 0 : index
    %swap3A_18 = arith.constant 0 : index
    %swap3A_19 = vector.load %arg6[%swap3A_17, %swap3A_18] : memref<1000x128xf32, #tpu.memory_space<vmem>>, vector<1000x128xf32>
    tpu.vector_store %arg6[%swap3A_17, %swap3A_18], %dot_general3A_16 {strides = array<i32>} : memref<1000x128xf32, #tpu.memory_space<vmem>>, vector<1000x128xf32>,
    return
  }
  func.func @transform_0(%arg0: i32) -> (i32, i32) {
    %c0_i32 = arith.constant 0 : i32
    %c0_i32_0 = arith.constant 0 : i32
    return %arg0, %c0_i32 : i32, i32
  }
  func.func @transform_1(%arg0: i32) -> (i32, i32) {
    %c0_i32 = arith.constant 0 : i32
    %c0_i32_0 = arith.constant 0 : i32
    %c0_i32_1 = arith.constant 0 : i32
    return %c0_i32, %c0_i32_0 : i32, i32
  }
  func.func @transform_2(%arg0: i32) -> (i32, i32) {
    %c0_i32 = arith.constant 0 : i32
    %c0_i32_0 = arith.constant 0 : i32
    %c0_i32_1 = arith.constant 0 : i32
    return %c0_i32, %c0_i32_0 : i32, i32
  }
  func.func @transform_3(%arg0: i32) -> (i32, i32) {
    %c0_i32 = arith.constant 0 : i32
    %c0_i32_0 = arith.constant 0 : i32
    %c0_i32_1 = arith.constant 0 : i32
    return %c0_i32, %c0_i32_0 : i32, i32
  }
  func.func @transform_4(%arg0: i32) -> (i32, i32) {
    %c0_i32 = arith.constant 0 : i32
    %c0_i32_0 = arith.constant 0 : i32
    return %arg0, %c0_i32 : i32, i32
  }
  func.func @transform_5(%arg0: i32) -> (i32, i32) {
    %c0_i32 = arith.constant 0 : i32
    %c0_i32_0 = arith.constant 0 : i32
    return %arg0, %c0_i32 : i32, i32
  }
}

module attributes {stable_mosaic.version = 14 : i64} {
  func.func @_edge_mlp_body(%arg0: i32, %arg1: memref<2000x128xf32, #tpu.memory_space<vmem>>, %arg2: memref<128x128xbf16, #tpu.memory_space<vmem>>, %arg3: memref<1x128xf32, #tpu.memory_space<vmem>>, %arg4: memref<2000x128xf32, #tpu.memory_space<vmem>>) attributes {dimension_semantics = [#tpu.dimension_semantics<arbitrary>], iteration_bounds = array<i64: 80>, scalar_prefetch = 0 : i64, scratch_operands = 0 : i64, tpu.core_type = #tpu.core_type<tc>, window_params = [{transform_indices = @transform_0, window_bounds = array<i64: 2000, 128>}, {pipeline_mode = #tpu.pipeline_mode<synchronous>, transform_indices = @transform_1, window_bounds = array<i64: 128, 128>}, {pipeline_mode = #tpu.pipeline_mode<synchronous>, transform_indices = @transform_2, window_bounds = array<i64: 1, 128>}, {transform_indices = @transform_3, window_bounds = array<i64: 2000, 128>}]} {
    %get3A = arith.constant 0 : index
    %get3A_0 = arith.constant 0 : index
    %get3A_1 = vector.load %arg1[%get3A, %get3A_0] : memref<2000x128xf32, #tpu.memory_space<vmem>>, vector<2000x128xf32>
    %max3A = arith.constant 0.000000e+00 : f32
    %max3A_2 = vector.broadcast %max3A : f32 to vector<2000x128xf32>
    %max3A_3 = arith.maximumf %get3A_1, %max3A_2 : vector<2000x128xf32>
    %abs3A = math.absf %get3A_1 : vector<2000x128xf32>
    %neg3A = arith.constant 0.000000e+00 : f32
    %neg3A_4 = vector.broadcast %neg3A : f32 to vector<2000x128xf32>
    %neg3A_5 = arith.subf %neg3A_4, %abs3A : vector<2000x128xf32>
    %exp3A = math.exp %neg3A_5 : vector<2000x128xf32>
    %log1p3A = math.log1p %exp3A : vector<2000x128xf32>
    %add3A = arith.addf %max3A_3, %log1p3A : vector<2000x128xf32>
    %convert_element_type3A = arith.truncf %add3A : vector<2000x128xf32> to vector<2000x128xbf16>
    %get3A_6 = arith.constant 0 : index
    %get3A_7 = arith.constant 0 : index
    %get3A_8 = vector.load %arg2[%get3A_6, %get3A_7] : memref<128x128xbf16, #tpu.memory_space<vmem>>, vector<128x128xbf16>
    %dot_general3A = arith.constant dense<0.000000e+00> : vector<2000x128xf32>
    %dot_general3A_9 = tpu.matmul %convert_element_type3A, %get3A_8, %dot_general3A {dimension_numbers = #tpu.dot_dimension_numbers<[1], [0], [0], [1], [0, 0, 1, 1], [], []>, transpose_lhs_hint = false} : vector<2000x128xbf16>, vector<128x128xbf16>, vector<2000x128xf32> -> vector<2000x128xf32>
    %get3A_10 = arith.constant 0 : index
    %get3A_11 = arith.constant 0 : index
    %get3A_12 = vector.load %arg3[%get3A_10, %get3A_11] : memref<1x128xf32, #tpu.memory_space<vmem>>, vector<1x128xf32>
    %add3A_13 = vector.broadcast %get3A_12 : vector<1x128xf32> to vector<2000x128xf32>
    %add3A_14 = arith.addf %dot_general3A_9, %add3A_13 : vector<2000x128xf32>
    %max3A_15 = arith.constant 0.000000e+00 : f32
    %max3A_16 = vector.broadcast %max3A_15 : f32 to vector<2000x128xf32>
    %max3A_17 = arith.maximumf %add3A_14, %max3A_16 : vector<2000x128xf32>
    %abs3A_18 = math.absf %add3A_14 : vector<2000x128xf32>
    %neg3A_19 = arith.constant 0.000000e+00 : f32
    %neg3A_20 = vector.broadcast %neg3A_19 : f32 to vector<2000x128xf32>
    %neg3A_21 = arith.subf %neg3A_20, %abs3A_18 : vector<2000x128xf32>
    %exp3A_22 = math.exp %neg3A_21 : vector<2000x128xf32>
    %log1p3A_23 = math.log1p %exp3A_22 : vector<2000x128xf32>
    %add3A_24 = arith.addf %max3A_17, %log1p3A_23 : vector<2000x128xf32>
    %swap3A = arith.constant 0 : index
    %swap3A_25 = arith.constant 0 : index
    %swap3A_26 = vector.load %arg4[%swap3A, %swap3A_25] : memref<2000x128xf32, #tpu.memory_space<vmem>>, vector<2000x128xf32>
    tpu.vector_store %arg4[%swap3A, %swap3A_25], %add3A_24 {strides = array<i32>} : memref<2000x128xf32, #tpu.memory_space<vmem>>, vector<2000x128xf32>,
    return
  }
  func.func @transform_0(%arg0: i32) -> (i32, i32) {
    %c0_i32 = arith.constant 0 : i32
    %c0_i32_0 = arith.constant 0 : i32
    return %arg0, %c0_i32 : i32, i32
  }
  func.func @transform_1(%arg0: i32) -> (i32, i32) {
    %c0_i32 = arith.constant 0 : i32
    %c0_i32_0 = arith.constant 0 : i32
    %c0_i32_1 = arith.constant 0 : i32
    return %c0_i32, %c0_i32_0 : i32, i32
  }
  func.func @transform_2(%arg0: i32) -> (i32, i32) {
    %c0_i32 = arith.constant 0 : i32
    %c0_i32_0 = arith.constant 0 : i32
    %c0_i32_1 = arith.constant 0 : i32
    return %c0_i32, %c0_i32_0 : i32, i32
  }
  func.func @transform_3(%arg0: i32) -> (i32, i32) {
    %c0_i32 = arith.constant 0 : i32
    %c0_i32_0 = arith.constant 0 : i32
    return %arg0, %c0_i32 : i32, i32
  }
}

module attributes {stable_mosaic.version = 14 : i64} {
  func.func @_node_mlp_body(%arg0: i32, %arg1: memref<1000x128xf32, #tpu.memory_space<vmem>>, %arg2: memref<1000x128xf32, #tpu.memory_space<vmem>>, %arg3: memref<1000x128xf32, #tpu.memory_space<vmem>>, %arg4: memref<128x128xf32, #tpu.memory_space<vmem>>, %arg5: memref<128x128xf32, #tpu.memory_space<vmem>>, %arg6: memref<1x128xf32, #tpu.memory_space<vmem>>, %arg7: memref<128x128xf32, #tpu.memory_space<vmem>>, %arg8: memref<1x128xf32, #tpu.memory_space<vmem>>, %arg9: memref<128x128xf32, #tpu.memory_space<vmem>>, %arg10: memref<1x128xf32, #tpu.memory_space<vmem>>, %arg11: memref<1000x128xf32, #tpu.memory_space<vmem>>) attributes {dimension_semantics = [#tpu.dimension_semantics<arbitrary>], iteration_bounds = array<i64: 10>, scalar_prefetch = 0 : i64, scratch_operands = 0 : i64, tpu.core_type = #tpu.core_type<tc>, window_params = [{transform_indices = @transform_0, window_bounds = array<i64: 1000, 128>}, {transform_indices = @transform_1, window_bounds = array<i64: 1000, 128>}, {transform_indices = @transform_2, window_bounds = array<i64: 1000, 128>}, {pipeline_mode = #tpu.pipeline_mode<synchronous>, transform_indices = @transform_3, window_bounds = array<i64: 128, 128>}, {pipeline_mode = #tpu.pipeline_mode<synchronous>, transform_indices = @transform_4, window_bounds = array<i64: 128, 128>}, {pipeline_mode = #tpu.pipeline_mode<synchronous>, transform_indices = @transform_5, window_bounds = array<i64: 1, 128>}, {pipeline_mode = #tpu.pipeline_mode<synchronous>, transform_indices = @transform_6, window_bounds = array<i64: 128, 128>}, {pipeline_mode = #tpu.pipeline_mode<synchronous>, transform_indices = @transform_7, window_bounds = array<i64: 1, 128>}, {pipeline_mode = #tpu.pipeline_mode<synchronous>, transform_indices = @transform_8, window_bounds = array<i64: 128, 128>}, {pipeline_mode = #tpu.pipeline_mode<synchronous>, transform_indices = @transform_9, window_bounds = array<i64: 1, 128>}, {transform_indices = @transform_10, window_bounds = array<i64: 1000, 128>}]} {
    %get3A = arith.constant 0 : index
    %get3A_0 = arith.constant 0 : index
    %get3A_1 = vector.load %arg2[%get3A, %get3A_0] : memref<1000x128xf32, #tpu.memory_space<vmem>>, vector<1000x128xf32>
    %get3A_2 = arith.constant 0 : index
    %get3A_3 = arith.constant 0 : index
    %get3A_4 = vector.load %arg3[%get3A_2, %get3A_3] : memref<1000x128xf32, #tpu.memory_space<vmem>>, vector<1000x128xf32>
    %add3A = arith.addf %get3A_1, %get3A_4 : vector<1000x128xf32>
    %get3A_5 = arith.constant 0 : index
    %get3A_6 = arith.constant 0 : index
    %get3A_7 = vector.load %arg1[%get3A_5, %get3A_6] : memref<1000x128xf32, #tpu.memory_space<vmem>>, vector<1000x128xf32>
    %get3A_8 = arith.constant 0 : index
    %get3A_9 = arith.constant 0 : index
    %get3A_10 = vector.load %arg4[%get3A_8, %get3A_9] : memref<128x128xf32, #tpu.memory_space<vmem>>, vector<128x128xf32>
    %dot_general3A = arith.constant dense<0.000000e+00> : vector<1000x128xf32>
    %dot_general3A_11 = tpu.matmul %get3A_7, %get3A_10, %dot_general3A {dimension_numbers = #tpu.dot_dimension_numbers<[1], [0], [0], [1], [0, 0, 1, 1], [], []>, transpose_lhs_hint = false} : vector<1000x128xf32>, vector<128x128xf32>, vector<1000x128xf32> -> vector<1000x128xf32>
    %get3A_12 = arith.constant 0 : index
    %get3A_13 = arith.constant 0 : index
    %get3A_14 = vector.load %arg5[%get3A_12, %get3A_13] : memref<128x128xf32, #tpu.memory_space<vmem>>, vector<128x128xf32>
    %dot_general3A_15 = arith.constant dense<0.000000e+00> : vector<1000x128xf32>
    %dot_general3A_16 = tpu.matmul %add3A, %get3A_14, %dot_general3A_15 {dimension_numbers = #tpu.dot_dimension_numbers<[1], [0], [0], [1], [0, 0, 1, 1], [], []>, transpose_lhs_hint = false} : vector<1000x128xf32>, vector<128x128xf32>, vector<1000x128xf32> -> vector<1000x128xf32>
    %add3A_17 = arith.addf %dot_general3A_11, %dot_general3A_16 : vector<1000x128xf32>
    %get3A_18 = arith.constant 0 : index
    %get3A_19 = arith.constant 0 : index
    %get3A_20 = vector.load %arg6[%get3A_18, %get3A_19] : memref<1x128xf32, #tpu.memory_space<vmem>>, vector<1x128xf32>
    %add3A_21 = vector.broadcast %get3A_20 : vector<1x128xf32> to vector<1000x128xf32>
    %add3A_22 = arith.addf %add3A_17, %add3A_21 : vector<1000x128xf32>
    %max3A = arith.constant 0.000000e+00 : f32
    %max3A_23 = vector.broadcast %max3A : f32 to vector<1000x128xf32>
    %max3A_24 = arith.maximumf %add3A_22, %max3A_23 : vector<1000x128xf32>
    %abs3A = math.absf %add3A_22 : vector<1000x128xf32>
    %neg3A = arith.constant 0.000000e+00 : f32
    %neg3A_25 = vector.broadcast %neg3A : f32 to vector<1000x128xf32>
    %neg3A_26 = arith.subf %neg3A_25, %abs3A : vector<1000x128xf32>
    %exp3A = math.exp %neg3A_26 : vector<1000x128xf32>
    %log1p3A = math.log1p %exp3A : vector<1000x128xf32>
    %add3A_27 = arith.addf %max3A_24, %log1p3A : vector<1000x128xf32>
    %get3A_28 = arith.constant 0 : index
    %get3A_29 = arith.constant 0 : index
    %get3A_30 = vector.load %arg7[%get3A_28, %get3A_29] : memref<128x128xf32, #tpu.memory_space<vmem>>, vector<128x128xf32>
    %dot_general3A_31 = arith.constant dense<0.000000e+00> : vector<1000x128xf32>
    %dot_general3A_32 = tpu.matmul %add3A_27, %get3A_30, %dot_general3A_31 {dimension_numbers = #tpu.dot_dimension_numbers<[1], [0], [0], [1], [0, 0, 1, 1], [], []>, transpose_lhs_hint = false} : vector<1000x128xf32>, vector<128x128xf32>, vector<1000x128xf32> -> vector<1000x128xf32>
    %get3A_33 = arith.constant 0 : index
    %get3A_34 = arith.constant 0 : index
    %get3A_35 = vector.load %arg8[%get3A_33, %get3A_34] : memref<1x128xf32, #tpu.memory_space<vmem>>, vector<1x128xf32>
    %add3A_36 = vector.broadcast %get3A_35 : vector<1x128xf32> to vector<1000x128xf32>
    %add3A_37 = arith.addf %dot_general3A_32, %add3A_36 : vector<1000x128xf32>
    %max3A_38 = arith.constant 0.000000e+00 : f32
    %max3A_39 = vector.broadcast %max3A_38 : f32 to vector<1000x128xf32>
    %max3A_40 = arith.maximumf %add3A_37, %max3A_39 : vector<1000x128xf32>
    %abs3A_41 = math.absf %add3A_37 : vector<1000x128xf32>
    %neg3A_42 = arith.constant 0.000000e+00 : f32
    %neg3A_43 = vector.broadcast %neg3A_42 : f32 to vector<1000x128xf32>
    %neg3A_44 = arith.subf %neg3A_43, %abs3A_41 : vector<1000x128xf32>
    %exp3A_45 = math.exp %neg3A_44 : vector<1000x128xf32>
    %log1p3A_46 = math.log1p %exp3A_45 : vector<1000x128xf32>
    %add3A_47 = arith.addf %max3A_40, %log1p3A_46 : vector<1000x128xf32>
    %get3A_48 = arith.constant 0 : index
    %get3A_49 = arith.constant 0 : index
    %get3A_50 = vector.load %arg9[%get3A_48, %get3A_49] : memref<128x128xf32, #tpu.memory_space<vmem>>, vector<128x128xf32>
    %dot_general3A_51 = arith.constant dense<0.000000e+00> : vector<1000x128xf32>
    %dot_general3A_52 = tpu.matmul %add3A_47, %get3A_50, %dot_general3A_51 {dimension_numbers = #tpu.dot_dimension_numbers<[1], [0], [0], [1], [0, 0, 1, 1], [], []>, transpose_lhs_hint = false} : vector<1000x128xf32>, vector<128x128xf32>, vector<1000x128xf32> -> vector<1000x128xf32>
    %get3A_53 = arith.constant 0 : index
    %get3A_54 = arith.constant 0 : index
    %get3A_55 = vector.load %arg10[%get3A_53, %get3A_54] : memref<1x128xf32, #tpu.memory_space<vmem>>, vector<1x128xf32>
    %add3A_56 = vector.broadcast %get3A_55 : vector<1x128xf32> to vector<1000x128xf32>
    %add3A_57 = arith.addf %dot_general3A_52, %add3A_56 : vector<1000x128xf32>
    %swap3A = arith.constant 0 : index
    %swap3A_58 = arith.constant 0 : index
    %swap3A_59 = vector.load %arg11[%swap3A, %swap3A_58] : memref<1000x128xf32, #tpu.memory_space<vmem>>, vector<1000x128xf32>
    tpu.vector_store %arg11[%swap3A, %swap3A_58], %add3A_57 {strides = array<i32>} : memref<1000x128xf32, #tpu.memory_space<vmem>>, vector<1000x128xf32>,
    return
  }
  func.func @transform_0(%arg0: i32) -> (i32, i32) {
    %c0_i32 = arith.constant 0 : i32
    %c0_i32_0 = arith.constant 0 : i32
    return %arg0, %c0_i32 : i32, i32
  }
  func.func @transform_1(%arg0: i32) -> (i32, i32) {
    %c0_i32 = arith.constant 0 : i32
    %c0_i32_0 = arith.constant 0 : i32
    return %arg0, %c0_i32 : i32, i32
  }
  func.func @transform_2(%arg0: i32) -> (i32, i32) {
    %c0_i32 = arith.constant 0 : i32
    %c0_i32_0 = arith.constant 0 : i32
    return %arg0, %c0_i32 : i32, i32
  }
  func.func @transform_3(%arg0: i32) -> (i32, i32) {
    %c0_i32 = arith.constant 0 : i32
    %c0_i32_0 = arith.constant 0 : i32
    %c0_i32_1 = arith.constant 0 : i32
    return %c0_i32, %c0_i32_0 : i32, i32
  }
  func.func @transform_4(%arg0: i32) -> (i32, i32) {
    %c0_i32 = arith.constant 0 : i32
    %c0_i32_0 = arith.constant 0 : i32
    %c0_i32_1 = arith.constant 0 : i32
    return %c0_i32, %c0_i32_0 : i32, i32
  }
  func.func @transform_5(%arg0: i32) -> (i32, i32) {
    %c0_i32 = arith.constant 0 : i32
    %c0_i32_0 = arith.constant 0 : i32
    %c0_i32_1 = arith.constant 0 : i32
    return %c0_i32, %c0_i32_0 : i32, i32
  }
  func.func @transform_6(%arg0: i32) -> (i32, i32) {
    %c0_i32 = arith.constant 0 : i32
    %c0_i32_0 = arith.constant 0 : i32
    %c0_i32_1 = arith.constant 0 : i32
    return %c0_i32, %c0_i32_0 : i32, i32
  }
  func.func @transform_7(%arg0: i32) -> (i32, i32) {
    %c0_i32 = arith.constant 0 : i32
    %c0_i32_0 = arith.constant 0 : i32
    %c0_i32_1 = arith.constant 0 : i32
    return %c0_i32, %c0_i32_0 : i32, i32
  }
  func.func @transform_8(%arg0: i32) -> (i32, i32) {
    %c0_i32 = arith.constant 0 : i32
    %c0_i32_0 = arith.constant 0 : i32
    %c0_i32_1 = arith.constant 0 : i32
    return %c0_i32, %c0_i32_0 : i32, i32
  }
  func.func @transform_9(%arg0: i32) -> (i32, i32) {
    %c0_i32 = arith.constant 0 : i32
    %c0_i32_0 = arith.constant 0 : i32
    %c0_i32_1 = arith.constant 0 : i32
    return %c0_i32, %c0_i32_0 : i32, i32
  }
  func.func @transform_10(%arg0: i32) -> (i32, i32) {
    %c0_i32 = arith.constant 0 : i32
    %c0_i32_0 = arith.constant 0 : i32
    return %arg0, %c0_i32 : i32, i32
  }
}

</mosaic_0001>

<sc_bundles>
// kernel: kernel.10.cloned.1.call-start
scs
__scs_entry_jumppad:
0x0: {  	(pc) =	sbr.rel $0x88, $3  }
0x1: {  	(tag) =	ssettag $0x0;
	lr =	simm.s32 $0x1  }
0x2: {  	[smem:$0x3F95] =	sst lr;
	_ =	strace $0xD0000000  }
0x3: {  	_ = 	snop  }
0x4: {  	_ = 	snop  }
0x5: {  	_ = 	snop  }
0x6: {  	_ = 	snop  }
0x7: {  	_ = 	snop  }
__scs_overlays_trampoline_lowered:
0x8: {  	[smem:$0x3FA4] =	sst s0  }
0x9: {  	[smem:$0x3FA5] =	sst s1  }
0xa: {  	[smem:$0x3FA6] =	sst s2  }
0xb: {  	[smem:$0x3FA7] =	sst s3  }
0xc: {  	[smem:$0x3FA8] =	sst s4  }
0xd: {  	[smem:$0x3FA9] =	sst s5  }
0xe: {  	[smem:$0x3FAA] =	sst s6  }
0xf: {  	[smem:$0x3FAB] =	sst s7  }
0x10: {  	[smem:$0x3FAC] =	sst s8  }
0x11: {  	[smem:$0x3FAD] =	sst s9;
	s0 =	simm.s32 @!p0 $0x0  }
0x12: {  	s1 =	sld [smem:$0x3F93];
	s0 =	simm.s32 @p0 $0x1  }
0x13: {  	[smem:$0x3FAE] =	sst s0;
	s0 =	simm.s32 @!p1 $0x0  }
0x14: {  	s2 =	sld [smem:$0x3F92];
	s0 =	simm.s32 @p1 $0x1  }
0x15: {  	[smem:$0x3FAF] =	sst s0;
	s0 =	simm.s32 @!p2 $0x0  }
0x16: {  	s3 =	sld [smem:$0x3FDB];
	s0 =	simm.s32 @p2 $0x1  }
0x17: {  	s4 =	simm.s32 $0x1BF5;
	[smem:$0x3FB1] =	sst s0  }
0x18: {  	s0 =	sld [smem:$0x3F94];
	_ =	swait.ge [sflag:s4], $0x0  }
0x19: {  	s7 =	sld [smem:$0x3F95]  }
0x1a: {  	s8 =	sadd.s32 $0xFFFFE003, lr  }
0x1b: {  	s9 =	sadd.s32 $0xFFFFFEF7, lr;
	s5 =	simm.s32 $0xFFFFFFFF;
	p2 =	slt.u32 s8, $0xFFFFF086  }
0x1c: {  	p1 =	slt.u32 s9, $0xF7A;
	s5 =	simm.s32 @!p2 $0x0  }
0x1d: {  	s5 =	simm.s32 @p1 $0x1;
	p0 =	seq.s32 s7, s2  }
0x1e: {  	s7 =	smul.u32 @!p0 $0xF7A, s2;
	p2 =	seq.s32 @!p0 s5, $0x0  }
0x1f: {  	s9 =	smul.u32 $0xF7A, s1;
	s8 =	simm.s32 @!p0 $0x1BF5;
	p2 =	por !p2, p0  }
0x20: {  	[sflag:s8] =	ssyncset.s32 @!p0 $0xFFFFF086;
	s6 =	sadd.s32 @!p0 s3, s7;
	s7 =	simm.s32 @!p0 $0x108  }
0x21: {  	s3 =	sadd.s32 s3, s9;
	s6 =	sadd.s32 @!p0 $0x88, s6;
	s7 =	simm.s32 @p2 $0x1082  }
0x22: {  	[simem:s7], [sflag:s8] =	dma.local @!p0 [hbm:s6], $0xF7A  }
0x23: {  	s9 =	sor.u32 $0xD0000000, s2;
	s6 =	simm.s32 $0x108;
	_ =	swait.ge @!p0 [sflag:s8], $0x0  }
0x24: {  	s3 =	sadd.s32 $0x88, s3;
	s6 =	simm.s32 @!p1 $0x1082;
	[sflag:s4] =	ssyncset.s32 $0xFFFFF086  }
0x25: {  	[simem:s6], [sflag:s4] =	dma.local [hbm:s3], $0xF7A  }
0x26: {  	[smem:$0x3F95] =	sst s1;
	(tag) =	ssettag s2;
	_ =	strace s9  }
0x27: {  	s1 =	sld [smem:$0x3FA5]  }
0x28: {  	s2 =	sld [smem:$0x3FA6]  }
0x29: {  	s4 =	sld [smem:$0x3FA8]  }
0x2a: {  	p0 =	seq.s32 s5, $0x0;
	s5 =	sld [smem:$0x3FA9]  }
0x2b: {  	s6 =	sld [smem:$0x3FAA]  }
0x2c: {  	s7 =	sld [smem:$0x3FAB]  }
0x2d: {  	s3 =	simm.s32 $0x108;
	s8 =	sld [smem:$0x3FAC]  }
0x2e: {  	s3 =	simm.s32 @!p0 $0x1082;
	s9 =	sld [smem:$0x3FAD]  }
0x2f: {  	lr =	sadd.s32 s0, s3;
	s0 =	sld [smem:$0x3FA4]  }
0x30: {  	s3 =	sld [smem:$0x3FA7]  }
0x31: {  	[smem:$0x3FB0] =	sst s10  }
0x32: {  	s10 =	sld [smem:$0x3FAE];
	_ =	sdelay $0x3  }
0x33: {  	p0 =	seq.s32 s10, $0x1;
	s10 =	sld [smem:$0x3FB0];
	_ =	sdelay $0x3  }
0x34: {  	[smem:$0x3FB0] =	sst s10  }
0x35: {  	s10 =	sld [smem:$0x3FAF];
	_ =	sdelay $0x3  }
0x36: {  	p1 =	seq.s32 s10, $0x1;
	s10 =	sld [smem:$0x3FB0];
	_ =	sdelay $0x3  }
0x37: {  	[smem:$0x3FB0] =	sst s10  }
0x38: {  	s10 =	sld [smem:$0x3FB1]  }
0x39: {  	_ = 	snop;
	(pc) =	sbr.ind lr, $3  }
0x3a: {  	_ = 	snop  }
0x3b: {  	_ = 	snop  }
0x3c: {  	p2 =	seq.s32 s10, $0x1;
	s10 =	sld [smem:$0x3FB0]  }
0x3d: {  	_ =	shalt  }
0x3e: {  	_ =	shalt  }
0x3f: {  	_ =	shalt  }
0x40: {  	_ =	shalt  }
0x41: {  	_ =	shalt  }
0x42: {  	_ =	shalt  }
0x43: {  	_ =	shalt  }
0x44: {  	_ =	shalt  }
0x45: {  	_ =	shalt  }
0x46: {  	_ =	shalt  }
0x47: {  	_ =	shalt  }
0x48: {  	_ =	shalt  }
0x49: {  	_ =	shalt  }
0x4a: {  	_ =	shalt  }
0x4b: {  	_ =	shalt  }
0x4c: {  	_ =	shalt  }
0x4d: {  	_ =	shalt  }
0x4e: {  	_ =	shalt  }
0x4f: {  	_ =	shalt  }
0x50: {  	_ =	shalt  }
0x51: {  	_ =	shalt  }
0x52: {  	_ =	shalt  }
0x53: {  	_ =	shalt  }
0x54: {  	_ =	shalt  }
0x55: {  	_ =	shalt  }
0x56: {  	_ =	shalt  }
0x57: {  	_ =	shalt  }
0x58: {  	_ =	shalt  }
0x59: {  	_ =	shalt  }
0x5a: {  	_ =	shalt  }
0x5b: {  	_ =	shalt  }
0x5c: {  	_ =	shalt  }
0x5d: {  	_ =	shalt  }
0x5e: {  	_ =	shalt  }
0x5f: {  	_ =	shalt  }
0x60: {  	_ =	shalt  }
0x61: {  	_ =	shalt  }
0x62: {  	_ =	shalt  }
0x63: {  	_ =	shalt  }
0x64: {  	_ =	shalt  }
0x65: {  	_ =	shalt  }
0x66: {  	_ =	shalt  }
0x67: {  	_ =	shalt  }
0x68: {  	_ =	shalt  }
0x69: {  	_ =	shalt  }
0x6a: {  	_ =	shalt  }
0x6b: {  	_ =	shalt  }
0x6c: {  	_ =	shalt  }
0x6d: {  	_ =	shalt  }
0x6e: {  	_ =	shalt  }
0x6f: {  	_ =	shalt  }
0x70: {  	_ =	shalt  }
0x71: {  	_ =	shalt  }
0x72: {  	_ =	shalt  }
0x73: {  	_ =	shalt  }
0x74: {  	_ =	shalt  }
0x75: {  	_ =	shalt  }
0x76: {  	_ =	shalt  }
0x77: {  	_ =	shalt  }
0x78: {  	_ =	shalt  }
0x79: {  	_ =	shalt  }
0x7a: {  	_ =	shalt  }
0x7b: {  	_ =	shalt  }
0x7c: {  	_ =	shalt  }
0x7d: {  	_ =	shalt  }
0x7e: {  	_ =	shalt  }
0x7f: {  	_ =	shalt  }
0x80: {  	_ =	shalt  }
0x81: {  	_ =	shalt  }
0x82: {  	_ =	shalt  }
0x83: {  	_ =	shalt  }
0x84: {  	_ =	shalt  }
0x85: {  	_ =	shalt  }
0x86: {  	_ =	shalt  }
0x87: {  	_ =	shalt  }
.Lfunc_end0:
.L_simem_size_0:
called_computation_lowered:
.L_overlay_start_0:
0x88: {  	s2 =	sld [smem:$0x3FD9]  }
0x89: {  	s3 =	sld [smem:$0x3FFE];
	_ =	sdelay $0x1  }
0x8a: {  	s1 =	srdreg.scid  }
0x8b: {  	s0 =	sand.u32 $0x1, s1  }
0x8c: {  	s17 =	sshll.u32 s0, $0xA;
	s2 =	sadd.s32 s3, s2  }
0x8d: {  	s2 =	sadd.s32 s2, s17  }
0x8e: {  	[smem:$0x3FBC] =	sst s2  }
0x8f: {  	_ = 	snop  }
0x90: {  	s2 =	sld [smem:$0x3FD0];
	(tm) =	ssettm $0x1  }
0x91: {  	s18 =	sld [smem:$0x3FFB];
	_ =	sdelay $0x3  }
0x92: {  	_ =	strace s18  }
0x93: {  	s3 =	sld [smem:$0x3FFC];
	_ =	sdelay $0x3  }
0x94: {  	_ =	strace s3  }
0x95: {  	s3 =	sld [smem:$0x3FFD];
	_ =	sdelay $0x3  }
0x96: {  	_ =	strace s3  }
0x97: {  	_ =	strace $0x8FFFFFFF  }
0x98: {  	s19 =	sld [smem:$0x3FDB];
	_ =	sdelay $0x1  }
0x99: {  	s4 =	simm.s32 $_scs_section_size  }
0x9a: {  	s5 =	simm.s32 $_size__tile_overlayer_lowered;
	s6 =	simm.s32 $_tile_overlayer_lowered  }
0x9b: {  	s22 =	simm.s32 $0x1BFF;
	s21 =	sshll.u32 s6, $0x1;
	s3 =	sadd.s32 s4, s19  }
0x9c: {  	s7 =	simm.s32 $0x0;
	s20 =	sshll.u32 s5, $0x1;
	s5 =	sadd.s32 s21, s3  }
0x9d: {  	[timem:s7], [sflag:s22] =	dma.local [hbm:s5], s20  }
0x9e: {  	_ =	swait.ge [sflag:s22], s20  }
0x9f: {  	s4 =	ssub.s32 $0x0, s20;
	[sflag:s22] =	ssyncset.done $0x0  }
0xa0: {  	[sflag:s22] =	ssyncadd.s32 s4;
	_ =	sdelay $0x1  }
0xa1: {  	s23 =	simm.s32 $0x1B8B  }
0xa2: {  	_ =	swait.ge [sflag:s23], $0x1  }
0xa3: {  	[sflag:s23] =	ssyncset.done $0x0  }
0xa4: {  	s25 =	simm.s32 $0x1B8E;
	s24 =	sld [smem:$0x3FFE];
	[sflag:s23] =	ssyncadd.s32 $0xFFFFFFFF  }
0xa5: {  	s26 =	simm.s32 $execute0_lowered;
	[smem:$0x3FD2] =	sst s25  }
0xa6: {  	s5 =	sshll.u32 s26, $0x1;
	_ =	strace $0x80000046;
	[dreg:$0x1] =	wrdreg $0xFFFFFFFF  }
0xa7: {  	s28 =	simm.s32 $_size_execute0_lowered;
	s3 =	sadd.s32 s3, s5;
	[dreg:$0x0] =	wrdreg $0x0  }
0xa8: {  	s5 =	sshll.u32 s28, $0x1;
	[dreg:$0x2] =	wrdreg s3  }
0xa9: {  	[dreg:$0x3] =	wrdreg s5  }
0xaa: {  	[dreg:$0x4] =	wrdreg $0xC0  }
0xab: {  	_ =	task [dreg:s7], $0x5FFFF  }
0xac: {  	[dreg:$0x1] =	wrdreg $0xFFFFFFFF  }
0xad: {  	[dreg:$0x0] =	wrdreg $0x60  }
0xae: {  	[dreg:$0x2] =	wrdreg s2  }
0xaf: {  	[dreg:$0x3] =	wrdreg s24  }
0xb0: {  	[dreg:$0x4] =	wrdreg $0x131000  }
0xb1: {  	[dreg:$0x5] =	wrdreg $0xA  }
0xb2: {  	_ =	task.clear_ibuf [dreg:s7], $0x6FFFF;
	_ =	strace $0x90000046  }
0xb3: {  	s29 =	simm.s32 $0xA;
	_ =	strace $0x80000048  }
0xb4: {  	_ =	swait.ge [sflag:s29], $0x1  }
0xb5: {  	[sflag:s29] =	ssyncadd.s32 $0xFFFFFFFF  }
0xb6: {  	_ =	strace $0x90000048  }
0xb7: {  	_ =	sfence  }
0xb8: {  	s30 =	sld [smem:$0x0];
	_ =	sdelay $0x2  }
0xb9: {  	s31 =	sshll.u32 s1, $0xD;
	s1 =	sshrl.u32 s1, $0x2  }
0xba: {  	s3 =	sand.u32 $0x4000, s31;
	s1 =	sadd.s32 s1, s30  }
0xbb: {  	s0 =	sor.u32 s3, s0;
	s1 =	sshll.u32 s1, $0x11  }
0xbc: {  	s0 =	sor.u32 s1, s0  }
0xbd: {  	s0 =	sadd.s32 $0x8F2B, s0  }
0xbe: {  	[sflag:s0] =	ssyncadd.remote.s32 $0x1  }
0xbf: {  	_ =	sfence.sel $0xFFFF  }
0xc0: {  	[dreg:$0x0] =	wrdreg $0xFFFFFFFF;
	(pc) =	sbr.abs _section_cstart, $3  }
0xc1: {  	[dreg:$0x1] =	wrdreg $0xFFFFFFFF  }
0xc2: {  	_ =	task.clear_ibuf [dreg:s7], $0x2FFFF;
	_ =	strace $0x9FFFFFFF  }
0xc3: {  	(tm) =	ssettm $0x7FFFFFFF  }
tec
execute0_lowered:
.L_overlay_start_1:
0x0: {  	(tag) =	ssettag $0x1  }
0x1: {  	s0 =	rddreg [dreg:$0x1];
	s2 =	srdreg.scid  }
0x2: {  	s11 =	stileid.u32;
	s1 =	rddreg [dreg:$0x2];
	s12 =	simm.s32 $0x0  }
0x3: {  	s20 =	simm.s32 $0x80;
	s21 =	simm.s32 $0x2800;
	s28 =	simm.s32 $0x2  }
0x4: {  	v13 =	vlaneseq.u32;
	s31 =	simm.s32 $0x5;
	s30 =	simm.s32 $0x13000;
	s19 =	sshll.u32 s11, $0x8  }
0x5: {  	s2 =	sand.u32 $0x1, s2;
	s4 =	sshll.u32 s11, $0x1;
	[smem:$0x7FF] =	sst s12;
	v1 =	vor.u32 $0x80, v13;
	v0 =	vor.u32 s19, v13  }
0x6: {  	s5 =	sadd.s32 $0xC800, s0;
	s3 =	sadd.s32 $0x33A00, s0;
	v2 =	vor.u32 $0x10, v13;
	_ =	strace $0x80000047;
	v49 =	vor.u32 s19, v1;
	[tilespmem:$0x1FF00] =	vst v0  }
0x7: {  	s16 =	smul.u32 $0x138800, s11;
	s22 =	sshll.u32 s11, $0xF;
	v3 =	vor.u32 $0x90, v13;
	s4 =	sor.u32 s2, s4;
	v50 =	vor.u32 s19, v2;
	[tilespmem:$0x1FF10] =	vst v49  }
0x8: {  	v4 =	vor.u32 $0x20, v13;
	s7 =	ssub.s32 $0x2, s2;
	s2 =	smul.u32 $0x9C400, s2;
	s1 =	sadd.s32 s22, s1;
	v51 =	vor.u32 s19, v3;
	[tilespmem:$0x1FF20] =	vst v50  }
0x9: {  	v5 =	vor.u32 $0xA0, v13;
	v52 =	vor.u32 s19, v4;
	s22 =	simm.s32 $0x6800;
	s6 =	smul.u32 $0x271, s4;
	s9 =	sshrl.u32 s7, $0x1;
	[tilespmem:$0x1FF30] =	vst v51  }
0xa: {  	v6 =	vor.u32 $0x30, v13;
	v53 =	vor.u32 s19, v5;
	s10 =	smul.u32 $0x9C400, s4;
	[dreg:$0x4] =	wrdreg s1;
	s11 =	sadd.s32 $0x4000, s1;
	[tilespmem:$0x1FF40] =	vst v52  }
0xb: {  	v7 =	vor.u32 $0xB0, v13;
	v54 =	vor.u32 s19, v6;
	[tilespmem:$0x1FF50] =	vst v53;
	s1 =	simm.s32 $0x0;
	s15 =	ssub.s32 s7, s9;
	s2 =	sadd.s32 s2, s16  }
0xc: {  	v8 =	vor.u32 $0x40, v13;
	v55 =	vor.u32 s19, v7;
	[tilespmem:$0x1FF60] =	vst v54;
	s9 =	smov.u32 s3;
	s8 =	sadd.s32 s6, s0;
	s0 =	smax.u32 s15, $0x1  }
0xd: {  	v9 =	vor.u32 $0xC0, v13;
	v56 =	vor.u32 s19, v8;
	[tilespmem:$0x1FF70] =	vst v55;
	s25 =	sadd.s32 $0xC000, s2;
	s2 =	sadd.s32 $0x8000, s2;
	[dreg:$0xa] =	wrdreg s0  }
0xe: {  	v10 =	vor.u32 $0x50, v13;
	v57 =	vor.u32 s19, v9;
	[tilespmem:$0x1FF80] =	vst v56;
	s10 =	sshrl.u32 s10, $0x3;
	s17 =	sadd.s32 $0x7800, s8;
	[dreg:$0xc] =	wrdreg s2  }
0xf: {  	v11 =	vor.u32 $0xD0, v13;
	v58 =	vor.u32 s19, v10;
	[tilespmem:$0x1FF90] =	vst v57;
	s18 =	sadd.s32 $0x2800, s8;
	s23 =	sadd.s32 s3, s10;
	[dreg:$0x5] =	wrdreg s17  }
0x10: {  	v12 =	vor.u32 $0x60, v13;
	v59 =	vor.u32 s19, v11;
	[tilespmem:$0x1FFA0] =	vst v58;
	s26 =	sshrl.u32 s25, $0x3;
	s25 =	simm.s32 $0xE800;
	[dreg:$0x6] =	wrdreg s18  }
0x11: {  	v14 =	vor.u32 $0xE0, v13;
	v60 =	vor.u32 s19, v12;
	[tilespmem:$0x1FFB0] =	vst v59;
	s2 =	simm.s32 $0x3;
	s24 =	sadd.s32 $0x13000, s23;
	[dreg:$0x7] =	wrdreg s23  }
0x12: {  	v15 =	vor.u32 $0x70, v13;
	v61 =	vor.u32 s19, v14;
	[tilespmem:$0x1FFC0] =	vst v60;
	s10 =	sadd.s32 $0x13800, s23;
	s29 =	sadd.s32 $0x800, s23;
	[dreg:$0x8] =	wrdreg s24  }
0x13: {  	v16 =	vor.u32 $0xF0, v13;
	v62 =	vor.u32 s19, v15;
	[tilespmem:$0x1FFD0] =	vst v61;
	s0 =	sadd.s32 s26, s3;
	s18 =	simm.s32 $0x7;
	[dreg:$0x9] =	wrdreg s10  }
0x14: {  	v63 =	vor.u32 s19, v16;
	[tilespmem:$0x1FFE0] =	vst v62;
	s23 =	simm.s32 $0xA800;
	s26 =	simm.s32 $0x1;
	[dreg:$0xb] =	wrdreg s29  }
0x15: {  	[tilespmem:$0x1FFF0] =	vst v63;
	[dreg:$0xd] =	wrdreg s0;
	s24 =	simm.s32 $0x4;
	s0 =	simm.s32 $0x6  }
.LBB2_1:
0x16: {  	[dreg:$0xe] =	wrdreg s1  }
0x17: {  	s4 =	rddreg [dreg:$0x5]  }
0x18: {  	[tilespmem:s12], [sflag:$0x7] =	stream.linear.gather [hbm4b:s4+s12], $0x1388, $0x38;
	[tilespmem:$0x1B100] =	vst v63  }
0x19: {  	_ =	swait.ge [sflag:s18], $0x1388  }
0x1a: {  	[sflag:s18] =	ssyncset.done $0x0  }
0x1b: {  	s7 =	simm.s32 $0x1400;
	s6 =	rddreg [dreg:$0x6];
	[sflag:s18] =	ssyncadd.s32 $0xFFFFEC78  }
0x1c: {  	[tilespmem:s7], [sflag:$0x7] =	stream.linear.gather [hbm4b:s6+s12], $0x1388, $0x38;
	[tilespmem:$0x1B100] =	vst v63  }
0x1d: {  	_ =	swait.ge [sflag:s18], $0x1388  }
0x1e: {  	v0 =	vld [tilespmem:$0x1FF00]  }
0x1f: {  	v49 =	vld [tilespmem:$0x1FF10]  }
0x20: {  	v50 =	vld [tilespmem:$0x1FF20]  }
0x21: {  	[sflag:s18] =	ssyncset.done $0x0;
	v51 =	vld [tilespmem:$0x1FF30]  }
0x22: {  	v52 =	vld [tilespmem:$0x1FF40];
	[sflag:s18] =	ssyncadd.s32 $0xFFFFEC78  }
0x23: {  	v53 =	vld [tilespmem:$0x1FF50];
	[tilespmem:$0x13000] =	vst v0  }
0x24: {  	v54 =	vld [tilespmem:$0x1FF60];
	[tilespmem:$0x13080] =	vst v49  }
0x25: {  	v55 =	vld [tilespmem:$0x1FF70];
	[tilespmem:$0x13010] =	vst v50  }
0x26: {  	v56 =	vld [tilespmem:$0x1FF80];
	[tilespmem:$0x13090] =	vst v51  }
0x27: {  	v57 =	vld [tilespmem:$0x1FF90];
	[tilespmem:$0x13020] =	vst v52  }
0x28: {  	v58 =	vld [tilespmem:$0x1FFA0];
	[tilespmem:$0x130A0] =	vst v53  }
0x29: {  	v59 =	vld [tilespmem:$0x1FFB0];
	[tilespmem:$0x13030] =	vst v54  }
0x2a: {  	v60 =	vld [tilespmem:$0x1FFC0];
	[tilespmem:$0x130B0] =	vst v55  }
0x2b: {  	v61 =	vld [tilespmem:$0x1FFD0];
	[tilespmem:$0x13040] =	vst v56  }
0x2c: {  	v62 =	vld [tilespmem:$0x1FFE0];
	[tilespmem:$0x130C0] =	vst v57  }
0x2d: {  	v63 =	vld [tilespmem:$0x1FFF0];
	[tilespmem:$0x13050] =	vst v58  }
0x2e: {  	[tilespmem:$0x130D0] =	vst v59  }
0x2f: {  	[tilespmem:$0x13060] =	vst v60  }
0x30: {  	[tilespmem:$0x130E0] =	vst v61  }
0x31: {  	[tilespmem:$0x13070] =	vst v62  }
0x32: {  	s1 =	rddreg [dreg:$0x0];
	[tilespmem:$0x130F0] =	vst v63  }
0x33: {  	[tilespmem:s21], [sflag:$0x1] =	stream.indirect.gather [hbm4b:s1+s20], $0x80, s12, s20, $0xb8;
	[tilespmem:$0x1B100] =	vst v63  }
0x34: {  	_ = 	snop  }
0x35: {  	[tilespmem:s22], [sflag:$0x2] =	stream.indirect.gather [hbm4b:s5+s20], $0x80, s7, s20, $0xb8;
	[tilespmem:$0x1B100] =	vst v63  }
0x36: {  	_ = 	snop  }
0x37: {  	[tilespmem:s23], [sflag:$0x3] =	stream.indirect.gather [hbm4b:s1+s20], $0x80, s20, s20, $0xb8;
	[tilespmem:$0x1B100] =	vst v63  }
0x38: {  	s8 =	simm.s32 $0x1480  }
0x39: {  	[tilespmem:s25], [sflag:$0x4] =	stream.indirect.gather [hbm4b:s5+s20], $0x80, s8, s20, $0xb8;
	[tilespmem:$0x1B100] =	vst v63  }
0x3a: {  	_ =	swait.ge [sflag:s26], $0x4000  }
0x3b: {  	[sflag:s26] =	ssyncset.done $0x0  }
0x3c: {  	[sflag:s26] =	ssyncadd.s32 $0xFFFFC000  }
0x3d: {  	_ =	swait.ge [sflag:s28], $0x4000  }
0x3e: {  	[sflag:s28] =	ssyncset.done $0x0  }
0x3f: {  	s6 =	rddreg [dreg:$0x4];
	[sflag:s28] =	ssyncadd.s32 $0xFFFFC000  }
0x40: {  	[spmem:s6] =	stream.linear.scatter [tilespmem:s21], [sflag:$0x7], $0x4000, $0x38;
	[tilespmem:$0x1B100] =	vst v63  }
0x41: {  	_ =	swait.ge [sflag:s18], $0x4000  }
0x42: {  	[sflag:s18] =	ssyncset.done $0x0  }
0x43: {  	[sflag:s18] =	ssyncadd.s32 $0xFFFFC000  }
0x44: {  	s10 =	stileid.u32;
	s8 =	simm.s32 $0x13000;
	s3 =	rddreg [dreg:$0x2]  }
0x45: {  	[spmem:s3] =	stream.indirect.scatter.add.f32 [tilespmem:s22], [sflag:$0x7], $0x80, s8, s20, $0xb8;
	[tilespmem:$0x1B100] =	vst v63  }
0x46: {  	s4 =	sshll.u32 s10, $0x6;
	_ =	swait.ge [sflag:s18], $0x4000  }
0x47: {  	s15 =	simm.s32 $0x100;
	s13 =	sor.u32 $0x1C05, s4;
	[sflag:s18] =	ssyncset.done $0x0  }
0x48: {  	s14 =	sshrl.u32 s6, $0x3;
	s12 =	rddreg [dreg:$0x7];
	[sflag:s18] =	ssyncadd.s32 $0xFFFFC000  }
0x49: {  	[hbm:s12], [sflag:s13] =	dma.local [spmem:s14], $0x800  }
0x4a: {  	[tilespmem:s21], [sflag:$0x1] =	stream.indirect.gather [hbm4b:s1+s20], $0x80, s15, s20, $0xb8;
	[tilespmem:$0x1B100] =	vst v63  }
0x4b: {  	s16 =	simm.s32 $0x1500  }
0x4c: {  	[tilespmem:s22], [sflag:$0x2] =	stream.indirect.gather [hbm4b:s5+s20], $0x80, s16, s20, $0xb8;
	[tilespmem:$0x1B100] =	vst v63  }
0x4d: {  	_ =	swait.ge [sflag:s2], $0x4000  }
0x4e: {  	[sflag:s2] =	ssyncset.done $0x0  }
0x4f: {  	[sflag:s2] =	ssyncadd.s32 $0xFFFFC000  }
0x50: {  	_ =	swait.ge [sflag:s24], $0x4000  }
0x51: {  	[sflag:s24] =	ssyncset.done $0x0  }
0x52: {  	[sflag:s24] =	ssyncadd.s32 $0xFFFFC000  }
0x53: {  	[spmem:s11] =	stream.linear.scatter [tilespmem:s23], [sflag:$0x7], $0x4000, $0x38;
	[tilespmem:$0x1B100] =	vst v63  }
0x54: {  	_ =	swait.ge [sflag:s18], $0x4000  }
0x55: {  	[sflag:s18] =	ssyncset.done $0x0  }
0x56: {  	s10 =	simm.s32 $0x13080;
	[sflag:s18] =	ssyncadd.s32 $0xFFFFC000  }
0x57: {  	[spmem:s3] =	stream.indirect.scatter.add.f32 [tilespmem:s25], [sflag:$0x7], $0x80, s10, s20, $0xb8;
	[tilespmem:$0x1B100] =	vst v63  }
0x58: {  	_ =	swait.ge [sflag:s18], $0x4000  }
0x59: {  	s29 =	simm.s32 $0x180;
	s19 =	sor.u32 $0x1C06, s4;
	[sflag:s18] =	ssyncset.done $0x0  }
0x5a: {  	s15 =	sshrl.u32 s11, $0x3;
	s17 =	rddreg [dreg:$0xb];
	[sflag:s18] =	ssyncadd.s32 $0xFFFFC000  }
0x5b: {  	[hbm:s17], [sflag:s19] =	dma.local [spmem:s15], $0x800  }
0x5c: {  	[tilespmem:s23], [sflag:$0x3] =	stream.indirect.gather [hbm4b:s1+s20], $0x80, s29, s20, $0xb8;
	[tilespmem:$0x1B100] =	vst v63  }
0x5d: {  	s7 =	simm.s32 $0x1580  }
0x5e: {  	[tilespmem:s25], [sflag:$0x4] =	stream.indirect.gather [hbm4b:s5+s20], $0x80, s7, s20, $0xb8;
	[tilespmem:$0x1B100] =	vst v63  }
0x5f: {  	_ =	swait.ge [sflag:s26], $0x4000  }
0x60: {  	[sflag:s26] =	ssyncset.done $0x0  }
0x61: {  	[sflag:s26] =	ssyncadd.s32 $0xFFFFC000  }
0x62: {  	_ =	swait.ge [sflag:s28], $0x4000  }
0x63: {  	[sflag:s28] =	ssyncset.done $0x0  }
0x64: {  	[sflag:s28] =	ssyncadd.s32 $0xFFFFC000  }
0x65: {  	_ =	swait.ge [sflag:s31], $0x800  }
0x66: {  	[sflag:s31] =	ssyncset.done $0x0  }
0x67: {  	[sflag:s31] =	ssyncadd.s32 $0xFFFFF800  }
0x68: {  	[spmem:s6] =	stream.linear.scatter [tilespmem:s21], [sflag:$0x7], $0x4000, $0x38;
	[tilespmem:$0x1B100] =	vst v63  }
0x69: {  	_ =	swait.ge [sflag:s18], $0x4000  }
0x6a: {  	[sflag:s18] =	ssyncset.done $0x0  }
0x6b: {  	[sflag:s18] =	ssyncadd.s32 $0xFFFFC000  }
0x6c: {  	[spmem:s3] =	stream.indirect.scatter.add.f32 [tilespmem:s22], [sflag:$0x7], $0x80, s8, s20, $0xb8;
	[tilespmem:$0x1B100] =	vst v63  }
0x6d: {  	_ =	swait.ge [sflag:s18], $0x4000  }
0x6e: {  	s12 =	rddreg [dreg:$0xc]  }
0x6f: {  	[sflag:s18] =	ssyncset.done $0x0;
	s16 =	sshrl.u32 s12, $0x3  }
0x70: {  	s17 =	simm.s32 $0x200;
	[sflag:s18] =	ssyncadd.s32 $0xFFFFC000;
	s4 =	sadd.s32 s9, s16  }
0x71: {  	[hbm:s4], [sflag:s13] =	dma.local [spmem:s14], $0x800  }
0x72: {  	[tilespmem:s21], [sflag:$0x1] =	stream.indirect.gather [hbm4b:s1+s20], $0x80, s17, s20, $0xb8;
	[tilespmem:$0x1B100] =	vst v63  }
0x73: {  	s29 =	simm.s32 $0x1600  }
0x74: {  	[tilespmem:s22], [sflag:$0x2] =	stream.indirect.gather [hbm4b:s5+s20], $0x80, s29, s20, $0xb8;
	[tilespmem:$0x1B100] =	vst v63  }
0x75: {  	_ =	swait.ge [sflag:s2], $0x4000  }
0x76: {  	[sflag:s2] =	ssyncset.done $0x0  }
0x77: {  	[sflag:s2] =	ssyncadd.s32 $0xFFFFC000  }
0x78: {  	_ =	swait.ge [sflag:s24], $0x4000  }
0x79: {  	[sflag:s24] =	ssyncset.done $0x0  }
0x7a: {  	[sflag:s24] =	ssyncadd.s32 $0xFFFFC000  }
0x7b: {  	_ =	swait.ge [sflag:s0], $0x800  }
0x7c: {  	[sflag:s0] =	ssyncset.done $0x0  }
0x7d: {  	[sflag:s0] =	ssyncadd.s32 $0xFFFFF800  }
0x7e: {  	[spmem:s11] =	stream.linear.scatter [tilespmem:s23], [sflag:$0x7], $0x4000, $0x38;
	[tilespmem:$0x1B100] =	vst v63  }
0x7f: {  	_ =	swait.ge [sflag:s18], $0x4000  }
0x80: {  	[sflag:s18] =	ssyncset.done $0x0  }
0x81: {  	[sflag:s18] =	ssyncadd.s32 $0xFFFFC000  }
0x82: {  	[spmem:s3] =	stream.indirect.scatter.add.f32 [tilespmem:s25], [sflag:$0x7], $0x80, s10, s20, $0xb8;
	[tilespmem:$0x1B100] =	vst v63  }
0x83: {  	s8 =	sadd.s32 $0x8000, s12;
	_ =	swait.ge [sflag:s18], $0x4000  }
0x84: {  	s16 =	simm.s32 $0x800;
	s1 =	simm.s32 $0x13080;
	s17 =	rddreg [dreg:$0xd]  }
0x85: {  	s10 =	simm.s32 $0x100;
	[sflag:s18] =	ssyncset.done $0x0;
	s7 =	sadd.s32 $0x1000, s17  }
.LBB2_2:
0x86: {  	[sflag:s18] =	ssyncadd.s32 $0xFFFFC000  }
0x87: {  	[hbm:s17], [sflag:s19] =	dma.local [spmem:s15], $0x800  }
0x88: {  	s29 =	sadd.s32 $0x180, s10;
	s3 =	rddreg [dreg:$0x0]  }
0x89: {  	[tilespmem:s23], [sflag:$0x3] =	stream.indirect.gather [hbm4b:s3+s20], $0x80, s29, s20, $0xb8;
	[tilespmem:$0x1B100] =	vst v63  }
0x8a: {  	s6 =	sadd.s32 $0x1580, s10  }
0x8b: {  	[tilespmem:s25], [sflag:$0x4] =	stream.indirect.gather [hbm4b:s5+s20], $0x80, s6, s20, $0xb8;
	[tilespmem:$0x1B100] =	vst v63  }
0x8c: {  	_ =	swait.ge [sflag:s26], $0x4000  }
0x8d: {  	[sflag:s26] =	ssyncset.done $0x0  }
0x8e: {  	[sflag:s26] =	ssyncadd.s32 $0xFFFFC000  }
0x8f: {  	_ =	swait.ge [sflag:s28], $0x4000  }
0x90: {  	[sflag:s28] =	ssyncset.done $0x0  }
0x91: {  	[sflag:s28] =	ssyncadd.s32 $0xFFFFC000  }
0x92: {  	_ =	swait.ge [sflag:s31], $0x800  }
0x93: {  	[sflag:s31] =	ssyncset.done $0x0  }
0x94: {  	s6 =	rddreg [dreg:$0x4];
	[sflag:s31] =	ssyncadd.s32 $0xFFFFF800  }
0x95: {  	[spmem:s6] =	stream.linear.scatter [tilespmem:s21], [sflag:$0x7], $0x4000, $0x38;
	[tilespmem:$0x1B100] =	vst v63  }
0x96: {  	_ =	swait.ge [sflag:s18], $0x4000  }
0x97: {  	[sflag:s18] =	ssyncset.done $0x0  }
0x98: {  	[sflag:s18] =	ssyncadd.s32 $0xFFFFC000  }
0x99: {  	s6 =	rddreg [dreg:$0x2]  }
0x9a: {  	[spmem:s6] =	stream.indirect.scatter.add.f32 [tilespmem:s22], [sflag:$0x7], $0x80, s30, s20, $0xb8;
	[tilespmem:$0x1B100] =	vst v63  }
0x9b: {  	s4 =	smov.u32 s16;
	s12 =	sadd.s32 $0x400, s16;
	_ =	swait.ge [sflag:s18], $0x4000  }
0x9c: {  	p0 =	sne.s32 s16, $0x4400;
	s29 =	sshrl.u32 s8, $0x3;
	[sflag:s18] =	ssyncset.done $0x0  }
0x9d: {  	s16 =	sadd.s32 s9, s29;
	s29 =	sadd.s32 $0x200, s10;
	[sflag:s18] =	ssyncadd.s32 $0xFFFFC000  }
0x9e: {  	[hbm:s16], [sflag:s13] =	dma.local [spmem:s14], $0x800  }
0x9f: {  	[tilespmem:s21], [sflag:$0x1] =	stream.indirect.gather [hbm4b:s3+s20], $0x80, s29, s20, $0xb8;
	[tilespmem:$0x1B100] =	vst v63  }
0xa0: {  	s29 =	sadd.s32 $0x1600, s10  }
0xa1: {  	[tilespmem:s22], [sflag:$0x2] =	stream.indirect.gather [hbm4b:s5+s20], $0x80, s29, s20, $0xb8;
	[tilespmem:$0x1B100] =	vst v63  }
0xa2: {  	_ =	swait.ge [sflag:s2], $0x4000  }
0xa3: {  	[sflag:s2] =	ssyncset.done $0x0  }
0xa4: {  	[sflag:s2] =	ssyncadd.s32 $0xFFFFC000  }
0xa5: {  	_ =	swait.ge [sflag:s24], $0x4000  }
0xa6: {  	[sflag:s24] =	ssyncset.done $0x0  }
0xa7: {  	[sflag:s24] =	ssyncadd.s32 $0xFFFFC000  }
0xa8: {  	_ =	swait.ge [sflag:s0], $0x800  }
0xa9: {  	[sflag:s0] =	ssyncset.done $0x0  }
0xaa: {  	[sflag:s0] =	ssyncadd.s32 $0xFFFFF800  }
0xab: {  	[spmem:s11] =	stream.linear.scatter [tilespmem:s23], [sflag:$0x7], $0x4000, $0x38;
	[tilespmem:$0x1B100] =	vst v63  }
0xac: {  	_ =	swait.ge [sflag:s18], $0x4000  }
.Ltmp0:
0xad: {  	[sflag:s18] =	ssyncset.done $0x0;
	(pc) =	sbr.rel @p0 .LBB2_2-.Ltmp0, $4  }
0xae: {  	s17 =	smov.u32 s7;
	[sflag:s18] =	ssyncadd.s32 $0xFFFFC000  }
0xaf: {  	[spmem:s6] =	stream.indirect.scatter.add.f32 [tilespmem:s25], [sflag:$0x7], $0x80, s1, s20, $0xb8;
	[tilespmem:$0x1B100] =	vst v63  }
0xb0: {  	s7 =	sadd.s32 $0x1000, s7;
	s8 =	sadd.s32 $0x8000, s8;
	_ =	swait.ge [sflag:s18], $0x4000  }
0xb1: {  	s16 =	smov.u32 s12;
	s10 =	sshra.s32 s4, $0x2;
	[sflag:s18] =	ssyncset.done $0x0  }
0xb2: {  	[sflag:s18] =	ssyncadd.s32 $0xFFFFC000  }
0xb3: {  	[hbm:s17], [sflag:s19] =	dma.local [spmem:s15], $0x800  }
0xb4: {  	s4 =	sadd.s32 $0x180, s10;
	s3 =	rddreg [dreg:$0x0]  }
0xb5: {  	[tilespmem:s23], [sflag:$0x3] =	stream.indirect.gather [hbm4b:s3+s20], $0x80, s4, s20, $0xb8;
	[tilespmem:$0x1B100] =	vst v63  }
0xb6: {  	s17 =	sadd.s32 $0x1580, s10  }
0xb7: {  	[tilespmem:s25], [sflag:$0x4] =	stream.indirect.gather [hbm4b:s5+s20], $0x80, s17, s20, $0xb8;
	[tilespmem:$0x1B100] =	vst v63  }
0xb8: {  	_ =	swait.ge [sflag:s26], $0x4000  }
0xb9: {  	[sflag:s26] =	ssyncset.done $0x0  }
0xba: {  	[sflag:s26] =	ssyncadd.s32 $0xFFFFC000  }
0xbb: {  	_ =	swait.ge [sflag:s28], $0x4000  }
0xbc: {  	[sflag:s28] =	ssyncset.done $0x0  }
0xbd: {  	[sflag:s28] =	ssyncadd.s32 $0xFFFFC000  }
0xbe: {  	_ =	swait.ge [sflag:s31], $0x800  }
0xbf: {  	[sflag:s31] =	ssyncset.done $0x0  }
0xc0: {  	s16 =	rddreg [dreg:$0x4];
	[sflag:s31] =	ssyncadd.s32 $0xFFFFF800  }
0xc1: {  	[spmem:s16] =	stream.linear.scatter [tilespmem:s21], [sflag:$0x7], $0x4000, $0x38;
	[tilespmem:$0x1B100] =	vst v63  }
0xc2: {  	_ =	swait.ge [sflag:s18], $0x4000  }
0xc3: {  	[sflag:s18] =	ssyncset.done $0x0  }
0xc4: {  	[sflag:s18] =	ssyncadd.s32 $0xFFFFC000  }
0xc5: {  	s12 =	simm.s32 $0x13000;
	s6 =	rddreg [dreg:$0x2]  }
0xc6: {  	[spmem:s6] =	stream.indirect.scatter.add.f32 [tilespmem:s22], [sflag:$0x7], $0x80, s12, s20, $0xb8;
	[tilespmem:$0x1B100] =	vst v63  }
0xc7: {  	_ =	swait.ge [sflag:s18], $0x4000  }
0xc8: {  	s29 =	sshrl.u32 s8, $0x3;
	[sflag:s18] =	ssyncset.done $0x0  }
0xc9: {  	s8 =	sadd.s32 $0x200, s10;
	s4 =	sadd.s32 s9, s29;
	[sflag:s18] =	ssyncadd.s32 $0xFFFFC000  }
0xca: {  	[hbm:s4], [sflag:s13] =	dma.local [spmem:s14], $0x800  }
0xcb: {  	[tilespmem:s21], [sflag:$0x1] =	stream.indirect.gather [hbm4b:s3+s20], $0x80, s8, s20, $0xb8;
	[tilespmem:$0x1B100] =	vst v63  }
0xcc: {  	s17 =	sadd.s32 $0x1600, s10  }
0xcd: {  	[tilespmem:s22], [sflag:$0x2] =	stream.indirect.gather [hbm4b:s5+s20], $0x80, s17, s20, $0xb8;
	[tilespmem:$0x1B100] =	vst v63  }
0xce: {  	_ =	swait.ge [sflag:s2], $0x4000  }
0xcf: {  	[sflag:s2] =	ssyncset.done $0x0  }
0xd0: {  	[sflag:s2] =	ssyncadd.s32 $0xFFFFC000  }
0xd1: {  	_ =	swait.ge [sflag:s24], $0x4000  }
0xd2: {  	[sflag:s24] =	ssyncset.done $0x0  }
0xd3: {  	[sflag:s24] =	ssyncadd.s32 $0xFFFFC000  }
0xd4: {  	_ =	swait.ge [sflag:s0], $0x800  }
0xd5: {  	[sflag:s0] =	ssyncset.done $0x0  }
0xd6: {  	[sflag:s0] =	ssyncadd.s32 $0xFFFFF800  }
0xd7: {  	[spmem:s11] =	stream.linear.scatter [tilespmem:s23], [sflag:$0x7], $0x4000, $0x38;
	[tilespmem:$0x1B100] =	vst v63  }
0xd8: {  	_ =	swait.ge [sflag:s18], $0x4000  }
0xd9: {  	[sflag:s18] =	ssyncset.done $0x0  }
0xda: {  	[sflag:s18] =	ssyncadd.s32 $0xFFFFC000  }
0xdb: {  	[spmem:s6] =	stream.indirect.scatter.add.f32 [tilespmem:s25], [sflag:$0x7], $0x80, s1, s20, $0xb8;
	[tilespmem:$0x1B100] =	vst v63  }
0xdc: {  	_ =	swait.ge [sflag:s18], $0x4000  }
0xdd: {  	[sflag:s18] =	ssyncset.done $0x0  }
0xde: {  	[sflag:s18] =	ssyncadd.s32 $0xFFFFC000  }
0xdf: {  	[hbm:s7], [sflag:s19] =	dma.local [spmem:s15], $0x800  }
0xe0: {  	s29 =	simm.s32 $0x8;
	s8 =	simm.s32 $0x12800;
	s7 =	simm.s32 $0x1380  }
0xe1: {  	[tilespmem:s8], [sflag:$0x3] =	stream.indirect.gather [hbm4b:s3+s29], $0x80, s7, s29, $0xb8;
	[tilespmem:$0x1B100] =	vst v63  }
0xe2: {  	s10 =	simm.s32 $0x2780;
	s15 =	simm.s32 $0x12C00  }
0xe3: {  	[tilespmem:s15], [sflag:$0x4] =	stream.indirect.gather [hbm4b:s5+s29], $0x80, s10, s29, $0xb8;
	[tilespmem:$0x1B100] =	vst v63  }
0xe4: {  	_ =	swait.ge [sflag:s26], $0x4000  }
0xe5: {  	[sflag:s26] =	ssyncset.done $0x0  }
0xe6: {  	[sflag:s26] =	ssyncadd.s32 $0xFFFFC000  }
0xe7: {  	_ =	swait.ge [sflag:s28], $0x4000  }
0xe8: {  	[sflag:s28] =	ssyncset.done $0x0  }
0xe9: {  	[sflag:s28] =	ssyncadd.s32 $0xFFFFC000  }
0xea: {  	_ =	swait.ge [sflag:s31], $0x800  }
0xeb: {  	[sflag:s31] =	ssyncset.done $0x0  }
0xec: {  	[sflag:s31] =	ssyncadd.s32 $0xFFFFF800  }
0xed: {  	[spmem:s16] =	stream.linear.scatter [tilespmem:s21], [sflag:$0x7], $0x4000, $0x38;
	[tilespmem:$0x1B100] =	vst v63  }
0xee: {  	_ =	swait.ge [sflag:s18], $0x4000  }
0xef: {  	[sflag:s18] =	ssyncset.done $0x0  }
0xf0: {  	[sflag:s18] =	ssyncadd.s32 $0xFFFFC000  }
0xf1: {  	[spmem:s6] =	stream.indirect.scatter.add.f32 [tilespmem:s22], [sflag:$0x7], $0x80, s12, s20, $0xb8;
	[tilespmem:$0x1B100] =	vst v63  }
0xf2: {  	_ =	swait.ge [sflag:s18], $0x4000  }
0xf3: {  	[sflag:s18] =	ssyncset.done $0x0  }
0xf4: {  	s16 =	rddreg [dreg:$0x8];
	[sflag:s18] =	ssyncadd.s32 $0xFFFFC000  }
0xf5: {  	[hbm:s16], [sflag:s13] =	dma.local [spmem:s14], $0x800  }
0xf6: {  	_ =	swait.ge [sflag:s2], $0x400  }
0xf7: {  	[sflag:s2] =	ssyncset.done $0x0  }
0xf8: {  	[sflag:s2] =	ssyncadd.s32 $0xFFFFFC00  }
0xf9: {  	_ =	swait.ge [sflag:s24], $0x400  }
0xfa: {  	[sflag:s24] =	ssyncset.done $0x0  }
0xfb: {  	[sflag:s24] =	ssyncadd.s32 $0xFFFFFC00  }
0xfc: {  	v16 =	vld [tilespmem:$0x12800]  }
0xfd: {  	v17 =	vld [tilespmem:$0x12C00]  }
0xfe: {  	v18 =	vld [tilespmem:$0x12810]  }
0xff: {  	v19 =	vld [tilespmem:$0x12C10]  }
0x100: {  	v20 =	vld [tilespmem:$0x12820]  }
0x101: {  	v21 =	vld [tilespmem:$0x12C20]  }
0x102: {  	v22 =	vld [tilespmem:$0x12830]  }
0x103: {  	v23 =	vld [tilespmem:$0x12C30]  }
0x104: {  	v24 =	vld [tilespmem:$0x12840]  }
0x105: {  	v25 =	vld [tilespmem:$0x12C40]  }
0x106: {  	v26 =	vld [tilespmem:$0x12850]  }
0x107: {  	v27 =	vld [tilespmem:$0x12C50]  }
0x108: {  	v28 =	vld [tilespmem:$0x12860]  }
0x109: {  	v29 =	vld [tilespmem:$0x12C60]  }
0x10a: {  	v30 =	vld [tilespmem:$0x12870]  }
0x10b: {  	v31 =	vld [tilespmem:$0x12C70]  }
0x10c: {  	v32 =	vld [tilespmem:$0x12880]  }
0x10d: {  	v33 =	vld [tilespmem:$0x12C80]  }
0x10e: {  	v34 =	vld [tilespmem:$0x12890]  }
0x10f: {  	v35 =	vld [tilespmem:$0x12C90]  }
0x110: {  	v36 =	vld [tilespmem:$0x128A0]  }
0x111: {  	v37 =	vld [tilespmem:$0x12CA0]  }
0x112: {  	v38 =	vld [tilespmem:$0x128B0]  }
0x113: {  	v39 =	vld [tilespmem:$0x12CB0]  }
0x114: {  	v40 =	vld [tilespmem:$0x128C0]  }
0x115: {  	v41 =	vld [tilespmem:$0x12CC0]  }
0x116: {  	v42 =	vld [tilespmem:$0x128D0]  }
0x117: {  	v43 =	vld [tilespmem:$0x12CD0]  }
0x118: {  	v44 =	vld [tilespmem:$0x128E0]  }
0x119: {  	v45 =	vld [tilespmem:$0x12CE0]  }
0x11a: {  	v46 =	vld [tilespmem:$0x128F0]  }
0x11b: {  	v47 =	vld [tilespmem:$0x12CF0]  }
0x11c: {  	v48 =	vld [tilespmem:$0x12900]  }
0x11d: {  	v49 =	vld [tilespmem:$0x12D00]  }
0x11e: {  	v50 =	vld [tilespmem:$0x12910]  }
0x11f: {  	v51 =	vld [tilespmem:$0x12D10]  }
0x120: {  	v52 =	vld [tilespmem:$0x12920]  }
0x121: {  	v53 =	vld [tilespmem:$0x12D20]  }
0x122: {  	v54 =	vld [tilespmem:$0x12930]  }
0x123: {  	v55 =	vld [tilespmem:$0x12D30]  }
0x124: {  	v56 =	vld [tilespmem:$0x12940]  }
0x125: {  	v57 =	vld [tilespmem:$0x12D40]  }
0x126: {  	v58 =	vld [tilespmem:$0x12950]  }
0x127: {  	v59 =	vld [tilespmem:$0x12D50]  }
0x128: {  	v60 =	vld [tilespmem:$0x12960]  }
0x129: {  	v61 =	vld [tilespmem:$0x12D60]  }
0x12a: {  	v62 =	vld [tilespmem:$0x12970]  }
0x12b: {  	v63 =	vld [tilespmem:$0x12D70]  }
0x12c: {  	v0 =	vld [tilespmem:$0x12980]  }
0x12d: {  	v1 =	vld [tilespmem:$0x12D80]  }
0x12e: {  	v2 =	vld [tilespmem:$0x12990]  }
0x12f: {  	v3 =	vld [tilespmem:$0x12D90]  }
0x130: {  	v4 =	vld [tilespmem:$0x129A0]  }
0x131: {  	v5 =	vld [tilespmem:$0x12DA0]  }
0x132: {  	v6 =	vld [tilespmem:$0x129B0]  }
0x133: {  	v7 =	vld [tilespmem:$0x12DB0]  }
0x134: {  	v8 =	vld [tilespmem:$0x129C0]  }
0x135: {  	v9 =	vld [tilespmem:$0x12DC0]  }
0x136: {  	v10 =	vld [tilespmem:$0x129D0]  }
0x137: {  	v14 =	vld [tilespmem:$0x129F0]  }
0x138: {  	v11 =	vld [tilespmem:$0x12DD0]  }
0x139: {  	v12 =	vld [tilespmem:$0x129E0]  }
0x13a: {  	v13 =	vld [tilespmem:$0x12DE0]  }
0x13b: {  	v15 =	vld [tilespmem:$0x12DF0]  }
0x13c: {  	[tilespmem:$0x1FEA0] =	vst v14;
	v14 =	vld [tilespmem:$0x12A00]  }
0x13d: {  	v16 =	vadd.f32 v17, v16;
	v17 =	vld [tilespmem:$0x12E20]  }
0x13e: {  	v18 =	vadd.f32 v19, v18;
	v19 =	vld [tilespmem:$0x12A30]  }
0x13f: {  	v25 =	vadd.f32 v25, v24;
	v24 =	vld [tilespmem:$0x12E50]  }
0x140: {  	v29 =	vadd.f32 v29, v28;
	v28 =	vld [tilespmem:$0x12E70]  }
0x141: {  	v31 =	vadd.f32 v31, v30;
	v30 =	vld [tilespmem:$0x12E80]  }
0x142: {  	v33 =	vadd.f32 v33, v32;
	v32 =	vld [tilespmem:$0x12E90]  }
0x143: {  	v35 =	vadd.f32 v35, v34;
	v34 =	vld [tilespmem:$0x12EA0]  }
0x144: {  	v37 =	vadd.f32 v37, v36;
	v36 =	vld [tilespmem:$0x12EB0];
	[tilespmem:$0x12800] =	vst v16  }
0x145: {  	v39 =	vadd.f32 v39, v38;
	v38 =	vld [tilespmem:$0x12EC0];
	[tilespmem:$0x12810] =	vst v18  }
0x146: {  	v41 =	vadd.f32 v41, v40;
	v40 =	vld [tilespmem:$0x12ED0];
	[tilespmem:$0x12840] =	vst v25  }
0x147: {  	v0 =	vadd.f32 v1, v0;
	v1 =	vld [tilespmem:$0x12EE0];
	[tilespmem:$0x12860] =	vst v29  }
0x148: {  	v60 =	vadd.f32 v61, v60;
	v2 =	vadd.f32 v3, v2;
	v3 =	vld [tilespmem:$0x12AF0];
	[tilespmem:$0x12870] =	vst v31  }
0x149: {  	v61 =	vadd.f32 v63, v62;
	v62 =	vadd.f32 v5, v4;
	v4 =	vld [tilespmem:$0x12EF0];
	[tilespmem:$0x12880] =	vst v33  }
0x14a: {  	v5 =	vld [tilespmem:$0x12B00];
	[tilespmem:$0x12890] =	vst v35  }
0x14b: {  	v63 =	vadd.f32 v7, v6;
	v6 =	vld [tilespmem:$0x12F00];
	[tilespmem:$0x128A0] =	vst v37  }
0x14c: {  	v43 =	vadd.f32 v43, v42;
	v7 =	vld [tilespmem:$0x12B10];
	[tilespmem:$0x128B0] =	vst v39  }
0x14d: {  	v45 =	vadd.f32 v45, v44;
	v47 =	vadd.f32 v47, v46;
	v46 =	vld [tilespmem:$0x12F20];
	[tilespmem:$0x128C0] =	vst v41  }
0x14e: {  	v42 =	vld [tilespmem:$0x1FEA0];
	[tilespmem:$0x128D0] =	vst v43  }
0x14f: {  	v49 =	vadd.f32 v49, v48;
	v16 =	vadd.f32 v21, v20;
	v20 =	vld [tilespmem:$0x12E30];
	[tilespmem:$0x128E0] =	vst v45  }
0x150: {  	v51 =	vadd.f32 v51, v50;
	v21 =	vld [tilespmem:$0x12A40];
	[tilespmem:$0x128F0] =	vst v47  }
0x151: {  	v53 =	vadd.f32 v53, v52;
	v25 =	vld [tilespmem:$0x12A60];
	[tilespmem:$0x12900] =	vst v49  }
0x152: {  	v55 =	vadd.f32 v55, v54;
	v29 =	vld [tilespmem:$0x12A80];
	[tilespmem:$0x12910] =	vst v51  }
0x153: {  	v57 =	vadd.f32 v57, v56;
	v31 =	vld [tilespmem:$0x12A90];
	[tilespmem:$0x12920] =	vst v53  }
0x154: {  	v59 =	vadd.f32 v59, v58;
	v33 =	vld [tilespmem:$0x12AA0];
	[tilespmem:$0x12930] =	vst v55  }
0x155: {  	v35 =	vld [tilespmem:$0x12AB0];
	[tilespmem:$0x12940] =	vst v57  }
0x156: {  	v37 =	vld [tilespmem:$0x12AC0];
	[tilespmem:$0x12950] =	vst v59  }
0x157: {  	v39 =	vld [tilespmem:$0x12AD0];
	[tilespmem:$0x12960] =	vst v60  }
0x158: {  	v41 =	vld [tilespmem:$0x12AE0];
	[tilespmem:$0x12970] =	vst v61  }
0x159: {  	[tilespmem:$0x1FEB0] =	vst v14;
	v14 =	vld [tilespmem:$0x12E00]  }
0x15a: {  	[tilespmem:$0x12980] =	vst v0;
	v43 =	vld [tilespmem:$0x12B20]  }
0x15b: {  	[tilespmem:$0x12990] =	vst v2;
	v49 =	vld [tilespmem:$0x12B30]  }
0x15c: {  	[tilespmem:$0x129A0] =	vst v62;
	v53 =	vld [tilespmem:$0x12B40]  }
0x15d: {  	[tilespmem:$0x129B0] =	vst v63;
	v55 =	vld [tilespmem:$0x12F40]  }
0x15e: {  	v18 =	vadd.f32 v13, v12;
	[tilespmem:$0x1FEC0] =	vst v14;
	v14 =	vld [tilespmem:$0x12A10]  }
0x15f: {  	v51 =	vld [tilespmem:$0x12F30];
	[tilespmem:$0x12820] =	vst v16;
	v16 =	vadd.f32 v11, v10  }
0x160: {  	v57 =	vld [tilespmem:$0x12B50];
	[tilespmem:$0x129E0] =	vst v18;
	v2 =	vadd.f32 v15, v42  }
0x161: {  	[tilespmem:$0x129D0] =	vst v16;
	v44 =	vld [tilespmem:$0x1FEB0];
	v52 =	vadd.f32 v20, v19  }
0x162: {  	v42 =	vadd.f32 v46, v43;
	v46 =	vadd.f32 v55, v53;
	v53 =	vld [tilespmem:$0x12BE0];
	[tilespmem:$0x129F0] =	vst v2  }
0x163: {  	v62 =	vadd.f32 v30, v29;
	[tilespmem:$0x1FED0] =	vst v14;
	v14 =	vld [tilespmem:$0x12E10]  }
0x164: {  	v30 =	vadd.f32 v38, v37;
	v55 =	vld [tilespmem:$0x12FE0];
	[tilespmem:$0x12A30] =	vst v52  }
0x165: {  	v38 =	vadd.f32 v6, v5;
	[tilespmem:$0x12A80] =	vst v62;
	v45 =	vld [tilespmem:$0x1FEC0]  }
0x166: {  	v59 =	vld [tilespmem:$0x12F50];
	[tilespmem:$0x12AC0] =	vst v30  }
0x167: {  	[tilespmem:$0x12B00] =	vst v38;
	v47 =	vld [tilespmem:$0x1FED0]  }
0x168: {  	[tilespmem:$0x1FEE0] =	vst v14;
	v14 =	vld [tilespmem:$0x12A20]  }
0x169: {  	[tilespmem:$0x12B20] =	vst v42;
	v62 =	vadd.f32 v55, v53;
	v48 =	vld [tilespmem:$0x1FEE0]  }
0x16a: {  	v61 =	vld [tilespmem:$0x12B60];
	[tilespmem:$0x12B40] =	vst v46;
	v0 =	vadd.f32 v45, v44  }
0x16b: {  	v63 =	vld [tilespmem:$0x12F60];
	[tilespmem:$0x12BE0] =	vst v62  }
0x16c: {  	v29 =	vld [tilespmem:$0x12B80];
	v44 =	vadd.f32 v51, v49;
	[tilespmem:$0x12A00] =	vst v0  }
0x16d: {  	[tilespmem:$0x1FEF0] =	vst v14;
	v14 =	vadd.f32 v23, v22;
	v22 =	vld [tilespmem:$0x12E40]  }
0x16e: {  	[tilespmem:$0x12B30] =	vst v44;
	v23 =	vld [tilespmem:$0x12A50];
	v2 =	vadd.f32 v48, v47  }
0x16f: {  	v37 =	vld [tilespmem:$0x12BA0];
	[tilespmem:$0x12830] =	vst v14;
	v14 =	vadd.f32 v27, v26  }
0x170: {  	v43 =	vld [tilespmem:$0x12FB0];
	v48 =	vadd.f32 v59, v57;
	[tilespmem:$0x12A10] =	vst v2  }
0x171: {  	v50 =	vld [tilespmem:$0x1FEF0];
	[tilespmem:$0x12850] =	vst v14;
	v14 =	vadd.f32 v9, v8  }
0x172: {  	v49 =	vld [tilespmem:$0x12BD0];
	[tilespmem:$0x12B50] =	vst v48;
	v54 =	vadd.f32 v22, v21  }
0x173: {  	v51 =	vld [tilespmem:$0x12FD0];
	v56 =	vadd.f32 v24, v23;
	[tilespmem:$0x129C0] =	vst v14  }
0x174: {  	v26 =	vld [tilespmem:$0x12E60];
	v24 =	vadd.f32 v32, v31;
	[tilespmem:$0x12A40] =	vst v54  }
0x175: {  	v27 =	vld [tilespmem:$0x12A70];
	v32 =	vadd.f32 v40, v39;
	[tilespmem:$0x12A50] =	vst v56  }
0x176: {  	v45 =	vld [tilespmem:$0x12BC0];
	v0 =	vadd.f32 v17, v50;
	[tilespmem:$0x12A90] =	vst v24  }
0x177: {  	v47 =	vld [tilespmem:$0x12FC0];
	v50 =	vadd.f32 v63, v61;
	[tilespmem:$0x12AD0] =	vst v32  }
0x178: {  	v8 =	vld [tilespmem:$0x12F10];
	v61 =	vadd.f32 v51, v49;
	[tilespmem:$0x12A20] =	vst v0  }
0x179: {  	v31 =	vld [tilespmem:$0x12F80];
	v58 =	vadd.f32 v26, v25;
	[tilespmem:$0x12B60] =	vst v50  }
0x17a: {  	v39 =	vld [tilespmem:$0x12FA0];
	v60 =	vadd.f32 v28, v27;
	[tilespmem:$0x12BD0] =	vst v61  }
0x17b: {  	v25 =	vld [tilespmem:$0x12B70];
	v26 =	vadd.f32 v34, v33;
	[tilespmem:$0x12A60] =	vst v58  }
0x17c: {  	v27 =	vld [tilespmem:$0x12F70];
	v28 =	vadd.f32 v36, v35;
	[tilespmem:$0x12A70] =	vst v60  }
0x17d: {  	v33 =	vld [tilespmem:$0x12B90];
	v34 =	vadd.f32 v1, v41;
	[tilespmem:$0x12AA0] =	vst v26  }
0x17e: {  	v35 =	vld [tilespmem:$0x12F90];
	v36 =	vadd.f32 v4, v3;
	[tilespmem:$0x12AB0] =	vst v28  }
0x17f: {  	v41 =	vld [tilespmem:$0x12BB0];
	[tilespmem:$0x12AE0] =	vst v34;
	v40 =	vadd.f32 v8, v7  }
0x180: {  	v56 =	vld [tilespmem:$0x12BF0];
	[tilespmem:$0x12AF0] =	vst v36;
	v60 =	vadd.f32 v47, v45  }
0x181: {  	v58 =	vld [tilespmem:$0x12FF0];
	v54 =	vadd.f32 v31, v29;
	[tilespmem:$0x12B10] =	vst v40  }
0x182: {  	v57 =	vadd.f32 v39, v37;
	[tilespmem:$0x12BC0] =	vst v60  }
0x183: {  	v52 =	vadd.f32 v27, v25;
	[tilespmem:$0x12B80] =	vst v54  }
0x184: {  	v1 =	vadd.f32 v35, v33;
	[tilespmem:$0x12BA0] =	vst v57  }
0x185: {  	v59 =	vadd.f32 v43, v41;
	[tilespmem:$0x12B70] =	vst v52  }
0x186: {  	[tilespmem:$0x12B90] =	vst v1;
	v63 =	vadd.f32 v58, v56  }
0x187: {  	[tilespmem:$0x12BB0] =	vst v59  }
0x188: {  	s12 =	simm.s32 $0x0;
	s17 =	rddreg [dreg:$0x9];
	[tilespmem:$0x12BF0] =	vst v63  }
0x189: {  	[hbm4b:s17+s12] =	stream.linear.scatter [tilespmem:s8], [sflag:$0x7], $0x400, $0x38;
	[tilespmem:$0x1B100] =	vst v63  }
0x18a: {  	_ =	swait.ge [sflag:s18], $0x400  }
0x18b: {  	[sflag:s18] =	ssyncset.done $0x0  }
0x18c: {  	[sflag:s18] =	ssyncadd.s32 $0xFFFFFC00  }
0x18d: {  	_ =	swait.ge [sflag:s31], $0x800  }
0x18e: {  	[sflag:s31] =	ssyncset.done $0x0  }
0x18f: {  	[sflag:s31] =	ssyncadd.s32 $0xFFFFF800  }
0x190: {  	_ =	swait.ge [sflag:s0], $0x800  }
0x191: {  	s19 =	rddreg [dreg:$0xe]  }
0x192: {  	s29 =	rddreg [dreg:$0xa];
	s1 =	sadd.s32 $0x1, s19  }
0x193: {  	p0 =	sne.s32 s1, s29  }
.Ltmp1:
0x194: {  	_ = 	snop;
	(pc) =	sbr.rel @p0 .LBB2_1-.Ltmp1, $3  }
0x195: {  	_ =	sdelay $0x1  }
0x196: {  	[sflag:s0] =	ssyncset.done $0x0  }
0x197: {  	[sflag:s0] =	ssyncadd.s32 $0xFFFFF800  }
0x198: {  	_ =	sfence.sel $0x180000  }
0x199: {  	[bflag:$0x0] =	sbarrier.arrive $0xFFFF  }
0x19a: {  	_ =	strace $0x90000047  }
0x19b: {  	s0 =	stileid.u32;
	[bflag:$0x2] =	sbarrier.arrive $0xFFFF  }
0x19c: {  	p0 =	sne.s32 s0, $0x0;
	s0 =	rddreg [dreg:$0x3]  }
0x19d: {  	s0 =	sadd.s32 @!p0 $0x100000, s0  }
0x19e: {  	[sflag:s0] =	ssyncadd.tile.s32 @!p0 $0x1;
	_ =	shalt  }
.Lfunc_end2:
_tile_overlayer_lowered:
.L_overlay_start_2:
0x19f: {  	(tag) =	ssettag $0x2  }
0x1a0: {  	s0 =	rddreg [dreg:$0x0];
	s2 =	stileid.u32  }
0x1a1: {  	s1 =	rddreg [dreg:$0x1];
	p0 =	sne.s32 s2, $0x0  }
0x1a2: {  	s3 =	rddreg [dreg:$0x2];
	[bflag:$0x3] =	sbarrier.arrive $0xFFFF;
	s2 =	simm.s32 @!p0 $0x1C07  }
0x1a3: {  	[timem:s3], [sflag:s2] =	dma.local @!p0 [hbm:s0], s1  }
0x1a4: {  	s0 =	simm.s32 @!p0 $0x7  }
0x1a5: {  	_ =	swait.ge @!p0 [sflag:s0], s1  }
0x1a6: {  	s1 =	ssub.s32 @!p0 $0x0, s1;
	[sflag:s0] =	ssyncset.done @!p0 $0x0  }
0x1a7: {  	[sflag:s0] =	ssyncadd.s32 @!p0 s1  }
0x1a8: {  	[bflag:$0x3] =	sbarrier.arrive $0xFFFF  }
0x1a9: {  	_ =	shalt  }

// kernel: kernel.13.cloned.1.call-start
scs
__scs_entry_jumppad:
0x0: {  	(pc) =	sbr.rel $0x88, $3  }
0x1: {  	(tag) =	ssettag $0x0;
	lr =	simm.s32 $0x1  }
0x2: {  	[smem:$0x3F95] =	sst lr;
	_ =	strace $0xD0000000  }
0x3: {  	_ = 	snop  }
0x4: {  	_ = 	snop  }
0x5: {  	_ = 	snop  }
0x6: {  	_ = 	snop  }
0x7: {  	_ = 	snop  }
__scs_overlays_trampoline_lowered:
0x8: {  	[smem:$0x3FA4] =	sst s0  }
0x9: {  	[smem:$0x3FA5] =	sst s1  }
0xa: {  	[smem:$0x3FA6] =	sst s2  }
0xb: {  	[smem:$0x3FA7] =	sst s3  }
0xc: {  	[smem:$0x3FA8] =	sst s4  }
0xd: {  	[smem:$0x3FA9] =	sst s5  }
0xe: {  	[smem:$0x3FAA] =	sst s6  }
0xf: {  	[smem:$0x3FAB] =	sst s7  }
0x10: {  	[smem:$0x3FAC] =	sst s8  }
0x11: {  	[smem:$0x3FAD] =	sst s9;
	s0 =	simm.s32 @!p0 $0x0  }
0x12: {  	s1 =	sld [smem:$0x3F93];
	s0 =	simm.s32 @p0 $0x1  }
0x13: {  	[smem:$0x3FAE] =	sst s0;
	s0 =	simm.s32 @!p1 $0x0  }
0x14: {  	s2 =	sld [smem:$0x3F92];
	s0 =	simm.s32 @p1 $0x1  }
0x15: {  	[smem:$0x3FAF] =	sst s0;
	s0 =	simm.s32 @!p2 $0x0  }
0x16: {  	s3 =	sld [smem:$0x3FDB];
	s0 =	simm.s32 @p2 $0x1  }
0x17: {  	s4 =	simm.s32 $0x1BF5;
	[smem:$0x3FB1] =	sst s0  }
0x18: {  	s0 =	sld [smem:$0x3F94];
	_ =	swait.ge [sflag:s4], $0x0  }
0x19: {  	s7 =	sld [smem:$0x3F95]  }
0x1a: {  	s8 =	sadd.s32 $0xFFFFE003, lr  }
0x1b: {  	s9 =	sadd.s32 $0xFFFFFEF7, lr;
	s5 =	simm.s32 $0xFFFFFFFF;
	p2 =	slt.u32 s8, $0xFFFFF086  }
0x1c: {  	p1 =	slt.u32 s9, $0xF7A;
	s5 =	simm.s32 @!p2 $0x0  }
0x1d: {  	s5 =	simm.s32 @p1 $0x1;
	p0 =	seq.s32 s7, s2  }
0x1e: {  	s7 =	smul.u32 @!p0 $0xF7A, s2;
	p2 =	seq.s32 @!p0 s5, $0x0  }
0x1f: {  	s9 =	smul.u32 $0xF7A, s1;
	s8 =	simm.s32 @!p0 $0x1BF5;
	p2 =	por !p2, p0  }
0x20: {  	[sflag:s8] =	ssyncset.s32 @!p0 $0xFFFFF086;
	s6 =	sadd.s32 @!p0 s3, s7;
	s7 =	simm.s32 @!p0 $0x108  }
0x21: {  	s3 =	sadd.s32 s3, s9;
	s6 =	sadd.s32 @!p0 $0x88, s6;
	s7 =	simm.s32 @p2 $0x1082  }
0x22: {  	[simem:s7], [sflag:s8] =	dma.local @!p0 [hbm:s6], $0xF7A  }
0x23: {  	s9 =	sor.u32 $0xD0000000, s2;
	s6 =	simm.s32 $0x108;
	_ =	swait.ge @!p0 [sflag:s8], $0x0  }
0x24: {  	s3 =	sadd.s32 $0x88, s3;
	s6 =	simm.s32 @!p1 $0x1082;
	[sflag:s4] =	ssyncset.s32 $0xFFFFF086  }
0x25: {  	[simem:s6], [sflag:s4] =	dma.local [hbm:s3], $0xF7A  }
0x26: {  	[smem:$0x3F95] =	sst s1;
	(tag) =	ssettag s2;
	_ =	strace s9  }
0x27: {  	s1 =	sld [smem:$0x3FA5]  }
0x28: {  	s2 =	sld [smem:$0x3FA6]  }
0x29: {  	s4 =	sld [smem:$0x3FA8]  }
0x2a: {  	p0 =	seq.s32 s5, $0x0;
	s5 =	sld [smem:$0x3FA9]  }
0x2b: {  	s6 =	sld [smem:$0x3FAA]  }
0x2c: {  	s7 =	sld [smem:$0x3FAB]  }
0x2d: {  	s3 =	simm.s32 $0x108;
	s8 =	sld [smem:$0x3FAC]  }
0x2e: {  	s3 =	simm.s32 @!p0 $0x1082;
	s9 =	sld [smem:$0x3FAD]  }
0x2f: {  	lr =	sadd.s32 s0, s3;
	s0 =	sld [smem:$0x3FA4]  }
0x30: {  	s3 =	sld [smem:$0x3FA7]  }
0x31: {  	[smem:$0x3FB0] =	sst s10  }
0x32: {  	s10 =	sld [smem:$0x3FAE];
	_ =	sdelay $0x3  }
0x33: {  	p0 =	seq.s32 s10, $0x1;
	s10 =	sld [smem:$0x3FB0];
	_ =	sdelay $0x3  }
0x34: {  	[smem:$0x3FB0] =	sst s10  }
0x35: {  	s10 =	sld [smem:$0x3FAF];
	_ =	sdelay $0x3  }
0x36: {  	p1 =	seq.s32 s10, $0x1;
	s10 =	sld [smem:$0x3FB0];
	_ =	sdelay $0x3  }
0x37: {  	[smem:$0x3FB0] =	sst s10  }
0x38: {  	s10 =	sld [smem:$0x3FB1]  }
0x39: {  	_ = 	snop;
	(pc) =	sbr.ind lr, $3  }
0x3a: {  	_ = 	snop  }
0x3b: {  	_ = 	snop  }
0x3c: {  	p2 =	seq.s32 s10, $0x1;
	s10 =	sld [smem:$0x3FB0]  }
0x3d: {  	_ =	shalt  }
0x3e: {  	_ =	shalt  }
0x3f: {  	_ =	shalt  }
0x40: {  	_ =	shalt  }
0x41: {  	_ =	shalt  }
0x42: {  	_ =	shalt  }
0x43: {  	_ =	shalt  }
0x44: {  	_ =	shalt  }
0x45: {  	_ =	shalt  }
0x46: {  	_ =	shalt  }
0x47: {  	_ =	shalt  }
0x48: {  	_ =	shalt  }
0x49: {  	_ =	shalt  }
0x4a: {  	_ =	shalt  }
0x4b: {  	_ =	shalt  }
0x4c: {  	_ =	shalt  }
0x4d: {  	_ =	shalt  }
0x4e: {  	_ =	shalt  }
0x4f: {  	_ =	shalt  }
0x50: {  	_ =	shalt  }
0x51: {  	_ =	shalt  }
0x52: {  	_ =	shalt  }
0x53: {  	_ =	shalt  }
0x54: {  	_ =	shalt  }
0x55: {  	_ =	shalt  }
0x56: {  	_ =	shalt  }
0x57: {  	_ =	shalt  }
0x58: {  	_ =	shalt  }
0x59: {  	_ =	shalt  }
0x5a: {  	_ =	shalt  }
0x5b: {  	_ =	shalt  }
0x5c: {  	_ =	shalt  }
0x5d: {  	_ =	shalt  }
0x5e: {  	_ =	shalt  }
0x5f: {  	_ =	shalt  }
0x60: {  	_ =	shalt  }
0x61: {  	_ =	shalt  }
0x62: {  	_ =	shalt  }
0x63: {  	_ =	shalt  }
0x64: {  	_ =	shalt  }
0x65: {  	_ =	shalt  }
0x66: {  	_ =	shalt  }
0x67: {  	_ =	shalt  }
0x68: {  	_ =	shalt  }
0x69: {  	_ =	shalt  }
0x6a: {  	_ =	shalt  }
0x6b: {  	_ =	shalt  }
0x6c: {  	_ =	shalt  }
0x6d: {  	_ =	shalt  }
0x6e: {  	_ =	shalt  }
0x6f: {  	_ =	shalt  }
0x70: {  	_ =	shalt  }
0x71: {  	_ =	shalt  }
0x72: {  	_ =	shalt  }
0x73: {  	_ =	shalt  }
0x74: {  	_ =	shalt  }
0x75: {  	_ =	shalt  }
0x76: {  	_ =	shalt  }
0x77: {  	_ =	shalt  }
0x78: {  	_ =	shalt  }
0x79: {  	_ =	shalt  }
0x7a: {  	_ =	shalt  }
0x7b: {  	_ =	shalt  }
0x7c: {  	_ =	shalt  }
0x7d: {  	_ =	shalt  }
0x7e: {  	_ =	shalt  }
0x7f: {  	_ =	shalt  }
0x80: {  	_ =	shalt  }
0x81: {  	_ =	shalt  }
0x82: {  	_ =	shalt  }
0x83: {  	_ =	shalt  }
0x84: {  	_ =	shalt  }
0x85: {  	_ =	shalt  }
0x86: {  	_ =	shalt  }
0x87: {  	_ =	shalt  }
.Lfunc_end0:
.L_simem_size_0:
called_computation.1_lowered:
.L_overlay_start_0:
0x88: {  	s2 =	sld [smem:$0x3FD9]  }
0x89: {  	s3 =	sld [smem:$0x3FFE];
	_ =	sdelay $0x1  }
0x8a: {  	s1 =	srdreg.scid  }
0x8b: {  	s0 =	sand.u32 $0x1, s1  }
0x8c: {  	s17 =	sshll.u32 s0, $0xA;
	s2 =	sadd.s32 s3, s2  }
0x8d: {  	s2 =	sadd.s32 s2, s17  }
0x8e: {  	[smem:$0x3FBC] =	sst s2  }
0x8f: {  	_ = 	snop  }
0x90: {  	(tm) =	ssettm $0x1  }
0x91: {  	s18 =	sld [smem:$0x3FFB];
	_ =	sdelay $0x3  }
0x92: {  	_ =	strace s18  }
0x93: {  	s2 =	sld [smem:$0x3FFC];
	_ =	sdelay $0x3  }
0x94: {  	_ =	strace s2  }
0x95: {  	s2 =	sld [smem:$0x3FFD];
	_ =	sdelay $0x3  }
0x96: {  	_ =	strace s2  }
0x97: {  	_ =	strace $0x8FFFFFFF  }
0x98: {  	s19 =	sld [smem:$0x3FDB];
	_ =	sdelay $0x1  }
0x99: {  	s20 =	simm.s32 $_scs_section_size  }
0x9a: {  	s4 =	simm.s32 $_size__tile_overlayer_lowered;
	s5 =	simm.s32 $_tile_overlayer_lowered  }
0x9b: {  	s6 =	simm.s32 $0x1BFF;
	s21 =	sshll.u32 s5, $0x1;
	s3 =	sadd.s32 s20, s19  }
0x9c: {  	s22 =	simm.s32 $0x0;
	s4 =	sshll.u32 s4, $0x1;
	s5 =	sadd.s32 s21, s3  }
0x9d: {  	[timem:s22], [sflag:s6] =	dma.local [hbm:s5], s4  }
0x9e: {  	_ =	swait.ge [sflag:s6], s4  }
0x9f: {  	s4 =	ssub.s32 $0x0, s4;
	[sflag:s6] =	ssyncset.done $0x0  }
0xa0: {  	[sflag:s6] =	ssyncadd.s32 s4;
	_ =	sdelay $0x1  }
0xa1: {  	s23 =	simm.s32 $0x1B8B  }
0xa2: {  	_ =	swait.ge [sflag:s23], $0x1  }
0xa3: {  	[sflag:s23] =	ssyncset.done $0x0  }
0xa4: {  	[sflag:s23] =	ssyncadd.s32 $0xFFFFFFFF  }
0xa5: {  	s4 =	sld [smem:$0x0]  }
0xa6: {  	s5 =	sand.u32 $0xFFFFFFFE, s1  }
0xa7: {  	p0 =	sne.s32 s1, s5  }
0xa8: {  	s5 =	sshll.u32 @p0 s5, $0xE  }
0xa9: {  	s5 =	sadd.s32 @p0 $0x11B8D, s5;
	s6 =	sshll.u32 @p0 s4, $0x11  }
0xaa: {  	s5 =	sor.u32 @p0 s6, s5  }
0xab: {  	[sflag:s5] =	ssyncadd.remote.s32 @p0 $0x1;
	_ =	sdelay $0x1  }
0xac: {  	s5 =	simm.s32 @p0 $0x1B8D  }
0xad: {  	_ =	swait.eq @p0 [sflag:s5], $0x1  }
0xae: {  	[sflag:s5] =	ssyncadd.s32 @p0 $0xFFFFFFFF  }
0xaf: {  	s6 =	sshll.u32 @!p0 s1, $0xE  }
0xb0: {  	s6 =	sor.u32 @!p0 $0x4000, s6;
	s5 =	simm.s32 @!p0 $0x1B8D  }
0xb1: {  	s4 =	sshll.u32 @!p0 s4, $0x11;
	s6 =	sadd.s32 @!p0 $0x11B8D, s6;
	_ =	swait.eq @!p0 [sflag:s5], $0x1  }
0xb2: {  	s4 =	sor.u32 @!p0 s4, s6;
	[sflag:s5] =	ssyncadd.s32 @!p0 $0xFFFFFFFF  }
0xb3: {  	s25 =	simm.s32 $0x1B8E;
	s24 =	sld [smem:$0x3FFE];
	[sflag:s4] =	ssyncadd.remote.s32 @!p0 $0x1  }
0xb4: {  	s26 =	simm.s32 $execute0_lowered;
	[smem:$0x3FD2] =	sst s25  }
0xb5: {  	s5 =	sshll.u32 s26, $0x1;
	_ =	strace $0x8000004C;
	[dreg:$0x1] =	wrdreg $0xFFFFFFFF  }
0xb6: {  	s28 =	simm.s32 $_size_execute0_lowered;
	s3 =	sadd.s32 s3, s5;
	[dreg:$0x0] =	wrdreg $0x0  }
0xb7: {  	s5 =	sshll.u32 s28, $0x1;
	[dreg:$0x2] =	wrdreg s3  }
0xb8: {  	[dreg:$0x3] =	wrdreg s5  }
0xb9: {  	[dreg:$0x4] =	wrdreg $0xC0  }
0xba: {  	_ =	task [dreg:s22], $0x5FFFF  }
0xbb: {  	[dreg:$0x1] =	wrdreg $0xFFFFFFFF  }
0xbc: {  	[dreg:$0x0] =	wrdreg $0x60  }
0xbd: {  	[dreg:$0x2] =	wrdreg s24  }
0xbe: {  	[dreg:$0x3] =	wrdreg $0x85800  }
0xbf: {  	[dreg:$0x4] =	wrdreg $0xA  }
0xc0: {  	_ =	task.clear_ibuf [dreg:s22], $0x5FFFF;
	_ =	strace $0x9000004C  }
0xc1: {  	s29 =	simm.s32 $0xA;
	_ =	strace $0x8000004E  }
0xc2: {  	_ =	swait.ge [sflag:s29], $0x1  }
0xc3: {  	[sflag:s29] =	ssyncadd.s32 $0xFFFFFFFF  }
0xc4: {  	_ =	strace $0x9000004E  }
0xc5: {  	_ =	sfence  }
0xc6: {  	s30 =	sld [smem:$0x0];
	_ =	sdelay $0x2  }
0xc7: {  	s31 =	sshll.u32 s1, $0xD;
	s1 =	sshrl.u32 s1, $0x2  }
0xc8: {  	s4 =	sand.u32 $0x4000, s31;
	s1 =	sadd.s32 s1, s30  }
0xc9: {  	s0 =	sor.u32 s4, s0;
	s1 =	sshll.u32 s1, $0x11  }
0xca: {  	s0 =	sor.u32 s1, s0  }
0xcb: {  	s0 =	sadd.s32 $0x8F2B, s0  }
0xcc: {  	[sflag:s0] =	ssyncadd.remote.s32 $0x1  }
0xcd: {  	_ =	sfence.sel $0xFFFF  }
0xce: {  	[dreg:$0x0] =	wrdreg $0xFFFFFFFF;
	(pc) =	sbr.abs _section_cstart, $3  }
0xcf: {  	[dreg:$0x1] =	wrdreg $0xFFFFFFFF  }
0xd0: {  	_ =	task.clear_ibuf [dreg:s22], $0x2FFFF;
	_ =	strace $0x9FFFFFFF  }
0xd1: {  	(tm) =	ssettm $0x7FFFFFFF  }
tec
execute0_lowered:
.L_overlay_start_1:
0x0: {  	(tag) =	ssettag $0x1  }
0x1: {  	s0 =	rddreg [dreg:$0x0]  }
0x2: {  	s1 =	rddreg [dreg:$0x1]  }
0x3: {  	s2 =	simm.s32 $0x0;
	s5 =	srdreg.scid;
	s22 =	stileid.u32  }
0x4: {  	s28 =	simm.s32 $0x5;
	s29 =	simm.s32 $0x3;
	s30 =	simm.s32 $0x4  }
0x5: {  	s31 =	simm.s32 $0x6;
	[smem:$0x7FF] =	sst s2;
	s3 =	sadd.s32 $0x51FA00, s0  }
0x6: {  	s4 =	sadd.s32 $0x7800, s0;
	s6 =	sadd.s32 $0x33A00, s0;
	s5 =	sand.u32 $0x1, s5  }
0x7: {  	s7 =	smul.u32 $0x4F000, s22;
	s0 =	sadd.s32 $0x81C00, s0;
	s11 =	sshll.u32 s22, $0x1  }
0x8: {  	s12 =	smul.u32 $0x2780, s22;
	s17 =	sadd.s32 $0x128400, s1;
	p0 =	seq.s32 s22, $0xF  }
0x9: {  	_ =	strace $0x8000004D;
	s8 =	ssub.s32 $0x2, s5;
	s9 =	smul.u32 $0x27100, s5  }
0xa: {  	s26 =	sor.u32 s5, s11;
	s14 =	smul.u32 $0x138800, s5;
	[dreg:$0x5] =	wrdreg s17  }
0xb: {  	s10 =	sshrl.u32 s8, $0x1;
	s13 =	smul.u32 $0x1388, s26;
	s7 =	sshrl.u32 s7, $0x2  }
0xc: {  	s8 =	ssub.s32 s8, s10;
	s9 =	sadd.s32 s12, s9;
	s10 =	smul.u32 $0x13880, s26  }
0xd: {  	s7 =	sadd.s32 s7, s1;
	s16 =	sshrl.u32 s14, $0x3;
	s12 =	smul.u32 $0x2710, s22  }
0xe: {  	[dreg:$0x3] =	wrdreg s7;
	s15 =	sadd.s32 s6, s9;
	s7 =	sadd.s32 $0x25080, s16  }
0xf: {  	s18 =	sshrl.u32 s13, $0x3;
	s19 =	sadd.s32 $0x1380, s13;
	s23 =	sadd.s32 $0x100, s13  }
0x10: {  	s25 =	sadd.s32 s0, s9;
	s26 =	sadd.s32 $0x80, s13;
	s14 =	smax.u32 s8, $0x1  }
0x11: {  	[dreg:$0x4] =	wrdreg s15;
	s6 =	sadd.s32 s6, s7;
	s20 =	sadd.s32 s3, s10  }
0x12: {  	s21 =	sshrl.u32 s19, $0x3;
	s24 =	sshll.u32 s19, $0x4;
	[dreg:$0xb] =	wrdreg s25  }
0x13: {  	s13 =	sadd.s32 s0, s7;
	s9 =	sshrl.u32 s26, $0x3;
	s11 =	sshll.u32 s26, $0x4  }
0x14: {  	s19 =	sshrl.u32 s23, $0x3;
	[dreg:$0x6] =	wrdreg s6;
	s6 =	sadd.s32 s4, s18  }
0x15: {  	[dreg:$0x8] =	wrdreg s20;
	s15 =	sadd.s32 s4, s9;
	s16 =	sadd.s32 s3, s11  }
0x16: {  	s20 =	smul.u32 $0x1388, s5;
	s17 =	sadd.s32 s4, s19;
	[dreg:$0x7] =	wrdreg s6  }
0x17: {  	s6 =	sadd.s32 s4, s21;
	s21 =	sshll.u32 s23, $0x4;
	s23 =	smul.u32 $0x27100, s22  }
0x18: {  	s22 =	simm.s32 $0x80;
	[dreg:$0x9] =	wrdreg s6;
	s6 =	sadd.s32 s3, s24  }
0x19: {  	s18 =	sadd.s32 s3, s21;
	s24 =	smul.u32 $0x13880, s5;
	s25 =	sadd.s32 s20, s12  }
0x1a: {  	[dreg:$0xa] =	wrdreg s6;
	s3 =	sadd.s32 s23, s3;
	s6 =	sadd.s32 $0x200, s25  }
0x1b: {  	s5 =	sadd.s32 $0x180, s25;
	s23 =	simm.s32 $0x4080;
	s25 =	simm.s32 $0x1  }
0x1c: {  	s0 =	sadd.s32 s24, s3;
	s26 =	sshrl.u32 s6, $0x3;
	s5 =	sshrl.u32 s5, $0x3  }
0x1d: {  	s24 =	simm.s32 $0x4100;
	s3 =	simm.s32 $0x8180;
	s19 =	sadd.s32 $0x2000, s0  }
0x1e: {  	s20 =	sadd.s32 s26, s4;
	s21 =	sadd.s32 s5, s4;
	s26 =	simm.s32 $0x2  }
0x1f: {  	s0 =	simm.s32 $0x8100;
	s4 =	simm.s32 $0x7;
	s5 =	simm.s32 $0x0  }
.LBB2_1:
0x20: {  	s6 =	rddreg [dreg:$0x5]  }
0x21: {  	s7 =	simm.s32 @p0 $0x1FC7;
	s8 =	rddreg [dreg:$0x6];
	s6 =	sshrl.u32 @p0 s6, $0x3  }
0x22: {  	[spmem:s6], [sflag:s7] =	dma.local @p0 [hbm:s8], $0x2080  }
0x23: {  	s7 =	simm.s32 @p0 $0x7  }
0x24: {  	s8 =	stileid.u32;
	_ =	swait.ge @p0 [sflag:s7], $0x2080  }
0x25: {  	s8 =	sshll.u32 @!p0 s8, $0x6;
	[sflag:s7] =	ssyncset.done @p0 $0x0  }
0x26: {  	[sflag:s7] =	ssyncadd.s32 @p0 $0xFFFFDF80;
	s7 =	sor.u32 @!p0 $0x1C07, s8;
	s8 =	rddreg [dreg:$0x3]  }
0x27: {  	s9 =	rddreg [dreg:$0x4];
	s8 =	sshrl.u32 @!p0 s8, $0x3  }
0x28: {  	[spmem:s8], [sflag:s7] =	dma.local @!p0 [hbm:s9], $0x2780  }
0x29: {  	s9 =	simm.s32 @!p0 $0x7  }
0x2a: {  	_ =	swait.ge @!p0 [sflag:s9], $0x2780  }
0x2b: {  	[sflag:s9] =	ssyncset.done @!p0 $0x0  }
0x2c: {  	[sflag:s9] =	ssyncadd.s32 @!p0 $0xFFFFD880  }
0x2d: {  	[bflag:$0x0] =	sbarrier.arrive $0xFFFF  }
0x2e: {  	s11 =	rddreg [dreg:$0x7]  }
0x2f: {  	[tilespmem:s2], [sflag:$0x1] =	stream.linear.gather [hbm4b:s11+s2], $0x80, $0x38;
	[tilespmem:$0x1BE00] =	vst v63  }
0x30: {  	s12 =	rddreg [dreg:$0x8]  }
0x31: {  	[tilespmem:s22], [sflag:$0x2] =	stream.linear.gather [hbm4b:s12+s2], $0x4000, $0x38;
	[tilespmem:$0x1BE00] =	vst v63  }
0x32: {  	_ = 	snop  }
0x33: {  	[tilespmem:s23], [sflag:$0x3] =	stream.linear.gather [hbm4b:s15+s2], $0x80, $0x38;
	[tilespmem:$0x1BE00] =	vst v63  }
0x34: {  	_ = 	snop  }
0x35: {  	[tilespmem:s24], [sflag:$0x4] =	stream.linear.gather [hbm4b:s16+s2], $0x4000, $0x38;
	[tilespmem:$0x1BE00] =	vst v63  }
0x36: {  	_ =	swait.ge [sflag:s25], $0x80  }
0x37: {  	[sflag:s25] =	ssyncset.done $0x0  }
0x38: {  	[sflag:s25] =	ssyncadd.s32 $0xFFFFFF80  }
0x39: {  	_ =	swait.ge [sflag:s26], $0x4000  }
0x3a: {  	[sflag:s26] =	ssyncset.done $0x0  }
0x3b: {  	[sflag:s26] =	ssyncadd.s32 $0xFFFFC000  }
0x3c: {  	[spmem:s1] =	stream.indirect.scatter.add.f32 [tilespmem:s22], [sflag:$0x5], $0x80, s2, s22, $0xb8;
	[tilespmem:$0x1BE00] =	vst v63  }
0x3d: {  	_ =	swait.ge [sflag:s28], $0x4000  }
0x3e: {  	[sflag:s28] =	ssyncset.done $0x0  }
0x3f: {  	[sflag:s28] =	ssyncadd.s32 $0xFFFFC000  }
0x40: {  	[tilespmem:s2], [sflag:$0x1] =	stream.linear.gather [hbm4b:s17+s2], $0x80, $0x38;
	[tilespmem:$0x1BE00] =	vst v63  }
0x41: {  	_ = 	snop  }
0x42: {  	[tilespmem:s22], [sflag:$0x2] =	stream.linear.gather [hbm4b:s18+s2], $0x4000, $0x38;
	[tilespmem:$0x1BE00] =	vst v63  }
0x43: {  	_ =	swait.ge [sflag:s29], $0x80  }
0x44: {  	[sflag:s29] =	ssyncset.done $0x0  }
0x45: {  	[sflag:s29] =	ssyncadd.s32 $0xFFFFFF80  }
0x46: {  	_ =	swait.ge [sflag:s30], $0x4000  }
0x47: {  	[sflag:s30] =	ssyncset.done $0x0  }
0x48: {  	[sflag:s30] =	ssyncadd.s32 $0xFFFFC000  }
0x49: {  	[spmem:s1] =	stream.indirect.scatter.add.f32 [tilespmem:s24], [sflag:$0x6], $0x80, s23, s22, $0xb8;
	[tilespmem:$0x1BE00] =	vst v63  }
0x4a: {  	_ =	swait.ge [sflag:s31], $0x4000  }
0x4b: {  	[sflag:s31] =	ssyncset.done $0x0  }
0x4c: {  	s10 =	sadd.s32 $0x0, s21;
	[sflag:s31] =	ssyncadd.s32 $0xFFFFC000  }
0x4d: {  	[tilespmem:s23], [sflag:$0x3] =	stream.linear.gather [hbm4b:s10+s2], $0x80, $0x38;
	[tilespmem:$0x1BE00] =	vst v63  }
0x4e: {  	s11 =	sadd.s32 $0xFFFFF800, s19  }
0x4f: {  	[tilespmem:s24], [sflag:$0x4] =	stream.linear.gather [hbm4b:s11+s2], $0x4000, $0x38;
	[tilespmem:$0x1BE00] =	vst v63  }
0x50: {  	_ =	swait.ge [sflag:s25], $0x80  }
0x51: {  	[sflag:s25] =	ssyncset.done $0x0  }
0x52: {  	[sflag:s25] =	ssyncadd.s32 $0xFFFFFF80  }
0x53: {  	_ =	swait.ge [sflag:s26], $0x4000  }
0x54: {  	[sflag:s26] =	ssyncset.done $0x0  }
0x55: {  	[sflag:s26] =	ssyncadd.s32 $0xFFFFC000  }
0x56: {  	[spmem:s1] =	stream.indirect.scatter.add.f32 [tilespmem:s22], [sflag:$0x5], $0x80, s2, s22, $0xb8;
	[tilespmem:$0x1BE00] =	vst v63  }
0x57: {  	_ =	swait.ge [sflag:s28], $0x4000  }
0x58: {  	[sflag:s28] =	ssyncset.done $0x0  }
0x59: {  	s12 =	sadd.s32 $0x0, s20;
	[sflag:s28] =	ssyncadd.s32 $0xFFFFC000  }
0x5a: {  	[tilespmem:s2], [sflag:$0x1] =	stream.linear.gather [hbm4b:s12+s2], $0x80, $0x38;
	[tilespmem:$0x1BE00] =	vst v63  }
0x5b: {  	_ = 	snop  }
0x5c: {  	[tilespmem:s22], [sflag:$0x2] =	stream.linear.gather [hbm4b:s19+s2], $0x4000, $0x38;
	[tilespmem:$0x1BE00] =	vst v63  }
0x5d: {  	_ =	swait.ge [sflag:s29], $0x80  }
0x5e: {  	[sflag:s29] =	ssyncset.done $0x0  }
0x5f: {  	[sflag:s29] =	ssyncadd.s32 $0xFFFFFF80  }
0x60: {  	_ =	swait.ge [sflag:s30], $0x4000  }
0x61: {  	[sflag:s30] =	ssyncset.done $0x0  }
0x62: {  	s9 =	simm.s32 $0x20;
	s10 =	sadd.s32 $0x1000, s19;
	[sflag:s30] =	ssyncadd.s32 $0xFFFFC000  }
.LBB2_2:
0x63: {  	[spmem:s1] =	stream.indirect.scatter.add.f32 [tilespmem:s24], [sflag:$0x6], $0x80, s23, s22, $0xb8;
	[tilespmem:$0x1BE00] =	vst v63  }
0x64: {  	s11 =	smov.u32 s9  }
0x65: {  	p1 =	sne.s32 s9, $0x220;
	s9 =	sadd.s32 $0x20, s9;
	_ =	swait.ge [sflag:s31], $0x4000  }
0x66: {  	[sflag:s31] =	ssyncset.done $0x0  }
0x67: {  	s12 =	sadd.s32 s11, s21;
	[sflag:s31] =	ssyncadd.s32 $0xFFFFC000  }
0x68: {  	[tilespmem:s23], [sflag:$0x3] =	stream.linear.gather [hbm4b:s12+s2], $0x80, $0x38;
	[tilespmem:$0x1BE00] =	vst v63  }
0x69: {  	s12 =	sadd.s32 $0xFFFFF800, s10  }
0x6a: {  	[tilespmem:s24], [sflag:$0x4] =	stream.linear.gather [hbm4b:s12+s2], $0x4000, $0x38;
	[tilespmem:$0x1BE00] =	vst v63  }
0x6b: {  	_ =	swait.ge [sflag:s25], $0x80  }
0x6c: {  	[sflag:s25] =	ssyncset.done $0x0  }
0x6d: {  	[sflag:s25] =	ssyncadd.s32 $0xFFFFFF80  }
0x6e: {  	_ =	swait.ge [sflag:s26], $0x4000  }
0x6f: {  	[sflag:s26] =	ssyncset.done $0x0  }
0x70: {  	[sflag:s26] =	ssyncadd.s32 $0xFFFFC000  }
0x71: {  	[spmem:s1] =	stream.indirect.scatter.add.f32 [tilespmem:s22], [sflag:$0x5], $0x80, s2, s22, $0xb8;
	[tilespmem:$0x1BE00] =	vst v63  }
0x72: {  	_ =	swait.ge [sflag:s28], $0x4000  }
0x73: {  	[sflag:s28] =	ssyncset.done $0x0  }
0x74: {  	s11 =	sadd.s32 s11, s20;
	[sflag:s28] =	ssyncadd.s32 $0xFFFFC000  }
0x75: {  	[tilespmem:s2], [sflag:$0x1] =	stream.linear.gather [hbm4b:s11+s2], $0x80, $0x38;
	[tilespmem:$0x1BE00] =	vst v63  }
0x76: {  	_ = 	snop  }
0x77: {  	[tilespmem:s22], [sflag:$0x2] =	stream.linear.gather [hbm4b:s10+s2], $0x4000, $0x38;
	[tilespmem:$0x1BE00] =	vst v63  }
0x78: {  	_ =	swait.ge [sflag:s29], $0x80  }
.Ltmp0:
0x79: {  	[sflag:s29] =	ssyncset.done $0x0;
	(pc) =	sbr.rel @p1 .LBB2_2-.Ltmp0, $4  }
0x7a: {  	[sflag:s29] =	ssyncadd.s32 $0xFFFFFF80  }
0x7b: {  	_ =	swait.ge [sflag:s30], $0x4000  }
0x7c: {  	[sflag:s30] =	ssyncset.done $0x0  }
0x7d: {  	s10 =	sadd.s32 $0x1000, s10;
	[sflag:s30] =	ssyncadd.s32 $0xFFFFC000  }
0x7e: {  	[spmem:s1] =	stream.indirect.scatter.add.f32 [tilespmem:s24], [sflag:$0x6], $0x80, s23, s22, $0xb8;
	[tilespmem:$0x1BE00] =	vst v63  }
0x7f: {  	s9 =	rddreg [dreg:$0x9]  }
0x80: {  	[tilespmem:s0], [sflag:$0x3] =	stream.linear.gather [hbm4b:s9+s2], $0x8, $0x38;
	[tilespmem:$0x1BE00] =	vst v63  }
0x81: {  	s11 =	rddreg [dreg:$0xa]  }
0x82: {  	[tilespmem:s3], [sflag:$0x4] =	stream.linear.gather [hbm4b:s11+s2], $0x400, $0x38;
	[tilespmem:$0x1BE00] =	vst v63  }
0x83: {  	_ =	swait.ge [sflag:s25], $0x80  }
0x84: {  	[sflag:s25] =	ssyncset.done $0x0  }
0x85: {  	[sflag:s25] =	ssyncadd.s32 $0xFFFFFF80  }
0x86: {  	_ =	swait.ge [sflag:s26], $0x4000  }
0x87: {  	[sflag:s26] =	ssyncset.done $0x0  }
0x88: {  	[sflag:s26] =	ssyncadd.s32 $0xFFFFC000  }
0x89: {  	[spmem:s1] =	stream.indirect.scatter.add.f32 [tilespmem:s22], [sflag:$0x5], $0x80, s2, s22, $0xb8;
	[tilespmem:$0x1BE00] =	vst v63  }
0x8a: {  	_ =	swait.ge [sflag:s29], $0x8  }
0x8b: {  	[sflag:s29] =	ssyncset.done $0x0  }
0x8c: {  	[sflag:s29] =	ssyncadd.s32 $0xFFFFFFF8  }
0x8d: {  	_ =	swait.ge [sflag:s30], $0x400  }
0x8e: {  	[sflag:s30] =	ssyncset.done $0x0  }
0x8f: {  	s12 =	simm.s32 $0x8;
	[sflag:s30] =	ssyncadd.s32 $0xFFFFFC00  }
0x90: {  	[spmem:s1] =	stream.indirect.scatter.add.f32 [tilespmem:s3], [sflag:$0x7], $0x80, s0, s12, $0xb8;
	[tilespmem:$0x1BE00] =	vst v63  }
0x91: {  	_ =	swait.ge [sflag:s4], $0x400  }
0x92: {  	[sflag:s4] =	ssyncset.done $0x0  }
0x93: {  	[sflag:s4] =	ssyncadd.s32 $0xFFFFFC00  }
0x94: {  	_ =	swait.ge [sflag:s28], $0x4000  }
0x95: {  	[sflag:s28] =	ssyncset.done $0x0  }
0x96: {  	[sflag:s28] =	ssyncadd.s32 $0xFFFFC000  }
0x97: {  	_ =	swait.ge [sflag:s31], $0x4000  }
0x98: {  	[sflag:s31] =	ssyncset.done $0x0  }
0x99: {  	[sflag:s31] =	ssyncadd.s32 $0xFFFFC000  }
0x9a: {  	s9 =	simm.s32 @p0 $0x1FC7;
	[bflag:$0x0] =	sbarrier.arrive $0xFFFF  }
0x9b: {  	[hbm:s13], [sflag:s9] =	dma.local @p0 [spmem:s6], $0x2080  }
0x9c: {  	s6 =	simm.s32 @p0 $0x7  }
0x9d: {  	_ =	swait.ge @p0 [sflag:s6], $0x2080  }
0x9e: {  	s5 =	sadd.s32 $0x1, s5;
	[sflag:s6] =	ssyncset.done @p0 $0x0  }
0x9f: {  	p1 =	sne.s32 s5, s14;
	[sflag:s6] =	ssyncadd.s32 @p0 $0xFFFFDF80;
	s6 =	rddreg [dreg:$0xb]  }
0xa0: {  	[hbm:s6], [sflag:s7] =	dma.local @!p0 [spmem:s8], $0x2780  }
.Ltmp1:
0xa1: {  	_ = 	snop;
	(pc) =	sbr.rel @p1 .LBB2_1-.Ltmp1, $4  }
0xa2: {  	s6 =	simm.s32 @!p0 $0x7  }
0xa3: {  	_ =	swait.ge @!p0 [sflag:s6], $0x2780  }
0xa4: {  	[sflag:s6] =	ssyncset.done @!p0 $0x0  }
0xa5: {  	[sflag:s6] =	ssyncadd.s32 @!p0 $0xFFFFD880  }
0xa6: {  	_ =	sfence.sel $0x180000  }
0xa7: {  	[bflag:$0x0] =	sbarrier.arrive $0xFFFF  }
0xa8: {  	_ =	strace $0x9000004D  }
0xa9: {  	s0 =	stileid.u32;
	[bflag:$0x2] =	sbarrier.arrive $0xFFFF  }
0xaa: {  	p0 =	sne.s32 s0, $0x0;
	s0 =	rddreg [dreg:$0x2]  }
0xab: {  	s0 =	sadd.s32 @!p0 $0x100000, s0  }
0xac: {  	[sflag:s0] =	ssyncadd.tile.s32 @!p0 $0x1;
	_ =	shalt  }
.Lfunc_end2:
_tile_overlayer_lowered:
.L_overlay_start_2:
0xad: {  	(tag) =	ssettag $0x2  }
0xae: {  	s0 =	rddreg [dreg:$0x0];
	s2 =	stileid.u32  }
0xaf: {  	s1 =	rddreg [dreg:$0x1];
	p0 =	sne.s32 s2, $0x0  }
0xb0: {  	s3 =	rddreg [dreg:$0x2];
	[bflag:$0x3] =	sbarrier.arrive $0xFFFF;
	s2 =	simm.s32 @!p0 $0x1C07  }
0xb1: {  	[timem:s3], [sflag:s2] =	dma.local @!p0 [hbm:s0], s1  }
0xb2: {  	s0 =	simm.s32 @!p0 $0x7  }
0xb3: {  	_ =	swait.ge @!p0 [sflag:s0], s1  }
0xb4: {  	s1 =	ssub.s32 @!p0 $0x0, s1;
	[sflag:s0] =	ssyncset.done @!p0 $0x0  }
0xb5: {  	[sflag:s0] =	ssyncadd.s32 @!p0 s1  }
0xb6: {  	[bflag:$0x3] =	sbarrier.arrive $0xFFFF  }
0xb7: {  	_ =	shalt  }

// kernel: kernel.16.cloned.1.call-start
scs
__scs_entry_jumppad:
0x0: {  	(pc) =	sbr.rel $0x88, $3  }
0x1: {  	(tag) =	ssettag $0x0;
	lr =	simm.s32 $0x1  }
0x2: {  	[smem:$0x3F95] =	sst lr;
	_ =	strace $0xD0000000  }
0x3: {  	_ = 	snop  }
0x4: {  	_ = 	snop  }
0x5: {  	_ = 	snop  }
0x6: {  	_ = 	snop  }
0x7: {  	_ = 	snop  }
__scs_overlays_trampoline_lowered:
0x8: {  	[smem:$0x3FA4] =	sst s0  }
0x9: {  	[smem:$0x3FA5] =	sst s1  }
0xa: {  	[smem:$0x3FA6] =	sst s2  }
0xb: {  	[smem:$0x3FA7] =	sst s3  }
0xc: {  	[smem:$0x3FA8] =	sst s4  }
0xd: {  	[smem:$0x3FA9] =	sst s5  }
0xe: {  	[smem:$0x3FAA] =	sst s6  }
0xf: {  	[smem:$0x3FAB] =	sst s7  }
0x10: {  	[smem:$0x3FAC] =	sst s8  }
0x11: {  	[smem:$0x3FAD] =	sst s9;
	s0 =	simm.s32 @!p0 $0x0  }
0x12: {  	s1 =	sld [smem:$0x3F93];
	s0 =	simm.s32 @p0 $0x1  }
0x13: {  	[smem:$0x3FAE] =	sst s0;
	s0 =	simm.s32 @!p1 $0x0  }
0x14: {  	s2 =	sld [smem:$0x3F92];
	s0 =	simm.s32 @p1 $0x1  }
0x15: {  	[smem:$0x3FAF] =	sst s0;
	s0 =	simm.s32 @!p2 $0x0  }
0x16: {  	s3 =	sld [smem:$0x3FDB];
	s0 =	simm.s32 @p2 $0x1  }
0x17: {  	s4 =	simm.s32 $0x1BF5;
	[smem:$0x3FB1] =	sst s0  }
0x18: {  	s0 =	sld [smem:$0x3F94];
	_ =	swait.ge [sflag:s4], $0x0  }
0x19: {  	s7 =	sld [smem:$0x3F95]  }
0x1a: {  	s8 =	sadd.s32 $0xFFFFE003, lr  }
0x1b: {  	s9 =	sadd.s32 $0xFFFFFEF7, lr;
	s5 =	simm.s32 $0xFFFFFFFF;
	p2 =	slt.u32 s8, $0xFFFFF086  }
0x1c: {  	p1 =	slt.u32 s9, $0xF7A;
	s5 =	simm.s32 @!p2 $0x0  }
0x1d: {  	s5 =	simm.s32 @p1 $0x1;
	p0 =	seq.s32 s7, s2  }
0x1e: {  	s7 =	smul.u32 @!p0 $0xF7A, s2;
	p2 =	seq.s32 @!p0 s5, $0x0  }
0x1f: {  	s9 =	smul.u32 $0xF7A, s1;
	s8 =	simm.s32 @!p0 $0x1BF5;
	p2 =	por !p2, p0  }
0x20: {  	[sflag:s8] =	ssyncset.s32 @!p0 $0xFFFFF086;
	s6 =	sadd.s32 @!p0 s3, s7;
	s7 =	simm.s32 @!p0 $0x108  }
0x21: {  	s3 =	sadd.s32 s3, s9;
	s6 =	sadd.s32 @!p0 $0x88, s6;
	s7 =	simm.s32 @p2 $0x1082  }
0x22: {  	[simem:s7], [sflag:s8] =	dma.local @!p0 [hbm:s6], $0xF7A  }
0x23: {  	s9 =	sor.u32 $0xD0000000, s2;
	s6 =	simm.s32 $0x108;
	_ =	swait.ge @!p0 [sflag:s8], $0x0  }
0x24: {  	s3 =	sadd.s32 $0x88, s3;
	s6 =	simm.s32 @!p1 $0x1082;
	[sflag:s4] =	ssyncset.s32 $0xFFFFF086  }
0x25: {  	[simem:s6], [sflag:s4] =	dma.local [hbm:s3], $0xF7A  }
0x26: {  	[smem:$0x3F95] =	sst s1;
	(tag) =	ssettag s2;
	_ =	strace s9  }
0x27: {  	s1 =	sld [smem:$0x3FA5]  }
0x28: {  	s2 =	sld [smem:$0x3FA6]  }
0x29: {  	s4 =	sld [smem:$0x3FA8]  }
0x2a: {  	p0 =	seq.s32 s5, $0x0;
	s5 =	sld [smem:$0x3FA9]  }
0x2b: {  	s6 =	sld [smem:$0x3FAA]  }
0x2c: {  	s7 =	sld [smem:$0x3FAB]  }
0x2d: {  	s3 =	simm.s32 $0x108;
	s8 =	sld [smem:$0x3FAC]  }
0x2e: {  	s3 =	simm.s32 @!p0 $0x1082;
	s9 =	sld [smem:$0x3FAD]  }
0x2f: {  	lr =	sadd.s32 s0, s3;
	s0 =	sld [smem:$0x3FA4]  }
0x30: {  	s3 =	sld [smem:$0x3FA7]  }
0x31: {  	[smem:$0x3FB0] =	sst s10  }
0x32: {  	s10 =	sld [smem:$0x3FAE];
	_ =	sdelay $0x3  }
0x33: {  	p0 =	seq.s32 s10, $0x1;
	s10 =	sld [smem:$0x3FB0];
	_ =	sdelay $0x3  }
0x34: {  	[smem:$0x3FB0] =	sst s10  }
0x35: {  	s10 =	sld [smem:$0x3FAF];
	_ =	sdelay $0x3  }
0x36: {  	p1 =	seq.s32 s10, $0x1;
	s10 =	sld [smem:$0x3FB0];
	_ =	sdelay $0x3  }
0x37: {  	[smem:$0x3FB0] =	sst s10  }
0x38: {  	s10 =	sld [smem:$0x3FB1]  }
0x39: {  	_ = 	snop;
	(pc) =	sbr.ind lr, $3  }
0x3a: {  	_ = 	snop  }
0x3b: {  	_ = 	snop  }
0x3c: {  	p2 =	seq.s32 s10, $0x1;
	s10 =	sld [smem:$0x3FB0]  }
0x3d: {  	_ =	shalt  }
0x3e: {  	_ =	shalt  }
0x3f: {  	_ =	shalt  }
0x40: {  	_ =	shalt  }
0x41: {  	_ =	shalt  }
0x42: {  	_ =	shalt  }
0x43: {  	_ =	shalt  }
0x44: {  	_ =	shalt  }
0x45: {  	_ =	shalt  }
0x46: {  	_ =	shalt  }
0x47: {  	_ =	shalt  }
0x48: {  	_ =	shalt  }
0x49: {  	_ =	shalt  }
0x4a: {  	_ =	shalt  }
0x4b: {  	_ =	shalt  }
0x4c: {  	_ =	shalt  }
0x4d: {  	_ =	shalt  }
0x4e: {  	_ =	shalt  }
0x4f: {  	_ =	shalt  }
0x50: {  	_ =	shalt  }
0x51: {  	_ =	shalt  }
0x52: {  	_ =	shalt  }
0x53: {  	_ =	shalt  }
0x54: {  	_ =	shalt  }
0x55: {  	_ =	shalt  }
0x56: {  	_ =	shalt  }
0x57: {  	_ =	shalt  }
0x58: {  	_ =	shalt  }
0x59: {  	_ =	shalt  }
0x5a: {  	_ =	shalt  }
0x5b: {  	_ =	shalt  }
0x5c: {  	_ =	shalt  }
0x5d: {  	_ =	shalt  }
0x5e: {  	_ =	shalt  }
0x5f: {  	_ =	shalt  }
0x60: {  	_ =	shalt  }
0x61: {  	_ =	shalt  }
0x62: {  	_ =	shalt  }
0x63: {  	_ =	shalt  }
0x64: {  	_ =	shalt  }
0x65: {  	_ =	shalt  }
0x66: {  	_ =	shalt  }
0x67: {  	_ =	shalt  }
0x68: {  	_ =	shalt  }
0x69: {  	_ =	shalt  }
0x6a: {  	_ =	shalt  }
0x6b: {  	_ =	shalt  }
0x6c: {  	_ =	shalt  }
0x6d: {  	_ =	shalt  }
0x6e: {  	_ =	shalt  }
0x6f: {  	_ =	shalt  }
0x70: {  	_ =	shalt  }
0x71: {  	_ =	shalt  }
0x72: {  	_ =	shalt  }
0x73: {  	_ =	shalt  }
0x74: {  	_ =	shalt  }
0x75: {  	_ =	shalt  }
0x76: {  	_ =	shalt  }
0x77: {  	_ =	shalt  }
0x78: {  	_ =	shalt  }
0x79: {  	_ =	shalt  }
0x7a: {  	_ =	shalt  }
0x7b: {  	_ =	shalt  }
0x7c: {  	_ =	shalt  }
0x7d: {  	_ =	shalt  }
0x7e: {  	_ =	shalt  }
0x7f: {  	_ =	shalt  }
0x80: {  	_ =	shalt  }
0x81: {  	_ =	shalt  }
0x82: {  	_ =	shalt  }
0x83: {  	_ =	shalt  }
0x84: {  	_ =	shalt  }
0x85: {  	_ =	shalt  }
0x86: {  	_ =	shalt  }
0x87: {  	_ =	shalt  }
.Lfunc_end0:
.L_simem_size_0:
called_computation.2_lowered:
.L_overlay_start_0:
0x88: {  	s2 =	sld [smem:$0x3FD9]  }
0x89: {  	s3 =	sld [smem:$0x3FFE];
	_ =	sdelay $0x1  }
0x8a: {  	s1 =	srdreg.scid  }
0x8b: {  	s0 =	sand.u32 $0x1, s1  }
0x8c: {  	s17 =	sshll.u32 s0, $0xA;
	s2 =	sadd.s32 s3, s2  }
0x8d: {  	s2 =	sadd.s32 s2, s17  }
0x8e: {  	[smem:$0x3FBC] =	sst s2  }
0x8f: {  	_ = 	snop  }
0x90: {  	s18 =	sld [smem:$0x3FD0];
	(tm) =	ssettm $0x1  }
0x91: {  	s19 =	sld [smem:$0x3FFB];
	_ =	sdelay $0x3  }
0x92: {  	_ =	strace s19  }
0x93: {  	s2 =	sld [smem:$0x3FFC];
	_ =	sdelay $0x3  }
0x94: {  	_ =	strace s2  }
0x95: {  	s2 =	sld [smem:$0x3FFD];
	_ =	sdelay $0x3  }
0x96: {  	_ =	strace s2  }
0x97: {  	_ =	strace $0x8FFFFFFF  }
0x98: {  	s20 =	sld [smem:$0x3FDB];
	_ =	sdelay $0x1  }
0x99: {  	s4 =	simm.s32 $_scs_section_size  }
0x9a: {  	s5 =	simm.s32 $_size__tile_overlayer_lowered;
	s6 =	simm.s32 $_tile_overlayer_lowered  }
0x9b: {  	s7 =	simm.s32 $0x1BFF;
	s21 =	sshll.u32 s6, $0x1;
	s4 =	sadd.s32 s4, s20  }
0x9c: {  	s22 =	simm.s32 $0x0;
	s5 =	sshll.u32 s5, $0x1;
	s6 =	sadd.s32 s21, s4  }
0x9d: {  	[timem:s22], [sflag:s7] =	dma.local [hbm:s6], s5  }
0x9e: {  	_ =	swait.ge [sflag:s7], s5  }
0x9f: {  	s5 =	ssub.s32 $0x0, s5;
	[sflag:s7] =	ssyncset.done $0x0  }
0xa0: {  	[sflag:s7] =	ssyncadd.s32 s5;
	_ =	sdelay $0x1  }
0xa1: {  	s23 =	simm.s32 $0x1B8B  }
0xa2: {  	_ =	swait.ge [sflag:s23], $0x1  }
0xa3: {  	[sflag:s23] =	ssyncset.done $0x0  }
0xa4: {  	[sflag:s23] =	ssyncadd.s32 $0xFFFFFFFF  }
0xa5: {  	s5 =	sld [smem:$0x0]  }
0xa6: {  	s6 =	sand.u32 $0xFFFFFFFE, s1  }
0xa7: {  	p0 =	sne.s32 s1, s6  }
0xa8: {  	s6 =	sshll.u32 @p0 s6, $0xE  }
0xa9: {  	s6 =	sadd.s32 @p0 $0x11B8D, s6;
	s7 =	sshll.u32 @p0 s5, $0x11  }
0xaa: {  	s6 =	sor.u32 @p0 s7, s6  }
0xab: {  	[sflag:s6] =	ssyncadd.remote.s32 @p0 $0x1;
	_ =	sdelay $0x1  }
0xac: {  	s6 =	simm.s32 @p0 $0x1B8D  }
0xad: {  	_ =	swait.eq @p0 [sflag:s6], $0x1  }
0xae: {  	[sflag:s6] =	ssyncadd.s32 @p0 $0xFFFFFFFF  }
0xaf: {  	s7 =	sshll.u32 @!p0 s1, $0xE  }
0xb0: {  	s7 =	sor.u32 @!p0 $0x4000, s7;
	s6 =	simm.s32 @!p0 $0x1B8D  }
0xb1: {  	s5 =	sshll.u32 @!p0 s5, $0x11;
	s7 =	sadd.s32 @!p0 $0x11B8D, s7;
	_ =	swait.eq @!p0 [sflag:s6], $0x1  }
0xb2: {  	s5 =	sor.u32 @!p0 s5, s7;
	[sflag:s6] =	ssyncadd.s32 @!p0 $0xFFFFFFFF  }
0xb3: {  	s25 =	simm.s32 $0x1B8E;
	s24 =	sld [smem:$0x3FFE];
	[sflag:s5] =	ssyncadd.remote.s32 @!p0 $0x1  }
0xb4: {  	s26 =	simm.s32 $execute0_lowered;
	[smem:$0x3FD2] =	sst s25  }
0xb5: {  	s6 =	sshll.u32 s26, $0x1;
	_ =	strace $0x80000049;
	[dreg:$0x1] =	wrdreg $0xFFFFFFFF  }
0xb6: {  	s28 =	simm.s32 $_size_execute0_lowered;
	s4 =	sadd.s32 s4, s6;
	[dreg:$0x0] =	wrdreg $0x0  }
0xb7: {  	s6 =	sshll.u32 s28, $0x1;
	[dreg:$0x2] =	wrdreg s4  }
0xb8: {  	[dreg:$0x3] =	wrdreg s6  }
0xb9: {  	[dreg:$0x4] =	wrdreg $0xC0  }
0xba: {  	_ =	task [dreg:s22], $0x5FFFF  }
0xbb: {  	[dreg:$0x1] =	wrdreg $0xFFFFFFFF  }
0xbc: {  	[dreg:$0x0] =	wrdreg $0x60  }
0xbd: {  	[dreg:$0x2] =	wrdreg s18  }
0xbe: {  	[dreg:$0x3] =	wrdreg s24  }
0xbf: {  	[dreg:$0x4] =	wrdreg $0x131000  }
0xc0: {  	[dreg:$0x5] =	wrdreg $0x9  }
0xc1: {  	_ =	task.clear_ibuf [dreg:s22], $0x6FFFF;
	_ =	strace $0x90000049  }
0xc2: {  	s29 =	simm.s32 $0x9;
	_ =	strace $0x8000004B  }
0xc3: {  	_ =	swait.ge [sflag:s29], $0x1  }
0xc4: {  	[sflag:s29] =	ssyncadd.s32 $0xFFFFFFFF  }
0xc5: {  	_ =	strace $0x9000004B  }
0xc6: {  	_ =	sfence  }
0xc7: {  	s30 =	sld [smem:$0x0];
	_ =	sdelay $0x2  }
0xc8: {  	s31 =	sshll.u32 s1, $0xD;
	s1 =	sshrl.u32 s1, $0x2  }
0xc9: {  	s4 =	sand.u32 $0x4000, s31;
	s1 =	sadd.s32 s1, s30  }
0xca: {  	s0 =	sor.u32 s4, s0;
	s1 =	sshll.u32 s1, $0x11  }
0xcb: {  	s0 =	sor.u32 s1, s0  }
0xcc: {  	s0 =	sadd.s32 $0x8F2B, s0  }
0xcd: {  	[sflag:s0] =	ssyncadd.remote.s32 $0x1  }
0xce: {  	_ =	sfence.sel $0xFFFF  }
0xcf: {  	[dreg:$0x0] =	wrdreg $0xFFFFFFFF;
	(pc) =	sbr.abs _section_cstart, $3  }
0xd0: {  	[dreg:$0x1] =	wrdreg $0xFFFFFFFF  }
0xd1: {  	_ =	task.clear_ibuf [dreg:s22], $0x2FFFF;
	_ =	strace $0x9FFFFFFF  }
0xd2: {  	(tm) =	ssettm $0x7FFFFFFF  }
0xd3: {  	_ =	shalt  }
tec
execute0_lowered:
.L_overlay_start_1:
0x0: {  	(tag) =	ssettag $0x1  }
0x1: {  	s0 =	srdreg.scid;
	s2 =	rddreg [dreg:$0x1]  }
0x2: {  	s9 =	stileid.u32;
	s1 =	rddreg [dreg:$0x2];
	s12 =	simm.s32 $0x0  }
0x3: {  	s20 =	simm.s32 $0x80;
	s28 =	simm.s32 $0x2;
	s31 =	simm.s32 $0x5  }
0x4: {  	v13 =	vlaneseq.u32;
	s30 =	simm.s32 $0x13000;
	s0 =	sand.u32 $0x1, s0;
	s19 =	sshll.u32 s9, $0x8  }
0x5: {  	s4 =	sshll.u32 s9, $0x1;
	[smem:$0x7FF] =	sst s12;
	s17 =	smul.u32 $0x138800, s9;
	v1 =	vor.u32 $0x80, v13;
	v0 =	vor.u32 s19, v13  }
0x6: {  	s5 =	sadd.s32 $0xC800, s2;
	s21 =	sshll.u32 s9, $0xF;
	v2 =	vor.u32 $0x10, v13;
	_ =	strace $0x8000004A;
	v49 =	vor.u32 s19, v1;
	[tilespmem:$0x1FF00] =	vst v0  }
0x7: {  	v3 =	vor.u32 $0x90, v13;
	s4 =	sor.u32 s0, s4;
	s15 =	ssub.s32 $0x2, s0;
	s0 =	smul.u32 $0x9C400, s0;
	v50 =	vor.u32 s19, v2;
	[tilespmem:$0x1FF10] =	vst v49  }
0x8: {  	s3 =	sadd.s32 $0x2AEA00, s2;
	v4 =	vor.u32 $0x20, v13;
	s1 =	sadd.s32 s21, s1;
	v51 =	vor.u32 s19, v3;
	s6 =	smul.u32 $0x271, s4;
	[tilespmem:$0x1FF20] =	vst v50  }
0x9: {  	v5 =	vor.u32 $0xA0, v13;
	s9 =	smov.u32 s3;
	v52 =	vor.u32 s19, v4;
	s21 =	simm.s32 $0x2800;
	s8 =	smul.u32 $0x9C400, s4;
	[tilespmem:$0x1FF30] =	vst v51  }
0xa: {  	v6 =	vor.u32 $0x30, v13;
	v53 =	vor.u32 s19, v5;
	s16 =	sshrl.u32 s15, $0x1;
	[dreg:$0x4] =	wrdreg s1;
	[tilespmem:$0x1FF40] =	vst v52;
	s0 =	sadd.s32 s0, s17  }
0xb: {  	v7 =	vor.u32 $0xB0, v13;
	v54 =	vor.u32 s19, v6;
	[tilespmem:$0x1FF50] =	vst v53;
	s7 =	sadd.s32 s6, s2;
	s23 =	sadd.s32 $0xC000, s0;
	s0 =	sadd.s32 $0x8000, s0  }
0xc: {  	v8 =	vor.u32 $0x40, v13;
	v55 =	vor.u32 s19, v7;
	s11 =	sadd.s32 $0x4000, s1;
	[tilespmem:$0x1FF60] =	vst v54;
	s10 =	sadd.s32 $0x2A4A00, s7;
	[dreg:$0xc] =	wrdreg s0  }
0xd: {  	v9 =	vor.u32 $0xC0, v13;
	v56 =	vor.u32 s19, v8;
	[tilespmem:$0x1FF70] =	vst v55;
	s2 =	ssub.s32 s15, s16;
	s18 =	sadd.s32 $0x2A9A00, s7;
	[dreg:$0x5] =	wrdreg s10  }
0xe: {  	v10 =	vor.u32 $0x50, v13;
	v57 =	vor.u32 s19, v9;
	[tilespmem:$0x1FF80] =	vst v56;
	s8 =	sshrl.u32 s8, $0x3;
	s2 =	smax.u32 s2, $0x1;
	[dreg:$0x6] =	wrdreg s18  }
0xf: {  	v11 =	vor.u32 $0xD0, v13;
	v58 =	vor.u32 s19, v10;
	[tilespmem:$0x1FF90] =	vst v57;
	s1 =	simm.s32 $0x0;
	s8 =	sadd.s32 s3, s8;
	[dreg:$0xa] =	wrdreg s2  }
0x10: {  	v12 =	vor.u32 $0x60, v13;
	v59 =	vor.u32 s19, v11;
	[tilespmem:$0x1FFA0] =	vst v58;
	s25 =	sshrl.u32 s23, $0x3;
	s22 =	sadd.s32 $0x13000, s8;
	[dreg:$0x7] =	wrdreg s8  }
0x11: {  	v14 =	vor.u32 $0xE0, v13;
	v60 =	vor.u32 s19, v12;
	[tilespmem:$0x1FFB0] =	vst v59;
	s23 =	simm.s32 $0xA800;
	s24 =	sadd.s32 $0x13800, s8;
	[dreg:$0x8] =	wrdreg s22  }
0x12: {  	v15 =	vor.u32 $0x70, v13;
	v61 =	vor.u32 s19, v14;
	[tilespmem:$0x1FFC0] =	vst v60;
	s0 =	simm.s32 $0x6;
	s26 =	sadd.s32 $0x800, s8;
	[dreg:$0x9] =	wrdreg s24  }
0x13: {  	v16 =	vor.u32 $0xF0, v13;
	v62 =	vor.u32 s19, v15;
	[tilespmem:$0x1FFD0] =	vst v61;
	s29 =	sadd.s32 s25, s3;
	s18 =	simm.s32 $0x7;
	[dreg:$0xb] =	wrdreg s26  }
0x14: {  	v63 =	vor.u32 s19, v16;
	[tilespmem:$0x1FFE0] =	vst v62;
	s25 =	simm.s32 $0xE800;
	s2 =	simm.s32 $0x3;
	[dreg:$0xd] =	wrdreg s29  }
0x15: {  	[tilespmem:$0x1FFF0] =	vst v63;
	s22 =	simm.s32 $0x6800;
	s26 =	simm.s32 $0x1;
	s24 =	simm.s32 $0x4  }
.LBB2_1:
0x16: {  	[dreg:$0xe] =	wrdreg s1  }
0x17: {  	s4 =	rddreg [dreg:$0x5]  }
0x18: {  	[tilespmem:s12], [sflag:$0x7] =	stream.linear.gather [hbm4b:s4+s12], $0x1388, $0x38;
	[tilespmem:$0x1B100] =	vst v63  }
0x19: {  	_ =	swait.ge [sflag:s18], $0x1388  }
0x1a: {  	[sflag:s18] =	ssyncset.done $0x0  }
0x1b: {  	s7 =	simm.s32 $0x1400;
	s6 =	rddreg [dreg:$0x6];
	[sflag:s18] =	ssyncadd.s32 $0xFFFFEC78  }
0x1c: {  	[tilespmem:s7], [sflag:$0x7] =	stream.linear.gather [hbm4b:s6+s12], $0x1388, $0x38;
	[tilespmem:$0x1B100] =	vst v63  }
0x1d: {  	_ =	swait.ge [sflag:s18], $0x1388  }
0x1e: {  	v0 =	vld [tilespmem:$0x1FF00]  }
0x1f: {  	v49 =	vld [tilespmem:$0x1FF10]  }
0x20: {  	v50 =	vld [tilespmem:$0x1FF20]  }
0x21: {  	[sflag:s18] =	ssyncset.done $0x0;
	v51 =	vld [tilespmem:$0x1FF30]  }
0x22: {  	v52 =	vld [tilespmem:$0x1FF40];
	[sflag:s18] =	ssyncadd.s32 $0xFFFFEC78  }
0x23: {  	v53 =	vld [tilespmem:$0x1FF50];
	[tilespmem:$0x13000] =	vst v0  }
0x24: {  	v54 =	vld [tilespmem:$0x1FF60];
	[tilespmem:$0x13080] =	vst v49  }
0x25: {  	v55 =	vld [tilespmem:$0x1FF70];
	[tilespmem:$0x13010] =	vst v50  }
0x26: {  	v56 =	vld [tilespmem:$0x1FF80];
	[tilespmem:$0x13090] =	vst v51  }
0x27: {  	v57 =	vld [tilespmem:$0x1FF90];
	[tilespmem:$0x13020] =	vst v52  }
0x28: {  	v58 =	vld [tilespmem:$0x1FFA0];
	[tilespmem:$0x130A0] =	vst v53  }
0x29: {  	v59 =	vld [tilespmem:$0x1FFB0];
	[tilespmem:$0x13030] =	vst v54  }
0x2a: {  	v60 =	vld [tilespmem:$0x1FFC0];
	[tilespmem:$0x130B0] =	vst v55  }
0x2b: {  	v61 =	vld [tilespmem:$0x1FFD0];
	[tilespmem:$0x13040] =	vst v56  }
0x2c: {  	v62 =	vld [tilespmem:$0x1FFE0];
	[tilespmem:$0x130C0] =	vst v57  }
0x2d: {  	v63 =	vld [tilespmem:$0x1FFF0];
	[tilespmem:$0x13050] =	vst v58  }
0x2e: {  	[tilespmem:$0x130D0] =	vst v59  }
0x2f: {  	[tilespmem:$0x13060] =	vst v60  }
0x30: {  	[tilespmem:$0x130E0] =	vst v61  }
0x31: {  	[tilespmem:$0x13070] =	vst v62  }
0x32: {  	s1 =	rddreg [dreg:$0x0];
	[tilespmem:$0x130F0] =	vst v63  }
0x33: {  	[tilespmem:s21], [sflag:$0x1] =	stream.indirect.gather [hbm4b:s1+s20], $0x80, s12, s20, $0xb8;
	[tilespmem:$0x1B100] =	vst v63  }
0x34: {  	_ = 	snop  }
0x35: {  	[tilespmem:s22], [sflag:$0x2] =	stream.indirect.gather [hbm4b:s5+s20], $0x80, s7, s20, $0xb8;
	[tilespmem:$0x1B100] =	vst v63  }
0x36: {  	_ = 	snop  }
0x37: {  	[tilespmem:s23], [sflag:$0x3] =	stream.indirect.gather [hbm4b:s1+s20], $0x80, s20, s20, $0xb8;
	[tilespmem:$0x1B100] =	vst v63  }
0x38: {  	s8 =	simm.s32 $0x1480  }
0x39: {  	[tilespmem:s25], [sflag:$0x4] =	stream.indirect.gather [hbm4b:s5+s20], $0x80, s8, s20, $0xb8;
	[tilespmem:$0x1B100] =	vst v63  }
0x3a: {  	_ =	swait.ge [sflag:s26], $0x4000  }
0x3b: {  	[sflag:s26] =	ssyncset.done $0x0  }
0x3c: {  	[sflag:s26] =	ssyncadd.s32 $0xFFFFC000  }
0x3d: {  	_ =	swait.ge [sflag:s28], $0x4000  }
0x3e: {  	[sflag:s28] =	ssyncset.done $0x0  }
0x3f: {  	s6 =	rddreg [dreg:$0x4];
	[sflag:s28] =	ssyncadd.s32 $0xFFFFC000  }
0x40: {  	[spmem:s6] =	stream.linear.scatter [tilespmem:s21], [sflag:$0x7], $0x4000, $0x38;
	[tilespmem:$0x1B100] =	vst v63  }
0x41: {  	_ =	swait.ge [sflag:s18], $0x4000  }
0x42: {  	[sflag:s18] =	ssyncset.done $0x0  }
0x43: {  	[sflag:s18] =	ssyncadd.s32 $0xFFFFC000  }
0x44: {  	s10 =	stileid.u32;
	s8 =	simm.s32 $0x13000;
	s3 =	rddreg [dreg:$0x2]  }
0x45: {  	[spmem:s3] =	stream.indirect.scatter.add.f32 [tilespmem:s22], [sflag:$0x7], $0x80, s8, s20, $0xb8;
	[tilespmem:$0x1B100] =	vst v63  }
0x46: {  	s4 =	sshll.u32 s10, $0x6;
	_ =	swait.ge [sflag:s18], $0x4000  }
0x47: {  	s15 =	simm.s32 $0x100;
	s13 =	sor.u32 $0x1C05, s4;
	[sflag:s18] =	ssyncset.done $0x0  }
0x48: {  	s14 =	sshrl.u32 s6, $0x3;
	s12 =	rddreg [dreg:$0x7];
	[sflag:s18] =	ssyncadd.s32 $0xFFFFC000  }
0x49: {  	[hbm:s12], [sflag:s13] =	dma.local [spmem:s14], $0x800  }
0x4a: {  	[tilespmem:s21], [sflag:$0x1] =	stream.indirect.gather [hbm4b:s1+s20], $0x80, s15, s20, $0xb8;
	[tilespmem:$0x1B100] =	vst v63  }
0x4b: {  	s16 =	simm.s32 $0x1500  }
0x4c: {  	[tilespmem:s22], [sflag:$0x2] =	stream.indirect.gather [hbm4b:s5+s20], $0x80, s16, s20, $0xb8;
	[tilespmem:$0x1B100] =	vst v63  }
0x4d: {  	_ =	swait.ge [sflag:s2], $0x4000  }
0x4e: {  	[sflag:s2] =	ssyncset.done $0x0  }
0x4f: {  	[sflag:s2] =	ssyncadd.s32 $0xFFFFC000  }
0x50: {  	_ =	swait.ge [sflag:s24], $0x4000  }
0x51: {  	[sflag:s24] =	ssyncset.done $0x0  }
0x52: {  	[sflag:s24] =	ssyncadd.s32 $0xFFFFC000  }
0x53: {  	[spmem:s11] =	stream.linear.scatter [tilespmem:s23], [sflag:$0x7], $0x4000, $0x38;
	[tilespmem:$0x1B100] =	vst v63  }
0x54: {  	_ =	swait.ge [sflag:s18], $0x4000  }
0x55: {  	[sflag:s18] =	ssyncset.done $0x0  }
0x56: {  	s10 =	simm.s32 $0x13080;
	[sflag:s18] =	ssyncadd.s32 $0xFFFFC000  }
0x57: {  	[spmem:s3] =	stream.indirect.scatter.add.f32 [tilespmem:s25], [sflag:$0x7], $0x80, s10, s20, $0xb8;
	[tilespmem:$0x1B100] =	vst v63  }
0x58: {  	_ =	swait.ge [sflag:s18], $0x4000  }
0x59: {  	s29 =	simm.s32 $0x180;
	s19 =	sor.u32 $0x1C06, s4;
	[sflag:s18] =	ssyncset.done $0x0  }
0x5a: {  	s15 =	sshrl.u32 s11, $0x3;
	s17 =	rddreg [dreg:$0xb];
	[sflag:s18] =	ssyncadd.s32 $0xFFFFC000  }
0x5b: {  	[hbm:s17], [sflag:s19] =	dma.local [spmem:s15], $0x800  }
0x5c: {  	[tilespmem:s23], [sflag:$0x3] =	stream.indirect.gather [hbm4b:s1+s20], $0x80, s29, s20, $0xb8;
	[tilespmem:$0x1B100] =	vst v63  }
0x5d: {  	s7 =	simm.s32 $0x1580  }
0x5e: {  	[tilespmem:s25], [sflag:$0x4] =	stream.indirect.gather [hbm4b:s5+s20], $0x80, s7, s20, $0xb8;
	[tilespmem:$0x1B100] =	vst v63  }
0x5f: {  	_ =	swait.ge [sflag:s26], $0x4000  }
0x60: {  	[sflag:s26] =	ssyncset.done $0x0  }
0x61: {  	[sflag:s26] =	ssyncadd.s32 $0xFFFFC000  }
0x62: {  	_ =	swait.ge [sflag:s28], $0x4000  }
0x63: {  	[sflag:s28] =	ssyncset.done $0x0  }
0x64: {  	[sflag:s28] =	ssyncadd.s32 $0xFFFFC000  }
0x65: {  	_ =	swait.ge [sflag:s31], $0x800  }
0x66: {  	[sflag:s31] =	ssyncset.done $0x0  }
0x67: {  	[sflag:s31] =	ssyncadd.s32 $0xFFFFF800  }
0x68: {  	[spmem:s6] =	stream.linear.scatter [tilespmem:s21], [sflag:$0x7], $0x4000, $0x38;
	[tilespmem:$0x1B100] =	vst v63  }
0x69: {  	_ =	swait.ge [sflag:s18], $0x4000  }
0x6a: {  	[sflag:s18] =	ssyncset.done $0x0  }
0x6b: {  	[sflag:s18] =	ssyncadd.s32 $0xFFFFC000  }
0x6c: {  	[spmem:s3] =	stream.indirect.scatter.add.f32 [tilespmem:s22], [sflag:$0x7], $0x80, s8, s20, $0xb8;
	[tilespmem:$0x1B100] =	vst v63  }
0x6d: {  	_ =	swait.ge [sflag:s18], $0x4000  }
0x6e: {  	s12 =	rddreg [dreg:$0xc]  }
0x6f: {  	[sflag:s18] =	ssyncset.done $0x0;
	s16 =	sshrl.u32 s12, $0x3  }
0x70: {  	s17 =	simm.s32 $0x200;
	[sflag:s18] =	ssyncadd.s32 $0xFFFFC000;
	s4 =	sadd.s32 s9, s16  }
0x71: {  	[hbm:s4], [sflag:s13] =	dma.local [spmem:s14], $0x800  }
0x72: {  	[tilespmem:s21], [sflag:$0x1] =	stream.indirect.gather [hbm4b:s1+s20], $0x80, s17, s20, $0xb8;
	[tilespmem:$0x1B100] =	vst v63  }
0x73: {  	s29 =	simm.s32 $0x1600  }
0x74: {  	[tilespmem:s22], [sflag:$0x2] =	stream.indirect.gather [hbm4b:s5+s20], $0x80, s29, s20, $0xb8;
	[tilespmem:$0x1B100] =	vst v63  }
0x75: {  	_ =	swait.ge [sflag:s2], $0x4000  }
0x76: {  	[sflag:s2] =	ssyncset.done $0x0  }
0x77: {  	[sflag:s2] =	ssyncadd.s32 $0xFFFFC000  }
0x78: {  	_ =	swait.ge [sflag:s24], $0x4000  }
0x79: {  	[sflag:s24] =	ssyncset.done $0x0  }
0x7a: {  	[sflag:s24] =	ssyncadd.s32 $0xFFFFC000  }
0x7b: {  	_ =	swait.ge [sflag:s0], $0x800  }
0x7c: {  	[sflag:s0] =	ssyncset.done $0x0  }
0x7d: {  	[sflag:s0] =	ssyncadd.s32 $0xFFFFF800  }
0x7e: {  	[spmem:s11] =	stream.linear.scatter [tilespmem:s23], [sflag:$0x7], $0x4000, $0x38;
	[tilespmem:$0x1B100] =	vst v63  }
0x7f: {  	_ =	swait.ge [sflag:s18], $0x4000  }
0x80: {  	[sflag:s18] =	ssyncset.done $0x0  }
0x81: {  	[sflag:s18] =	ssyncadd.s32 $0xFFFFC000  }
0x82: {  	[spmem:s3] =	stream.indirect.scatter.add.f32 [tilespmem:s25], [sflag:$0x7], $0x80, s10, s20, $0xb8;
	[tilespmem:$0x1B100] =	vst v63  }
0x83: {  	s8 =	sadd.s32 $0x8000, s12;
	_ =	swait.ge [sflag:s18], $0x4000  }
0x84: {  	s16 =	simm.s32 $0x800;
	s1 =	simm.s32 $0x13080;
	s17 =	rddreg [dreg:$0xd]  }
0x85: {  	s10 =	simm.s32 $0x100;
	[sflag:s18] =	ssyncset.done $0x0;
	s7 =	sadd.s32 $0x1000, s17  }
.LBB2_2:
0x86: {  	[sflag:s18] =	ssyncadd.s32 $0xFFFFC000  }
0x87: {  	[hbm:s17], [sflag:s19] =	dma.local [spmem:s15], $0x800  }
0x88: {  	s29 =	sadd.s32 $0x180, s10;
	s3 =	rddreg [dreg:$0x0]  }
0x89: {  	[tilespmem:s23], [sflag:$0x3] =	stream.indirect.gather [hbm4b:s3+s20], $0x80, s29, s20, $0xb8;
	[tilespmem:$0x1B100] =	vst v63  }
0x8a: {  	s6 =	sadd.s32 $0x1580, s10  }
0x8b: {  	[tilespmem:s25], [sflag:$0x4] =	stream.indirect.gather [hbm4b:s5+s20], $0x80, s6, s20, $0xb8;
	[tilespmem:$0x1B100] =	vst v63  }
0x8c: {  	_ =	swait.ge [sflag:s26], $0x4000  }
0x8d: {  	[sflag:s26] =	ssyncset.done $0x0  }
0x8e: {  	[sflag:s26] =	ssyncadd.s32 $0xFFFFC000  }
0x8f: {  	_ =	swait.ge [sflag:s28], $0x4000  }
0x90: {  	[sflag:s28] =	ssyncset.done $0x0  }
0x91: {  	[sflag:s28] =	ssyncadd.s32 $0xFFFFC000  }
0x92: {  	_ =	swait.ge [sflag:s31], $0x800  }
0x93: {  	[sflag:s31] =	ssyncset.done $0x0  }
0x94: {  	s6 =	rddreg [dreg:$0x4];
	[sflag:s31] =	ssyncadd.s32 $0xFFFFF800  }
0x95: {  	[spmem:s6] =	stream.linear.scatter [tilespmem:s21], [sflag:$0x7], $0x4000, $0x38;
	[tilespmem:$0x1B100] =	vst v63  }
0x96: {  	_ =	swait.ge [sflag:s18], $0x4000  }
0x97: {  	[sflag:s18] =	ssyncset.done $0x0  }
0x98: {  	[sflag:s18] =	ssyncadd.s32 $0xFFFFC000  }
0x99: {  	s6 =	rddreg [dreg:$0x2]  }
0x9a: {  	[spmem:s6] =	stream.indirect.scatter.add.f32 [tilespmem:s22], [sflag:$0x7], $0x80, s30, s20, $0xb8;
	[tilespmem:$0x1B100] =	vst v63  }
0x9b: {  	s4 =	smov.u32 s16;
	s12 =	sadd.s32 $0x400, s16;
	_ =	swait.ge [sflag:s18], $0x4000  }
0x9c: {  	p0 =	sne.s32 s16, $0x4400;
	s29 =	sshrl.u32 s8, $0x3;
	[sflag:s18] =	ssyncset.done $0x0  }
0x9d: {  	s16 =	sadd.s32 s9, s29;
	s29 =	sadd.s32 $0x200, s10;
	[sflag:s18] =	ssyncadd.s32 $0xFFFFC000  }
0x9e: {  	[hbm:s16], [sflag:s13] =	dma.local [spmem:s14], $0x800  }
0x9f: {  	[tilespmem:s21], [sflag:$0x1] =	stream.indirect.gather [hbm4b:s3+s20], $0x80, s29, s20, $0xb8;
	[tilespmem:$0x1B100] =	vst v63  }
0xa0: {  	s29 =	sadd.s32 $0x1600, s10  }
0xa1: {  	[tilespmem:s22], [sflag:$0x2] =	stream.indirect.gather [hbm4b:s5+s20], $0x80, s29, s20, $0xb8;
	[tilespmem:$0x1B100] =	vst v63  }
0xa2: {  	_ =	swait.ge [sflag:s2], $0x4000  }
0xa3: {  	[sflag:s2] =	ssyncset.done $0x0  }
0xa4: {  	[sflag:s2] =	ssyncadd.s32 $0xFFFFC000  }
0xa5: {  	_ =	swait.ge [sflag:s24], $0x4000  }
0xa6: {  	[sflag:s24] =	ssyncset.done $0x0  }
0xa7: {  	[sflag:s24] =	ssyncadd.s32 $0xFFFFC000  }
0xa8: {  	_ =	swait.ge [sflag:s0], $0x800  }
0xa9: {  	[sflag:s0] =	ssyncset.done $0x0  }
0xaa: {  	[sflag:s0] =	ssyncadd.s32 $0xFFFFF800  }
0xab: {  	[spmem:s11] =	stream.linear.scatter [tilespmem:s23], [sflag:$0x7], $0x4000, $0x38;
	[tilespmem:$0x1B100] =	vst v63  }
0xac: {  	_ =	swait.ge [sflag:s18], $0x4000  }
.Ltmp0:
0xad: {  	[sflag:s18] =	ssyncset.done $0x0;
	(pc) =	sbr.rel @p0 .LBB2_2-.Ltmp0, $4  }
0xae: {  	s17 =	smov.u32 s7;
	[sflag:s18] =	ssyncadd.s32 $0xFFFFC000  }
0xaf: {  	[spmem:s6] =	stream.indirect.scatter.add.f32 [tilespmem:s25], [sflag:$0x7], $0x80, s1, s20, $0xb8;
	[tilespmem:$0x1B100] =	vst v63  }
0xb0: {  	s7 =	sadd.s32 $0x1000, s7;
	s8 =	sadd.s32 $0x8000, s8;
	_ =	swait.ge [sflag:s18], $0x4000  }
0xb1: {  	s16 =	smov.u32 s12;
	s10 =	sshra.s32 s4, $0x2;
	[sflag:s18] =	ssyncset.done $0x0  }
0xb2: {  	[sflag:s18] =	ssyncadd.s32 $0xFFFFC000  }
0xb3: {  	[hbm:s17], [sflag:s19] =	dma.local [spmem:s15], $0x800  }
0xb4: {  	s4 =	sadd.s32 $0x180, s10;
	s3 =	rddreg [dreg:$0x0]  }
0xb5: {  	[tilespmem:s23], [sflag:$0x3] =	stream.indirect.gather [hbm4b:s3+s20], $0x80, s4, s20, $0xb8;
	[tilespmem:$0x1B100] =	vst v63  }
0xb6: {  	s17 =	sadd.s32 $0x1580, s10  }
0xb7: {  	[tilespmem:s25], [sflag:$0x4] =	stream.indirect.gather [hbm4b:s5+s20], $0x80, s17, s20, $0xb8;
	[tilespmem:$0x1B100] =	vst v63  }
0xb8: {  	_ =	swait.ge [sflag:s26], $0x4000  }
0xb9: {  	[sflag:s26] =	ssyncset.done $0x0  }
0xba: {  	[sflag:s26] =	ssyncadd.s32 $0xFFFFC000  }
0xbb: {  	_ =	swait.ge [sflag:s28], $0x4000  }
0xbc: {  	[sflag:s28] =	ssyncset.done $0x0  }
0xbd: {  	[sflag:s28] =	ssyncadd.s32 $0xFFFFC000  }
0xbe: {  	_ =	swait.ge [sflag:s31], $0x800  }
0xbf: {  	[sflag:s31] =	ssyncset.done $0x0  }
0xc0: {  	s16 =	rddreg [dreg:$0x4];
	[sflag:s31] =	ssyncadd.s32 $0xFFFFF800  }
0xc1: {  	[spmem:s16] =	stream.linear.scatter [tilespmem:s21], [sflag:$0x7], $0x4000, $0x38;
	[tilespmem:$0x1B100] =	vst v63  }
0xc2: {  	_ =	swait.ge [sflag:s18], $0x4000  }
0xc3: {  	[sflag:s18] =	ssyncset.done $0x0  }
0xc4: {  	[sflag:s18] =	ssyncadd.s32 $0xFFFFC000  }
0xc5: {  	s12 =	simm.s32 $0x13000;
	s6 =	rddreg [dreg:$0x2]  }
0xc6: {  	[spmem:s6] =	stream.indirect.scatter.add.f32 [tilespmem:s22], [sflag:$0x7], $0x80, s12, s20, $0xb8;
	[tilespmem:$0x1B100] =	vst v63  }
0xc7: {  	_ =	swait.ge [sflag:s18], $0x4000  }
0xc8: {  	s29 =	sshrl.u32 s8, $0x3;
	[sflag:s18] =	ssyncset.done $0x0  }
0xc9: {  	s8 =	sadd.s32 $0x200, s10;
	s4 =	sadd.s32 s9, s29;
	[sflag:s18] =	ssyncadd.s32 $0xFFFFC000  }
0xca: {  	[hbm:s4], [sflag:s13] =	dma.local [spmem:s14], $0x800  }
0xcb: {  	[tilespmem:s21], [sflag:$0x1] =	stream.indirect.gather [hbm4b:s3+s20], $0x80, s8, s20, $0xb8;
	[tilespmem:$0x1B100] =	vst v63  }
0xcc: {  	s17 =	sadd.s32 $0x1600, s10  }
0xcd: {  	[tilespmem:s22], [sflag:$0x2] =	stream.indirect.gather [hbm4b:s5+s20], $0x80, s17, s20, $0xb8;
	[tilespmem:$0x1B100] =	vst v63  }
0xce: {  	_ =	swait.ge [sflag:s2], $0x4000  }
0xcf: {  	[sflag:s2] =	ssyncset.done $0x0  }
0xd0: {  	[sflag:s2] =	ssyncadd.s32 $0xFFFFC000  }
0xd1: {  	_ =	swait.ge [sflag:s24], $0x4000  }
0xd2: {  	[sflag:s24] =	ssyncset.done $0x0  }
0xd3: {  	[sflag:s24] =	ssyncadd.s32 $0xFFFFC000  }
0xd4: {  	_ =	swait.ge [sflag:s0], $0x800  }
0xd5: {  	[sflag:s0] =	ssyncset.done $0x0  }
0xd6: {  	[sflag:s0] =	ssyncadd.s32 $0xFFFFF800  }
0xd7: {  	[spmem:s11] =	stream.linear.scatter [tilespmem:s23], [sflag:$0x7], $0x4000, $0x38;
	[tilespmem:$0x1B100] =	vst v63  }
0xd8: {  	_ =	swait.ge [sflag:s18], $0x4000  }
0xd9: {  	[sflag:s18] =	ssyncset.done $0x0  }
0xda: {  	[sflag:s18] =	ssyncadd.s32 $0xFFFFC000  }
0xdb: {  	[spmem:s6] =	stream.indirect.scatter.add.f32 [tilespmem:s25], [sflag:$0x7], $0x80, s1, s20, $0xb8;
	[tilespmem:$0x1B100] =	vst v63  }
0xdc: {  	_ =	swait.ge [sflag:s18], $0x4000  }
0xdd: {  	[sflag:s18] =	ssyncset.done $0x0  }
0xde: {  	[sflag:s18] =	ssyncadd.s32 $0xFFFFC000  }
0xdf: {  	[hbm:s7], [sflag:s19] =	dma.local [spmem:s15], $0x800  }
0xe0: {  	s29 =	simm.s32 $0x8;
	s8 =	simm.s32 $0x12800;
	s7 =	simm.s32 $0x1380  }
0xe1: {  	[tilespmem:s8], [sflag:$0x3] =	stream.indirect.gather [hbm4b:s3+s29], $0x80, s7, s29, $0xb8;
	[tilespmem:$0x1B100] =	vst v63  }
0xe2: {  	s10 =	simm.s32 $0x2780;
	s15 =	simm.s32 $0x12C00  }
0xe3: {  	[tilespmem:s15], [sflag:$0x4] =	stream.indirect.gather [hbm4b:s5+s29], $0x80, s10, s29, $0xb8;
	[tilespmem:$0x1B100] =	vst v63  }
0xe4: {  	_ =	swait.ge [sflag:s26], $0x4000  }
0xe5: {  	[sflag:s26] =	ssyncset.done $0x0  }
0xe6: {  	[sflag:s26] =	ssyncadd.s32 $0xFFFFC000  }
0xe7: {  	_ =	swait.ge [sflag:s28], $0x4000  }
0xe8: {  	[sflag:s28] =	ssyncset.done $0x0  }
0xe9: {  	[sflag:s28] =	ssyncadd.s32 $0xFFFFC000  }
0xea: {  	_ =	swait.ge [sflag:s31], $0x800  }
0xeb: {  	[sflag:s31] =	ssyncset.done $0x0  }
0xec: {  	[sflag:s31] =	ssyncadd.s32 $0xFFFFF800  }
0xed: {  	[spmem:s16] =	stream.linear.scatter [tilespmem:s21], [sflag:$0x7], $0x4000, $0x38;
	[tilespmem:$0x1B100] =	vst v63  }
0xee: {  	_ =	swait.ge [sflag:s18], $0x4000  }
0xef: {  	[sflag:s18] =	ssyncset.done $0x0  }
0xf0: {  	[sflag:s18] =	ssyncadd.s32 $0xFFFFC000  }
0xf1: {  	[spmem:s6] =	stream.indirect.scatter.add.f32 [tilespmem:s22], [sflag:$0x7], $0x80, s12, s20, $0xb8;
	[tilespmem:$0x1B100] =	vst v63  }
0xf2: {  	_ =	swait.ge [sflag:s18], $0x4000  }
0xf3: {  	[sflag:s18] =	ssyncset.done $0x0  }
0xf4: {  	s16 =	rddreg [dreg:$0x8];
	[sflag:s18] =	ssyncadd.s32 $0xFFFFC000  }
0xf5: {  	[hbm:s16], [sflag:s13] =	dma.local [spmem:s14], $0x800  }
0xf6: {  	_ =	swait.ge [sflag:s2], $0x400  }
0xf7: {  	[sflag:s2] =	ssyncset.done $0x0  }
0xf8: {  	[sflag:s2] =	ssyncadd.s32 $0xFFFFFC00  }
0xf9: {  	_ =	swait.ge [sflag:s24], $0x400  }
0xfa: {  	[sflag:s24] =	ssyncset.done $0x0  }
0xfb: {  	[sflag:s24] =	ssyncadd.s32 $0xFFFFFC00  }
0xfc: {  	v16 =	vld [tilespmem:$0x12800]  }
0xfd: {  	v17 =	vld [tilespmem:$0x12C00]  }
0xfe: {  	v18 =	vld [tilespmem:$0x12810]  }
0xff: {  	v19 =	vld [tilespmem:$0x12C10]  }
0x100: {  	v20 =	vld [tilespmem:$0x12820]  }
0x101: {  	v21 =	vld [tilespmem:$0x12C20]  }
0x102: {  	v22 =	vld [tilespmem:$0x12830]  }
0x103: {  	v23 =	vld [tilespmem:$0x12C30]  }
0x104: {  	v24 =	vld [tilespmem:$0x12840]  }
0x105: {  	v25 =	vld [tilespmem:$0x12C40]  }
0x106: {  	v26 =	vld [tilespmem:$0x12850]  }
0x107: {  	v27 =	vld [tilespmem:$0x12C50]  }
0x108: {  	v28 =	vld [tilespmem:$0x12860]  }
0x109: {  	v29 =	vld [tilespmem:$0x12C60]  }
0x10a: {  	v30 =	vld [tilespmem:$0x12870]  }
0x10b: {  	v31 =	vld [tilespmem:$0x12C70]  }
0x10c: {  	v32 =	vld [tilespmem:$0x12880]  }
0x10d: {  	v33 =	vld [tilespmem:$0x12C80]  }
0x10e: {  	v34 =	vld [tilespmem:$0x12890]  }
0x10f: {  	v35 =	vld [tilespmem:$0x12C90]  }
0x110: {  	v36 =	vld [tilespmem:$0x128A0]  }
0x111: {  	v37 =	vld [tilespmem:$0x12CA0]  }
0x112: {  	v38 =	vld [tilespmem:$0x128B0]  }
0x113: {  	v39 =	vld [tilespmem:$0x12CB0]  }
0x114: {  	v40 =	vld [tilespmem:$0x128C0]  }
0x115: {  	v41 =	vld [tilespmem:$0x12CC0]  }
0x116: {  	v42 =	vld [tilespmem:$0x128D0]  }
0x117: {  	v43 =	vld [tilespmem:$0x12CD0]  }
0x118: {  	v44 =	vld [tilespmem:$0x128E0]  }
0x119: {  	v45 =	vld [tilespmem:$0x12CE0]  }
0x11a: {  	v46 =	vld [tilespmem:$0x128F0]  }
0x11b: {  	v47 =	vld [tilespmem:$0x12CF0]  }
0x11c: {  	v48 =	vld [tilespmem:$0x12900]  }
0x11d: {  	v49 =	vld [tilespmem:$0x12D00]  }
0x11e: {  	v50 =	vld [tilespmem:$0x12910]  }
0x11f: {  	v51 =	vld [tilespmem:$0x12D10]  }
0x120: {  	v52 =	vld [tilespmem:$0x12920]  }
0x121: {  	v53 =	vld [tilespmem:$0x12D20]  }
0x122: {  	v54 =	vld [tilespmem:$0x12930]  }
0x123: {  	v55 =	vld [tilespmem:$0x12D30]  }
0x124: {  	v56 =	vld [tilespmem:$0x12940]  }
0x125: {  	v57 =	vld [tilespmem:$0x12D40]  }
0x126: {  	v58 =	vld [tilespmem:$0x12950]  }
0x127: {  	v59 =	vld [tilespmem:$0x12D50]  }
0x128: {  	v60 =	vld [tilespmem:$0x12960]  }
0x129: {  	v61 =	vld [tilespmem:$0x12D60]  }
0x12a: {  	v62 =	vld [tilespmem:$0x12970]  }
0x12b: {  	v63 =	vld [tilespmem:$0x12D70]  }
0x12c: {  	v0 =	vld [tilespmem:$0x12980]  }
0x12d: {  	v1 =	vld [tilespmem:$0x12D80]  }
0x12e: {  	v2 =	vld [tilespmem:$0x12990]  }
0x12f: {  	v3 =	vld [tilespmem:$0x12D90]  }
0x130: {  	v4 =	vld [tilespmem:$0x129A0]  }
0x131: {  	v5 =	vld [tilespmem:$0x12DA0]  }
0x132: {  	v6 =	vld [tilespmem:$0x129B0]  }
0x133: {  	v7 =	vld [tilespmem:$0x12DB0]  }
0x134: {  	v8 =	vld [tilespmem:$0x129C0]  }
0x135: {  	v9 =	vld [tilespmem:$0x12DC0]  }
0x136: {  	v10 =	vld [tilespmem:$0x129D0]  }
0x137: {  	v14 =	vld [tilespmem:$0x129F0]  }
0x138: {  	v11 =	vld [tilespmem:$0x12DD0]  }
0x139: {  	v12 =	vld [tilespmem:$0x129E0]  }
0x13a: {  	v13 =	vld [tilespmem:$0x12DE0]  }
0x13b: {  	v15 =	vld [tilespmem:$0x12DF0]  }
0x13c: {  	[tilespmem:$0x1FEA0] =	vst v14;
	v14 =	vld [tilespmem:$0x12A00]  }
0x13d: {  	v16 =	vadd.f32 v17, v16;
	v17 =	vld [tilespmem:$0x12E20]  }
0x13e: {  	v18 =	vadd.f32 v19, v18;
	v19 =	vld [tilespmem:$0x12A30]  }
0x13f: {  	v25 =	vadd.f32 v25, v24;
	v24 =	vld [tilespmem:$0x12E50]  }
0x140: {  	v29 =	vadd.f32 v29, v28;
	v28 =	vld [tilespmem:$0x12E70]  }
0x141: {  	v31 =	vadd.f32 v31, v30;
	v30 =	vld [tilespmem:$0x12E80]  }
0x142: {  	v33 =	vadd.f32 v33, v32;
	v32 =	vld [tilespmem:$0x12E90]  }
0x143: {  	v35 =	vadd.f32 v35, v34;
	v34 =	vld [tilespmem:$0x12EA0]  }
0x144: {  	v37 =	vadd.f32 v37, v36;
	v36 =	vld [tilespmem:$0x12EB0];
	[tilespmem:$0x12800] =	vst v16  }
0x145: {  	v39 =	vadd.f32 v39, v38;
	v38 =	vld [tilespmem:$0x12EC0];
	[tilespmem:$0x12810] =	vst v18  }
0x146: {  	v41 =	vadd.f32 v41, v40;
	v40 =	vld [tilespmem:$0x12ED0];
	[tilespmem:$0x12840] =	vst v25  }
0x147: {  	v0 =	vadd.f32 v1, v0;
	v1 =	vld [tilespmem:$0x12EE0];
	[tilespmem:$0x12860] =	vst v29  }
0x148: {  	v60 =	vadd.f32 v61, v60;
	v2 =	vadd.f32 v3, v2;
	v3 =	vld [tilespmem:$0x12AF0];
	[tilespmem:$0x12870] =	vst v31  }
0x149: {  	v61 =	vadd.f32 v63, v62;
	v62 =	vadd.f32 v5, v4;
	v4 =	vld [tilespmem:$0x12EF0];
	[tilespmem:$0x12880] =	vst v33  }
0x14a: {  	v5 =	vld [tilespmem:$0x12B00];
	[tilespmem:$0x12890] =	vst v35  }
0x14b: {  	v63 =	vadd.f32 v7, v6;
	v6 =	vld [tilespmem:$0x12F00];
	[tilespmem:$0x128A0] =	vst v37  }
0x14c: {  	v43 =	vadd.f32 v43, v42;
	v7 =	vld [tilespmem:$0x12B10];
	[tilespmem:$0x128B0] =	vst v39  }
0x14d: {  	v45 =	vadd.f32 v45, v44;
	v47 =	vadd.f32 v47, v46;
	v46 =	vld [tilespmem:$0x12F20];
	[tilespmem:$0x128C0] =	vst v41  }
0x14e: {  	v42 =	vld [tilespmem:$0x1FEA0];
	[tilespmem:$0x128D0] =	vst v43  }
0x14f: {  	v49 =	vadd.f32 v49, v48;
	v16 =	vadd.f32 v21, v20;
	v20 =	vld [tilespmem:$0x12E30];
	[tilespmem:$0x128E0] =	vst v45  }
0x150: {  	v51 =	vadd.f32 v51, v50;
	v21 =	vld [tilespmem:$0x12A40];
	[tilespmem:$0x128F0] =	vst v47  }
0x151: {  	v53 =	vadd.f32 v53, v52;
	v25 =	vld [tilespmem:$0x12A60];
	[tilespmem:$0x12900] =	vst v49  }
0x152: {  	v55 =	vadd.f32 v55, v54;
	v29 =	vld [tilespmem:$0x12A80];
	[tilespmem:$0x12910] =	vst v51  }
0x153: {  	v57 =	vadd.f32 v57, v56;
	v31 =	vld [tilespmem:$0x12A90];
	[tilespmem:$0x12920] =	vst v53  }
0x154: {  	v59 =	vadd.f32 v59, v58;
	v33 =	vld [tilespmem:$0x12AA0];
	[tilespmem:$0x12930] =	vst v55  }
0x155: {  	v35 =	vld [tilespmem:$0x12AB0];
	[tilespmem:$0x12940] =	vst v57  }
0x156: {  	v37 =	vld [tilespmem:$0x12AC0];
	[tilespmem:$0x12950] =	vst v59  }
0x157: {  	v39 =	vld [tilespmem:$0x12AD0];
	[tilespmem:$0x12960] =	vst v60  }
0x158: {  	v41 =	vld [tilespmem:$0x12AE0];
	[tilespmem:$0x12970] =	vst v61  }
0x159: {  	[tilespmem:$0x1FEB0] =	vst v14;
	v14 =	vld [tilespmem:$0x12E00]  }
0x15a: {  	[tilespmem:$0x12980] =	vst v0;
	v43 =	vld [tilespmem:$0x12B20]  }
0x15b: {  	[tilespmem:$0x12990] =	vst v2;
	v49 =	vld [tilespmem:$0x12B30]  }
0x15c: {  	[tilespmem:$0x129A0] =	vst v62;
	v53 =	vld [tilespmem:$0x12B40]  }
0x15d: {  	[tilespmem:$0x129B0] =	vst v63;
	v55 =	vld [tilespmem:$0x12F40]  }
0x15e: {  	v18 =	vadd.f32 v13, v12;
	[tilespmem:$0x1FEC0] =	vst v14;
	v14 =	vld [tilespmem:$0x12A10]  }
0x15f: {  	v51 =	vld [tilespmem:$0x12F30];
	[tilespmem:$0x12820] =	vst v16;
	v16 =	vadd.f32 v11, v10  }
0x160: {  	v57 =	vld [tilespmem:$0x12B50];
	[tilespmem:$0x129E0] =	vst v18;
	v2 =	vadd.f32 v15, v42  }
0x161: {  	[tilespmem:$0x129D0] =	vst v16;
	v44 =	vld [tilespmem:$0x1FEB0];
	v52 =	vadd.f32 v20, v19  }
0x162: {  	v42 =	vadd.f32 v46, v43;
	v46 =	vadd.f32 v55, v53;
	v53 =	vld [tilespmem:$0x12BE0];
	[tilespmem:$0x129F0] =	vst v2  }
0x163: {  	v62 =	vadd.f32 v30, v29;
	[tilespmem:$0x1FED0] =	vst v14;
	v14 =	vld [tilespmem:$0x12E10]  }
0x164: {  	v30 =	vadd.f32 v38, v37;
	v55 =	vld [tilespmem:$0x12FE0];
	[tilespmem:$0x12A30] =	vst v52  }
0x165: {  	v38 =	vadd.f32 v6, v5;
	[tilespmem:$0x12A80] =	vst v62;
	v45 =	vld [tilespmem:$0x1FEC0]  }
0x166: {  	v59 =	vld [tilespmem:$0x12F50];
	[tilespmem:$0x12AC0] =	vst v30  }
0x167: {  	[tilespmem:$0x12B00] =	vst v38;
	v47 =	vld [tilespmem:$0x1FED0]  }
0x168: {  	[tilespmem:$0x1FEE0] =	vst v14;
	v14 =	vld [tilespmem:$0x12A20]  }
0x169: {  	[tilespmem:$0x12B20] =	vst v42;
	v62 =	vadd.f32 v55, v53;
	v48 =	vld [tilespmem:$0x1FEE0]  }
0x16a: {  	v61 =	vld [tilespmem:$0x12B60];
	[tilespmem:$0x12B40] =	vst v46;
	v0 =	vadd.f32 v45, v44  }
0x16b: {  	v63 =	vld [tilespmem:$0x12F60];
	[tilespmem:$0x12BE0] =	vst v62  }
0x16c: {  	v29 =	vld [tilespmem:$0x12B80];
	v44 =	vadd.f32 v51, v49;
	[tilespmem:$0x12A00] =	vst v0  }
0x16d: {  	[tilespmem:$0x1FEF0] =	vst v14;
	v14 =	vadd.f32 v23, v22;
	v22 =	vld [tilespmem:$0x12E40]  }
0x16e: {  	[tilespmem:$0x12B30] =	vst v44;
	v23 =	vld [tilespmem:$0x12A50];
	v2 =	vadd.f32 v48, v47  }
0x16f: {  	v37 =	vld [tilespmem:$0x12BA0];
	[tilespmem:$0x12830] =	vst v14;
	v14 =	vadd.f32 v27, v26  }
0x170: {  	v43 =	vld [tilespmem:$0x12FB0];
	v48 =	vadd.f32 v59, v57;
	[tilespmem:$0x12A10] =	vst v2  }
0x171: {  	v50 =	vld [tilespmem:$0x1FEF0];
	[tilespmem:$0x12850] =	vst v14;
	v14 =	vadd.f32 v9, v8  }
0x172: {  	v49 =	vld [tilespmem:$0x12BD0];
	[tilespmem:$0x12B50] =	vst v48;
	v54 =	vadd.f32 v22, v21  }
0x173: {  	v51 =	vld [tilespmem:$0x12FD0];
	v56 =	vadd.f32 v24, v23;
	[tilespmem:$0x129C0] =	vst v14  }
0x174: {  	v26 =	vld [tilespmem:$0x12E60];
	v24 =	vadd.f32 v32, v31;
	[tilespmem:$0x12A40] =	vst v54  }
0x175: {  	v27 =	vld [tilespmem:$0x12A70];
	v32 =	vadd.f32 v40, v39;
	[tilespmem:$0x12A50] =	vst v56  }
0x176: {  	v45 =	vld [tilespmem:$0x12BC0];
	v0 =	vadd.f32 v17, v50;
	[tilespmem:$0x12A90] =	vst v24  }
0x177: {  	v47 =	vld [tilespmem:$0x12FC0];
	v50 =	vadd.f32 v63, v61;
	[tilespmem:$0x12AD0] =	vst v32  }
0x178: {  	v8 =	vld [tilespmem:$0x12F10];
	v61 =	vadd.f32 v51, v49;
	[tilespmem:$0x12A20] =	vst v0  }
0x179: {  	v31 =	vld [tilespmem:$0x12F80];
	v58 =	vadd.f32 v26, v25;
	[tilespmem:$0x12B60] =	vst v50  }
0x17a: {  	v39 =	vld [tilespmem:$0x12FA0];
	v60 =	vadd.f32 v28, v27;
	[tilespmem:$0x12BD0] =	vst v61  }
0x17b: {  	v25 =	vld [tilespmem:$0x12B70];
	v26 =	vadd.f32 v34, v33;
	[tilespmem:$0x12A60] =	vst v58  }
0x17c: {  	v27 =	vld [tilespmem:$0x12F70];
	v28 =	vadd.f32 v36, v35;
	[tilespmem:$0x12A70] =	vst v60  }
0x17d: {  	v33 =	vld [tilespmem:$0x12B90];
	v34 =	vadd.f32 v1, v41;
	[tilespmem:$0x12AA0] =	vst v26  }
0x17e: {  	v35 =	vld [tilespmem:$0x12F90];
	v36 =	vadd.f32 v4, v3;
	[tilespmem:$0x12AB0] =	vst v28  }
0x17f: {  	v41 =	vld [tilespmem:$0x12BB0];
	[tilespmem:$0x12AE0] =	vst v34;
	v40 =	vadd.f32 v8, v7  }
0x180: {  	v56 =	vld [tilespmem:$0x12BF0];
	[tilespmem:$0x12AF0] =	vst v36;
	v60 =	vadd.f32 v47, v45  }
0x181: {  	v58 =	vld [tilespmem:$0x12FF0];
	v54 =	vadd.f32 v31, v29;
	[tilespmem:$0x12B10] =	vst v40  }
0x182: {  	v57 =	vadd.f32 v39, v37;
	[tilespmem:$0x12BC0] =	vst v60  }
0x183: {  	v52 =	vadd.f32 v27, v25;
	[tilespmem:$0x12B80] =	vst v54  }
0x184: {  	v1 =	vadd.f32 v35, v33;
	[tilespmem:$0x12BA0] =	vst v57  }
0x185: {  	v59 =	vadd.f32 v43, v41;
	[tilespmem:$0x12B70] =	vst v52  }
0x186: {  	[tilespmem:$0x12B90] =	vst v1;
	v63 =	vadd.f32 v58, v56  }
0x187: {  	[tilespmem:$0x12BB0] =	vst v59  }
0x188: {  	s12 =	simm.s32 $0x0;
	s17 =	rddreg [dreg:$0x9];
	[tilespmem:$0x12BF0] =	vst v63  }
0x189: {  	[hbm4b:s17+s12] =	stream.linear.scatter [tilespmem:s8], [sflag:$0x7], $0x400, $0x38;
	[tilespmem:$0x1B100] =	vst v63  }
0x18a: {  	_ =	swait.ge [sflag:s18], $0x400  }
0x18b: {  	[sflag:s18] =	ssyncset.done $0x0  }
0x18c: {  	[sflag:s18] =	ssyncadd.s32 $0xFFFFFC00  }
0x18d: {  	_ =	swait.ge [sflag:s31], $0x800  }
0x18e: {  	[sflag:s31] =	ssyncset.done $0x0  }
0x18f: {  	[sflag:s31] =	ssyncadd.s32 $0xFFFFF800  }
0x190: {  	_ =	swait.ge [sflag:s0], $0x800  }
0x191: {  	s19 =	rddreg [dreg:$0xe]  }
0x192: {  	s29 =	rddreg [dreg:$0xa];
	s1 =	sadd.s32 $0x1, s19  }
0x193: {  	p0 =	sne.s32 s1, s29  }
.Ltmp1:
0x194: {  	_ = 	snop;
	(pc) =	sbr.rel @p0 .LBB2_1-.Ltmp1, $3  }
0x195: {  	_ =	sdelay $0x1  }
0x196: {  	[sflag:s0] =	ssyncset.done $0x0  }
0x197: {  	[sflag:s0] =	ssyncadd.s32 $0xFFFFF800  }
0x198: {  	_ =	sfence.sel $0x180000  }
0x199: {  	[bflag:$0x0] =	sbarrier.arrive $0xFFFF  }
0x19a: {  	_ =	strace $0x9000004A  }
0x19b: {  	s0 =	stileid.u32;
	[bflag:$0x2] =	sbarrier.arrive $0xFFFF  }
0x19c: {  	p0 =	sne.s32 s0, $0x0;
	s0 =	rddreg [dreg:$0x3]  }
0x19d: {  	s0 =	sadd.s32 @!p0 $0x100000, s0  }
0x19e: {  	[sflag:s0] =	ssyncadd.tile.s32 @!p0 $0x1;
	_ =	shalt  }
.Lfunc_end2:
_tile_overlayer_lowered:
.L_overlay_start_2:
0x19f: {  	(tag) =	ssettag $0x2  }
0x1a0: {  	s0 =	rddreg [dreg:$0x0];
	s2 =	stileid.u32  }
0x1a1: {  	s1 =	rddreg [dreg:$0x1];
	p0 =	sne.s32 s2, $0x0  }
0x1a2: {  	s3 =	rddreg [dreg:$0x2];
	[bflag:$0x3] =	sbarrier.arrive $0xFFFF;
	s2 =	simm.s32 @!p0 $0x1C07  }
0x1a3: {  	[timem:s3], [sflag:s2] =	dma.local @!p0 [hbm:s0], s1  }
0x1a4: {  	s0 =	simm.s32 @!p0 $0x7  }
0x1a5: {  	_ =	swait.ge @!p0 [sflag:s0], s1  }
0x1a6: {  	s1 =	ssub.s32 @!p0 $0x0, s1;
	[sflag:s0] =	ssyncset.done @!p0 $0x0  }
0x1a7: {  	[sflag:s0] =	ssyncadd.s32 @!p0 s1  }
0x1a8: {  	[bflag:$0x3] =	sbarrier.arrive $0xFFFF  }
0x1a9: {  	_ =	shalt  }

// kernel: kernel.19.cloned.1.call-start
scs
__scs_entry_jumppad:
0x0: {  	(pc) =	sbr.rel $0x88, $3  }
0x1: {  	(tag) =	ssettag $0x0;
	lr =	simm.s32 $0x1  }
0x2: {  	[smem:$0x3F95] =	sst lr;
	_ =	strace $0xD0000000  }
0x3: {  	_ = 	snop  }
0x4: {  	_ = 	snop  }
0x5: {  	_ = 	snop  }
0x6: {  	_ = 	snop  }
0x7: {  	_ = 	snop  }
__scs_overlays_trampoline_lowered:
0x8: {  	[smem:$0x3FA4] =	sst s0  }
0x9: {  	[smem:$0x3FA5] =	sst s1  }
0xa: {  	[smem:$0x3FA6] =	sst s2  }
0xb: {  	[smem:$0x3FA7] =	sst s3  }
0xc: {  	[smem:$0x3FA8] =	sst s4  }
0xd: {  	[smem:$0x3FA9] =	sst s5  }
0xe: {  	[smem:$0x3FAA] =	sst s6  }
0xf: {  	[smem:$0x3FAB] =	sst s7  }
0x10: {  	[smem:$0x3FAC] =	sst s8  }
0x11: {  	[smem:$0x3FAD] =	sst s9;
	s0 =	simm.s32 @!p0 $0x0  }
0x12: {  	s1 =	sld [smem:$0x3F93];
	s0 =	simm.s32 @p0 $0x1  }
0x13: {  	[smem:$0x3FAE] =	sst s0;
	s0 =	simm.s32 @!p1 $0x0  }
0x14: {  	s2 =	sld [smem:$0x3F92];
	s0 =	simm.s32 @p1 $0x1  }
0x15: {  	[smem:$0x3FAF] =	sst s0;
	s0 =	simm.s32 @!p2 $0x0  }
0x16: {  	s3 =	sld [smem:$0x3FDB];
	s0 =	simm.s32 @p2 $0x1  }
0x17: {  	s4 =	simm.s32 $0x1BF5;
	[smem:$0x3FB1] =	sst s0  }
0x18: {  	s0 =	sld [smem:$0x3F94];
	_ =	swait.ge [sflag:s4], $0x0  }
0x19: {  	s7 =	sld [smem:$0x3F95]  }
0x1a: {  	s8 =	sadd.s32 $0xFFFFE003, lr  }
0x1b: {  	s9 =	sadd.s32 $0xFFFFFEF7, lr;
	s5 =	simm.s32 $0xFFFFFFFF;
	p2 =	slt.u32 s8, $0xFFFFF086  }
0x1c: {  	p1 =	slt.u32 s9, $0xF7A;
	s5 =	simm.s32 @!p2 $0x0  }
0x1d: {  	s5 =	simm.s32 @p1 $0x1;
	p0 =	seq.s32 s7, s2  }
0x1e: {  	s7 =	smul.u32 @!p0 $0xF7A, s2;
	p2 =	seq.s32 @!p0 s5, $0x0  }
0x1f: {  	s9 =	smul.u32 $0xF7A, s1;
	s8 =	simm.s32 @!p0 $0x1BF5;
	p2 =	por !p2, p0  }
0x20: {  	[sflag:s8] =	ssyncset.s32 @!p0 $0xFFFFF086;
	s6 =	sadd.s32 @!p0 s3, s7;
	s7 =	simm.s32 @!p0 $0x108  }
0x21: {  	s3 =	sadd.s32 s3, s9;
	s6 =	sadd.s32 @!p0 $0x88, s6;
	s7 =	simm.s32 @p2 $0x1082  }
0x22: {  	[simem:s7], [sflag:s8] =	dma.local @!p0 [hbm:s6], $0xF7A  }
0x23: {  	s9 =	sor.u32 $0xD0000000, s2;
	s6 =	simm.s32 $0x108;
	_ =	swait.ge @!p0 [sflag:s8], $0x0  }
0x24: {  	s3 =	sadd.s32 $0x88, s3;
	s6 =	simm.s32 @!p1 $0x1082;
	[sflag:s4] =	ssyncset.s32 $0xFFFFF086  }
0x25: {  	[simem:s6], [sflag:s4] =	dma.local [hbm:s3], $0xF7A  }
0x26: {  	[smem:$0x3F95] =	sst s1;
	(tag) =	ssettag s2;
	_ =	strace s9  }
0x27: {  	s1 =	sld [smem:$0x3FA5]  }
0x28: {  	s2 =	sld [smem:$0x3FA6]  }
0x29: {  	s4 =	sld [smem:$0x3FA8]  }
0x2a: {  	p0 =	seq.s32 s5, $0x0;
	s5 =	sld [smem:$0x3FA9]  }
0x2b: {  	s6 =	sld [smem:$0x3FAA]  }
0x2c: {  	s7 =	sld [smem:$0x3FAB]  }
0x2d: {  	s3 =	simm.s32 $0x108;
	s8 =	sld [smem:$0x3FAC]  }
0x2e: {  	s3 =	simm.s32 @!p0 $0x1082;
	s9 =	sld [smem:$0x3FAD]  }
0x2f: {  	lr =	sadd.s32 s0, s3;
	s0 =	sld [smem:$0x3FA4]  }
0x30: {  	s3 =	sld [smem:$0x3FA7]  }
0x31: {  	[smem:$0x3FB0] =	sst s10  }
0x32: {  	s10 =	sld [smem:$0x3FAE];
	_ =	sdelay $0x3  }
0x33: {  	p0 =	seq.s32 s10, $0x1;
	s10 =	sld [smem:$0x3FB0];
	_ =	sdelay $0x3  }
0x34: {  	[smem:$0x3FB0] =	sst s10  }
0x35: {  	s10 =	sld [smem:$0x3FAF];
	_ =	sdelay $0x3  }
0x36: {  	p1 =	seq.s32 s10, $0x1;
	s10 =	sld [smem:$0x3FB0];
	_ =	sdelay $0x3  }
0x37: {  	[smem:$0x3FB0] =	sst s10  }
0x38: {  	s10 =	sld [smem:$0x3FB1]  }
0x39: {  	_ = 	snop;
	(pc) =	sbr.ind lr, $3  }
0x3a: {  	_ = 	snop  }
0x3b: {  	_ = 	snop  }
0x3c: {  	p2 =	seq.s32 s10, $0x1;
	s10 =	sld [smem:$0x3FB0]  }
0x3d: {  	_ =	shalt  }
0x3e: {  	_ =	shalt  }
0x3f: {  	_ =	shalt  }
0x40: {  	_ =	shalt  }
0x41: {  	_ =	shalt  }
0x42: {  	_ =	shalt  }
0x43: {  	_ =	shalt  }
0x44: {  	_ =	shalt  }
0x45: {  	_ =	shalt  }
0x46: {  	_ =	shalt  }
0x47: {  	_ =	shalt  }
0x48: {  	_ =	shalt  }
0x49: {  	_ =	shalt  }
0x4a: {  	_ =	shalt  }
0x4b: {  	_ =	shalt  }
0x4c: {  	_ =	shalt  }
0x4d: {  	_ =	shalt  }
0x4e: {  	_ =	shalt  }
0x4f: {  	_ =	shalt  }
0x50: {  	_ =	shalt  }
0x51: {  	_ =	shalt  }
0x52: {  	_ =	shalt  }
0x53: {  	_ =	shalt  }
0x54: {  	_ =	shalt  }
0x55: {  	_ =	shalt  }
0x56: {  	_ =	shalt  }
0x57: {  	_ =	shalt  }
0x58: {  	_ =	shalt  }
0x59: {  	_ =	shalt  }
0x5a: {  	_ =	shalt  }
0x5b: {  	_ =	shalt  }
0x5c: {  	_ =	shalt  }
0x5d: {  	_ =	shalt  }
0x5e: {  	_ =	shalt  }
0x5f: {  	_ =	shalt  }
0x60: {  	_ =	shalt  }
0x61: {  	_ =	shalt  }
0x62: {  	_ =	shalt  }
0x63: {  	_ =	shalt  }
0x64: {  	_ =	shalt  }
0x65: {  	_ =	shalt  }
0x66: {  	_ =	shalt  }
0x67: {  	_ =	shalt  }
0x68: {  	_ =	shalt  }
0x69: {  	_ =	shalt  }
0x6a: {  	_ =	shalt  }
0x6b: {  	_ =	shalt  }
0x6c: {  	_ =	shalt  }
0x6d: {  	_ =	shalt  }
0x6e: {  	_ =	shalt  }
0x6f: {  	_ =	shalt  }
0x70: {  	_ =	shalt  }
0x71: {  	_ =	shalt  }
0x72: {  	_ =	shalt  }
0x73: {  	_ =	shalt  }
0x74: {  	_ =	shalt  }
0x75: {  	_ =	shalt  }
0x76: {  	_ =	shalt  }
0x77: {  	_ =	shalt  }
0x78: {  	_ =	shalt  }
0x79: {  	_ =	shalt  }
0x7a: {  	_ =	shalt  }
0x7b: {  	_ =	shalt  }
0x7c: {  	_ =	shalt  }
0x7d: {  	_ =	shalt  }
0x7e: {  	_ =	shalt  }
0x7f: {  	_ =	shalt  }
0x80: {  	_ =	shalt  }
0x81: {  	_ =	shalt  }
0x82: {  	_ =	shalt  }
0x83: {  	_ =	shalt  }
0x84: {  	_ =	shalt  }
0x85: {  	_ =	shalt  }
0x86: {  	_ =	shalt  }
0x87: {  	_ =	shalt  }
.Lfunc_end0:
.L_simem_size_0:
called_computation.3_lowered:
.L_overlay_start_0:
0x88: {  	s2 =	sld [smem:$0x3FD9]  }
0x89: {  	s3 =	sld [smem:$0x3FFE];
	_ =	sdelay $0x1  }
0x8a: {  	s1 =	srdreg.scid  }
0x8b: {  	s0 =	sand.u32 $0x1, s1  }
0x8c: {  	s16 =	sshll.u32 s0, $0xA;
	s2 =	sadd.s32 s3, s2  }
0x8d: {  	s2 =	sadd.s32 s2, s16  }
0x8e: {  	[smem:$0x3FBC] =	sst s2  }
0x8f: {  	_ = 	snop  }
0x90: {  	(tm) =	ssettm $0x1  }
0x91: {  	s17 =	sld [smem:$0x3FFB];
	_ =	sdelay $0x3  }
0x92: {  	_ =	strace s17  }
0x93: {  	s2 =	sld [smem:$0x3FFC];
	_ =	sdelay $0x3  }
0x94: {  	_ =	strace s2  }
0x95: {  	s2 =	sld [smem:$0x3FFD];
	_ =	sdelay $0x3  }
0x96: {  	_ =	strace s2  }
0x97: {  	_ =	strace $0x8FFFFFFF  }
0x98: {  	s18 =	sld [smem:$0x3FDB];
	_ =	sdelay $0x1  }
0x99: {  	s19 =	simm.s32 $_scs_section_size  }
0x9a: {  	s4 =	simm.s32 $_size__tile_overlayer_lowered;
	s5 =	simm.s32 $_tile_overlayer_lowered  }
0x9b: {  	s22 =	simm.s32 $0x1BFF;
	s21 =	sshll.u32 s5, $0x1;
	s2 =	sadd.s32 s19, s18  }
0x9c: {  	s6 =	simm.s32 $0x0;
	s20 =	sshll.u32 s4, $0x1;
	s4 =	sadd.s32 s21, s2  }
0x9d: {  	[timem:s6], [sflag:s22] =	dma.local [hbm:s4], s20  }
0x9e: {  	_ =	swait.ge [sflag:s22], s20  }
0x9f: {  	s3 =	ssub.s32 $0x0, s20;
	[sflag:s22] =	ssyncset.done $0x0  }
0xa0: {  	[sflag:s22] =	ssyncadd.s32 s3;
	_ =	sdelay $0x1  }
0xa1: {  	s23 =	simm.s32 $0x1B8B  }
0xa2: {  	_ =	swait.ge [sflag:s23], $0x1  }
0xa3: {  	[sflag:s23] =	ssyncset.done $0x0  }
0xa4: {  	s25 =	simm.s32 $0x1B8E;
	s24 =	sld [smem:$0x3FFE];
	[sflag:s23] =	ssyncadd.s32 $0xFFFFFFFF  }
0xa5: {  	s26 =	simm.s32 $execute0_lowered;
	[smem:$0x3FD2] =	sst s25  }
0xa6: {  	s4 =	sshll.u32 s26, $0x1;
	_ =	strace $0x8000004F;
	[dreg:$0x1] =	wrdreg $0xFFFFFFFF  }
0xa7: {  	s28 =	simm.s32 $_size_execute0_lowered;
	s2 =	sadd.s32 s2, s4;
	[dreg:$0x0] =	wrdreg $0x0  }
0xa8: {  	s4 =	sshll.u32 s28, $0x1;
	[dreg:$0x2] =	wrdreg s2  }
0xa9: {  	[dreg:$0x3] =	wrdreg s4  }
0xaa: {  	[dreg:$0x4] =	wrdreg $0xC0  }
0xab: {  	_ =	task [dreg:s6], $0x5FFFF  }
0xac: {  	[dreg:$0x1] =	wrdreg $0xFFFFFFFF  }
0xad: {  	[dreg:$0x0] =	wrdreg $0x60  }
0xae: {  	[dreg:$0x2] =	wrdreg s24  }
0xaf: {  	[dreg:$0x3] =	wrdreg $0x85800  }
0xb0: {  	[dreg:$0x4] =	wrdreg $0x9  }
0xb1: {  	_ =	task.clear_ibuf [dreg:s6], $0x5FFFF;
	_ =	strace $0x9000004F  }
0xb2: {  	s29 =	simm.s32 $0x9;
	_ =	strace $0x80000051  }
0xb3: {  	_ =	swait.ge [sflag:s29], $0x1  }
0xb4: {  	[sflag:s29] =	ssyncadd.s32 $0xFFFFFFFF  }
0xb5: {  	_ =	strace $0x90000051  }
0xb6: {  	_ =	sfence  }
0xb7: {  	s30 =	sld [smem:$0x0];
	_ =	sdelay $0x2  }
0xb8: {  	s31 =	sshll.u32 s1, $0xD;
	s1 =	sshrl.u32 s1, $0x2  }
0xb9: {  	s3 =	sand.u32 $0x4000, s31;
	s1 =	sadd.s32 s1, s30  }
0xba: {  	s0 =	sor.u32 s3, s0;
	s1 =	sshll.u32 s1, $0x11  }
0xbb: {  	s0 =	sor.u32 s1, s0  }
0xbc: {  	s0 =	sadd.s32 $0x8F2B, s0  }
0xbd: {  	[sflag:s0] =	ssyncadd.remote.s32 $0x1  }
0xbe: {  	_ =	sfence.sel $0xFFFF  }
0xbf: {  	[dreg:$0x0] =	wrdreg $0xFFFFFFFF;
	(pc) =	sbr.abs _section_cstart, $3  }
0xc0: {  	[dreg:$0x1] =	wrdreg $0xFFFFFFFF  }
0xc1: {  	_ =	task.clear_ibuf [dreg:s6], $0x2FFFF;
	_ =	strace $0x9FFFFFFF  }
0xc2: {  	(tm) =	ssettm $0x7FFFFFFF  }
0xc3: {  	_ =	shalt  }
tec
execute0_lowered:
.L_overlay_start_1:
0x0: {  	(tag) =	ssettag $0x1  }
0x1: {  	s0 =	rddreg [dreg:$0x0]  }
0x2: {  	s1 =	rddreg [dreg:$0x1]  }
0x3: {  	s2 =	simm.s32 $0x0;
	s5 =	srdreg.scid;
	s22 =	stileid.u32  }
0x4: {  	s28 =	simm.s32 $0x5;
	s29 =	simm.s32 $0x3;
	s30 =	simm.s32 $0x4  }
0x5: {  	s31 =	simm.s32 $0x6;
	[smem:$0x7FF] =	sst s2;
	s3 =	sadd.s32 $0x790A00, s0  }
0x6: {  	s4 =	sadd.s32 $0x2A4A00, s0;
	s6 =	sadd.s32 $0x81C00, s0;
	s5 =	sand.u32 $0x1, s5  }
0x7: {  	s7 =	smul.u32 $0x4F000, s22;
	s0 =	sadd.s32 $0x2800, s0;
	s11 =	sshll.u32 s22, $0x1  }
0x8: {  	s12 =	smul.u32 $0x2780, s22;
	s17 =	sadd.s32 $0x128400, s1;
	p0 =	seq.s32 s22, $0xF  }
0x9: {  	_ =	strace $0x80000050;
	s8 =	ssub.s32 $0x2, s5;
	s9 =	smul.u32 $0x27100, s5  }
0xa: {  	s26 =	sor.u32 s5, s11;
	s14 =	smul.u32 $0x138800, s5;
	[dreg:$0x5] =	wrdreg s17  }
0xb: {  	s10 =	sshrl.u32 s8, $0x1;
	s13 =	smul.u32 $0x1388, s26;
	s7 =	sshrl.u32 s7, $0x2  }
0xc: {  	s8 =	ssub.s32 s8, s10;
	s9 =	sadd.s32 s12, s9;
	s10 =	smul.u32 $0x13880, s26  }
0xd: {  	s7 =	sadd.s32 s7, s1;
	s16 =	sshrl.u32 s14, $0x3;
	s12 =	smul.u32 $0x2710, s22  }
0xe: {  	[dreg:$0x3] =	wrdreg s7;
	s15 =	sadd.s32 s6, s9;
	s7 =	sadd.s32 $0x25080, s16  }
0xf: {  	s18 =	sshrl.u32 s13, $0x3;
	s19 =	sadd.s32 $0x1380, s13;
	s23 =	sadd.s32 $0x100, s13  }
0x10: {  	s25 =	sadd.s32 s0, s9;
	s26 =	sadd.s32 $0x80, s13;
	s14 =	smax.u32 s8, $0x1  }
0x11: {  	[dreg:$0x4] =	wrdreg s15;
	s6 =	sadd.s32 s6, s7;
	s20 =	sadd.s32 s3, s10  }
0x12: {  	s21 =	sshrl.u32 s19, $0x3;
	s24 =	sshll.u32 s19, $0x4;
	[dreg:$0xb] =	wrdreg s25  }
0x13: {  	s13 =	sadd.s32 s0, s7;
	s9 =	sshrl.u32 s26, $0x3;
	s11 =	sshll.u32 s26, $0x4  }
0x14: {  	s19 =	sshrl.u32 s23, $0x3;
	[dreg:$0x6] =	wrdreg s6;
	s6 =	sadd.s32 s4, s18  }
0x15: {  	[dreg:$0x8] =	wrdreg s20;
	s15 =	sadd.s32 s4, s9;
	s16 =	sadd.s32 s3, s11  }
0x16: {  	s20 =	smul.u32 $0x1388, s5;
	s17 =	sadd.s32 s4, s19;
	[dreg:$0x7] =	wrdreg s6  }
0x17: {  	s6 =	sadd.s32 s4, s21;
	s21 =	sshll.u32 s23, $0x4;
	s23 =	smul.u32 $0x27100, s22  }
0x18: {  	s22 =	simm.s32 $0x80;
	[dreg:$0x9] =	wrdreg s6;
	s6 =	sadd.s32 s3, s24  }
0x19: {  	s18 =	sadd.s32 s3, s21;
	s24 =	smul.u32 $0x13880, s5;
	s25 =	sadd.s32 s20, s12  }
0x1a: {  	[dreg:$0xa] =	wrdreg s6;
	s3 =	sadd.s32 s23, s3;
	s6 =	sadd.s32 $0x200, s25  }
0x1b: {  	s5 =	sadd.s32 $0x180, s25;
	s23 =	simm.s32 $0x4080;
	s25 =	simm.s32 $0x1  }
0x1c: {  	s0 =	sadd.s32 s24, s3;
	s26 =	sshrl.u32 s6, $0x3;
	s5 =	sshrl.u32 s5, $0x3  }
0x1d: {  	s24 =	simm.s32 $0x4100;
	s3 =	simm.s32 $0x8180;
	s19 =	sadd.s32 $0x2000, s0  }
0x1e: {  	s20 =	sadd.s32 s26, s4;
	s21 =	sadd.s32 s5, s4;
	s26 =	simm.s32 $0x2  }
0x1f: {  	s0 =	simm.s32 $0x8100;
	s4 =	simm.s32 $0x7;
	s5 =	simm.s32 $0x0  }
.LBB2_1:
0x20: {  	s6 =	rddreg [dreg:$0x5]  }
0x21: {  	s7 =	simm.s32 @p0 $0x1FC7;
	s8 =	rddreg [dreg:$0x6];
	s6 =	sshrl.u32 @p0 s6, $0x3  }
0x22: {  	[spmem:s6], [sflag:s7] =	dma.local @p0 [hbm:s8], $0x2080  }
0x23: {  	s7 =	simm.s32 @p0 $0x7  }
0x24: {  	s8 =	stileid.u32;
	_ =	swait.ge @p0 [sflag:s7], $0x2080  }
0x25: {  	s8 =	sshll.u32 @!p0 s8, $0x6;
	[sflag:s7] =	ssyncset.done @p0 $0x0  }
0x26: {  	[sflag:s7] =	ssyncadd.s32 @p0 $0xFFFFDF80;
	s7 =	sor.u32 @!p0 $0x1C07, s8;
	s8 =	rddreg [dreg:$0x3]  }
0x27: {  	s9 =	rddreg [dreg:$0x4];
	s8 =	sshrl.u32 @!p0 s8, $0x3  }
0x28: {  	[spmem:s8], [sflag:s7] =	dma.local @!p0 [hbm:s9], $0x2780  }
0x29: {  	s9 =	simm.s32 @!p0 $0x7  }
0x2a: {  	_ =	swait.ge @!p0 [sflag:s9], $0x2780  }
0x2b: {  	[sflag:s9] =	ssyncset.done @!p0 $0x0  }
0x2c: {  	[sflag:s9] =	ssyncadd.s32 @!p0 $0xFFFFD880  }
0x2d: {  	[bflag:$0x0] =	sbarrier.arrive $0xFFFF  }
0x2e: {  	s11 =	rddreg [dreg:$0x7]  }
0x2f: {  	[tilespmem:s2], [sflag:$0x1] =	stream.linear.gather [hbm4b:s11+s2], $0x80, $0x38;
	[tilespmem:$0x1BE00] =	vst v63  }
0x30: {  	s12 =	rddreg [dreg:$0x8]  }
0x31: {  	[tilespmem:s22], [sflag:$0x2] =	stream.linear.gather [hbm4b:s12+s2], $0x4000, $0x38;
	[tilespmem:$0x1BE00] =	vst v63  }
0x32: {  	_ = 	snop  }
0x33: {  	[tilespmem:s23], [sflag:$0x3] =	stream.linear.gather [hbm4b:s15+s2], $0x80, $0x38;
	[tilespmem:$0x1BE00] =	vst v63  }
0x34: {  	_ = 	snop  }
0x35: {  	[tilespmem:s24], [sflag:$0x4] =	stream.linear.gather [hbm4b:s16+s2], $0x4000, $0x38;
	[tilespmem:$0x1BE00] =	vst v63  }
0x36: {  	_ =	swait.ge [sflag:s25], $0x80  }
0x37: {  	[sflag:s25] =	ssyncset.done $0x0  }
0x38: {  	[sflag:s25] =	ssyncadd.s32 $0xFFFFFF80  }
0x39: {  	_ =	swait.ge [sflag:s26], $0x4000  }
0x3a: {  	[sflag:s26] =	ssyncset.done $0x0  }
0x3b: {  	[sflag:s26] =	ssyncadd.s32 $0xFFFFC000  }
0x3c: {  	[spmem:s1] =	stream.indirect.scatter.add.f32 [tilespmem:s22], [sflag:$0x5], $0x80, s2, s22, $0xb8;
	[tilespmem:$0x1BE00] =	vst v63  }
0x3d: {  	_ =	swait.ge [sflag:s28], $0x4000  }
0x3e: {  	[sflag:s28] =	ssyncset.done $0x0  }
0x3f: {  	[sflag:s28] =	ssyncadd.s32 $0xFFFFC000  }
0x40: {  	[tilespmem:s2], [sflag:$0x1] =	stream.linear.gather [hbm4b:s17+s2], $0x80, $0x38;
	[tilespmem:$0x1BE00] =	vst v63  }
0x41: {  	_ = 	snop  }
0x42: {  	[tilespmem:s22], [sflag:$0x2] =	stream.linear.gather [hbm4b:s18+s2], $0x4000, $0x38;
	[tilespmem:$0x1BE00] =	vst v63  }
0x43: {  	_ =	swait.ge [sflag:s29], $0x80  }
0x44: {  	[sflag:s29] =	ssyncset.done $0x0  }
0x45: {  	[sflag:s29] =	ssyncadd.s32 $0xFFFFFF80  }
0x46: {  	_ =	swait.ge [sflag:s30], $0x4000  }
0x47: {  	[sflag:s30] =	ssyncset.done $0x0  }
0x48: {  	[sflag:s30] =	ssyncadd.s32 $0xFFFFC000  }
0x49: {  	[spmem:s1] =	stream.indirect.scatter.add.f32 [tilespmem:s24], [sflag:$0x6], $0x80, s23, s22, $0xb8;
	[tilespmem:$0x1BE00] =	vst v63  }
0x4a: {  	_ =	swait.ge [sflag:s31], $0x4000  }
0x4b: {  	[sflag:s31] =	ssyncset.done $0x0  }
0x4c: {  	s10 =	sadd.s32 $0x0, s21;
	[sflag:s31] =	ssyncadd.s32 $0xFFFFC000  }
0x4d: {  	[tilespmem:s23], [sflag:$0x3] =	stream.linear.gather [hbm4b:s10+s2], $0x80, $0x38;
	[tilespmem:$0x1BE00] =	vst v63  }
0x4e: {  	s11 =	sadd.s32 $0xFFFFF800, s19  }
0x4f: {  	[tilespmem:s24], [sflag:$0x4] =	stream.linear.gather [hbm4b:s11+s2], $0x4000, $0x38;
	[tilespmem:$0x1BE00] =	vst v63  }
0x50: {  	_ =	swait.ge [sflag:s25], $0x80  }
0x51: {  	[sflag:s25] =	ssyncset.done $0x0  }
0x52: {  	[sflag:s25] =	ssyncadd.s32 $0xFFFFFF80  }
0x53: {  	_ =	swait.ge [sflag:s26], $0x4000  }
0x54: {  	[sflag:s26] =	ssyncset.done $0x0  }
0x55: {  	[sflag:s26] =	ssyncadd.s32 $0xFFFFC000  }
0x56: {  	[spmem:s1] =	stream.indirect.scatter.add.f32 [tilespmem:s22], [sflag:$0x5], $0x80, s2, s22, $0xb8;
	[tilespmem:$0x1BE00] =	vst v63  }
0x57: {  	_ =	swait.ge [sflag:s28], $0x4000  }
0x58: {  	[sflag:s28] =	ssyncset.done $0x0  }
0x59: {  	s12 =	sadd.s32 $0x0, s20;
	[sflag:s28] =	ssyncadd.s32 $0xFFFFC000  }
0x5a: {  	[tilespmem:s2], [sflag:$0x1] =	stream.linear.gather [hbm4b:s12+s2], $0x80, $0x38;
	[tilespmem:$0x1BE00] =	vst v63  }
0x5b: {  	_ = 	snop  }
0x5c: {  	[tilespmem:s22], [sflag:$0x2] =	stream.linear.gather [hbm4b:s19+s2], $0x4000, $0x38;
	[tilespmem:$0x1BE00] =	vst v63  }
0x5d: {  	_ =	swait.ge [sflag:s29], $0x80  }
0x5e: {  	[sflag:s29] =	ssyncset.done $0x0  }
0x5f: {  	[sflag:s29] =	ssyncadd.s32 $0xFFFFFF80  }
0x60: {  	_ =	swait.ge [sflag:s30], $0x4000  }
0x61: {  	[sflag:s30] =	ssyncset.done $0x0  }
0x62: {  	s9 =	simm.s32 $0x20;
	s10 =	sadd.s32 $0x1000, s19;
	[sflag:s30] =	ssyncadd.s32 $0xFFFFC000  }
.LBB2_2:
0x63: {  	[spmem:s1] =	stream.indirect.scatter.add.f32 [tilespmem:s24], [sflag:$0x6], $0x80, s23, s22, $0xb8;
	[tilespmem:$0x1BE00] =	vst v63  }
0x64: {  	s11 =	smov.u32 s9  }
0x65: {  	p1 =	sne.s32 s9, $0x220;
	s9 =	sadd.s32 $0x20, s9;
	_ =	swait.ge [sflag:s31], $0x4000  }
0x66: {  	[sflag:s31] =	ssyncset.done $0x0  }
0x67: {  	s12 =	sadd.s32 s11, s21;
	[sflag:s31] =	ssyncadd.s32 $0xFFFFC000  }
0x68: {  	[tilespmem:s23], [sflag:$0x3] =	stream.linear.gather [hbm4b:s12+s2], $0x80, $0x38;
	[tilespmem:$0x1BE00] =	vst v63  }
0x69: {  	s12 =	sadd.s32 $0xFFFFF800, s10  }
0x6a: {  	[tilespmem:s24], [sflag:$0x4] =	stream.linear.gather [hbm4b:s12+s2], $0x4000, $0x38;
	[tilespmem:$0x1BE00] =	vst v63  }
0x6b: {  	_ =	swait.ge [sflag:s25], $0x80  }
0x6c: {  	[sflag:s25] =	ssyncset.done $0x0  }
0x6d: {  	[sflag:s25] =	ssyncadd.s32 $0xFFFFFF80  }
0x6e: {  	_ =	swait.ge [sflag:s26], $0x4000  }
0x6f: {  	[sflag:s26] =	ssyncset.done $0x0  }
0x70: {  	[sflag:s26] =	ssyncadd.s32 $0xFFFFC000  }
0x71: {  	[spmem:s1] =	stream.indirect.scatter.add.f32 [tilespmem:s22], [sflag:$0x5], $0x80, s2, s22, $0xb8;
	[tilespmem:$0x1BE00] =	vst v63  }
0x72: {  	_ =	swait.ge [sflag:s28], $0x4000  }
0x73: {  	[sflag:s28] =	ssyncset.done $0x0  }
0x74: {  	s11 =	sadd.s32 s11, s20;
	[sflag:s28] =	ssyncadd.s32 $0xFFFFC000  }
0x75: {  	[tilespmem:s2], [sflag:$0x1] =	stream.linear.gather [hbm4b:s11+s2], $0x80, $0x38;
	[tilespmem:$0x1BE00] =	vst v63  }
0x76: {  	_ = 	snop  }
0x77: {  	[tilespmem:s22], [sflag:$0x2] =	stream.linear.gather [hbm4b:s10+s2], $0x4000, $0x38;
	[tilespmem:$0x1BE00] =	vst v63  }
0x78: {  	_ =	swait.ge [sflag:s29], $0x80  }
.Ltmp0:
0x79: {  	[sflag:s29] =	ssyncset.done $0x0;
	(pc) =	sbr.rel @p1 .LBB2_2-.Ltmp0, $4  }
0x7a: {  	[sflag:s29] =	ssyncadd.s32 $0xFFFFFF80  }
0x7b: {  	_ =	swait.ge [sflag:s30], $0x4000  }
0x7c: {  	[sflag:s30] =	ssyncset.done $0x0  }
0x7d: {  	s10 =	sadd.s32 $0x1000, s10;
	[sflag:s30] =	ssyncadd.s32 $0xFFFFC000  }
0x7e: {  	[spmem:s1] =	stream.indirect.scatter.add.f32 [tilespmem:s24], [sflag:$0x6], $0x80, s23, s22, $0xb8;
	[tilespmem:$0x1BE00] =	vst v63  }
0x7f: {  	s9 =	rddreg [dreg:$0x9]  }
0x80: {  	[tilespmem:s0], [sflag:$0x3] =	stream.linear.gather [hbm4b:s9+s2], $0x8, $0x38;
	[tilespmem:$0x1BE00] =	vst v63  }
0x81: {  	s11 =	rddreg [dreg:$0xa]  }
0x82: {  	[tilespmem:s3], [sflag:$0x4] =	stream.linear.gather [hbm4b:s11+s2], $0x400, $0x38;
	[tilespmem:$0x1BE00] =	vst v63  }
0x83: {  	_ =	swait.ge [sflag:s25], $0x80  }
0x84: {  	[sflag:s25] =	ssyncset.done $0x0  }
0x85: {  	[sflag:s25] =	ssyncadd.s32 $0xFFFFFF80  }
0x86: {  	_ =	swait.ge [sflag:s26], $0x4000  }
0x87: {  	[sflag:s26] =	ssyncset.done $0x0  }
0x88: {  	[sflag:s26] =	ssyncadd.s32 $0xFFFFC000  }
0x89: {  	[spmem:s1] =	stream.indirect.scatter.add.f32 [tilespmem:s22], [sflag:$0x5], $0x80, s2, s22, $0xb8;
	[tilespmem:$0x1BE00] =	vst v63  }
0x8a: {  	_ =	swait.ge [sflag:s29], $0x8  }
0x8b: {  	[sflag:s29] =	ssyncset.done $0x0  }
0x8c: {  	[sflag:s29] =	ssyncadd.s32 $0xFFFFFFF8  }
0x8d: {  	_ =	swait.ge [sflag:s30], $0x400  }
0x8e: {  	[sflag:s30] =	ssyncset.done $0x0  }
0x8f: {  	s12 =	simm.s32 $0x8;
	[sflag:s30] =	ssyncadd.s32 $0xFFFFFC00  }
0x90: {  	[spmem:s1] =	stream.indirect.scatter.add.f32 [tilespmem:s3], [sflag:$0x7], $0x80, s0, s12, $0xb8;
	[tilespmem:$0x1BE00] =	vst v63  }
0x91: {  	_ =	swait.ge [sflag:s4], $0x400  }
0x92: {  	[sflag:s4] =	ssyncset.done $0x0  }
0x93: {  	[sflag:s4] =	ssyncadd.s32 $0xFFFFFC00  }
0x94: {  	_ =	swait.ge [sflag:s28], $0x4000  }
0x95: {  	[sflag:s28] =	ssyncset.done $0x0  }
0x96: {  	[sflag:s28] =	ssyncadd.s32 $0xFFFFC000  }
0x97: {  	_ =	swait.ge [sflag:s31], $0x4000  }
0x98: {  	[sflag:s31] =	ssyncset.done $0x0  }
0x99: {  	[sflag:s31] =	ssyncadd.s32 $0xFFFFC000  }
0x9a: {  	s9 =	simm.s32 @p0 $0x1FC7;
	[bflag:$0x0] =	sbarrier.arrive $0xFFFF  }
0x9b: {  	[hbm:s13], [sflag:s9] =	dma.local @p0 [spmem:s6], $0x2080  }
0x9c: {  	s6 =	simm.s32 @p0 $0x7  }
0x9d: {  	_ =	swait.ge @p0 [sflag:s6], $0x2080  }
0x9e: {  	s5 =	sadd.s32 $0x1, s5;
	[sflag:s6] =	ssyncset.done @p0 $0x0  }
0x9f: {  	p1 =	sne.s32 s5, s14;
	[sflag:s6] =	ssyncadd.s32 @p0 $0xFFFFDF80;
	s6 =	rddreg [dreg:$0xb]  }
0xa0: {  	[hbm:s6], [sflag:s7] =	dma.local @!p0 [spmem:s8], $0x2780  }
.Ltmp1:
0xa1: {  	_ = 	snop;
	(pc) =	sbr.rel @p1 .LBB2_1-.Ltmp1, $4  }
0xa2: {  	s6 =	simm.s32 @!p0 $0x7  }
0xa3: {  	_ =	swait.ge @!p0 [sflag:s6], $0x2780  }
0xa4: {  	[sflag:s6] =	ssyncset.done @!p0 $0x0  }
0xa5: {  	[sflag:s6] =	ssyncadd.s32 @!p0 $0xFFFFD880  }
0xa6: {  	_ =	sfence.sel $0x180000  }
0xa7: {  	[bflag:$0x0] =	sbarrier.arrive $0xFFFF  }
0xa8: {  	_ =	strace $0x90000050  }
0xa9: {  	s0 =	stileid.u32;
	[bflag:$0x2] =	sbarrier.arrive $0xFFFF  }
0xaa: {  	p0 =	sne.s32 s0, $0x0;
	s0 =	rddreg [dreg:$0x2]  }
0xab: {  	s0 =	sadd.s32 @!p0 $0x100000, s0  }
0xac: {  	[sflag:s0] =	ssyncadd.tile.s32 @!p0 $0x1;
	_ =	shalt  }
.Lfunc_end2:
_tile_overlayer_lowered:
.L_overlay_start_2:
0xad: {  	(tag) =	ssettag $0x2  }
0xae: {  	s0 =	rddreg [dreg:$0x0];
	s2 =	stileid.u32  }
0xaf: {  	s1 =	rddreg [dreg:$0x1];
	p0 =	sne.s32 s2, $0x0  }
0xb0: {  	s3 =	rddreg [dreg:$0x2];
	[bflag:$0x3] =	sbarrier.arrive $0xFFFF;
	s2 =	simm.s32 @!p0 $0x1C07  }
0xb1: {  	[timem:s3], [sflag:s2] =	dma.local @!p0 [hbm:s0], s1  }
0xb2: {  	s0 =	simm.s32 @!p0 $0x7  }
0xb3: {  	_ =	swait.ge @!p0 [sflag:s0], s1  }
0xb4: {  	s1 =	ssub.s32 @!p0 $0x0, s1;
	[sflag:s0] =	ssyncset.done @!p0 $0x0  }
0xb5: {  	[sflag:s0] =	ssyncadd.s32 @!p0 s1  }
0xb6: {  	[bflag:$0x3] =	sbarrier.arrive $0xFFFF  }
0xb7: {  	_ =	shalt  }

</sc_bundles>
